<compile_context>
chip_gen: v7x
topology: tpu7x:2x2x1
jax: 0.10.2.dev20260603
libtpu: 0.0.44.dev20260713+nightly
codegen_flags: <defaults>
</compile_context>

<pallas_src>
import functools
import math

import jax
import jax.numpy as jnp
from jax import lax
from jax.experimental import pallas as pl
from jax.experimental.pallas import tpu as pltpu
from jax.experimental.pallas import tpu_sc as plsc

HIDDEN = 128
MAX_SEQ = 512
TBL_PAD = 1032

NUM_WORKERS = 32
WIN = 128
ROW_UNROLL = 4


def _prep_kernel(pe_ref, w_ref, b_ref, ps_ref, pe2_ref,
                 t1_ref, t2_ref, iss_ref, iee_ref):
    w1 = w_ref[:HIDDEN, :]
    w2 = w_ref[HIDDEN:, :]
    pe = pe_ref[...]
    t1_ref[...] = jnp.dot(pe, w1, preferred_element_type=jnp.float32) + b_ref[...]
    t2_ref[...] = jnp.dot(pe, w2, preferred_element_type=jnp.float32)
    ps = ps_ref[...]
    pe2 = pe2_ref[...]
    iss_ref[...] = ps[:, :, None] - ps[:, None, :] + MAX_SEQ
    iee_ref[...] = pe2[:, :, None] - pe2[:, None, :] + MAX_SEQ


def _make_sc_kernel(n_rows):
    rows_per_worker = n_rows // NUM_WORKERS
    n_win = rows_per_worker // WIN
    assert n_win % 2 == 0 and n_win >= 4
    mesh = plsc.VectorSubcoreMesh(core_axis_name="c", subcore_axis_name="s")

    @functools.partial(
        pl.kernel,
        mesh=mesh,
        out_type=jax.ShapeDtypeStruct((n_rows, HIDDEN), jnp.float32),
        scratch_types=(
            [pltpu.VMEM((WIN,), jnp.int32)] * 4
            + [pltpu.VMEM((WIN, HIDDEN), jnp.float32)] * 6
            + [pltpu.VMEM_SHARED((TBL_PAD, HIDDEN), jnp.float32)] * 2
            + [pltpu.SemaphoreType.DMA] * 6
        ),
    )
    def sc_fused(t1_hbm, t2_hbm, iss_hbm, iee_hbm, out_hbm,
                 ia0, ia1, ib0, ib1, g10, g11, g20, g21, o0, o1,
                 t1_sh, t2_sh,
                 si0, si1, sg0, sg1, so0, so1):
        sid = lax.axis_index("s")
        wid = sid * 2 + lax.axis_index("c")

        @pl.when(sid == 0)
        def _():
            pltpu.sync_copy(t1_hbm, t1_sh)
            pltpu.sync_copy(t2_hbm, t2_sh)

        plsc.subcore_barrier()
        IA, IB = (ia0, ia1), (ib0, ib1)
        G1, G2, O = (g10, g11), (g20, g21), (o0, o1)
        SI, SG, SO = (si0, si1), (sg0, sg1), (so0, so1)

        def base_of(w):
            return (wid * n_win + w) * WIN

        def fire_idx(w, b):
            base = base_of(w)
            pltpu.async_copy(iss_hbm.at[pl.ds(base, WIN)], IA[b], SI[b])
            pltpu.async_copy(iee_hbm.at[pl.ds(base, WIN)], IB[b], SI[b])

        def wait_idx(w, b):
            base = base_of(w)
            pltpu.make_async_copy(iss_hbm.at[pl.ds(base, WIN)], IA[b], SI[b]).wait()
            pltpu.make_async_copy(iee_hbm.at[pl.ds(base, WIN)], IB[b], SI[b]).wait()

        def fire_gather(b):
            pltpu.async_copy(t1_sh.at[IA[b]], G1[b], SG[b])
            pltpu.async_copy(t2_sh.at[IB[b]], G2[b], SG[b])

        def wait_gather(b):
            pltpu.make_async_copy(t1_sh.at[IA[b]], G1[b], SG[b]).wait()
            pltpu.make_async_copy(t2_sh.at[IB[b]], G2[b], SG[b]).wait()

        def fire_out(w, b):
            pltpu.async_copy(O[b], out_hbm.at[pl.ds(base_of(w), WIN)], SO[b])

        def wait_out(w, b):
            pltpu.make_async_copy(O[b], out_hbm.at[pl.ds(base_of(w), WIN)],
                                  SO[b]).wait()

        def compute(b):
            g1_v, g2_v, o_v = G1[b], G2[b], O[b]

            @pl.loop(0, WIN, step=ROW_UNROLL)
            def _row(r0):
                for dr in range(ROW_UNROLL):
                    r = r0 + dr
                    for c in range(HIDDEN // 16):
                        s = pl.ds(c * 16, 16)
                        x = g1_v[r, s] + g2_v[r, s]
                        o_v[r, s] = jnp.maximum(x, x * jnp.float32(0.01))

        fire_idx(0, 0)
        wait_idx(0, 0)
        fire_gather(0)
        fire_idx(1, 1)

        @pl.loop(0, n_win - 2, step=2)
        def _steady(w):
            wait_gather(0)
            wait_idx(w + 1, 1)
            fire_gather(1)
            fire_idx(w + 2, 0)

            @pl.when(w >= 2)
            def _():
                wait_out(w - 2, 0)

            compute(0)
            fire_out(w, 0)

            wait_gather(1)
            wait_idx(w + 2, 0)
            fire_gather(0)
            fire_idx(w + 3, 1)

            @pl.when(w >= 2)
            def _():
                wait_out(w - 1, 1)

            compute(1)
            fire_out(w + 1, 1)

        wait_gather(0)
        wait_idx(n_win - 1, 1)
        fire_gather(1)
        wait_out(n_win - 4, 0)
        compute(0)
        fire_out(n_win - 2, 0)

        wait_gather(1)
        wait_out(n_win - 3, 1)
        compute(1)
        fire_out(n_win - 1, 1)

        wait_out(n_win - 2, 0)
        wait_out(n_win - 1, 1)

    return sc_fused


def kernel(pos_s, pos_e, pe, W, b):
    batch, seq = pos_s.shape
    n_rows = batch * seq * seq

    pe_pad = jnp.pad(pe, ((0, TBL_PAD - pe.shape[0]), (0, 0)))
    b2 = b.reshape(1, HIDDEN)

    t1, t2, iss, iee = pl.pallas_call(
        _prep_kernel,
        out_shape=(
            jax.ShapeDtypeStruct((TBL_PAD, HIDDEN), jnp.float32),
            jax.ShapeDtypeStruct((TBL_PAD, HIDDEN), jnp.float32),
            jax.ShapeDtypeStruct((batch, seq, seq), jnp.int32),
            jax.ShapeDtypeStruct((batch, seq, seq), jnp.int32),
        ),
    )(pe_pad, W, b2, pos_s, pos_e)

    out = _make_sc_kernel(n_rows)(t1, t2, iss.reshape(-1), iee.reshape(-1))
    return out.reshape(batch, seq, seq, HIDDEN)

# --- scband reference (transcript-rebuilt; emitter-appended) ---
"""Pipeline reference for scband-four-pos-fusion-embedding-2834678415818 (READ-ONLY COPY).

The authoritative reference and input builder live on the scoring server;
editing this copy changes nothing except your own understanding.
"""

import jax, jax.numpy as jnp
import numpy as np
import math

HIDDEN = 128
MAX_SEQ = 512
BATCH = 8
SEQ = 256


def get_embedding(max_seq_len, embedding_dim):
    # rel_pos_init=1 variant: positions from -max_seq_len to +max_seq_len
    num_embeddings = 2 * max_seq_len + 1
    half_dim = embedding_dim // 2
    emb_scale = math.log(10000) / (half_dim - 1)
    freqs = jnp.exp(jnp.arange(half_dim, dtype=jnp.float32) * -emb_scale)
    pos = jnp.arange(-max_seq_len, max_seq_len + 1, dtype=jnp.float32)
    ang = pos[:, None] * freqs[None, :]
    emb = jnp.concatenate([jnp.sin(ang), jnp.cos(ang)], axis=1).reshape(num_embeddings, -1)
    if embedding_dim % 2 == 1:
        emb = jnp.concatenate([emb, jnp.zeros((num_embeddings, 1), dtype=jnp.float32)], axis=1)
    return emb


def setup_inputs(seed: int = 0) -> dict:
    key = jax.random.key(seed)
    k1, k2, k3 = jax.random.split(key, 3)
    pos_s = jax.random.randint(k1, (BATCH, SEQ), 0, MAX_SEQ, dtype=jnp.int64 if jax.config.read('jax_enable_x64') else jnp.int32)
    pos_e = jax.random.randint(k2, (BATCH, SEQ), 0, MAX_SEQ, dtype=jnp.int64 if jax.config.read('jax_enable_x64') else jnp.int32)
    pe = get_embedding(MAX_SEQ, HIDDEN)  # [2*MAX_SEQ+1, HIDDEN], frozen sinusoidal table
    W = jax.random.normal(k3, (2 * HIDDEN, HIDDEN), dtype=jnp.float32) * (1.0 / math.sqrt(2 * HIDDEN))
    b = jnp.zeros((HIDDEN,), dtype=jnp.float32)
    return {"pos_s": pos_s, "pos_e": pos_e, "pe": pe, "W": W, "b": b}


def reference(pos_s, pos_e, pe, W, b):
    # mode == '2'
    batch = pos_s.shape[0]
    max_seq_len_dim = pos_s.shape[1]
    pos_ss = pos_s[:, :, None] - pos_s[:, None, :]
    pos_ee = pos_e[:, :, None] - pos_e[:, None, :]
    idx_ss = (pos_ss + MAX_SEQ).reshape(-1)
    idx_ee = (pos_ee + MAX_SEQ).reshape(-1)
    pe_ss = jnp.take(pe, idx_ss, axis=0).reshape(batch, max_seq_len_dim, max_seq_len_dim, -1)
    pe_ee = jnp.take(pe, idx_ee, axis=0).reshape(batch, max_seq_len_dim, max_seq_len_dim, -1)
    pe_2 = jnp.concatenate([pe_ss, pe_ee], axis=-1)
    h = jnp.dot(pe_2, W) + b
    rel_pos_embedding = jax.nn.leaky_relu(h, negative_slope=0.01)
    return rel_pos_embedding

if __name__ == "__main__":
    import jax
    _d = setup_inputs()
    print(jax.jit(kernel)(*tuple(_d.values())))

</pallas_src>

<mosaic_0001>
#map = affine_map<(d0, d1) -> (0, 0)>
#map1 = affine_map<(d0, d1) -> (0)>
module attributes {stable_mosaic.version = 14 : i64} {
  func.func @sc_fused(%arg0: i32, %arg1: i32, %arg2: memref<1032x128xf32, #tpu.memory_space<hbm>>, %arg3: memref<1032x128xf32, #tpu.memory_space<hbm>>, %arg4: memref<524288xi32, #tpu.memory_space<hbm>>, %arg5: memref<524288xi32, #tpu.memory_space<hbm>>, %arg6: memref<524288x128xf32, #tpu.memory_space<hbm>>, %arg7: memref<128xi32, #tpu.memory_space<vmem>>, %arg8: memref<128xi32, #tpu.memory_space<vmem>>, %arg9: memref<128xi32, #tpu.memory_space<vmem>>, %arg10: memref<128xi32, #tpu.memory_space<vmem>>, %arg11: memref<128x128xf32, #tpu.memory_space<vmem>>, %arg12: memref<128x128xf32, #tpu.memory_space<vmem>>, %arg13: memref<128x128xf32, #tpu.memory_space<vmem>>, %arg14: memref<128x128xf32, #tpu.memory_space<vmem>>, %arg15: memref<128x128xf32, #tpu.memory_space<vmem>>, %arg16: memref<128x128xf32, #tpu.memory_space<vmem>>, %arg17: memref<1032x128xf32, #tpu.memory_space<vmem_shared>>, %arg18: memref<1032x128xf32, #tpu.memory_space<vmem_shared>>, %arg19: memref<!tpu.dma_semaphore, #tpu.memory_space<semaphore_mem>>, %arg20: memref<!tpu.dma_semaphore, #tpu.memory_space<semaphore_mem>>, %arg21: memref<!tpu.dma_semaphore, #tpu.memory_space<semaphore_mem>>, %arg22: memref<!tpu.dma_semaphore, #tpu.memory_space<semaphore_mem>>, %arg23: memref<!tpu.dma_semaphore, #tpu.memory_space<semaphore_mem>>, %arg24: memref<!tpu.dma_semaphore, #tpu.memory_space<semaphore_mem>>) attributes {dimension_semantics = [#tpu.dimension_semantics<core_parallel>, #tpu.dimension_semantics<subcore_parallel>], iteration_bounds = array<i64: 2, 16>, scalar_prefetch = 0 : i64, scratch_operands = 18 : i64, tpu.core_type = #tpu.core_type<sc_vector_subcore>, window_params = [{transform_indices = #map}, {transform_indices = #map}, {transform_indices = #map1}, {transform_indices = #map1}, {transform_indices = #map}]} {
    %mul3A = arith.constant 2 : i32
    %mul3A_0 = arith.muli %arg1, %mul3A : i32
    %add3A = arith.addi %mul3A_0, %arg0 : i32
    %eq3A = arith.constant 0 : i32
    %eq3A_1 = arith.cmpi eq, %arg1, %eq3A : i32
    %convert_element_type3A = arith.extui %eq3A_1 : i1 to i32
    %cond3A = arith.constant 0 : i32
    %cond3A_2 = arith.cmpi ne, %convert_element_type3A, %cond3A : i32
    scf.if %cond3A_2 {
      "tpu.region"() ({
        %run_scoped3A = tpu.sem_alloc : memref<!tpu.dma_semaphore, #tpu.memory_space<semaphore_mem>>
        tpu.enqueue_dma source(%arg2 : memref<1032x128xf32, #tpu.memory_space<hbm>>) target(%arg17 : memref<1032x128xf32, #tpu.memory_space<vmem_shared>>) target_semaphore(%run_scoped3A : memref<!tpu.dma_semaphore, #tpu.memory_space<semaphore_mem>>)
        tpu.wait_dma2 semaphore(%run_scoped3A : memref<!tpu.dma_semaphore, #tpu.memory_space<semaphore_mem>>) src(%arg2 : memref<1032x128xf32, #tpu.memory_space<hbm>>) dst(%arg17 : memref<1032x128xf32, #tpu.memory_space<vmem_shared>>)
        tpu.yield
      }) : () -> ()
      "tpu.region"() ({
        %run_scoped3A = tpu.sem_alloc : memref<!tpu.dma_semaphore, #tpu.memory_space<semaphore_mem>>
        tpu.enqueue_dma source(%arg3 : memref<1032x128xf32, #tpu.memory_space<hbm>>) target(%arg18 : memref<1032x128xf32, #tpu.memory_space<vmem_shared>>) target_semaphore(%run_scoped3A : memref<!tpu.dma_semaphore, #tpu.memory_space<semaphore_mem>>)
        tpu.wait_dma2 semaphore(%run_scoped3A : memref<!tpu.dma_semaphore, #tpu.memory_space<semaphore_mem>>) src(%arg3 : memref<1032x128xf32, #tpu.memory_space<hbm>>) dst(%arg18 : memref<1032x128xf32, #tpu.memory_space<vmem_shared>>)
        tpu.yield
      }) : () -> ()
    } else {
    }
    %barrier3A = arith.constant 0 : index
    tpu.barrier barrier_id(%barrier3A)
    %mul3A_3 = arith.constant 128 : i32
    %mul3A_4 = arith.muli %add3A, %mul3A_3 : i32
    %add3A_5 = arith.constant 0 : i32
    %add3A_6 = arith.addi %mul3A_4, %add3A_5 : i32
    %mul3A_7 = arith.constant 128 : i32
    %mul3A_8 = arith.muli %add3A_6, %mul3A_7 : i32
    %dma_start3A = tpu.memref_slice %arg4[%mul3A_8] : memref<524288xi32, #tpu.memory_space<hbm>> -> memref<128xi32, #tpu.memory_space<hbm>>
    %dma_start3A_9 = tpu.memref_slice %arg4[%mul3A_8] : memref<524288xi32, #tpu.memory_space<hbm>> -> memref<128xi32, #tpu.memory_space<hbm>>
    tpu.enqueue_dma source(%dma_start3A_9 : memref<128xi32, #tpu.memory_space<hbm>>) target(%arg7 : memref<128xi32, #tpu.memory_space<vmem>>) target_semaphore(%arg19 : memref<!tpu.dma_semaphore, #tpu.memory_space<semaphore_mem>>)
    %dma_start3A_10 = tpu.memref_slice %arg5[%mul3A_8] : memref<524288xi32, #tpu.memory_space<hbm>> -> memref<128xi32, #tpu.memory_space<hbm>>
    %dma_start3A_11 = tpu.memref_slice %arg5[%mul3A_8] : memref<524288xi32, #tpu.memory_space<hbm>> -> memref<128xi32, #tpu.memory_space<hbm>>
    tpu.enqueue_dma source(%dma_start3A_11 : memref<128xi32, #tpu.memory_space<hbm>>) target(%arg9 : memref<128xi32, #tpu.memory_space<vmem>>) target_semaphore(%arg19 : memref<!tpu.dma_semaphore, #tpu.memory_space<semaphore_mem>>)
    %mul3A_12 = arith.constant 128 : i32
    %mul3A_13 = arith.muli %add3A, %mul3A_12 : i32
    %add3A_14 = arith.constant 0 : i32
    %add3A_15 = arith.addi %mul3A_13, %add3A_14 : i32
    %mul3A_16 = arith.constant 128 : i32
    %mul3A_17 = arith.muli %add3A_15, %mul3A_16 : i32
    %dma_wait3A = tpu.memref_slice %arg4[%mul3A_17] : memref<524288xi32, #tpu.memory_space<hbm>> -> memref<128xi32, #tpu.memory_space<hbm>>
    %dma_wait3A_18 = tpu.memref_slice %arg4[%mul3A_17] : memref<524288xi32, #tpu.memory_space<hbm>> -> memref<128xi32, #tpu.memory_space<hbm>>
    tpu.wait_dma2 semaphore(%arg19 : memref<!tpu.dma_semaphore, #tpu.memory_space<semaphore_mem>>) src(%dma_wait3A_18 : memref<128xi32, #tpu.memory_space<hbm>>) dst(%arg7 : memref<128xi32, #tpu.memory_space<vmem>>)
    %dma_wait3A_19 = tpu.memref_slice %arg5[%mul3A_17] : memref<524288xi32, #tpu.memory_space<hbm>> -> memref<128xi32, #tpu.memory_space<hbm>>
    %dma_wait3A_20 = tpu.memref_slice %arg5[%mul3A_17] : memref<524288xi32, #tpu.memory_space<hbm>> -> memref<128xi32, #tpu.memory_space<hbm>>
    tpu.wait_dma2 semaphore(%arg19 : memref<!tpu.dma_semaphore, #tpu.memory_space<semaphore_mem>>) src(%dma_wait3A_20 : memref<128xi32, #tpu.memory_space<hbm>>) dst(%arg9 : memref<128xi32, #tpu.memory_space<vmem>>)
    %dma_start3A_21 = arith.constant 0 : i32
    %dma_start3A_22 = arith.constant 0 : i32
    %dma_start3A_23 = tpu.memref_slice %arg17[%dma_start3A_21, %dma_start3A_22] : memref<1032x128xf32, #tpu.memory_space<vmem_shared>> -> memref<1032x128xf32, #tpu.memory_space<vmem_shared>>
    tpu.enqueue_indirect_dma source(%dma_start3A_23 : memref<1032x128xf32, #tpu.memory_space<vmem_shared>>) target(%arg11 : memref<128x128xf32, #tpu.memory_space<vmem>>) offsets(%arg7 : memref<128xi32, #tpu.memory_space<vmem>>) semaphore(%arg21 : memref<!tpu.dma_semaphore, #tpu.memory_space<semaphore_mem>>)
    %dma_start3A_24 = arith.constant 0 : i32
    %dma_start3A_25 = arith.constant 0 : i32
    %dma_start3A_26 = tpu.memref_slice %arg18[%dma_start3A_24, %dma_start3A_25] : memref<1032x128xf32, #tpu.memory_space<vmem_shared>> -> memref<1032x128xf32, #tpu.memory_space<vmem_shared>>
    tpu.enqueue_indirect_dma source(%dma_start3A_26 : memref<1032x128xf32, #tpu.memory_space<vmem_shared>>) target(%arg13 : memref<128x128xf32, #tpu.memory_space<vmem>>) offsets(%arg9 : memref<128xi32, #tpu.memory_space<vmem>>) semaphore(%arg21 : memref<!tpu.dma_semaphore, #tpu.memory_space<semaphore_mem>>)
    %mul3A_27 = arith.constant 128 : i32
    %mul3A_28 = arith.muli %add3A, %mul3A_27 : i32
    %add3A_29 = arith.constant 1 : i32
    %add3A_30 = arith.addi %mul3A_28, %add3A_29 : i32
    %mul3A_31 = arith.constant 128 : i32
    %mul3A_32 = arith.muli %add3A_30, %mul3A_31 : i32
    %dma_start3A_33 = tpu.memref_slice %arg4[%mul3A_32] : memref<524288xi32, #tpu.memory_space<hbm>> -> memref<128xi32, #tpu.memory_space<hbm>>
    %dma_start3A_34 = tpu.memref_slice %arg4[%mul3A_32] : memref<524288xi32, #tpu.memory_space<hbm>> -> memref<128xi32, #tpu.memory_space<hbm>>
    tpu.enqueue_dma source(%dma_start3A_34 : memref<128xi32, #tpu.memory_space<hbm>>) target(%arg8 : memref<128xi32, #tpu.memory_space<vmem>>) target_semaphore(%arg20 : memref<!tpu.dma_semaphore, #tpu.memory_space<semaphore_mem>>)
    %dma_start3A_35 = tpu.memref_slice %arg5[%mul3A_32] : memref<524288xi32, #tpu.memory_space<hbm>> -> memref<128xi32, #tpu.memory_space<hbm>>
    %dma_start3A_36 = tpu.memref_slice %arg5[%mul3A_32] : memref<524288xi32, #tpu.memory_space<hbm>> -> memref<128xi32, #tpu.memory_space<hbm>>
    tpu.enqueue_dma source(%dma_start3A_36 : memref<128xi32, #tpu.memory_space<hbm>>) target(%arg10 : memref<128xi32, #tpu.memory_space<vmem>>) target_semaphore(%arg20 : memref<!tpu.dma_semaphore, #tpu.memory_space<semaphore_mem>>)
    %scan3A = arith.constant 0 : i32
    %scan3A_37 = arith.constant 63 : i32
    %scan3A_38 = arith.addi %scan3A, %scan3A_37 : i32
    %scan3A_39 = arith.constant 1 : i32
    scf.for %scan3A_139 = %scan3A to %scan3A_38 step %scan3A_39  : i32 {
      %mul3A_140 = arith.constant 2 : i32
      %mul3A_141 = arith.muli %scan3A_139, %mul3A_140 : i32
      %add3A_142 = arith.constant 0 : i32
      %add3A_143 = arith.addi %add3A_142, %mul3A_141 : i32
      %dma_wait3A_144 = arith.constant 0 : i32
      %dma_wait3A_145 = arith.constant 0 : i32
      %dma_wait3A_146 = tpu.memref_slice %arg17[%dma_wait3A_144, %dma_wait3A_145] : memref<1032x128xf32, #tpu.memory_space<vmem_shared>> -> memref<1032x128xf32, #tpu.memory_space<vmem_shared>>
      tpu.wait_indirect_dma semaphore(%arg21 : memref<!tpu.dma_semaphore, #tpu.memory_space<semaphore_mem>>) src(%dma_wait3A_146 : memref<1032x128xf32, #tpu.memory_space<vmem_shared>>) dst(%arg11 : memref<128x128xf32, #tpu.memory_space<vmem>>)
      %dma_wait3A_147 = arith.constant 0 : i32
      %dma_wait3A_148 = arith.constant 0 : i32
      %dma_wait3A_149 = tpu.memref_slice %arg18[%dma_wait3A_147, %dma_wait3A_148] : memref<1032x128xf32, #tpu.memory_space<vmem_shared>> -> memref<1032x128xf32, #tpu.memory_space<vmem_shared>>
      tpu.wait_indirect_dma semaphore(%arg21 : memref<!tpu.dma_semaphore, #tpu.memory_space<semaphore_mem>>) src(%dma_wait3A_149 : memref<1032x128xf32, #tpu.memory_space<vmem_shared>>) dst(%arg13 : memref<128x128xf32, #tpu.memory_space<vmem>>)
      %add3A_150 = arith.constant 1 : i32
      %add3A_151 = arith.addi %add3A_143, %add3A_150 : i32
      %mul3A_152 = arith.constant 128 : i32
      %mul3A_153 = arith.muli %add3A, %mul3A_152 : i32
      %add3A_154 = arith.addi %mul3A_153, %add3A_151 : i32
      %mul3A_155 = arith.constant 128 : i32
      %mul3A_156 = arith.muli %add3A_154, %mul3A_155 : i32
      %dma_wait3A_157 = tpu.memref_slice %arg4[%mul3A_156] : memref<524288xi32, #tpu.memory_space<hbm>> -> memref<128xi32, #tpu.memory_space<hbm>>
      %dma_wait3A_158 = tpu.memref_slice %arg4[%mul3A_156] : memref<524288xi32, #tpu.memory_space<hbm>> -> memref<128xi32, #tpu.memory_space<hbm>>
      tpu.wait_dma2 semaphore(%arg20 : memref<!tpu.dma_semaphore, #tpu.memory_space<semaphore_mem>>) src(%dma_wait3A_158 : memref<128xi32, #tpu.memory_space<hbm>>) dst(%arg8 : memref<128xi32, #tpu.memory_space<vmem>>)
      %dma_wait3A_159 = tpu.memref_slice %arg5[%mul3A_156] : memref<524288xi32, #tpu.memory_space<hbm>> -> memref<128xi32, #tpu.memory_space<hbm>>
      %dma_wait3A_160 = tpu.memref_slice %arg5[%mul3A_156] : memref<524288xi32, #tpu.memory_space<hbm>> -> memref<128xi32, #tpu.memory_space<hbm>>
      tpu.wait_dma2 semaphore(%arg20 : memref<!tpu.dma_semaphore, #tpu.memory_space<semaphore_mem>>) src(%dma_wait3A_160 : memref<128xi32, #tpu.memory_space<hbm>>) dst(%arg10 : memref<128xi32, #tpu.memory_space<vmem>>)
      %dma_start3A_161 = arith.constant 0 : i32
      %dma_start3A_162 = arith.constant 0 : i32
      %dma_start3A_163 = tpu.memref_slice %arg17[%dma_start3A_161, %dma_start3A_162] : memref<1032x128xf32, #tpu.memory_space<vmem_shared>> -> memref<1032x128xf32, #tpu.memory_space<vmem_shared>>
      tpu.enqueue_indirect_dma source(%dma_start3A_163 : memref<1032x128xf32, #tpu.memory_space<vmem_shared>>) target(%arg12 : memref<128x128xf32, #tpu.memory_space<vmem>>) offsets(%arg8 : memref<128xi32, #tpu.memory_space<vmem>>) semaphore(%arg22 : memref<!tpu.dma_semaphore, #tpu.memory_space<semaphore_mem>>)
      %dma_start3A_164 = arith.constant 0 : i32
      %dma_start3A_165 = arith.constant 0 : i32
      %dma_start3A_166 = tpu.memref_slice %arg18[%dma_start3A_164, %dma_start3A_165] : memref<1032x128xf32, #tpu.memory_space<vmem_shared>> -> memref<1032x128xf32, #tpu.memory_space<vmem_shared>>
      tpu.enqueue_indirect_dma source(%dma_start3A_166 : memref<1032x128xf32, #tpu.memory_space<vmem_shared>>) target(%arg14 : memref<128x128xf32, #tpu.memory_space<vmem>>) offsets(%arg10 : memref<128xi32, #tpu.memory_space<vmem>>) semaphore(%arg22 : memref<!tpu.dma_semaphore, #tpu.memory_space<semaphore_mem>>)
      %add3A_167 = arith.constant 2 : i32
      %add3A_168 = arith.addi %add3A_143, %add3A_167 : i32
      %mul3A_169 = arith.constant 128 : i32
      %mul3A_170 = arith.muli %add3A, %mul3A_169 : i32
      %add3A_171 = arith.addi %mul3A_170, %add3A_168 : i32
      %mul3A_172 = arith.constant 128 : i32
      %mul3A_173 = arith.muli %add3A_171, %mul3A_172 : i32
      %dma_start3A_174 = tpu.memref_slice %arg4[%mul3A_173] : memref<524288xi32, #tpu.memory_space<hbm>> -> memref<128xi32, #tpu.memory_space<hbm>>
      %dma_start3A_175 = tpu.memref_slice %arg4[%mul3A_173] : memref<524288xi32, #tpu.memory_space<hbm>> -> memref<128xi32, #tpu.memory_space<hbm>>
      tpu.enqueue_dma source(%dma_start3A_175 : memref<128xi32, #tpu.memory_space<hbm>>) target(%arg7 : memref<128xi32, #tpu.memory_space<vmem>>) target_semaphore(%arg19 : memref<!tpu.dma_semaphore, #tpu.memory_space<semaphore_mem>>)
      %dma_start3A_176 = tpu.memref_slice %arg5[%mul3A_173] : memref<524288xi32, #tpu.memory_space<hbm>> -> memref<128xi32, #tpu.memory_space<hbm>>
      %dma_start3A_177 = tpu.memref_slice %arg5[%mul3A_173] : memref<524288xi32, #tpu.memory_space<hbm>> -> memref<128xi32, #tpu.memory_space<hbm>>
      tpu.enqueue_dma source(%dma_start3A_177 : memref<128xi32, #tpu.memory_space<hbm>>) target(%arg9 : memref<128xi32, #tpu.memory_space<vmem>>) target_semaphore(%arg19 : memref<!tpu.dma_semaphore, #tpu.memory_space<semaphore_mem>>)
      %ge3A = arith.constant 2 : i32
      %ge3A_178 = arith.cmpi sge, %add3A_143, %ge3A : i32
      %convert_element_type3A_179 = arith.extui %ge3A_178 : i1 to i32
      %cond3A_180 = arith.constant 0 : i32
      %cond3A_181 = arith.cmpi ne, %convert_element_type3A_179, %cond3A_180 : i32
      scf.if %cond3A_181 {
        %sub3A = arith.constant 2 : i32
        %sub3A_251 = arith.subi %add3A_143, %sub3A : i32
        %mul3A_252 = arith.constant 128 : i32
        %mul3A_253 = arith.muli %add3A, %mul3A_252 : i32
        %add3A_254 = arith.addi %mul3A_253, %sub3A_251 : i32
        %mul3A_255 = arith.constant 128 : i32
        %mul3A_256 = arith.muli %add3A_254, %mul3A_255 : i32
        %dma_wait3A_257 = arith.constant 0 : i32
        %dma_wait3A_258 = tpu.memref_slice %arg6[%mul3A_256, %dma_wait3A_257] : memref<524288x128xf32, #tpu.memory_space<hbm>> -> memref<128x128xf32, #tpu.memory_space<hbm>>
        %dma_wait3A_259 = arith.constant 0 : i32
        %dma_wait3A_260 = tpu.memref_slice %arg6[%mul3A_256, %dma_wait3A_259] : memref<524288x128xf32, #tpu.memory_space<hbm>> -> memref<128x128xf32, #tpu.memory_space<hbm>>
        tpu.wait_dma2 semaphore(%arg23 : memref<!tpu.dma_semaphore, #tpu.memory_space<semaphore_mem>>) src(%arg15 : memref<128x128xf32, #tpu.memory_space<vmem>>) dst(%dma_wait3A_260 : memref<128x128xf32, #tpu.memory_space<hbm>>)
      } else {
      }
      %scan3A_182 = arith.constant 0 : i32
      %scan3A_183 = arith.constant 32 : i32
      %scan3A_184 = arith.addi %scan3A_182, %scan3A_183 : i32
      %scan3A_185 = arith.constant 1 : i32
      scf.for %scan3A_251 = %scan3A_182 to %scan3A_184 step %scan3A_185  : i32 {
        %mul3A_252 = arith.constant 4 : i32
        %mul3A_253 = arith.muli %scan3A_251, %mul3A_252 : i32
        %add3A_254 = arith.constant 0 : i32
        %add3A_255 = arith.addi %add3A_254, %mul3A_253 : i32
        %add3A_256 = arith.constant 0 : i32
        %add3A_257 = arith.addi %add3A_255, %add3A_256 : i32
        %get3A = arith.index_cast %add3A_257 : i32 to index
        %get3A_258 = arith.constant 0 : index
        %get3A_259 = tpu.vector_load %arg11[%get3A, %get3A_258] {strides = array<i32>} : memref<128x128xf32, #tpu.memory_space<vmem>>, vector<1x16xf32>,
        %get3A_260 = vector.shape_cast %get3A_259 : vector<1x16xf32> to vector<16xf32>
        %get3A_261 = arith.index_cast %add3A_257 : i32 to index
        %get3A_262 = arith.constant 0 : index
        %get3A_263 = tpu.vector_load %arg13[%get3A_261, %get3A_262] {strides = array<i32>} : memref<128x128xf32, #tpu.memory_space<vmem>>, vector<1x16xf32>,
        %get3A_264 = vector.shape_cast %get3A_263 : vector<1x16xf32> to vector<16xf32>
        %add3A_265 = arith.addf %get3A_260, %get3A_264 : vector<16xf32>
        %mul3A_266 = arith.constant 0.00999999977 : f32
        %mul3A_267 = vector.broadcast %mul3A_266 : f32 to vector<16xf32>
        %mul3A_268 = arith.mulf %add3A_265, %mul3A_267 : vector<16xf32>
        %max3A = arith.maximumf %add3A_265, %mul3A_268 : vector<16xf32>
        %swap3A = arith.index_cast %add3A_257 : i32 to index
        %swap3A_269 = arith.constant 0 : index
        %swap3A_270 = tpu.vector_load %arg15[%swap3A, %swap3A_269] {strides = array<i32>} : memref<128x128xf32, #tpu.memory_space<vmem>>, vector<1x16xf32>,
        %swap3A_271 = vector.shape_cast %swap3A_270 : vector<1x16xf32> to vector<16xf32>
        %swap3A_272 = vector.shape_cast %max3A : vector<16xf32> to vector<1x16xf32>
        tpu.vector_store %arg15[%swap3A, %swap3A_269], %swap3A_272 {strides = array<i32>} : memref<128x128xf32, #tpu.memory_space<vmem>>, vector<1x16xf32>,
        %get3A_273 = arith.index_cast %add3A_257 : i32 to index
        %get3A_274 = arith.constant 16 : index
        %get3A_275 = tpu.vector_load %arg11[%get3A_273, %get3A_274] {strides = array<i32>} : memref<128x128xf32, #tpu.memory_space<vmem>>, vector<1x16xf32>,
        %get3A_276 = vector.shape_cast %get3A_275 : vector<1x16xf32> to vector<16xf32>
        %get3A_277 = arith.index_cast %add3A_257 : i32 to index
        %get3A_278 = arith.constant 16 : index
        %get3A_279 = tpu.vector_load %arg13[%get3A_277, %get3A_278] {strides = array<i32>} : memref<128x128xf32, #tpu.memory_space<vmem>>, vector<1x16xf32>,
        %get3A_280 = vector.shape_cast %get3A_279 : vector<1x16xf32> to vector<16xf32>
        %add3A_281 = arith.addf %get3A_276, %get3A_280 : vector<16xf32>
        %mul3A_282 = arith.constant 0.00999999977 : f32
        %mul3A_283 = vector.broadcast %mul3A_282 : f32 to vector<16xf32>
        %mul3A_284 = arith.mulf %add3A_281, %mul3A_283 : vector<16xf32>
        %max3A_285 = arith.maximumf %add3A_281, %mul3A_284 : vector<16xf32>
        %swap3A_286 = arith.index_cast %add3A_257 : i32 to index
        %swap3A_287 = arith.constant 16 : index
        %swap3A_288 = tpu.vector_load %arg15[%swap3A_286, %swap3A_287] {strides = array<i32>} : memref<128x128xf32, #tpu.memory_space<vmem>>, vector<1x16xf32>,
        %swap3A_289 = vector.shape_cast %swap3A_288 : vector<1x16xf32> to vector<16xf32>
        %swap3A_290 = vector.shape_cast %max3A_285 : vector<16xf32> to vector<1x16xf32>
        tpu.vector_store %arg15[%swap3A_286, %swap3A_287], %swap3A_290 {strides = array<i32>} : memref<128x128xf32, #tpu.memory_space<vmem>>, vector<1x16xf32>,
        %get3A_291 = arith.index_cast %add3A_257 : i32 to index
        %get3A_292 = arith.constant 32 : index
        %get3A_293 = tpu.vector_load %arg11[%get3A_291, %get3A_292] {strides = array<i32>} : memref<128x128xf32, #tpu.memory_space<vmem>>, vector<1x16xf32>,
        %get3A_294 = vector.shape_cast %get3A_293 : vector<1x16xf32> to vector<16xf32>
        %get3A_295 = arith.index_cast %add3A_257 : i32 to index
        %get3A_296 = arith.constant 32 : index
        %get3A_297 = tpu.vector_load %arg13[%get3A_295, %get3A_296] {strides = array<i32>} : memref<128x128xf32, #tpu.memory_space<vmem>>, vector<1x16xf32>,
        %get3A_298 = vector.shape_cast %get3A_297 : vector<1x16xf32> to vector<16xf32>
        %add3A_299 = arith.addf %get3A_294, %get3A_298 : vector<16xf32>
        %mul3A_300 = arith.constant 0.00999999977 : f32
        %mul3A_301 = vector.broadcast %mul3A_300 : f32 to vector<16xf32>
        %mul3A_302 = arith.mulf %add3A_299, %mul3A_301 : vector<16xf32>
        %max3A_303 = arith.maximumf %add3A_299, %mul3A_302 : vector<16xf32>
        %swap3A_304 = arith.index_cast %add3A_257 : i32 to index
        %swap3A_305 = arith.constant 32 : index
        %swap3A_306 = tpu.vector_load %arg15[%swap3A_304, %swap3A_305] {strides = array<i32>} : memref<128x128xf32, #tpu.memory_space<vmem>>, vector<1x16xf32>,
        %swap3A_307 = vector.shape_cast %swap3A_306 : vector<1x16xf32> to vector<16xf32>
        %swap3A_308 = vector.shape_cast %max3A_303 : vector<16xf32> to vector<1x16xf32>
        tpu.vector_store %arg15[%swap3A_304, %swap3A_305], %swap3A_308 {strides = array<i32>} : memref<128x128xf32, #tpu.memory_space<vmem>>, vector<1x16xf32>,
        %get3A_309 = arith.index_cast %add3A_257 : i32 to index
        %get3A_310 = arith.constant 48 : index
        %get3A_311 = tpu.vector_load %arg11[%get3A_309, %get3A_310] {strides = array<i32>} : memref<128x128xf32, #tpu.memory_space<vmem>>, vector<1x16xf32>,
        %get3A_312 = vector.shape_cast %get3A_311 : vector<1x16xf32> to vector<16xf32>
        %get3A_313 = arith.index_cast %add3A_257 : i32 to index
        %get3A_314 = arith.constant 48 : index
        %get3A_315 = tpu.vector_load %arg13[%get3A_313, %get3A_314] {strides = array<i32>} : memref<128x128xf32, #tpu.memory_space<vmem>>, vector<1x16xf32>,
        %get3A_316 = vector.shape_cast %get3A_315 : vector<1x16xf32> to vector<16xf32>
        %add3A_317 = arith.addf %get3A_312, %get3A_316 : vector<16xf32>
        %mul3A_318 = arith.constant 0.00999999977 : f32
        %mul3A_319 = vector.broadcast %mul3A_318 : f32 to vector<16xf32>
        %mul3A_320 = arith.mulf %add3A_317, %mul3A_319 : vector<16xf32>
        %max3A_321 = arith.maximumf %add3A_317, %mul3A_320 : vector<16xf32>
        %swap3A_322 = arith.index_cast %add3A_257 : i32 to index
        %swap3A_323 = arith.constant 48 : index
        %swap3A_324 = tpu.vector_load %arg15[%swap3A_322, %swap3A_323] {strides = array<i32>} : memref<128x128xf32, #tpu.memory_space<vmem>>, vector<1x16xf32>,
        %swap3A_325 = vector.shape_cast %swap3A_324 : vector<1x16xf32> to vector<16xf32>
        %swap3A_326 = vector.shape_cast %max3A_321 : vector<16xf32> to vector<1x16xf32>
        tpu.vector_store %arg15[%swap3A_322, %swap3A_323], %swap3A_326 {strides = array<i32>} : memref<128x128xf32, #tpu.memory_space<vmem>>, vector<1x16xf32>,
        %get3A_327 = arith.index_cast %add3A_257 : i32 to index
        %get3A_328 = arith.constant 64 : index
        %get3A_329 = tpu.vector_load %arg11[%get3A_327, %get3A_328] {strides = array<i32>} : memref<128x128xf32, #tpu.memory_space<vmem>>, vector<1x16xf32>,
        %get3A_330 = vector.shape_cast %get3A_329 : vector<1x16xf32> to vector<16xf32>
        %get3A_331 = arith.index_cast %add3A_257 : i32 to index
        %get3A_332 = arith.constant 64 : index
        %get3A_333 = tpu.vector_load %arg13[%get3A_331, %get3A_332] {strides = array<i32>} : memref<128x128xf32, #tpu.memory_space<vmem>>, vector<1x16xf32>,
        %get3A_334 = vector.shape_cast %get3A_333 : vector<1x16xf32> to vector<16xf32>
        %add3A_335 = arith.addf %get3A_330, %get3A_334 : vector<16xf32>
        %mul3A_336 = arith.constant 0.00999999977 : f32
        %mul3A_337 = vector.broadcast %mul3A_336 : f32 to vector<16xf32>
        %mul3A_338 = arith.mulf %add3A_335, %mul3A_337 : vector<16xf32>
        %max3A_339 = arith.maximumf %add3A_335, %mul3A_338 : vector<16xf32>
        %swap3A_340 = arith.index_cast %add3A_257 : i32 to index
        %swap3A_341 = arith.constant 64 : index
        %swap3A_342 = tpu.vector_load %arg15[%swap3A_340, %swap3A_341] {strides = array<i32>} : memref<128x128xf32, #tpu.memory_space<vmem>>, vector<1x16xf32>,
        %swap3A_343 = vector.shape_cast %swap3A_342 : vector<1x16xf32> to vector<16xf32>
        %swap3A_344 = vector.shape_cast %max3A_339 : vector<16xf32> to vector<1x16xf32>
        tpu.vector_store %arg15[%swap3A_340, %swap3A_341], %swap3A_344 {strides = array<i32>} : memref<128x128xf32, #tpu.memory_space<vmem>>, vector<1x16xf32>,
        %get3A_345 = arith.index_cast %add3A_257 : i32 to index
        %get3A_346 = arith.constant 80 : index
        %get3A_347 = tpu.vector_load %arg11[%get3A_345, %get3A_346] {strides = array<i32>} : memref<128x128xf32, #tpu.memory_space<vmem>>, vector<1x16xf32>,
        %get3A_348 = vector.shape_cast %get3A_347 : vector<1x16xf32> to vector<16xf32>
        %get3A_349 = arith.index_cast %add3A_257 : i32 to index
        %get3A_350 = arith.constant 80 : index
        %get3A_351 = tpu.vector_load %arg13[%get3A_349, %get3A_350] {strides = array<i32>} : memref<128x128xf32, #tpu.memory_space<vmem>>, vector<1x16xf32>,
        %get3A_352 = vector.shape_cast %get3A_351 : vector<1x16xf32> to vector<16xf32>
        %add3A_353 = arith.addf %get3A_348, %get3A_352 : vector<16xf32>
        %mul3A_354 = arith.constant 0.00999999977 : f32
        %mul3A_355 = vector.broadcast %mul3A_354 : f32 to vector<16xf32>
        %mul3A_356 = arith.mulf %add3A_353, %mul3A_355 : vector<16xf32>
        %max3A_357 = arith.maximumf %add3A_353, %mul3A_356 : vector<16xf32>
        %swap3A_358 = arith.index_cast %add3A_257 : i32 to index
        %swap3A_359 = arith.constant 80 : index
        %swap3A_360 = tpu.vector_load %arg15[%swap3A_358, %swap3A_359] {strides = array<i32>} : memref<128x128xf32, #tpu.memory_space<vmem>>, vector<1x16xf32>,
        %swap3A_361 = vector.shape_cast %swap3A_360 : vector<1x16xf32> to vector<16xf32>
        %swap3A_362 = vector.shape_cast %max3A_357 : vector<16xf32> to vector<1x16xf32>
        tpu.vector_store %arg15[%swap3A_358, %swap3A_359], %swap3A_362 {strides = array<i32>} : memref<128x128xf32, #tpu.memory_space<vmem>>, vector<1x16xf32>,
        %get3A_363 = arith.index_cast %add3A_257 : i32 to index
        %get3A_364 = arith.constant 96 : index
        %get3A_365 = tpu.vector_load %arg11[%get3A_363, %get3A_364] {strides = array<i32>} : memref<128x128xf32, #tpu.memory_space<vmem>>, vector<1x16xf32>,
        %get3A_366 = vector.shape_cast %get3A_365 : vector<1x16xf32> to vector<16xf32>
        %get3A_367 = arith.index_cast %add3A_257 : i32 to index
        %get3A_368 = arith.constant 96 : index
        %get3A_369 = tpu.vector_load %arg13[%get3A_367, %get3A_368] {strides = array<i32>} : memref<128x128xf32, #tpu.memory_space<vmem>>, vector<1x16xf32>,
        %get3A_370 = vector.shape_cast %get3A_369 : vector<1x16xf32> to vector<16xf32>
        %add3A_371 = arith.addf %get3A_366, %get3A_370 : vector<16xf32>
        %mul3A_372 = arith.constant 0.00999999977 : f32
        %mul3A_373 = vector.broadcast %mul3A_372 : f32 to vector<16xf32>
        %mul3A_374 = arith.mulf %add3A_371, %mul3A_373 : vector<16xf32>
        %max3A_375 = arith.maximumf %add3A_371, %mul3A_374 : vector<16xf32>
        %swap3A_376 = arith.index_cast %add3A_257 : i32 to index
        %swap3A_377 = arith.constant 96 : index
        %swap3A_378 = tpu.vector_load %arg15[%swap3A_376, %swap3A_377] {strides = array<i32>} : memref<128x128xf32, #tpu.memory_space<vmem>>, vector<1x16xf32>,
        %swap3A_379 = vector.shape_cast %swap3A_378 : vector<1x16xf32> to vector<16xf32>
        %swap3A_380 = vector.shape_cast %max3A_375 : vector<16xf32> to vector<1x16xf32>
        tpu.vector_store %arg15[%swap3A_376, %swap3A_377], %swap3A_380 {strides = array<i32>} : memref<128x128xf32, #tpu.memory_space<vmem>>, vector<1x16xf32>,
        %get3A_381 = arith.index_cast %add3A_257 : i32 to index
        %get3A_382 = arith.constant 112 : index
        %get3A_383 = tpu.vector_load %arg11[%get3A_381, %get3A_382] {strides = array<i32>} : memref<128x128xf32, #tpu.memory_space<vmem>>, vector<1x16xf32>,
        %get3A_384 = vector.shape_cast %get3A_383 : vector<1x16xf32> to vector<16xf32>
        %get3A_385 = arith.index_cast %add3A_257 : i32 to index
        %get3A_386 = arith.constant 112 : index
        %get3A_387 = tpu.vector_load %arg13[%get3A_385, %get3A_386] {strides = array<i32>} : memref<128x128xf32, #tpu.memory_space<vmem>>, vector<1x16xf32>,
        %get3A_388 = vector.shape_cast %get3A_387 : vector<1x16xf32> to vector<16xf32>
        %add3A_389 = arith.addf %get3A_384, %get3A_388 : vector<16xf32>
        %mul3A_390 = arith.constant 0.00999999977 : f32
        %mul3A_391 = vector.broadcast %mul3A_390 : f32 to vector<16xf32>
        %mul3A_392 = arith.mulf %add3A_389, %mul3A_391 : vector<16xf32>
        %max3A_393 = arith.maximumf %add3A_389, %mul3A_392 : vector<16xf32>
        %swap3A_394 = arith.index_cast %add3A_257 : i32 to index
        %swap3A_395 = arith.constant 112 : index
        %swap3A_396 = tpu.vector_load %arg15[%swap3A_394, %swap3A_395] {strides = array<i32>} : memref<128x128xf32, #tpu.memory_space<vmem>>, vector<1x16xf32>,
        %swap3A_397 = vector.shape_cast %swap3A_396 : vector<1x16xf32> to vector<16xf32>
        %swap3A_398 = vector.shape_cast %max3A_393 : vector<16xf32> to vector<1x16xf32>
        tpu.vector_store %arg15[%swap3A_394, %swap3A_395], %swap3A_398 {strides = array<i32>} : memref<128x128xf32, #tpu.memory_space<vmem>>, vector<1x16xf32>,
        %add3A_399 = arith.constant 1 : i32
        %add3A_400 = arith.addi %add3A_255, %add3A_399 : i32
        %get3A_401 = arith.index_cast %add3A_400 : i32 to index
        %get3A_402 = arith.constant 0 : index
        %get3A_403 = tpu.vector_load %arg11[%get3A_401, %get3A_402] {strides = array<i32>} : memref<128x128xf32, #tpu.memory_space<vmem>>, vector<1x16xf32>,
        %get3A_404 = vector.shape_cast %get3A_403 : vector<1x16xf32> to vector<16xf32>
        %get3A_405 = arith.index_cast %add3A_400 : i32 to index
        %get3A_406 = arith.constant 0 : index
        %get3A_407 = tpu.vector_load %arg13[%get3A_405, %get3A_406] {strides = array<i32>} : memref<128x128xf32, #tpu.memory_space<vmem>>, vector<1x16xf32>,
        %get3A_408 = vector.shape_cast %get3A_407 : vector<1x16xf32> to vector<16xf32>
        %add3A_409 = arith.addf %get3A_404, %get3A_408 : vector<16xf32>
        %mul3A_410 = arith.constant 0.00999999977 : f32
        %mul3A_411 = vector.broadcast %mul3A_410 : f32 to vector<16xf32>
        %mul3A_412 = arith.mulf %add3A_409, %mul3A_411 : vector<16xf32>
        %max3A_413 = arith.maximumf %add3A_409, %mul3A_412 : vector<16xf32>
        %swap3A_414 = arith.index_cast %add3A_400 : i32 to index
        %swap3A_415 = arith.constant 0 : index
        %swap3A_416 = tpu.vector_load %arg15[%swap3A_414, %swap3A_415] {strides = array<i32>} : memref<128x128xf32, #tpu.memory_space<vmem>>, vector<1x16xf32>,
        %swap3A_417 = vector.shape_cast %swap3A_416 : vector<1x16xf32> to vector<16xf32>
        %swap3A_418 = vector.shape_cast %max3A_413 : vector<16xf32> to vector<1x16xf32>
        tpu.vector_store %arg15[%swap3A_414, %swap3A_415], %swap3A_418 {strides = array<i32>} : memref<128x128xf32, #tpu.memory_space<vmem>>, vector<1x16xf32>,
        %get3A_419 = arith.index_cast %add3A_400 : i32 to index
        %get3A_420 = arith.constant 16 : index
        %get3A_421 = tpu.vector_load %arg11[%get3A_419, %get3A_420] {strides = array<i32>} : memref<128x128xf32, #tpu.memory_space<vmem>>, vector<1x16xf32>,
        %get3A_422 = vector.shape_cast %get3A_421 : vector<1x16xf32> to vector<16xf32>
        %get3A_423 = arith.index_cast %add3A_400 : i32 to index
        %get3A_424 = arith.constant 16 : index
        %get3A_425 = tpu.vector_load %arg13[%get3A_423, %get3A_424] {strides = array<i32>} : memref<128x128xf32, #tpu.memory_space<vmem>>, vector<1x16xf32>,
        %get3A_426 = vector.shape_cast %get3A_425 : vector<1x16xf32> to vector<16xf32>
        %add3A_427 = arith.addf %get3A_422, %get3A_426 : vector<16xf32>
        %mul3A_428 = arith.constant 0.00999999977 : f32
        %mul3A_429 = vector.broadcast %mul3A_428 : f32 to vector<16xf32>
        %mul3A_430 = arith.mulf %add3A_427, %mul3A_429 : vector<16xf32>
        %max3A_431 = arith.maximumf %add3A_427, %mul3A_430 : vector<16xf32>
        %swap3A_432 = arith.index_cast %add3A_400 : i32 to index
        %swap3A_433 = arith.constant 16 : index
        %swap3A_434 = tpu.vector_load %arg15[%swap3A_432, %swap3A_433] {strides = array<i32>} : memref<128x128xf32, #tpu.memory_space<vmem>>, vector<1x16xf32>,
        %swap3A_435 = vector.shape_cast %swap3A_434 : vector<1x16xf32> to vector<16xf32>
        %swap3A_436 = vector.shape_cast %max3A_431 : vector<16xf32> to vector<1x16xf32>
        tpu.vector_store %arg15[%swap3A_432, %swap3A_433], %swap3A_436 {strides = array<i32>} : memref<128x128xf32, #tpu.memory_space<vmem>>, vector<1x16xf32>,
        %get3A_437 = arith.index_cast %add3A_400 : i32 to index
        %get3A_438 = arith.constant 32 : index
        %get3A_439 = tpu.vector_load %arg11[%get3A_437, %get3A_438] {strides = array<i32>} : memref<128x128xf32, #tpu.memory_space<vmem>>, vector<1x16xf32>,
        %get3A_440 = vector.shape_cast %get3A_439 : vector<1x16xf32> to vector<16xf32>
        %get3A_441 = arith.index_cast %add3A_400 : i32 to index
        %get3A_442 = arith.constant 32 : index
        %get3A_443 = tpu.vector_load %arg13[%get3A_441, %get3A_442] {strides = array<i32>} : memref<128x128xf32, #tpu.memory_space<vmem>>, vector<1x16xf32>,
        %get3A_444 = vector.shape_cast %get3A_443 : vector<1x16xf32> to vector<16xf32>
        %add3A_445 = arith.addf %get3A_440, %get3A_444 : vector<16xf32>
        %mul3A_446 = arith.constant 0.00999999977 : f32
        %mul3A_447 = vector.broadcast %mul3A_446 : f32 to vector<16xf32>
        %mul3A_448 = arith.mulf %add3A_445, %mul3A_447 : vector<16xf32>
        %max3A_449 = arith.maximumf %add3A_445, %mul3A_448 : vector<16xf32>
        %swap3A_450 = arith.index_cast %add3A_400 : i32 to index
        %swap3A_451 = arith.constant 32 : index
        %swap3A_452 = tpu.vector_load %arg15[%swap3A_450, %swap3A_451] {strides = array<i32>} : memref<128x128xf32, #tpu.memory_space<vmem>>, vector<1x16xf32>,
        %swap3A_453 = vector.shape_cast %swap3A_452 : vector<1x16xf32> to vector<16xf32>
        %swap3A_454 = vector.shape_cast %max3A_449 : vector<16xf32> to vector<1x16xf32>
        tpu.vector_store %arg15[%swap3A_450, %swap3A_451], %swap3A_454 {strides = array<i32>} : memref<128x128xf32, #tpu.memory_space<vmem>>, vector<1x16xf32>,
        %get3A_455 = arith.index_cast %add3A_400 : i32 to index
        %get3A_456 = arith.constant 48 : index
        %get3A_457 = tpu.vector_load %arg11[%get3A_455, %get3A_456] {strides = array<i32>} : memref<128x128xf32, #tpu.memory_space<vmem>>, vector<1x16xf32>,
        %get3A_458 = vector.shape_cast %get3A_457 : vector<1x16xf32> to vector<16xf32>
        %get3A_459 = arith.index_cast %add3A_400 : i32 to index
        %get3A_460 = arith.constant 48 : index
        %get3A_461 = tpu.vector_load %arg13[%get3A_459, %get3A_460] {strides = array<i32>} : memref<128x128xf32, #tpu.memory_space<vmem>>, vector<1x16xf32>,
        %get3A_462 = vector.shape_cast %get3A_461 : vector<1x16xf32> to vector<16xf32>
        %add3A_463 = arith.addf %get3A_458, %get3A_462 : vector<16xf32>
        %mul3A_464 = arith.constant 0.00999999977 : f32
        %mul3A_465 = vector.broadcast %mul3A_464 : f32 to vector<16xf32>
        %mul3A_466 = arith.mulf %add3A_463, %mul3A_465 : vector<16xf32>
        %max3A_467 = arith.maximumf %add3A_463, %mul3A_466 : vector<16xf32>
        %swap3A_468 = arith.index_cast %add3A_400 : i32 to index
        %swap3A_469 = arith.constant 48 : index
        %swap3A_470 = tpu.vector_load %arg15[%swap3A_468, %swap3A_469] {strides = array<i32>} : memref<128x128xf32, #tpu.memory_space<vmem>>, vector<1x16xf32>,
        %swap3A_471 = vector.shape_cast %swap3A_470 : vector<1x16xf32> to vector<16xf32>
        %swap3A_472 = vector.shape_cast %max3A_467 : vector<16xf32> to vector<1x16xf32>
        tpu.vector_store %arg15[%swap3A_468, %swap3A_469], %swap3A_472 {strides = array<i32>} : memref<128x128xf32, #tpu.memory_space<vmem>>, vector<1x16xf32>,
        %get3A_473 = arith.index_cast %add3A_400 : i32 to index
        %get3A_474 = arith.constant 64 : index
        %get3A_475 = tpu.vector_load %arg11[%get3A_473, %get3A_474] {strides = array<i32>} : memref<128x128xf32, #tpu.memory_space<vmem>>, vector<1x16xf32>,
        %get3A_476 = vector.shape_cast %get3A_475 : vector<1x16xf32> to vector<16xf32>
        %get3A_477 = arith.index_cast %add3A_400 : i32 to index
        %get3A_478 = arith.constant 64 : index
        %get3A_479 = tpu.vector_load %arg13[%get3A_477, %get3A_478] {strides = array<i32>} : memref<128x128xf32, #tpu.memory_space<vmem>>, vector<1x16xf32>,
        %get3A_480 = vector.shape_cast %get3A_479 : vector<1x16xf32> to vector<16xf32>
        %add3A_481 = arith.addf %get3A_476, %get3A_480 : vector<16xf32>
        %mul3A_482 = arith.constant 0.00999999977 : f32
        %mul3A_483 = vector.broadcast %mul3A_482 : f32 to vector<16xf32>
        %mul3A_484 = arith.mulf %add3A_481, %mul3A_483 : vector<16xf32>
        %max3A_485 = arith.maximumf %add3A_481, %mul3A_484 : vector<16xf32>
        %swap3A_486 = arith.index_cast %add3A_400 : i32 to index
        %swap3A_487 = arith.constant 64 : index
        %swap3A_488 = tpu.vector_load %arg15[%swap3A_486, %swap3A_487] {strides = array<i32>} : memref<128x128xf32, #tpu.memory_space<vmem>>, vector<1x16xf32>,
        %swap3A_489 = vector.shape_cast %swap3A_488 : vector<1x16xf32> to vector<16xf32>
        %swap3A_490 = vector.shape_cast %max3A_485 : vector<16xf32> to vector<1x16xf32>
        tpu.vector_store %arg15[%swap3A_486, %swap3A_487], %swap3A_490 {strides = array<i32>} : memref<128x128xf32, #tpu.memory_space<vmem>>, vector<1x16xf32>,
        %get3A_491 = arith.index_cast %add3A_400 : i32 to index
        %get3A_492 = arith.constant 80 : index
        %get3A_493 = tpu.vector_load %arg11[%get3A_491, %get3A_492] {strides = array<i32>} : memref<128x128xf32, #tpu.memory_space<vmem>>, vector<1x16xf32>,
        %get3A_494 = vector.shape_cast %get3A_493 : vector<1x16xf32> to vector<16xf32>
        %get3A_495 = arith.index_cast %add3A_400 : i32 to index
        %get3A_496 = arith.constant 80 : index
        %get3A_497 = tpu.vector_load %arg13[%get3A_495, %get3A_496] {strides = array<i32>} : memref<128x128xf32, #tpu.memory_space<vmem>>, vector<1x16xf32>,
        %get3A_498 = vector.shape_cast %get3A_497 : vector<1x16xf32> to vector<16xf32>
        %add3A_499 = arith.addf %get3A_494, %get3A_498 : vector<16xf32>
        %mul3A_500 = arith.constant 0.00999999977 : f32
        %mul3A_501 = vector.broadcast %mul3A_500 : f32 to vector<16xf32>
        %mul3A_502 = arith.mulf %add3A_499, %mul3A_501 : vector<16xf32>
        %max3A_503 = arith.maximumf %add3A_499, %mul3A_502 : vector<16xf32>
        %swap3A_504 = arith.index_cast %add3A_400 : i32 to index
        %swap3A_505 = arith.constant 80 : index
        %swap3A_506 = tpu.vector_load %arg15[%swap3A_504, %swap3A_505] {strides = array<i32>} : memref<128x128xf32, #tpu.memory_space<vmem>>, vector<1x16xf32>,
        %swap3A_507 = vector.shape_cast %swap3A_506 : vector<1x16xf32> to vector<16xf32>
        %swap3A_508 = vector.shape_cast %max3A_503 : vector<16xf32> to vector<1x16xf32>
        tpu.vector_store %arg15[%swap3A_504, %swap3A_505], %swap3A_508 {strides = array<i32>} : memref<128x128xf32, #tpu.memory_space<vmem>>, vector<1x16xf32>,
        %get3A_509 = arith.index_cast %add3A_400 : i32 to index
        %get3A_510 = arith.constant 96 : index
        %get3A_511 = tpu.vector_load %arg11[%get3A_509, %get3A_510] {strides = array<i32>} : memref<128x128xf32, #tpu.memory_space<vmem>>, vector<1x16xf32>,
        %get3A_512 = vector.shape_cast %get3A_511 : vector<1x16xf32> to vector<16xf32>
        %get3A_513 = arith.index_cast %add3A_400 : i32 to index
        %get3A_514 = arith.constant 96 : index
        %get3A_515 = tpu.vector_load %arg13[%get3A_513, %get3A_514] {strides = array<i32>} : memref<128x128xf32, #tpu.memory_space<vmem>>, vector<1x16xf32>,
        %get3A_516 = vector.shape_cast %get3A_515 : vector<1x16xf32> to vector<16xf32>
        %add3A_517 = arith.addf %get3A_512, %get3A_516 : vector<16xf32>
        %mul3A_518 = arith.constant 0.00999999977 : f32
        %mul3A_519 = vector.broadcast %mul3A_518 : f32 to vector<16xf32>
        %mul3A_520 = arith.mulf %add3A_517, %mul3A_519 : vector<16xf32>
        %max3A_521 = arith.maximumf %add3A_517, %mul3A_520 : vector<16xf32>
        %swap3A_522 = arith.index_cast %add3A_400 : i32 to index
        %swap3A_523 = arith.constant 96 : index
        %swap3A_524 = tpu.vector_load %arg15[%swap3A_522, %swap3A_523] {strides = array<i32>} : memref<128x128xf32, #tpu.memory_space<vmem>>, vector<1x16xf32>,
        %swap3A_525 = vector.shape_cast %swap3A_524 : vector<1x16xf32> to vector<16xf32>
        %swap3A_526 = vector.shape_cast %max3A_521 : vector<16xf32> to vector<1x16xf32>
        tpu.vector_store %arg15[%swap3A_522, %swap3A_523], %swap3A_526 {strides = array<i32>} : memref<128x128xf32, #tpu.memory_space<vmem>>, vector<1x16xf32>,
        %get3A_527 = arith.index_cast %add3A_400 : i32 to index
        %get3A_528 = arith.constant 112 : index
        %get3A_529 = tpu.vector_load %arg11[%get3A_527, %get3A_528] {strides = array<i32>} : memref<128x128xf32, #tpu.memory_space<vmem>>, vector<1x16xf32>,
        %get3A_530 = vector.shape_cast %get3A_529 : vector<1x16xf32> to vector<16xf32>
        %get3A_531 = arith.index_cast %add3A_400 : i32 to index
        %get3A_532 = arith.constant 112 : index
        %get3A_533 = tpu.vector_load %arg13[%get3A_531, %get3A_532] {strides = array<i32>} : memref<128x128xf32, #tpu.memory_space<vmem>>, vector<1x16xf32>,
        %get3A_534 = vector.shape_cast %get3A_533 : vector<1x16xf32> to vector<16xf32>
        %add3A_535 = arith.addf %get3A_530, %get3A_534 : vector<16xf32>
        %mul3A_536 = arith.constant 0.00999999977 : f32
        %mul3A_537 = vector.broadcast %mul3A_536 : f32 to vector<16xf32>
        %mul3A_538 = arith.mulf %add3A_535, %mul3A_537 : vector<16xf32>
        %max3A_539 = arith.maximumf %add3A_535, %mul3A_538 : vector<16xf32>
        %swap3A_540 = arith.index_cast %add3A_400 : i32 to index
        %swap3A_541 = arith.constant 112 : index
        %swap3A_542 = tpu.vector_load %arg15[%swap3A_540, %swap3A_541] {strides = array<i32>} : memref<128x128xf32, #tpu.memory_space<vmem>>, vector<1x16xf32>,
        %swap3A_543 = vector.shape_cast %swap3A_542 : vector<1x16xf32> to vector<16xf32>
        %swap3A_544 = vector.shape_cast %max3A_539 : vector<16xf32> to vector<1x16xf32>
        tpu.vector_store %arg15[%swap3A_540, %swap3A_541], %swap3A_544 {strides = array<i32>} : memref<128x128xf32, #tpu.memory_space<vmem>>, vector<1x16xf32>,
        %add3A_545 = arith.constant 2 : i32
        %add3A_546 = arith.addi %add3A_255, %add3A_545 : i32
        %get3A_547 = arith.index_cast %add3A_546 : i32 to index
        %get3A_548 = arith.constant 0 : index
        %get3A_549 = tpu.vector_load %arg11[%get3A_547, %get3A_548] {strides = array<i32>} : memref<128x128xf32, #tpu.memory_space<vmem>>, vector<1x16xf32>,
        %get3A_550 = vector.shape_cast %get3A_549 : vector<1x16xf32> to vector<16xf32>
        %get3A_551 = arith.index_cast %add3A_546 : i32 to index
        %get3A_552 = arith.constant 0 : index
        %get3A_553 = tpu.vector_load %arg13[%get3A_551, %get3A_552] {strides = array<i32>} : memref<128x128xf32, #tpu.memory_space<vmem>>, vector<1x16xf32>,
        %get3A_554 = vector.shape_cast %get3A_553 : vector<1x16xf32> to vector<16xf32>
        %add3A_555 = arith.addf %get3A_550, %get3A_554 : vector<16xf32>
        %mul3A_556 = arith.constant 0.00999999977 : f32
        %mul3A_557 = vector.broadcast %mul3A_556 : f32 to vector<16xf32>
        %mul3A_558 = arith.mulf %add3A_555, %mul3A_557 : vector<16xf32>
        %max3A_559 = arith.maximumf %add3A_555, %mul3A_558 : vector<16xf32>
        %swap3A_560 = arith.index_cast %add3A_546 : i32 to index
        %swap3A_561 = arith.constant 0 : index
        %swap3A_562 = tpu.vector_load %arg15[%swap3A_560, %swap3A_561] {strides = array<i32>} : memref<128x128xf32, #tpu.memory_space<vmem>>, vector<1x16xf32>,
        %swap3A_563 = vector.shape_cast %swap3A_562 : vector<1x16xf32> to vector<16xf32>
        %swap3A_564 = vector.shape_cast %max3A_559 : vector<16xf32> to vector<1x16xf32>
        tpu.vector_store %arg15[%swap3A_560, %swap3A_561], %swap3A_564 {strides = array<i32>} : memref<128x128xf32, #tpu.memory_space<vmem>>, vector<1x16xf32>,
        %get3A_565 = arith.index_cast %add3A_546 : i32 to index
        %get3A_566 = arith.constant 16 : index
        %get3A_567 = tpu.vector_load %arg11[%get3A_565, %get3A_566] {strides = array<i32>} : memref<128x128xf32, #tpu.memory_space<vmem>>, vector<1x16xf32>,
        %get3A_568 = vector.shape_cast %get3A_567 : vector<1x16xf32> to vector<16xf32>
        %get3A_569 = arith.index_cast %add3A_546 : i32 to index
        %get3A_570 = arith.constant 16 : index
        %get3A_571 = tpu.vector_load %arg13[%get3A_569, %get3A_570] {strides = array<i32>} : memref<128x128xf32, #tpu.memory_space<vmem>>, vector<1x16xf32>,
        %get3A_572 = vector.shape_cast %get3A_571 : vector<1x16xf32> to vector<16xf32>
        %add3A_573 = arith.addf %get3A_568, %get3A_572 : vector<16xf32>
        %mul3A_574 = arith.constant 0.00999999977 : f32
        %mul3A_575 = vector.broadcast %mul3A_574 : f32 to vector<16xf32>
        %mul3A_576 = arith.mulf %add3A_573, %mul3A_575 : vector<16xf32>
        %max3A_577 = arith.maximumf %add3A_573, %mul3A_576 : vector<16xf32>
        %swap3A_578 = arith.index_cast %add3A_546 : i32 to index
        %swap3A_579 = arith.constant 16 : index
        %swap3A_580 = tpu.vector_load %arg15[%swap3A_578, %swap3A_579] {strides = array<i32>} : memref<128x128xf32, #tpu.memory_space<vmem>>, vector<1x16xf32>,
        %swap3A_581 = vector.shape_cast %swap3A_580 : vector<1x16xf32> to vector<16xf32>
        %swap3A_582 = vector.shape_cast %max3A_577 : vector<16xf32> to vector<1x16xf32>
        tpu.vector_store %arg15[%swap3A_578, %swap3A_579], %swap3A_582 {strides = array<i32>} : memref<128x128xf32, #tpu.memory_space<vmem>>, vector<1x16xf32>,
        %get3A_583 = arith.index_cast %add3A_546 : i32 to index
        %get3A_584 = arith.constant 32 : index
        %get3A_585 = tpu.vector_load %arg11[%get3A_583, %get3A_584] {strides = array<i32>} : memref<128x128xf32, #tpu.memory_space<vmem>>, vector<1x16xf32>,
        %get3A_586 = vector.shape_cast %get3A_585 : vector<1x16xf32> to vector<16xf32>
        %get3A_587 = arith.index_cast %add3A_546 : i32 to index
        %get3A_588 = arith.constant 32 : index
        %get3A_589 = tpu.vector_load %arg13[%get3A_587, %get3A_588] {strides = array<i32>} : memref<128x128xf32, #tpu.memory_space<vmem>>, vector<1x16xf32>,
        %get3A_590 = vector.shape_cast %get3A_589 : vector<1x16xf32> to vector<16xf32>
        %add3A_591 = arith.addf %get3A_586, %get3A_590 : vector<16xf32>
        %mul3A_592 = arith.constant 0.00999999977 : f32
        %mul3A_593 = vector.broadcast %mul3A_592 : f32 to vector<16xf32>
        %mul3A_594 = arith.mulf %add3A_591, %mul3A_593 : vector<16xf32>
        %max3A_595 = arith.maximumf %add3A_591, %mul3A_594 : vector<16xf32>
        %swap3A_596 = arith.index_cast %add3A_546 : i32 to index
        %swap3A_597 = arith.constant 32 : index
        %swap3A_598 = tpu.vector_load %arg15[%swap3A_596, %swap3A_597] {strides = array<i32>} : memref<128x128xf32, #tpu.memory_space<vmem>>, vector<1x16xf32>,
        %swap3A_599 = vector.shape_cast %swap3A_598 : vector<1x16xf32> to vector<16xf32>
        %swap3A_600 = vector.shape_cast %max3A_595 : vector<16xf32> to vector<1x16xf32>
        tpu.vector_store %arg15[%swap3A_596, %swap3A_597], %swap3A_600 {strides = array<i32>} : memref<128x128xf32, #tpu.memory_space<vmem>>, vector<1x16xf32>,
        %get3A_601 = arith.index_cast %add3A_546 : i32 to index
        %get3A_602 = arith.constant 48 : index
        %get3A_603 = tpu.vector_load %arg11[%get3A_601, %get3A_602] {strides = array<i32>} : memref<128x128xf32, #tpu.memory_space<vmem>>, vector<1x16xf32>,
        %get3A_604 = vector.shape_cast %get3A_603 : vector<1x16xf32> to vector<16xf32>
        %get3A_605 = arith.index_cast %add3A_546 : i32 to index
        %get3A_606 = arith.constant 48 : index
        %get3A_607 = tpu.vector_load %arg13[%get3A_605, %get3A_606] {strides = array<i32>} : memref<128x128xf32, #tpu.memory_space<vmem>>, vector<1x16xf32>,
        %get3A_608 = vector.shape_cast %get3A_607 : vector<1x16xf32> to vector<16xf32>
        %add3A_609 = arith.addf %get3A_604, %get3A_608 : vector<16xf32>
        %mul3A_610 = arith.constant 0.00999999977 : f32
        %mul3A_611 = vector.broadcast %mul3A_610 : f32 to vector<16xf32>
        %mul3A_612 = arith.mulf %add3A_609, %mul3A_611 : vector<16xf32>
        %max3A_613 = arith.maximumf %add3A_609, %mul3A_612 : vector<16xf32>
        %swap3A_614 = arith.index_cast %add3A_546 : i32 to index
        %swap3A_615 = arith.constant 48 : index
        %swap3A_616 = tpu.vector_load %arg15[%swap3A_614, %swap3A_615] {strides = array<i32>} : memref<128x128xf32, #tpu.memory_space<vmem>>, vector<1x16xf32>,
        %swap3A_617 = vector.shape_cast %swap3A_616 : vector<1x16xf32> to vector<16xf32>
        %swap3A_618 = vector.shape_cast %max3A_613 : vector<16xf32> to vector<1x16xf32>
        tpu.vector_store %arg15[%swap3A_614, %swap3A_615], %swap3A_618 {strides = array<i32>} : memref<128x128xf32, #tpu.memory_space<vmem>>, vector<1x16xf32>,
        %get3A_619 = arith.index_cast %add3A_546 : i32 to index
        %get3A_620 = arith.constant 64 : index
        %get3A_621 = tpu.vector_load %arg11[%get3A_619, %get3A_620] {strides = array<i32>} : memref<128x128xf32, #tpu.memory_space<vmem>>, vector<1x16xf32>,
        %get3A_622 = vector.shape_cast %get3A_621 : vector<1x16xf32> to vector<16xf32>
        %get3A_623 = arith.index_cast %add3A_546 : i32 to index
        %get3A_624 = arith.constant 64 : index
        %get3A_625 = tpu.vector_load %arg13[%get3A_623, %get3A_624] {strides = array<i32>} : memref<128x128xf32, #tpu.memory_space<vmem>>, vector<1x16xf32>,
        %get3A_626 = vector.shape_cast %get3A_625 : vector<1x16xf32> to vector<16xf32>
        %add3A_627 = arith.addf %get3A_622, %get3A_626 : vector<16xf32>
        %mul3A_628 = arith.constant 0.00999999977 : f32
        %mul3A_629 = vector.broadcast %mul3A_628 : f32 to vector<16xf32>
        %mul3A_630 = arith.mulf %add3A_627, %mul3A_629 : vector<16xf32>
        %max3A_631 = arith.maximumf %add3A_627, %mul3A_630 : vector<16xf32>
        %swap3A_632 = arith.index_cast %add3A_546 : i32 to index
        %swap3A_633 = arith.constant 64 : index
        %swap3A_634 = tpu.vector_load %arg15[%swap3A_632, %swap3A_633] {strides = array<i32>} : memref<128x128xf32, #tpu.memory_space<vmem>>, vector<1x16xf32>,
        %swap3A_635 = vector.shape_cast %swap3A_634 : vector<1x16xf32> to vector<16xf32>
        %swap3A_636 = vector.shape_cast %max3A_631 : vector<16xf32> to vector<1x16xf32>
        tpu.vector_store %arg15[%swap3A_632, %swap3A_633], %swap3A_636 {strides = array<i32>} : memref<128x128xf32, #tpu.memory_space<vmem>>, vector<1x16xf32>,
        %get3A_637 = arith.index_cast %add3A_546 : i32 to index
        %get3A_638 = arith.constant 80 : index
        %get3A_639 = tpu.vector_load %arg11[%get3A_637, %get3A_638] {strides = array<i32>} : memref<128x128xf32, #tpu.memory_space<vmem>>, vector<1x16xf32>,
        %get3A_640 = vector.shape_cast %get3A_639 : vector<1x16xf32> to vector<16xf32>
        %get3A_641 = arith.index_cast %add3A_546 : i32 to index
        %get3A_642 = arith.constant 80 : index
        %get3A_643 = tpu.vector_load %arg13[%get3A_641, %get3A_642] {strides = array<i32>} : memref<128x128xf32, #tpu.memory_space<vmem>>, vector<1x16xf32>,
        %get3A_644 = vector.shape_cast %get3A_643 : vector<1x16xf32> to vector<16xf32>
        %add3A_645 = arith.addf %get3A_640, %get3A_644 : vector<16xf32>
        %mul3A_646 = arith.constant 0.00999999977 : f32
        %mul3A_647 = vector.broadcast %mul3A_646 : f32 to vector<16xf32>
        %mul3A_648 = arith.mulf %add3A_645, %mul3A_647 : vector<16xf32>
        %max3A_649 = arith.maximumf %add3A_645, %mul3A_648 : vector<16xf32>
        %swap3A_650 = arith.index_cast %add3A_546 : i32 to index
        %swap3A_651 = arith.constant 80 : index
        %swap3A_652 = tpu.vector_load %arg15[%swap3A_650, %swap3A_651] {strides = array<i32>} : memref<128x128xf32, #tpu.memory_space<vmem>>, vector<1x16xf32>,
        %swap3A_653 = vector.shape_cast %swap3A_652 : vector<1x16xf32> to vector<16xf32>
        %swap3A_654 = vector.shape_cast %max3A_649 : vector<16xf32> to vector<1x16xf32>
        tpu.vector_store %arg15[%swap3A_650, %swap3A_651], %swap3A_654 {strides = array<i32>} : memref<128x128xf32, #tpu.memory_space<vmem>>, vector<1x16xf32>,
        %get3A_655 = arith.index_cast %add3A_546 : i32 to index
        %get3A_656 = arith.constant 96 : index
        %get3A_657 = tpu.vector_load %arg11[%get3A_655, %get3A_656] {strides = array<i32>} : memref<128x128xf32, #tpu.memory_space<vmem>>, vector<1x16xf32>,
        %get3A_658 = vector.shape_cast %get3A_657 : vector<1x16xf32> to vector<16xf32>
        %get3A_659 = arith.index_cast %add3A_546 : i32 to index
        %get3A_660 = arith.constant 96 : index
        %get3A_661 = tpu.vector_load %arg13[%get3A_659, %get3A_660] {strides = array<i32>} : memref<128x128xf32, #tpu.memory_space<vmem>>, vector<1x16xf32>,
        %get3A_662 = vector.shape_cast %get3A_661 : vector<1x16xf32> to vector<16xf32>
        %add3A_663 = arith.addf %get3A_658, %get3A_662 : vector<16xf32>
        %mul3A_664 = arith.constant 0.00999999977 : f32
        %mul3A_665 = vector.broadcast %mul3A_664 : f32 to vector<16xf32>
        %mul3A_666 = arith.mulf %add3A_663, %mul3A_665 : vector<16xf32>
        %max3A_667 = arith.maximumf %add3A_663, %mul3A_666 : vector<16xf32>
        %swap3A_668 = arith.index_cast %add3A_546 : i32 to index
        %swap3A_669 = arith.constant 96 : index
        %swap3A_670 = tpu.vector_load %arg15[%swap3A_668, %swap3A_669] {strides = array<i32>} : memref<128x128xf32, #tpu.memory_space<vmem>>, vector<1x16xf32>,
        %swap3A_671 = vector.shape_cast %swap3A_670 : vector<1x16xf32> to vector<16xf32>
        %swap3A_672 = vector.shape_cast %max3A_667 : vector<16xf32> to vector<1x16xf32>
        tpu.vector_store %arg15[%swap3A_668, %swap3A_669], %swap3A_672 {strides = array<i32>} : memref<128x128xf32, #tpu.memory_space<vmem>>, vector<1x16xf32>,
        %get3A_673 = arith.index_cast %add3A_546 : i32 to index
        %get3A_674 = arith.constant 112 : index
        %get3A_675 = tpu.vector_load %arg11[%get3A_673, %get3A_674] {strides = array<i32>} : memref<128x128xf32, #tpu.memory_space<vmem>>, vector<1x16xf32>,
        %get3A_676 = vector.shape_cast %get3A_675 : vector<1x16xf32> to vector<16xf32>
        %get3A_677 = arith.index_cast %add3A_546 : i32 to index
        %get3A_678 = arith.constant 112 : index
        %get3A_679 = tpu.vector_load %arg13[%get3A_677, %get3A_678] {strides = array<i32>} : memref<128x128xf32, #tpu.memory_space<vmem>>, vector<1x16xf32>,
        %get3A_680 = vector.shape_cast %get3A_679 : vector<1x16xf32> to vector<16xf32>
        %add3A_681 = arith.addf %get3A_676, %get3A_680 : vector<16xf32>
        %mul3A_682 = arith.constant 0.00999999977 : f32
        %mul3A_683 = vector.broadcast %mul3A_682 : f32 to vector<16xf32>
        %mul3A_684 = arith.mulf %add3A_681, %mul3A_683 : vector<16xf32>
        %max3A_685 = arith.maximumf %add3A_681, %mul3A_684 : vector<16xf32>
        %swap3A_686 = arith.index_cast %add3A_546 : i32 to index
        %swap3A_687 = arith.constant 112 : index
        %swap3A_688 = tpu.vector_load %arg15[%swap3A_686, %swap3A_687] {strides = array<i32>} : memref<128x128xf32, #tpu.memory_space<vmem>>, vector<1x16xf32>,
        %swap3A_689 = vector.shape_cast %swap3A_688 : vector<1x16xf32> to vector<16xf32>
        %swap3A_690 = vector.shape_cast %max3A_685 : vector<16xf32> to vector<1x16xf32>
        tpu.vector_store %arg15[%swap3A_686, %swap3A_687], %swap3A_690 {strides = array<i32>} : memref<128x128xf32, #tpu.memory_space<vmem>>, vector<1x16xf32>,
        %add3A_691 = arith.constant 3 : i32
        %add3A_692 = arith.addi %add3A_255, %add3A_691 : i32
        %get3A_693 = arith.index_cast %add3A_692 : i32 to index
        %get3A_694 = arith.constant 0 : index
        %get3A_695 = tpu.vector_load %arg11[%get3A_693, %get3A_694] {strides = array<i32>} : memref<128x128xf32, #tpu.memory_space<vmem>>, vector<1x16xf32>,
        %get3A_696 = vector.shape_cast %get3A_695 : vector<1x16xf32> to vector<16xf32>
        %get3A_697 = arith.index_cast %add3A_692 : i32 to index
        %get3A_698 = arith.constant 0 : index
        %get3A_699 = tpu.vector_load %arg13[%get3A_697, %get3A_698] {strides = array<i32>} : memref<128x128xf32, #tpu.memory_space<vmem>>, vector<1x16xf32>,
        %get3A_700 = vector.shape_cast %get3A_699 : vector<1x16xf32> to vector<16xf32>
        %add3A_701 = arith.addf %get3A_696, %get3A_700 : vector<16xf32>
        %mul3A_702 = arith.constant 0.00999999977 : f32
        %mul3A_703 = vector.broadcast %mul3A_702 : f32 to vector<16xf32>
        %mul3A_704 = arith.mulf %add3A_701, %mul3A_703 : vector<16xf32>
        %max3A_705 = arith.maximumf %add3A_701, %mul3A_704 : vector<16xf32>
        %swap3A_706 = arith.index_cast %add3A_692 : i32 to index
        %swap3A_707 = arith.constant 0 : index
        %swap3A_708 = tpu.vector_load %arg15[%swap3A_706, %swap3A_707] {strides = array<i32>} : memref<128x128xf32, #tpu.memory_space<vmem>>, vector<1x16xf32>,
        %swap3A_709 = vector.shape_cast %swap3A_708 : vector<1x16xf32> to vector<16xf32>
        %swap3A_710 = vector.shape_cast %max3A_705 : vector<16xf32> to vector<1x16xf32>
        tpu.vector_store %arg15[%swap3A_706, %swap3A_707], %swap3A_710 {strides = array<i32>} : memref<128x128xf32, #tpu.memory_space<vmem>>, vector<1x16xf32>,
        %get3A_711 = arith.index_cast %add3A_692 : i32 to index
        %get3A_712 = arith.constant 16 : index
        %get3A_713 = tpu.vector_load %arg11[%get3A_711, %get3A_712] {strides = array<i32>} : memref<128x128xf32, #tpu.memory_space<vmem>>, vector<1x16xf32>,
        %get3A_714 = vector.shape_cast %get3A_713 : vector<1x16xf32> to vector<16xf32>
        %get3A_715 = arith.index_cast %add3A_692 : i32 to index
        %get3A_716 = arith.constant 16 : index
        %get3A_717 = tpu.vector_load %arg13[%get3A_715, %get3A_716] {strides = array<i32>} : memref<128x128xf32, #tpu.memory_space<vmem>>, vector<1x16xf32>,
        %get3A_718 = vector.shape_cast %get3A_717 : vector<1x16xf32> to vector<16xf32>
        %add3A_719 = arith.addf %get3A_714, %get3A_718 : vector<16xf32>
        %mul3A_720 = arith.constant 0.00999999977 : f32
        %mul3A_721 = vector.broadcast %mul3A_720 : f32 to vector<16xf32>
        %mul3A_722 = arith.mulf %add3A_719, %mul3A_721 : vector<16xf32>
        %max3A_723 = arith.maximumf %add3A_719, %mul3A_722 : vector<16xf32>
        %swap3A_724 = arith.index_cast %add3A_692 : i32 to index
        %swap3A_725 = arith.constant 16 : index
        %swap3A_726 = tpu.vector_load %arg15[%swap3A_724, %swap3A_725] {strides = array<i32>} : memref<128x128xf32, #tpu.memory_space<vmem>>, vector<1x16xf32>,
        %swap3A_727 = vector.shape_cast %swap3A_726 : vector<1x16xf32> to vector<16xf32>
        %swap3A_728 = vector.shape_cast %max3A_723 : vector<16xf32> to vector<1x16xf32>
        tpu.vector_store %arg15[%swap3A_724, %swap3A_725], %swap3A_728 {strides = array<i32>} : memref<128x128xf32, #tpu.memory_space<vmem>>, vector<1x16xf32>,
        %get3A_729 = arith.index_cast %add3A_692 : i32 to index
        %get3A_730 = arith.constant 32 : index
        %get3A_731 = tpu.vector_load %arg11[%get3A_729, %get3A_730] {strides = array<i32>} : memref<128x128xf32, #tpu.memory_space<vmem>>, vector<1x16xf32>,
        %get3A_732 = vector.shape_cast %get3A_731 : vector<1x16xf32> to vector<16xf32>
        %get3A_733 = arith.index_cast %add3A_692 : i32 to index
        %get3A_734 = arith.constant 32 : index
        %get3A_735 = tpu.vector_load %arg13[%get3A_733, %get3A_734] {strides = array<i32>} : memref<128x128xf32, #tpu.memory_space<vmem>>, vector<1x16xf32>,
        %get3A_736 = vector.shape_cast %get3A_735 : vector<1x16xf32> to vector<16xf32>
        %add3A_737 = arith.addf %get3A_732, %get3A_736 : vector<16xf32>
        %mul3A_738 = arith.constant 0.00999999977 : f32
        %mul3A_739 = vector.broadcast %mul3A_738 : f32 to vector<16xf32>
        %mul3A_740 = arith.mulf %add3A_737, %mul3A_739 : vector<16xf32>
        %max3A_741 = arith.maximumf %add3A_737, %mul3A_740 : vector<16xf32>
        %swap3A_742 = arith.index_cast %add3A_692 : i32 to index
        %swap3A_743 = arith.constant 32 : index
        %swap3A_744 = tpu.vector_load %arg15[%swap3A_742, %swap3A_743] {strides = array<i32>} : memref<128x128xf32, #tpu.memory_space<vmem>>, vector<1x16xf32>,
        %swap3A_745 = vector.shape_cast %swap3A_744 : vector<1x16xf32> to vector<16xf32>
        %swap3A_746 = vector.shape_cast %max3A_741 : vector<16xf32> to vector<1x16xf32>
        tpu.vector_store %arg15[%swap3A_742, %swap3A_743], %swap3A_746 {strides = array<i32>} : memref<128x128xf32, #tpu.memory_space<vmem>>, vector<1x16xf32>,
        %get3A_747 = arith.index_cast %add3A_692 : i32 to index
        %get3A_748 = arith.constant 48 : index
        %get3A_749 = tpu.vector_load %arg11[%get3A_747, %get3A_748] {strides = array<i32>} : memref<128x128xf32, #tpu.memory_space<vmem>>, vector<1x16xf32>,
        %get3A_750 = vector.shape_cast %get3A_749 : vector<1x16xf32> to vector<16xf32>
        %get3A_751 = arith.index_cast %add3A_692 : i32 to index
        %get3A_752 = arith.constant 48 : index
        %get3A_753 = tpu.vector_load %arg13[%get3A_751, %get3A_752] {strides = array<i32>} : memref<128x128xf32, #tpu.memory_space<vmem>>, vector<1x16xf32>,
        %get3A_754 = vector.shape_cast %get3A_753 : vector<1x16xf32> to vector<16xf32>
        %add3A_755 = arith.addf %get3A_750, %get3A_754 : vector<16xf32>
        %mul3A_756 = arith.constant 0.00999999977 : f32
        %mul3A_757 = vector.broadcast %mul3A_756 : f32 to vector<16xf32>
        %mul3A_758 = arith.mulf %add3A_755, %mul3A_757 : vector<16xf32>
        %max3A_759 = arith.maximumf %add3A_755, %mul3A_758 : vector<16xf32>
        %swap3A_760 = arith.index_cast %add3A_692 : i32 to index
        %swap3A_761 = arith.constant 48 : index
        %swap3A_762 = tpu.vector_load %arg15[%swap3A_760, %swap3A_761] {strides = array<i32>} : memref<128x128xf32, #tpu.memory_space<vmem>>, vector<1x16xf32>,
        %swap3A_763 = vector.shape_cast %swap3A_762 : vector<1x16xf32> to vector<16xf32>
        %swap3A_764 = vector.shape_cast %max3A_759 : vector<16xf32> to vector<1x16xf32>
        tpu.vector_store %arg15[%swap3A_760, %swap3A_761], %swap3A_764 {strides = array<i32>} : memref<128x128xf32, #tpu.memory_space<vmem>>, vector<1x16xf32>,
        %get3A_765 = arith.index_cast %add3A_692 : i32 to index
        %get3A_766 = arith.constant 64 : index
        %get3A_767 = tpu.vector_load %arg11[%get3A_765, %get3A_766] {strides = array<i32>} : memref<128x128xf32, #tpu.memory_space<vmem>>, vector<1x16xf32>,
        %get3A_768 = vector.shape_cast %get3A_767 : vector<1x16xf32> to vector<16xf32>
        %get3A_769 = arith.index_cast %add3A_692 : i32 to index
        %get3A_770 = arith.constant 64 : index
        %get3A_771 = tpu.vector_load %arg13[%get3A_769, %get3A_770] {strides = array<i32>} : memref<128x128xf32, #tpu.memory_space<vmem>>, vector<1x16xf32>,
        %get3A_772 = vector.shape_cast %get3A_771 : vector<1x16xf32> to vector<16xf32>
        %add3A_773 = arith.addf %get3A_768, %get3A_772 : vector<16xf32>
        %mul3A_774 = arith.constant 0.00999999977 : f32
        %mul3A_775 = vector.broadcast %mul3A_774 : f32 to vector<16xf32>
        %mul3A_776 = arith.mulf %add3A_773, %mul3A_775 : vector<16xf32>
        %max3A_777 = arith.maximumf %add3A_773, %mul3A_776 : vector<16xf32>
        %swap3A_778 = arith.index_cast %add3A_692 : i32 to index
        %swap3A_779 = arith.constant 64 : index
        %swap3A_780 = tpu.vector_load %arg15[%swap3A_778, %swap3A_779] {strides = array<i32>} : memref<128x128xf32, #tpu.memory_space<vmem>>, vector<1x16xf32>,
        %swap3A_781 = vector.shape_cast %swap3A_780 : vector<1x16xf32> to vector<16xf32>
        %swap3A_782 = vector.shape_cast %max3A_777 : vector<16xf32> to vector<1x16xf32>
        tpu.vector_store %arg15[%swap3A_778, %swap3A_779], %swap3A_782 {strides = array<i32>} : memref<128x128xf32, #tpu.memory_space<vmem>>, vector<1x16xf32>,
        %get3A_783 = arith.index_cast %add3A_692 : i32 to index
        %get3A_784 = arith.constant 80 : index
        %get3A_785 = tpu.vector_load %arg11[%get3A_783, %get3A_784] {strides = array<i32>} : memref<128x128xf32, #tpu.memory_space<vmem>>, vector<1x16xf32>,
        %get3A_786 = vector.shape_cast %get3A_785 : vector<1x16xf32> to vector<16xf32>
        %get3A_787 = arith.index_cast %add3A_692 : i32 to index
        %get3A_788 = arith.constant 80 : index
        %get3A_789 = tpu.vector_load %arg13[%get3A_787, %get3A_788] {strides = array<i32>} : memref<128x128xf32, #tpu.memory_space<vmem>>, vector<1x16xf32>,
        %get3A_790 = vector.shape_cast %get3A_789 : vector<1x16xf32> to vector<16xf32>
        %add3A_791 = arith.addf %get3A_786, %get3A_790 : vector<16xf32>
        %mul3A_792 = arith.constant 0.00999999977 : f32
        %mul3A_793 = vector.broadcast %mul3A_792 : f32 to vector<16xf32>
        %mul3A_794 = arith.mulf %add3A_791, %mul3A_793 : vector<16xf32>
        %max3A_795 = arith.maximumf %add3A_791, %mul3A_794 : vector<16xf32>
        %swap3A_796 = arith.index_cast %add3A_692 : i32 to index
        %swap3A_797 = arith.constant 80 : index
        %swap3A_798 = tpu.vector_load %arg15[%swap3A_796, %swap3A_797] {strides = array<i32>} : memref<128x128xf32, #tpu.memory_space<vmem>>, vector<1x16xf32>,
        %swap3A_799 = vector.shape_cast %swap3A_798 : vector<1x16xf32> to vector<16xf32>
        %swap3A_800 = vector.shape_cast %max3A_795 : vector<16xf32> to vector<1x16xf32>
        tpu.vector_store %arg15[%swap3A_796, %swap3A_797], %swap3A_800 {strides = array<i32>} : memref<128x128xf32, #tpu.memory_space<vmem>>, vector<1x16xf32>,
        %get3A_801 = arith.index_cast %add3A_692 : i32 to index
        %get3A_802 = arith.constant 96 : index
        %get3A_803 = tpu.vector_load %arg11[%get3A_801, %get3A_802] {strides = array<i32>} : memref<128x128xf32, #tpu.memory_space<vmem>>, vector<1x16xf32>,
        %get3A_804 = vector.shape_cast %get3A_803 : vector<1x16xf32> to vector<16xf32>
        %get3A_805 = arith.index_cast %add3A_692 : i32 to index
        %get3A_806 = arith.constant 96 : index
        %get3A_807 = tpu.vector_load %arg13[%get3A_805, %get3A_806] {strides = array<i32>} : memref<128x128xf32, #tpu.memory_space<vmem>>, vector<1x16xf32>,
        %get3A_808 = vector.shape_cast %get3A_807 : vector<1x16xf32> to vector<16xf32>
        %add3A_809 = arith.addf %get3A_804, %get3A_808 : vector<16xf32>
        %mul3A_810 = arith.constant 0.00999999977 : f32
        %mul3A_811 = vector.broadcast %mul3A_810 : f32 to vector<16xf32>
        %mul3A_812 = arith.mulf %add3A_809, %mul3A_811 : vector<16xf32>
        %max3A_813 = arith.maximumf %add3A_809, %mul3A_812 : vector<16xf32>
        %swap3A_814 = arith.index_cast %add3A_692 : i32 to index
        %swap3A_815 = arith.constant 96 : index
        %swap3A_816 = tpu.vector_load %arg15[%swap3A_814, %swap3A_815] {strides = array<i32>} : memref<128x128xf32, #tpu.memory_space<vmem>>, vector<1x16xf32>,
        %swap3A_817 = vector.shape_cast %swap3A_816 : vector<1x16xf32> to vector<16xf32>
        %swap3A_818 = vector.shape_cast %max3A_813 : vector<16xf32> to vector<1x16xf32>
        tpu.vector_store %arg15[%swap3A_814, %swap3A_815], %swap3A_818 {strides = array<i32>} : memref<128x128xf32, #tpu.memory_space<vmem>>, vector<1x16xf32>,
        %get3A_819 = arith.index_cast %add3A_692 : i32 to index
        %get3A_820 = arith.constant 112 : index
        %get3A_821 = tpu.vector_load %arg11[%get3A_819, %get3A_820] {strides = array<i32>} : memref<128x128xf32, #tpu.memory_space<vmem>>, vector<1x16xf32>,
        %get3A_822 = vector.shape_cast %get3A_821 : vector<1x16xf32> to vector<16xf32>
        %get3A_823 = arith.index_cast %add3A_692 : i32 to index
        %get3A_824 = arith.constant 112 : index
        %get3A_825 = tpu.vector_load %arg13[%get3A_823, %get3A_824] {strides = array<i32>} : memref<128x128xf32, #tpu.memory_space<vmem>>, vector<1x16xf32>,
        %get3A_826 = vector.shape_cast %get3A_825 : vector<1x16xf32> to vector<16xf32>
        %add3A_827 = arith.addf %get3A_822, %get3A_826 : vector<16xf32>
        %mul3A_828 = arith.constant 0.00999999977 : f32
        %mul3A_829 = vector.broadcast %mul3A_828 : f32 to vector<16xf32>
        %mul3A_830 = arith.mulf %add3A_827, %mul3A_829 : vector<16xf32>
        %max3A_831 = arith.maximumf %add3A_827, %mul3A_830 : vector<16xf32>
        %swap3A_832 = arith.index_cast %add3A_692 : i32 to index
        %swap3A_833 = arith.constant 112 : index
        %swap3A_834 = tpu.vector_load %arg15[%swap3A_832, %swap3A_833] {strides = array<i32>} : memref<128x128xf32, #tpu.memory_space<vmem>>, vector<1x16xf32>,
        %swap3A_835 = vector.shape_cast %swap3A_834 : vector<1x16xf32> to vector<16xf32>
        %swap3A_836 = vector.shape_cast %max3A_831 : vector<16xf32> to vector<1x16xf32>
        tpu.vector_store %arg15[%swap3A_832, %swap3A_833], %swap3A_836 {strides = array<i32>} : memref<128x128xf32, #tpu.memory_space<vmem>>, vector<1x16xf32>,
      }
      %scan3A_186 = arith.constant 32 : i32
      %mul3A_187 = arith.constant 128 : i32
      %mul3A_188 = arith.muli %add3A, %mul3A_187 : i32
      %add3A_189 = arith.addi %mul3A_188, %add3A_143 : i32
      %mul3A_190 = arith.constant 128 : i32
      %mul3A_191 = arith.muli %add3A_189, %mul3A_190 : i32
      %dma_start3A_192 = arith.constant 0 : i32
      %dma_start3A_193 = tpu.memref_slice %arg6[%mul3A_191, %dma_start3A_192] : memref<524288x128xf32, #tpu.memory_space<hbm>> -> memref<128x128xf32, #tpu.memory_space<hbm>>
      %dma_start3A_194 = arith.constant 0 : i32
      %dma_start3A_195 = tpu.memref_slice %arg6[%mul3A_191, %dma_start3A_194] : memref<524288x128xf32, #tpu.memory_space<hbm>> -> memref<128x128xf32, #tpu.memory_space<hbm>>
      tpu.enqueue_dma source(%arg15 : memref<128x128xf32, #tpu.memory_space<vmem>>) target(%dma_start3A_195 : memref<128x128xf32, #tpu.memory_space<hbm>>) target_semaphore(%arg23 : memref<!tpu.dma_semaphore, #tpu.memory_space<semaphore_mem>>)
      %dma_wait3A_196 = arith.constant 0 : i32
      %dma_wait3A_197 = arith.constant 0 : i32
      %dma_wait3A_198 = tpu.memref_slice %arg17[%dma_wait3A_196, %dma_wait3A_197] : memref<1032x128xf32, #tpu.memory_space<vmem_shared>> -> memref<1032x128xf32, #tpu.memory_space<vmem_shared>>
      tpu.wait_indirect_dma semaphore(%arg22 : memref<!tpu.dma_semaphore, #tpu.memory_space<semaphore_mem>>) src(%dma_wait3A_198 : memref<1032x128xf32, #tpu.memory_space<vmem_shared>>) dst(%arg12 : memref<128x128xf32, #tpu.memory_space<vmem>>)
      %dma_wait3A_199 = arith.constant 0 : i32
      %dma_wait3A_200 = arith.constant 0 : i32
      %dma_wait3A_201 = tpu.memref_slice %arg18[%dma_wait3A_199, %dma_wait3A_200] : memref<1032x128xf32, #tpu.memory_space<vmem_shared>> -> memref<1032x128xf32, #tpu.memory_space<vmem_shared>>
      tpu.wait_indirect_dma semaphore(%arg22 : memref<!tpu.dma_semaphore, #tpu.memory_space<semaphore_mem>>) src(%dma_wait3A_201 : memref<1032x128xf32, #tpu.memory_space<vmem_shared>>) dst(%arg14 : memref<128x128xf32, #tpu.memory_space<vmem>>)
      %add3A_202 = arith.constant 2 : i32
      %add3A_203 = arith.addi %add3A_143, %add3A_202 : i32
      %mul3A_204 = arith.constant 128 : i32
      %mul3A_205 = arith.muli %add3A, %mul3A_204 : i32
      %add3A_206 = arith.addi %mul3A_205, %add3A_203 : i32
      %mul3A_207 = arith.constant 128 : i32
      %mul3A_208 = arith.muli %add3A_206, %mul3A_207 : i32
      %dma_wait3A_209 = tpu.memref_slice %arg4[%mul3A_208] : memref<524288xi32, #tpu.memory_space<hbm>> -> memref<128xi32, #tpu.memory_space<hbm>>
      %dma_wait3A_210 = tpu.memref_slice %arg4[%mul3A_208] : memref<524288xi32, #tpu.memory_space<hbm>> -> memref<128xi32, #tpu.memory_space<hbm>>
      tpu.wait_dma2 semaphore(%arg19 : memref<!tpu.dma_semaphore, #tpu.memory_space<semaphore_mem>>) src(%dma_wait3A_210 : memref<128xi32, #tpu.memory_space<hbm>>) dst(%arg7 : memref<128xi32, #tpu.memory_space<vmem>>)
      %dma_wait3A_211 = tpu.memref_slice %arg5[%mul3A_208] : memref<524288xi32, #tpu.memory_space<hbm>> -> memref<128xi32, #tpu.memory_space<hbm>>
      %dma_wait3A_212 = tpu.memref_slice %arg5[%mul3A_208] : memref<524288xi32, #tpu.memory_space<hbm>> -> memref<128xi32, #tpu.memory_space<hbm>>
      tpu.wait_dma2 semaphore(%arg19 : memref<!tpu.dma_semaphore, #tpu.memory_space<semaphore_mem>>) src(%dma_wait3A_212 : memref<128xi32, #tpu.memory_space<hbm>>) dst(%arg9 : memref<128xi32, #tpu.memory_space<vmem>>)
      %dma_start3A_213 = arith.constant 0 : i32
      %dma_start3A_214 = arith.constant 0 : i32
      %dma_start3A_215 = tpu.memref_slice %arg17[%dma_start3A_213, %dma_start3A_214] : memref<1032x128xf32, #tpu.memory_space<vmem_shared>> -> memref<1032x128xf32, #tpu.memory_space<vmem_shared>>
      tpu.enqueue_indirect_dma source(%dma_start3A_215 : memref<1032x128xf32, #tpu.memory_space<vmem_shared>>) target(%arg11 : memref<128x128xf32, #tpu.memory_space<vmem>>) offsets(%arg7 : memref<128xi32, #tpu.memory_space<vmem>>) semaphore(%arg21 : memref<!tpu.dma_semaphore, #tpu.memory_space<semaphore_mem>>)
      %dma_start3A_216 = arith.constant 0 : i32
      %dma_start3A_217 = arith.constant 0 : i32
      %dma_start3A_218 = tpu.memref_slice %arg18[%dma_start3A_216, %dma_start3A_217] : memref<1032x128xf32, #tpu.memory_space<vmem_shared>> -> memref<1032x128xf32, #tpu.memory_space<vmem_shared>>
      tpu.enqueue_indirect_dma source(%dma_start3A_218 : memref<1032x128xf32, #tpu.memory_space<vmem_shared>>) target(%arg13 : memref<128x128xf32, #tpu.memory_space<vmem>>) offsets(%arg9 : memref<128xi32, #tpu.memory_space<vmem>>) semaphore(%arg21 : memref<!tpu.dma_semaphore, #tpu.memory_space<semaphore_mem>>)
      %add3A_219 = arith.constant 3 : i32
      %add3A_220 = arith.addi %add3A_143, %add3A_219 : i32
      %mul3A_221 = arith.constant 128 : i32
      %mul3A_222 = arith.muli %add3A, %mul3A_221 : i32
      %add3A_223 = arith.addi %mul3A_222, %add3A_220 : i32
      %mul3A_224 = arith.constant 128 : i32
      %mul3A_225 = arith.muli %add3A_223, %mul3A_224 : i32
      %dma_start3A_226 = tpu.memref_slice %arg4[%mul3A_225] : memref<524288xi32, #tpu.memory_space<hbm>> -> memref<128xi32, #tpu.memory_space<hbm>>
      %dma_start3A_227 = tpu.memref_slice %arg4[%mul3A_225] : memref<524288xi32, #tpu.memory_space<hbm>> -> memref<128xi32, #tpu.memory_space<hbm>>
      tpu.enqueue_dma source(%dma_start3A_227 : memref<128xi32, #tpu.memory_space<hbm>>) target(%arg8 : memref<128xi32, #tpu.memory_space<vmem>>) target_semaphore(%arg20 : memref<!tpu.dma_semaphore, #tpu.memory_space<semaphore_mem>>)
      %dma_start3A_228 = tpu.memref_slice %arg5[%mul3A_225] : memref<524288xi32, #tpu.memory_space<hbm>> -> memref<128xi32, #tpu.memory_space<hbm>>
      %dma_start3A_229 = tpu.memref_slice %arg5[%mul3A_225] : memref<524288xi32, #tpu.memory_space<hbm>> -> memref<128xi32, #tpu.memory_space<hbm>>
      tpu.enqueue_dma source(%dma_start3A_229 : memref<128xi32, #tpu.memory_space<hbm>>) target(%arg10 : memref<128xi32, #tpu.memory_space<vmem>>) target_semaphore(%arg20 : memref<!tpu.dma_semaphore, #tpu.memory_space<semaphore_mem>>)
      %ge3A_230 = arith.constant 2 : i32
      %ge3A_231 = arith.cmpi sge, %add3A_143, %ge3A_230 : i32
      %convert_element_type3A_232 = arith.extui %ge3A_231 : i1 to i32
      %cond3A_233 = arith.constant 0 : i32
      %cond3A_234 = arith.cmpi ne, %convert_element_type3A_232, %cond3A_233 : i32
      scf.if %cond3A_234 {
        %sub3A = arith.constant 1 : i32
        %sub3A_251 = arith.subi %add3A_143, %sub3A : i32
        %mul3A_252 = arith.constant 128 : i32
        %mul3A_253 = arith.muli %add3A, %mul3A_252 : i32
        %add3A_254 = arith.addi %mul3A_253, %sub3A_251 : i32
        %mul3A_255 = arith.constant 128 : i32
        %mul3A_256 = arith.muli %add3A_254, %mul3A_255 : i32
        %dma_wait3A_257 = arith.constant 0 : i32
        %dma_wait3A_258 = tpu.memref_slice %arg6[%mul3A_256, %dma_wait3A_257] : memref<524288x128xf32, #tpu.memory_space<hbm>> -> memref<128x128xf32, #tpu.memory_space<hbm>>
        %dma_wait3A_259 = arith.constant 0 : i32
        %dma_wait3A_260 = tpu.memref_slice %arg6[%mul3A_256, %dma_wait3A_259] : memref<524288x128xf32, #tpu.memory_space<hbm>> -> memref<128x128xf32, #tpu.memory_space<hbm>>
        tpu.wait_dma2 semaphore(%arg24 : memref<!tpu.dma_semaphore, #tpu.memory_space<semaphore_mem>>) src(%arg16 : memref<128x128xf32, #tpu.memory_space<vmem>>) dst(%dma_wait3A_260 : memref<128x128xf32, #tpu.memory_space<hbm>>)
      } else {
      }
      %scan3A_235 = arith.constant 0 : i32
      %scan3A_236 = arith.constant 32 : i32
      %scan3A_237 = arith.addi %scan3A_235, %scan3A_236 : i32
      %scan3A_238 = arith.constant 1 : i32
      scf.for %scan3A_251 = %scan3A_235 to %scan3A_237 step %scan3A_238  : i32 {
        %mul3A_252 = arith.constant 4 : i32
        %mul3A_253 = arith.muli %scan3A_251, %mul3A_252 : i32
        %add3A_254 = arith.constant 0 : i32
        %add3A_255 = arith.addi %add3A_254, %mul3A_253 : i32
        %add3A_256 = arith.constant 0 : i32
        %add3A_257 = arith.addi %add3A_255, %add3A_256 : i32
        %get3A = arith.index_cast %add3A_257 : i32 to index
        %get3A_258 = arith.constant 0 : index
        %get3A_259 = tpu.vector_load %arg12[%get3A, %get3A_258] {strides = array<i32>} : memref<128x128xf32, #tpu.memory_space<vmem>>, vector<1x16xf32>,
        %get3A_260 = vector.shape_cast %get3A_259 : vector<1x16xf32> to vector<16xf32>
        %get3A_261 = arith.index_cast %add3A_257 : i32 to index
        %get3A_262 = arith.constant 0 : index
        %get3A_263 = tpu.vector_load %arg14[%get3A_261, %get3A_262] {strides = array<i32>} : memref<128x128xf32, #tpu.memory_space<vmem>>, vector<1x16xf32>,
        %get3A_264 = vector.shape_cast %get3A_263 : vector<1x16xf32> to vector<16xf32>
        %add3A_265 = arith.addf %get3A_260, %get3A_264 : vector<16xf32>
        %mul3A_266 = arith.constant 0.00999999977 : f32
        %mul3A_267 = vector.broadcast %mul3A_266 : f32 to vector<16xf32>
        %mul3A_268 = arith.mulf %add3A_265, %mul3A_267 : vector<16xf32>
        %max3A = arith.maximumf %add3A_265, %mul3A_268 : vector<16xf32>
        %swap3A = arith.index_cast %add3A_257 : i32 to index
        %swap3A_269 = arith.constant 0 : index
        %swap3A_270 = tpu.vector_load %arg16[%swap3A, %swap3A_269] {strides = array<i32>} : memref<128x128xf32, #tpu.memory_space<vmem>>, vector<1x16xf32>,
        %swap3A_271 = vector.shape_cast %swap3A_270 : vector<1x16xf32> to vector<16xf32>
        %swap3A_272 = vector.shape_cast %max3A : vector<16xf32> to vector<1x16xf32>
        tpu.vector_store %arg16[%swap3A, %swap3A_269], %swap3A_272 {strides = array<i32>} : memref<128x128xf32, #tpu.memory_space<vmem>>, vector<1x16xf32>,
        %get3A_273 = arith.index_cast %add3A_257 : i32 to index
        %get3A_274 = arith.constant 16 : index
        %get3A_275 = tpu.vector_load %arg12[%get3A_273, %get3A_274] {strides = array<i32>} : memref<128x128xf32, #tpu.memory_space<vmem>>, vector<1x16xf32>,
        %get3A_276 = vector.shape_cast %get3A_275 : vector<1x16xf32> to vector<16xf32>
        %get3A_277 = arith.index_cast %add3A_257 : i32 to index
        %get3A_278 = arith.constant 16 : index
        %get3A_279 = tpu.vector_load %arg14[%get3A_277, %get3A_278] {strides = array<i32>} : memref<128x128xf32, #tpu.memory_space<vmem>>, vector<1x16xf32>,
        %get3A_280 = vector.shape_cast %get3A_279 : vector<1x16xf32> to vector<16xf32>
        %add3A_281 = arith.addf %get3A_276, %get3A_280 : vector<16xf32>
        %mul3A_282 = arith.constant 0.00999999977 : f32
        %mul3A_283 = vector.broadcast %mul3A_282 : f32 to vector<16xf32>
        %mul3A_284 = arith.mulf %add3A_281, %mul3A_283 : vector<16xf32>
        %max3A_285 = arith.maximumf %add3A_281, %mul3A_284 : vector<16xf32>
        %swap3A_286 = arith.index_cast %add3A_257 : i32 to index
        %swap3A_287 = arith.constant 16 : index
        %swap3A_288 = tpu.vector_load %arg16[%swap3A_286, %swap3A_287] {strides = array<i32>} : memref<128x128xf32, #tpu.memory_space<vmem>>, vector<1x16xf32>,
        %swap3A_289 = vector.shape_cast %swap3A_288 : vector<1x16xf32> to vector<16xf32>
        %swap3A_290 = vector.shape_cast %max3A_285 : vector<16xf32> to vector<1x16xf32>
        tpu.vector_store %arg16[%swap3A_286, %swap3A_287], %swap3A_290 {strides = array<i32>} : memref<128x128xf32, #tpu.memory_space<vmem>>, vector<1x16xf32>,
        %get3A_291 = arith.index_cast %add3A_257 : i32 to index
        %get3A_292 = arith.constant 32 : index
        %get3A_293 = tpu.vector_load %arg12[%get3A_291, %get3A_292] {strides = array<i32>} : memref<128x128xf32, #tpu.memory_space<vmem>>, vector<1x16xf32>,
        %get3A_294 = vector.shape_cast %get3A_293 : vector<1x16xf32> to vector<16xf32>
        %get3A_295 = arith.index_cast %add3A_257 : i32 to index
        %get3A_296 = arith.constant 32 : index
        %get3A_297 = tpu.vector_load %arg14[%get3A_295, %get3A_296] {strides = array<i32>} : memref<128x128xf32, #tpu.memory_space<vmem>>, vector<1x16xf32>,
        %get3A_298 = vector.shape_cast %get3A_297 : vector<1x16xf32> to vector<16xf32>
        %add3A_299 = arith.addf %get3A_294, %get3A_298 : vector<16xf32>
        %mul3A_300 = arith.constant 0.00999999977 : f32
        %mul3A_301 = vector.broadcast %mul3A_300 : f32 to vector<16xf32>
        %mul3A_302 = arith.mulf %add3A_299, %mul3A_301 : vector<16xf32>
        %max3A_303 = arith.maximumf %add3A_299, %mul3A_302 : vector<16xf32>
        %swap3A_304 = arith.index_cast %add3A_257 : i32 to index
        %swap3A_305 = arith.constant 32 : index
        %swap3A_306 = tpu.vector_load %arg16[%swap3A_304, %swap3A_305] {strides = array<i32>} : memref<128x128xf32, #tpu.memory_space<vmem>>, vector<1x16xf32>,
        %swap3A_307 = vector.shape_cast %swap3A_306 : vector<1x16xf32> to vector<16xf32>
        %swap3A_308 = vector.shape_cast %max3A_303 : vector<16xf32> to vector<1x16xf32>
        tpu.vector_store %arg16[%swap3A_304, %swap3A_305], %swap3A_308 {strides = array<i32>} : memref<128x128xf32, #tpu.memory_space<vmem>>, vector<1x16xf32>,
        %get3A_309 = arith.index_cast %add3A_257 : i32 to index
        %get3A_310 = arith.constant 48 : index
        %get3A_311 = tpu.vector_load %arg12[%get3A_309, %get3A_310] {strides = array<i32>} : memref<128x128xf32, #tpu.memory_space<vmem>>, vector<1x16xf32>,
        %get3A_312 = vector.shape_cast %get3A_311 : vector<1x16xf32> to vector<16xf32>
        %get3A_313 = arith.index_cast %add3A_257 : i32 to index
        %get3A_314 = arith.constant 48 : index
        %get3A_315 = tpu.vector_load %arg14[%get3A_313, %get3A_314] {strides = array<i32>} : memref<128x128xf32, #tpu.memory_space<vmem>>, vector<1x16xf32>,
        %get3A_316 = vector.shape_cast %get3A_315 : vector<1x16xf32> to vector<16xf32>
        %add3A_317 = arith.addf %get3A_312, %get3A_316 : vector<16xf32>
        %mul3A_318 = arith.constant 0.00999999977 : f32
        %mul3A_319 = vector.broadcast %mul3A_318 : f32 to vector<16xf32>
        %mul3A_320 = arith.mulf %add3A_317, %mul3A_319 : vector<16xf32>
        %max3A_321 = arith.maximumf %add3A_317, %mul3A_320 : vector<16xf32>
        %swap3A_322 = arith.index_cast %add3A_257 : i32 to index
        %swap3A_323 = arith.constant 48 : index
        %swap3A_324 = tpu.vector_load %arg16[%swap3A_322, %swap3A_323] {strides = array<i32>} : memref<128x128xf32, #tpu.memory_space<vmem>>, vector<1x16xf32>,
        %swap3A_325 = vector.shape_cast %swap3A_324 : vector<1x16xf32> to vector<16xf32>
        %swap3A_326 = vector.shape_cast %max3A_321 : vector<16xf32> to vector<1x16xf32>
        tpu.vector_store %arg16[%swap3A_322, %swap3A_323], %swap3A_326 {strides = array<i32>} : memref<128x128xf32, #tpu.memory_space<vmem>>, vector<1x16xf32>,
        %get3A_327 = arith.index_cast %add3A_257 : i32 to index
        %get3A_328 = arith.constant 64 : index
        %get3A_329 = tpu.vector_load %arg12[%get3A_327, %get3A_328] {strides = array<i32>} : memref<128x128xf32, #tpu.memory_space<vmem>>, vector<1x16xf32>,
        %get3A_330 = vector.shape_cast %get3A_329 : vector<1x16xf32> to vector<16xf32>
        %get3A_331 = arith.index_cast %add3A_257 : i32 to index
        %get3A_332 = arith.constant 64 : index
        %get3A_333 = tpu.vector_load %arg14[%get3A_331, %get3A_332] {strides = array<i32>} : memref<128x128xf32, #tpu.memory_space<vmem>>, vector<1x16xf32>,
        %get3A_334 = vector.shape_cast %get3A_333 : vector<1x16xf32> to vector<16xf32>
        %add3A_335 = arith.addf %get3A_330, %get3A_334 : vector<16xf32>
        %mul3A_336 = arith.constant 0.00999999977 : f32
        %mul3A_337 = vector.broadcast %mul3A_336 : f32 to vector<16xf32>
        %mul3A_338 = arith.mulf %add3A_335, %mul3A_337 : vector<16xf32>
        %max3A_339 = arith.maximumf %add3A_335, %mul3A_338 : vector<16xf32>
        %swap3A_340 = arith.index_cast %add3A_257 : i32 to index
        %swap3A_341 = arith.constant 64 : index
        %swap3A_342 = tpu.vector_load %arg16[%swap3A_340, %swap3A_341] {strides = array<i32>} : memref<128x128xf32, #tpu.memory_space<vmem>>, vector<1x16xf32>,
        %swap3A_343 = vector.shape_cast %swap3A_342 : vector<1x16xf32> to vector<16xf32>
        %swap3A_344 = vector.shape_cast %max3A_339 : vector<16xf32> to vector<1x16xf32>
        tpu.vector_store %arg16[%swap3A_340, %swap3A_341], %swap3A_344 {strides = array<i32>} : memref<128x128xf32, #tpu.memory_space<vmem>>, vector<1x16xf32>,
        %get3A_345 = arith.index_cast %add3A_257 : i32 to index
        %get3A_346 = arith.constant 80 : index
        %get3A_347 = tpu.vector_load %arg12[%get3A_345, %get3A_346] {strides = array<i32>} : memref<128x128xf32, #tpu.memory_space<vmem>>, vector<1x16xf32>,
        %get3A_348 = vector.shape_cast %get3A_347 : vector<1x16xf32> to vector<16xf32>
        %get3A_349 = arith.index_cast %add3A_257 : i32 to index
        %get3A_350 = arith.constant 80 : index
        %get3A_351 = tpu.vector_load %arg14[%get3A_349, %get3A_350] {strides = array<i32>} : memref<128x128xf32, #tpu.memory_space<vmem>>, vector<1x16xf32>,
        %get3A_352 = vector.shape_cast %get3A_351 : vector<1x16xf32> to vector<16xf32>
        %add3A_353 = arith.addf %get3A_348, %get3A_352 : vector<16xf32>
        %mul3A_354 = arith.constant 0.00999999977 : f32
        %mul3A_355 = vector.broadcast %mul3A_354 : f32 to vector<16xf32>
        %mul3A_356 = arith.mulf %add3A_353, %mul3A_355 : vector<16xf32>
        %max3A_357 = arith.maximumf %add3A_353, %mul3A_356 : vector<16xf32>
        %swap3A_358 = arith.index_cast %add3A_257 : i32 to index
        %swap3A_359 = arith.constant 80 : index
        %swap3A_360 = tpu.vector_load %arg16[%swap3A_358, %swap3A_359] {strides = array<i32>} : memref<128x128xf32, #tpu.memory_space<vmem>>, vector<1x16xf32>,
        %swap3A_361 = vector.shape_cast %swap3A_360 : vector<1x16xf32> to vector<16xf32>
        %swap3A_362 = vector.shape_cast %max3A_357 : vector<16xf32> to vector<1x16xf32>
        tpu.vector_store %arg16[%swap3A_358, %swap3A_359], %swap3A_362 {strides = array<i32>} : memref<128x128xf32, #tpu.memory_space<vmem>>, vector<1x16xf32>,
        %get3A_363 = arith.index_cast %add3A_257 : i32 to index
        %get3A_364 = arith.constant 96 : index
        %get3A_365 = tpu.vector_load %arg12[%get3A_363, %get3A_364] {strides = array<i32>} : memref<128x128xf32, #tpu.memory_space<vmem>>, vector<1x16xf32>,
        %get3A_366 = vector.shape_cast %get3A_365 : vector<1x16xf32> to vector<16xf32>
        %get3A_367 = arith.index_cast %add3A_257 : i32 to index
        %get3A_368 = arith.constant 96 : index
        %get3A_369 = tpu.vector_load %arg14[%get3A_367, %get3A_368] {strides = array<i32>} : memref<128x128xf32, #tpu.memory_space<vmem>>, vector<1x16xf32>,
        %get3A_370 = vector.shape_cast %get3A_369 : vector<1x16xf32> to vector<16xf32>
        %add3A_371 = arith.addf %get3A_366, %get3A_370 : vector<16xf32>
        %mul3A_372 = arith.constant 0.00999999977 : f32
        %mul3A_373 = vector.broadcast %mul3A_372 : f32 to vector<16xf32>
        %mul3A_374 = arith.mulf %add3A_371, %mul3A_373 : vector<16xf32>
        %max3A_375 = arith.maximumf %add3A_371, %mul3A_374 : vector<16xf32>
        %swap3A_376 = arith.index_cast %add3A_257 : i32 to index
        %swap3A_377 = arith.constant 96 : index
        %swap3A_378 = tpu.vector_load %arg16[%swap3A_376, %swap3A_377] {strides = array<i32>} : memref<128x128xf32, #tpu.memory_space<vmem>>, vector<1x16xf32>,
        %swap3A_379 = vector.shape_cast %swap3A_378 : vector<1x16xf32> to vector<16xf32>
        %swap3A_380 = vector.shape_cast %max3A_375 : vector<16xf32> to vector<1x16xf32>
        tpu.vector_store %arg16[%swap3A_376, %swap3A_377], %swap3A_380 {strides = array<i32>} : memref<128x128xf32, #tpu.memory_space<vmem>>, vector<1x16xf32>,
        %get3A_381 = arith.index_cast %add3A_257 : i32 to index
        %get3A_382 = arith.constant 112 : index
        %get3A_383 = tpu.vector_load %arg12[%get3A_381, %get3A_382] {strides = array<i32>} : memref<128x128xf32, #tpu.memory_space<vmem>>, vector<1x16xf32>,
        %get3A_384 = vector.shape_cast %get3A_383 : vector<1x16xf32> to vector<16xf32>
        %get3A_385 = arith.index_cast %add3A_257 : i32 to index
        %get3A_386 = arith.constant 112 : index
        %get3A_387 = tpu.vector_load %arg14[%get3A_385, %get3A_386] {strides = array<i32>} : memref<128x128xf32, #tpu.memory_space<vmem>>, vector<1x16xf32>,
        %get3A_388 = vector.shape_cast %get3A_387 : vector<1x16xf32> to vector<16xf32>
        %add3A_389 = arith.addf %get3A_384, %get3A_388 : vector<16xf32>
        %mul3A_390 = arith.constant 0.00999999977 : f32
        %mul3A_391 = vector.broadcast %mul3A_390 : f32 to vector<16xf32>
        %mul3A_392 = arith.mulf %add3A_389, %mul3A_391 : vector<16xf32>
        %max3A_393 = arith.maximumf %add3A_389, %mul3A_392 : vector<16xf32>
        %swap3A_394 = arith.index_cast %add3A_257 : i32 to index
        %swap3A_395 = arith.constant 112 : index
        %swap3A_396 = tpu.vector_load %arg16[%swap3A_394, %swap3A_395] {strides = array<i32>} : memref<128x128xf32, #tpu.memory_space<vmem>>, vector<1x16xf32>,
        %swap3A_397 = vector.shape_cast %swap3A_396 : vector<1x16xf32> to vector<16xf32>
        %swap3A_398 = vector.shape_cast %max3A_393 : vector<16xf32> to vector<1x16xf32>
        tpu.vector_store %arg16[%swap3A_394, %swap3A_395], %swap3A_398 {strides = array<i32>} : memref<128x128xf32, #tpu.memory_space<vmem>>, vector<1x16xf32>,
        %add3A_399 = arith.constant 1 : i32
        %add3A_400 = arith.addi %add3A_255, %add3A_399 : i32
        %get3A_401 = arith.index_cast %add3A_400 : i32 to index
        %get3A_402 = arith.constant 0 : index
        %get3A_403 = tpu.vector_load %arg12[%get3A_401, %get3A_402] {strides = array<i32>} : memref<128x128xf32, #tpu.memory_space<vmem>>, vector<1x16xf32>,
        %get3A_404 = vector.shape_cast %get3A_403 : vector<1x16xf32> to vector<16xf32>
        %get3A_405 = arith.index_cast %add3A_400 : i32 to index
        %get3A_406 = arith.constant 0 : index
        %get3A_407 = tpu.vector_load %arg14[%get3A_405, %get3A_406] {strides = array<i32>} : memref<128x128xf32, #tpu.memory_space<vmem>>, vector<1x16xf32>,
        %get3A_408 = vector.shape_cast %get3A_407 : vector<1x16xf32> to vector<16xf32>
        %add3A_409 = arith.addf %get3A_404, %get3A_408 : vector<16xf32>
        %mul3A_410 = arith.constant 0.00999999977 : f32
        %mul3A_411 = vector.broadcast %mul3A_410 : f32 to vector<16xf32>
        %mul3A_412 = arith.mulf %add3A_409, %mul3A_411 : vector<16xf32>
        %max3A_413 = arith.maximumf %add3A_409, %mul3A_412 : vector<16xf32>
        %swap3A_414 = arith.index_cast %add3A_400 : i32 to index
        %swap3A_415 = arith.constant 0 : index
        %swap3A_416 = tpu.vector_load %arg16[%swap3A_414, %swap3A_415] {strides = array<i32>} : memref<128x128xf32, #tpu.memory_space<vmem>>, vector<1x16xf32>,
        %swap3A_417 = vector.shape_cast %swap3A_416 : vector<1x16xf32> to vector<16xf32>
        %swap3A_418 = vector.shape_cast %max3A_413 : vector<16xf32> to vector<1x16xf32>
        tpu.vector_store %arg16[%swap3A_414, %swap3A_415], %swap3A_418 {strides = array<i32>} : memref<128x128xf32, #tpu.memory_space<vmem>>, vector<1x16xf32>,
        %get3A_419 = arith.index_cast %add3A_400 : i32 to index
        %get3A_420 = arith.constant 16 : index
        %get3A_421 = tpu.vector_load %arg12[%get3A_419, %get3A_420] {strides = array<i32>} : memref<128x128xf32, #tpu.memory_space<vmem>>, vector<1x16xf32>,
        %get3A_422 = vector.shape_cast %get3A_421 : vector<1x16xf32> to vector<16xf32>
        %get3A_423 = arith.index_cast %add3A_400 : i32 to index
        %get3A_424 = arith.constant 16 : index
        %get3A_425 = tpu.vector_load %arg14[%get3A_423, %get3A_424] {strides = array<i32>} : memref<128x128xf32, #tpu.memory_space<vmem>>, vector<1x16xf32>,
        %get3A_426 = vector.shape_cast %get3A_425 : vector<1x16xf32> to vector<16xf32>
        %add3A_427 = arith.addf %get3A_422, %get3A_426 : vector<16xf32>
        %mul3A_428 = arith.constant 0.00999999977 : f32
        %mul3A_429 = vector.broadcast %mul3A_428 : f32 to vector<16xf32>
        %mul3A_430 = arith.mulf %add3A_427, %mul3A_429 : vector<16xf32>
        %max3A_431 = arith.maximumf %add3A_427, %mul3A_430 : vector<16xf32>
        %swap3A_432 = arith.index_cast %add3A_400 : i32 to index
        %swap3A_433 = arith.constant 16 : index
        %swap3A_434 = tpu.vector_load %arg16[%swap3A_432, %swap3A_433] {strides = array<i32>} : memref<128x128xf32, #tpu.memory_space<vmem>>, vector<1x16xf32>,
        %swap3A_435 = vector.shape_cast %swap3A_434 : vector<1x16xf32> to vector<16xf32>
        %swap3A_436 = vector.shape_cast %max3A_431 : vector<16xf32> to vector<1x16xf32>
        tpu.vector_store %arg16[%swap3A_432, %swap3A_433], %swap3A_436 {strides = array<i32>} : memref<128x128xf32, #tpu.memory_space<vmem>>, vector<1x16xf32>,
        %get3A_437 = arith.index_cast %add3A_400 : i32 to index
        %get3A_438 = arith.constant 32 : index
        %get3A_439 = tpu.vector_load %arg12[%get3A_437, %get3A_438] {strides = array<i32>} : memref<128x128xf32, #tpu.memory_space<vmem>>, vector<1x16xf32>,
        %get3A_440 = vector.shape_cast %get3A_439 : vector<1x16xf32> to vector<16xf32>
        %get3A_441 = arith.index_cast %add3A_400 : i32 to index
        %get3A_442 = arith.constant 32 : index
        %get3A_443 = tpu.vector_load %arg14[%get3A_441, %get3A_442] {strides = array<i32>} : memref<128x128xf32, #tpu.memory_space<vmem>>, vector<1x16xf32>,
        %get3A_444 = vector.shape_cast %get3A_443 : vector<1x16xf32> to vector<16xf32>
        %add3A_445 = arith.addf %get3A_440, %get3A_444 : vector<16xf32>
        %mul3A_446 = arith.constant 0.00999999977 : f32
        %mul3A_447 = vector.broadcast %mul3A_446 : f32 to vector<16xf32>
        %mul3A_448 = arith.mulf %add3A_445, %mul3A_447 : vector<16xf32>
        %max3A_449 = arith.maximumf %add3A_445, %mul3A_448 : vector<16xf32>
        %swap3A_450 = arith.index_cast %add3A_400 : i32 to index
        %swap3A_451 = arith.constant 32 : index
        %swap3A_452 = tpu.vector_load %arg16[%swap3A_450, %swap3A_451] {strides = array<i32>} : memref<128x128xf32, #tpu.memory_space<vmem>>, vector<1x16xf32>,
        %swap3A_453 = vector.shape_cast %swap3A_452 : vector<1x16xf32> to vector<16xf32>
        %swap3A_454 = vector.shape_cast %max3A_449 : vector<16xf32> to vector<1x16xf32>
        tpu.vector_store %arg16[%swap3A_450, %swap3A_451], %swap3A_454 {strides = array<i32>} : memref<128x128xf32, #tpu.memory_space<vmem>>, vector<1x16xf32>,
        %get3A_455 = arith.index_cast %add3A_400 : i32 to index
        %get3A_456 = arith.constant 48 : index
        %get3A_457 = tpu.vector_load %arg12[%get3A_455, %get3A_456] {strides = array<i32>} : memref<128x128xf32, #tpu.memory_space<vmem>>, vector<1x16xf32>,
        %get3A_458 = vector.shape_cast %get3A_457 : vector<1x16xf32> to vector<16xf32>
        %get3A_459 = arith.index_cast %add3A_400 : i32 to index
        %get3A_460 = arith.constant 48 : index
        %get3A_461 = tpu.vector_load %arg14[%get3A_459, %get3A_460] {strides = array<i32>} : memref<128x128xf32, #tpu.memory_space<vmem>>, vector<1x16xf32>,
        %get3A_462 = vector.shape_cast %get3A_461 : vector<1x16xf32> to vector<16xf32>
        %add3A_463 = arith.addf %get3A_458, %get3A_462 : vector<16xf32>
        %mul3A_464 = arith.constant 0.00999999977 : f32
        %mul3A_465 = vector.broadcast %mul3A_464 : f32 to vector<16xf32>
        %mul3A_466 = arith.mulf %add3A_463, %mul3A_465 : vector<16xf32>
        %max3A_467 = arith.maximumf %add3A_463, %mul3A_466 : vector<16xf32>
        %swap3A_468 = arith.index_cast %add3A_400 : i32 to index
        %swap3A_469 = arith.constant 48 : index
        %swap3A_470 = tpu.vector_load %arg16[%swap3A_468, %swap3A_469] {strides = array<i32>} : memref<128x128xf32, #tpu.memory_space<vmem>>, vector<1x16xf32>,
        %swap3A_471 = vector.shape_cast %swap3A_470 : vector<1x16xf32> to vector<16xf32>
        %swap3A_472 = vector.shape_cast %max3A_467 : vector<16xf32> to vector<1x16xf32>
        tpu.vector_store %arg16[%swap3A_468, %swap3A_469], %swap3A_472 {strides = array<i32>} : memref<128x128xf32, #tpu.memory_space<vmem>>, vector<1x16xf32>,
        %get3A_473 = arith.index_cast %add3A_400 : i32 to index
        %get3A_474 = arith.constant 64 : index
        %get3A_475 = tpu.vector_load %arg12[%get3A_473, %get3A_474] {strides = array<i32>} : memref<128x128xf32, #tpu.memory_space<vmem>>, vector<1x16xf32>,
        %get3A_476 = vector.shape_cast %get3A_475 : vector<1x16xf32> to vector<16xf32>
        %get3A_477 = arith.index_cast %add3A_400 : i32 to index
        %get3A_478 = arith.constant 64 : index
        %get3A_479 = tpu.vector_load %arg14[%get3A_477, %get3A_478] {strides = array<i32>} : memref<128x128xf32, #tpu.memory_space<vmem>>, vector<1x16xf32>,
        %get3A_480 = vector.shape_cast %get3A_479 : vector<1x16xf32> to vector<16xf32>
        %add3A_481 = arith.addf %get3A_476, %get3A_480 : vector<16xf32>
        %mul3A_482 = arith.constant 0.00999999977 : f32
        %mul3A_483 = vector.broadcast %mul3A_482 : f32 to vector<16xf32>
        %mul3A_484 = arith.mulf %add3A_481, %mul3A_483 : vector<16xf32>
        %max3A_485 = arith.maximumf %add3A_481, %mul3A_484 : vector<16xf32>
        %swap3A_486 = arith.index_cast %add3A_400 : i32 to index
        %swap3A_487 = arith.constant 64 : index
        %swap3A_488 = tpu.vector_load %arg16[%swap3A_486, %swap3A_487] {strides = array<i32>} : memref<128x128xf32, #tpu.memory_space<vmem>>, vector<1x16xf32>,
        %swap3A_489 = vector.shape_cast %swap3A_488 : vector<1x16xf32> to vector<16xf32>
        %swap3A_490 = vector.shape_cast %max3A_485 : vector<16xf32> to vector<1x16xf32>
        tpu.vector_store %arg16[%swap3A_486, %swap3A_487], %swap3A_490 {strides = array<i32>} : memref<128x128xf32, #tpu.memory_space<vmem>>, vector<1x16xf32>,
        %get3A_491 = arith.index_cast %add3A_400 : i32 to index
        %get3A_492 = arith.constant 80 : index
        %get3A_493 = tpu.vector_load %arg12[%get3A_491, %get3A_492] {strides = array<i32>} : memref<128x128xf32, #tpu.memory_space<vmem>>, vector<1x16xf32>,
        %get3A_494 = vector.shape_cast %get3A_493 : vector<1x16xf32> to vector<16xf32>
        %get3A_495 = arith.index_cast %add3A_400 : i32 to index
        %get3A_496 = arith.constant 80 : index
        %get3A_497 = tpu.vector_load %arg14[%get3A_495, %get3A_496] {strides = array<i32>} : memref<128x128xf32, #tpu.memory_space<vmem>>, vector<1x16xf32>,
        %get3A_498 = vector.shape_cast %get3A_497 : vector<1x16xf32> to vector<16xf32>
        %add3A_499 = arith.addf %get3A_494, %get3A_498 : vector<16xf32>
        %mul3A_500 = arith.constant 0.00999999977 : f32
        %mul3A_501 = vector.broadcast %mul3A_500 : f32 to vector<16xf32>
        %mul3A_502 = arith.mulf %add3A_499, %mul3A_501 : vector<16xf32>
        %max3A_503 = arith.maximumf %add3A_499, %mul3A_502 : vector<16xf32>
        %swap3A_504 = arith.index_cast %add3A_400 : i32 to index
        %swap3A_505 = arith.constant 80 : index
        %swap3A_506 = tpu.vector_load %arg16[%swap3A_504, %swap3A_505] {strides = array<i32>} : memref<128x128xf32, #tpu.memory_space<vmem>>, vector<1x16xf32>,
        %swap3A_507 = vector.shape_cast %swap3A_506 : vector<1x16xf32> to vector<16xf32>
        %swap3A_508 = vector.shape_cast %max3A_503 : vector<16xf32> to vector<1x16xf32>
        tpu.vector_store %arg16[%swap3A_504, %swap3A_505], %swap3A_508 {strides = array<i32>} : memref<128x128xf32, #tpu.memory_space<vmem>>, vector<1x16xf32>,
        %get3A_509 = arith.index_cast %add3A_400 : i32 to index
        %get3A_510 = arith.constant 96 : index
        %get3A_511 = tpu.vector_load %arg12[%get3A_509, %get3A_510] {strides = array<i32>} : memref<128x128xf32, #tpu.memory_space<vmem>>, vector<1x16xf32>,
        %get3A_512 = vector.shape_cast %get3A_511 : vector<1x16xf32> to vector<16xf32>
        %get3A_513 = arith.index_cast %add3A_400 : i32 to index
        %get3A_514 = arith.constant 96 : index
        %get3A_515 = tpu.vector_load %arg14[%get3A_513, %get3A_514] {strides = array<i32>} : memref<128x128xf32, #tpu.memory_space<vmem>>, vector<1x16xf32>,
        %get3A_516 = vector.shape_cast %get3A_515 : vector<1x16xf32> to vector<16xf32>
        %add3A_517 = arith.addf %get3A_512, %get3A_516 : vector<16xf32>
        %mul3A_518 = arith.constant 0.00999999977 : f32
        %mul3A_519 = vector.broadcast %mul3A_518 : f32 to vector<16xf32>
        %mul3A_520 = arith.mulf %add3A_517, %mul3A_519 : vector<16xf32>
        %max3A_521 = arith.maximumf %add3A_517, %mul3A_520 : vector<16xf32>
        %swap3A_522 = arith.index_cast %add3A_400 : i32 to index
        %swap3A_523 = arith.constant 96 : index
        %swap3A_524 = tpu.vector_load %arg16[%swap3A_522, %swap3A_523] {strides = array<i32>} : memref<128x128xf32, #tpu.memory_space<vmem>>, vector<1x16xf32>,
        %swap3A_525 = vector.shape_cast %swap3A_524 : vector<1x16xf32> to vector<16xf32>
        %swap3A_526 = vector.shape_cast %max3A_521 : vector<16xf32> to vector<1x16xf32>
        tpu.vector_store %arg16[%swap3A_522, %swap3A_523], %swap3A_526 {strides = array<i32>} : memref<128x128xf32, #tpu.memory_space<vmem>>, vector<1x16xf32>,
        %get3A_527 = arith.index_cast %add3A_400 : i32 to index
        %get3A_528 = arith.constant 112 : index
        %get3A_529 = tpu.vector_load %arg12[%get3A_527, %get3A_528] {strides = array<i32>} : memref<128x128xf32, #tpu.memory_space<vmem>>, vector<1x16xf32>,
        %get3A_530 = vector.shape_cast %get3A_529 : vector<1x16xf32> to vector<16xf32>
        %get3A_531 = arith.index_cast %add3A_400 : i32 to index
        %get3A_532 = arith.constant 112 : index
        %get3A_533 = tpu.vector_load %arg14[%get3A_531, %get3A_532] {strides = array<i32>} : memref<128x128xf32, #tpu.memory_space<vmem>>, vector<1x16xf32>,
        %get3A_534 = vector.shape_cast %get3A_533 : vector<1x16xf32> to vector<16xf32>
        %add3A_535 = arith.addf %get3A_530, %get3A_534 : vector<16xf32>
        %mul3A_536 = arith.constant 0.00999999977 : f32
        %mul3A_537 = vector.broadcast %mul3A_536 : f32 to vector<16xf32>
        %mul3A_538 = arith.mulf %add3A_535, %mul3A_537 : vector<16xf32>
        %max3A_539 = arith.maximumf %add3A_535, %mul3A_538 : vector<16xf32>
        %swap3A_540 = arith.index_cast %add3A_400 : i32 to index
        %swap3A_541 = arith.constant 112 : index
        %swap3A_542 = tpu.vector_load %arg16[%swap3A_540, %swap3A_541] {strides = array<i32>} : memref<128x128xf32, #tpu.memory_space<vmem>>, vector<1x16xf32>,
        %swap3A_543 = vector.shape_cast %swap3A_542 : vector<1x16xf32> to vector<16xf32>
        %swap3A_544 = vector.shape_cast %max3A_539 : vector<16xf32> to vector<1x16xf32>
        tpu.vector_store %arg16[%swap3A_540, %swap3A_541], %swap3A_544 {strides = array<i32>} : memref<128x128xf32, #tpu.memory_space<vmem>>, vector<1x16xf32>,
        %add3A_545 = arith.constant 2 : i32
        %add3A_546 = arith.addi %add3A_255, %add3A_545 : i32
        %get3A_547 = arith.index_cast %add3A_546 : i32 to index
        %get3A_548 = arith.constant 0 : index
        %get3A_549 = tpu.vector_load %arg12[%get3A_547, %get3A_548] {strides = array<i32>} : memref<128x128xf32, #tpu.memory_space<vmem>>, vector<1x16xf32>,
        %get3A_550 = vector.shape_cast %get3A_549 : vector<1x16xf32> to vector<16xf32>
        %get3A_551 = arith.index_cast %add3A_546 : i32 to index
        %get3A_552 = arith.constant 0 : index
        %get3A_553 = tpu.vector_load %arg14[%get3A_551, %get3A_552] {strides = array<i32>} : memref<128x128xf32, #tpu.memory_space<vmem>>, vector<1x16xf32>,
        %get3A_554 = vector.shape_cast %get3A_553 : vector<1x16xf32> to vector<16xf32>
        %add3A_555 = arith.addf %get3A_550, %get3A_554 : vector<16xf32>
        %mul3A_556 = arith.constant 0.00999999977 : f32
        %mul3A_557 = vector.broadcast %mul3A_556 : f32 to vector<16xf32>
        %mul3A_558 = arith.mulf %add3A_555, %mul3A_557 : vector<16xf32>
        %max3A_559 = arith.maximumf %add3A_555, %mul3A_558 : vector<16xf32>
        %swap3A_560 = arith.index_cast %add3A_546 : i32 to index
        %swap3A_561 = arith.constant 0 : index
        %swap3A_562 = tpu.vector_load %arg16[%swap3A_560, %swap3A_561] {strides = array<i32>} : memref<128x128xf32, #tpu.memory_space<vmem>>, vector<1x16xf32>,
        %swap3A_563 = vector.shape_cast %swap3A_562 : vector<1x16xf32> to vector<16xf32>
        %swap3A_564 = vector.shape_cast %max3A_559 : vector<16xf32> to vector<1x16xf32>
        tpu.vector_store %arg16[%swap3A_560, %swap3A_561], %swap3A_564 {strides = array<i32>} : memref<128x128xf32, #tpu.memory_space<vmem>>, vector<1x16xf32>,
        %get3A_565 = arith.index_cast %add3A_546 : i32 to index
        %get3A_566 = arith.constant 16 : index
        %get3A_567 = tpu.vector_load %arg12[%get3A_565, %get3A_566] {strides = array<i32>} : memref<128x128xf32, #tpu.memory_space<vmem>>, vector<1x16xf32>,
        %get3A_568 = vector.shape_cast %get3A_567 : vector<1x16xf32> to vector<16xf32>
        %get3A_569 = arith.index_cast %add3A_546 : i32 to index
        %get3A_570 = arith.constant 16 : index
        %get3A_571 = tpu.vector_load %arg14[%get3A_569, %get3A_570] {strides = array<i32>} : memref<128x128xf32, #tpu.memory_space<vmem>>, vector<1x16xf32>,
        %get3A_572 = vector.shape_cast %get3A_571 : vector<1x16xf32> to vector<16xf32>
        %add3A_573 = arith.addf %get3A_568, %get3A_572 : vector<16xf32>
        %mul3A_574 = arith.constant 0.00999999977 : f32
        %mul3A_575 = vector.broadcast %mul3A_574 : f32 to vector<16xf32>
        %mul3A_576 = arith.mulf %add3A_573, %mul3A_575 : vector<16xf32>
        %max3A_577 = arith.maximumf %add3A_573, %mul3A_576 : vector<16xf32>
        %swap3A_578 = arith.index_cast %add3A_546 : i32 to index
        %swap3A_579 = arith.constant 16 : index
        %swap3A_580 = tpu.vector_load %arg16[%swap3A_578, %swap3A_579] {strides = array<i32>} : memref<128x128xf32, #tpu.memory_space<vmem>>, vector<1x16xf32>,
        %swap3A_581 = vector.shape_cast %swap3A_580 : vector<1x16xf32> to vector<16xf32>
        %swap3A_582 = vector.shape_cast %max3A_577 : vector<16xf32> to vector<1x16xf32>
        tpu.vector_store %arg16[%swap3A_578, %swap3A_579], %swap3A_582 {strides = array<i32>} : memref<128x128xf32, #tpu.memory_space<vmem>>, vector<1x16xf32>,
        %get3A_583 = arith.index_cast %add3A_546 : i32 to index
        %get3A_584 = arith.constant 32 : index
        %get3A_585 = tpu.vector_load %arg12[%get3A_583, %get3A_584] {strides = array<i32>} : memref<128x128xf32, #tpu.memory_space<vmem>>, vector<1x16xf32>,
        %get3A_586 = vector.shape_cast %get3A_585 : vector<1x16xf32> to vector<16xf32>
        %get3A_587 = arith.index_cast %add3A_546 : i32 to index
        %get3A_588 = arith.constant 32 : index
        %get3A_589 = tpu.vector_load %arg14[%get3A_587, %get3A_588] {strides = array<i32>} : memref<128x128xf32, #tpu.memory_space<vmem>>, vector<1x16xf32>,
        %get3A_590 = vector.shape_cast %get3A_589 : vector<1x16xf32> to vector<16xf32>
        %add3A_591 = arith.addf %get3A_586, %get3A_590 : vector<16xf32>
        %mul3A_592 = arith.constant 0.00999999977 : f32
        %mul3A_593 = vector.broadcast %mul3A_592 : f32 to vector<16xf32>
        %mul3A_594 = arith.mulf %add3A_591, %mul3A_593 : vector<16xf32>
        %max3A_595 = arith.maximumf %add3A_591, %mul3A_594 : vector<16xf32>
        %swap3A_596 = arith.index_cast %add3A_546 : i32 to index
        %swap3A_597 = arith.constant 32 : index
        %swap3A_598 = tpu.vector_load %arg16[%swap3A_596, %swap3A_597] {strides = array<i32>} : memref<128x128xf32, #tpu.memory_space<vmem>>, vector<1x16xf32>,
        %swap3A_599 = vector.shape_cast %swap3A_598 : vector<1x16xf32> to vector<16xf32>
        %swap3A_600 = vector.shape_cast %max3A_595 : vector<16xf32> to vector<1x16xf32>
        tpu.vector_store %arg16[%swap3A_596, %swap3A_597], %swap3A_600 {strides = array<i32>} : memref<128x128xf32, #tpu.memory_space<vmem>>, vector<1x16xf32>,
        %get3A_601 = arith.index_cast %add3A_546 : i32 to index
        %get3A_602 = arith.constant 48 : index
        %get3A_603 = tpu.vector_load %arg12[%get3A_601, %get3A_602] {strides = array<i32>} : memref<128x128xf32, #tpu.memory_space<vmem>>, vector<1x16xf32>,
        %get3A_604 = vector.shape_cast %get3A_603 : vector<1x16xf32> to vector<16xf32>
        %get3A_605 = arith.index_cast %add3A_546 : i32 to index
        %get3A_606 = arith.constant 48 : index
        %get3A_607 = tpu.vector_load %arg14[%get3A_605, %get3A_606] {strides = array<i32>} : memref<128x128xf32, #tpu.memory_space<vmem>>, vector<1x16xf32>,
        %get3A_608 = vector.shape_cast %get3A_607 : vector<1x16xf32> to vector<16xf32>
        %add3A_609 = arith.addf %get3A_604, %get3A_608 : vector<16xf32>
        %mul3A_610 = arith.constant 0.00999999977 : f32
        %mul3A_611 = vector.broadcast %mul3A_610 : f32 to vector<16xf32>
        %mul3A_612 = arith.mulf %add3A_609, %mul3A_611 : vector<16xf32>
        %max3A_613 = arith.maximumf %add3A_609, %mul3A_612 : vector<16xf32>
        %swap3A_614 = arith.index_cast %add3A_546 : i32 to index
        %swap3A_615 = arith.constant 48 : index
        %swap3A_616 = tpu.vector_load %arg16[%swap3A_614, %swap3A_615] {strides = array<i32>} : memref<128x128xf32, #tpu.memory_space<vmem>>, vector<1x16xf32>,
        %swap3A_617 = vector.shape_cast %swap3A_616 : vector<1x16xf32> to vector<16xf32>
        %swap3A_618 = vector.shape_cast %max3A_613 : vector<16xf32> to vector<1x16xf32>
        tpu.vector_store %arg16[%swap3A_614, %swap3A_615], %swap3A_618 {strides = array<i32>} : memref<128x128xf32, #tpu.memory_space<vmem>>, vector<1x16xf32>,
        %get3A_619 = arith.index_cast %add3A_546 : i32 to index
        %get3A_620 = arith.constant 64 : index
        %get3A_621 = tpu.vector_load %arg12[%get3A_619, %get3A_620] {strides = array<i32>} : memref<128x128xf32, #tpu.memory_space<vmem>>, vector<1x16xf32>,
        %get3A_622 = vector.shape_cast %get3A_621 : vector<1x16xf32> to vector<16xf32>
        %get3A_623 = arith.index_cast %add3A_546 : i32 to index
        %get3A_624 = arith.constant 64 : index
        %get3A_625 = tpu.vector_load %arg14[%get3A_623, %get3A_624] {strides = array<i32>} : memref<128x128xf32, #tpu.memory_space<vmem>>, vector<1x16xf32>,
        %get3A_626 = vector.shape_cast %get3A_625 : vector<1x16xf32> to vector<16xf32>
        %add3A_627 = arith.addf %get3A_622, %get3A_626 : vector<16xf32>
        %mul3A_628 = arith.constant 0.00999999977 : f32
        %mul3A_629 = vector.broadcast %mul3A_628 : f32 to vector<16xf32>
        %mul3A_630 = arith.mulf %add3A_627, %mul3A_629 : vector<16xf32>
        %max3A_631 = arith.maximumf %add3A_627, %mul3A_630 : vector<16xf32>
        %swap3A_632 = arith.index_cast %add3A_546 : i32 to index
        %swap3A_633 = arith.constant 64 : index
        %swap3A_634 = tpu.vector_load %arg16[%swap3A_632, %swap3A_633] {strides = array<i32>} : memref<128x128xf32, #tpu.memory_space<vmem>>, vector<1x16xf32>,
        %swap3A_635 = vector.shape_cast %swap3A_634 : vector<1x16xf32> to vector<16xf32>
        %swap3A_636 = vector.shape_cast %max3A_631 : vector<16xf32> to vector<1x16xf32>
        tpu.vector_store %arg16[%swap3A_632, %swap3A_633], %swap3A_636 {strides = array<i32>} : memref<128x128xf32, #tpu.memory_space<vmem>>, vector<1x16xf32>,
        %get3A_637 = arith.index_cast %add3A_546 : i32 to index
        %get3A_638 = arith.constant 80 : index
        %get3A_639 = tpu.vector_load %arg12[%get3A_637, %get3A_638] {strides = array<i32>} : memref<128x128xf32, #tpu.memory_space<vmem>>, vector<1x16xf32>,
        %get3A_640 = vector.shape_cast %get3A_639 : vector<1x16xf32> to vector<16xf32>
        %get3A_641 = arith.index_cast %add3A_546 : i32 to index
        %get3A_642 = arith.constant 80 : index
        %get3A_643 = tpu.vector_load %arg14[%get3A_641, %get3A_642] {strides = array<i32>} : memref<128x128xf32, #tpu.memory_space<vmem>>, vector<1x16xf32>,
        %get3A_644 = vector.shape_cast %get3A_643 : vector<1x16xf32> to vector<16xf32>
        %add3A_645 = arith.addf %get3A_640, %get3A_644 : vector<16xf32>
        %mul3A_646 = arith.constant 0.00999999977 : f32
        %mul3A_647 = vector.broadcast %mul3A_646 : f32 to vector<16xf32>
        %mul3A_648 = arith.mulf %add3A_645, %mul3A_647 : vector<16xf32>
        %max3A_649 = arith.maximumf %add3A_645, %mul3A_648 : vector<16xf32>
        %swap3A_650 = arith.index_cast %add3A_546 : i32 to index
        %swap3A_651 = arith.constant 80 : index
        %swap3A_652 = tpu.vector_load %arg16[%swap3A_650, %swap3A_651] {strides = array<i32>} : memref<128x128xf32, #tpu.memory_space<vmem>>, vector<1x16xf32>,
        %swap3A_653 = vector.shape_cast %swap3A_652 : vector<1x16xf32> to vector<16xf32>
        %swap3A_654 = vector.shape_cast %max3A_649 : vector<16xf32> to vector<1x16xf32>
        tpu.vector_store %arg16[%swap3A_650, %swap3A_651], %swap3A_654 {strides = array<i32>} : memref<128x128xf32, #tpu.memory_space<vmem>>, vector<1x16xf32>,
        %get3A_655 = arith.index_cast %add3A_546 : i32 to index
        %get3A_656 = arith.constant 96 : index
        %get3A_657 = tpu.vector_load %arg12[%get3A_655, %get3A_656] {strides = array<i32>} : memref<128x128xf32, #tpu.memory_space<vmem>>, vector<1x16xf32>,
        %get3A_658 = vector.shape_cast %get3A_657 : vector<1x16xf32> to vector<16xf32>
        %get3A_659 = arith.index_cast %add3A_546 : i32 to index
        %get3A_660 = arith.constant 96 : index
        %get3A_661 = tpu.vector_load %arg14[%get3A_659, %get3A_660] {strides = array<i32>} : memref<128x128xf32, #tpu.memory_space<vmem>>, vector<1x16xf32>,
        %get3A_662 = vector.shape_cast %get3A_661 : vector<1x16xf32> to vector<16xf32>
        %add3A_663 = arith.addf %get3A_658, %get3A_662 : vector<16xf32>
        %mul3A_664 = arith.constant 0.00999999977 : f32
        %mul3A_665 = vector.broadcast %mul3A_664 : f32 to vector<16xf32>
        %mul3A_666 = arith.mulf %add3A_663, %mul3A_665 : vector<16xf32>
        %max3A_667 = arith.maximumf %add3A_663, %mul3A_666 : vector<16xf32>
        %swap3A_668 = arith.index_cast %add3A_546 : i32 to index
        %swap3A_669 = arith.constant 96 : index
        %swap3A_670 = tpu.vector_load %arg16[%swap3A_668, %swap3A_669] {strides = array<i32>} : memref<128x128xf32, #tpu.memory_space<vmem>>, vector<1x16xf32>,
        %swap3A_671 = vector.shape_cast %swap3A_670 : vector<1x16xf32> to vector<16xf32>
        %swap3A_672 = vector.shape_cast %max3A_667 : vector<16xf32> to vector<1x16xf32>
        tpu.vector_store %arg16[%swap3A_668, %swap3A_669], %swap3A_672 {strides = array<i32>} : memref<128x128xf32, #tpu.memory_space<vmem>>, vector<1x16xf32>,
        %get3A_673 = arith.index_cast %add3A_546 : i32 to index
        %get3A_674 = arith.constant 112 : index
        %get3A_675 = tpu.vector_load %arg12[%get3A_673, %get3A_674] {strides = array<i32>} : memref<128x128xf32, #tpu.memory_space<vmem>>, vector<1x16xf32>,
        %get3A_676 = vector.shape_cast %get3A_675 : vector<1x16xf32> to vector<16xf32>
        %get3A_677 = arith.index_cast %add3A_546 : i32 to index
        %get3A_678 = arith.constant 112 : index
        %get3A_679 = tpu.vector_load %arg14[%get3A_677, %get3A_678] {strides = array<i32>} : memref<128x128xf32, #tpu.memory_space<vmem>>, vector<1x16xf32>,
        %get3A_680 = vector.shape_cast %get3A_679 : vector<1x16xf32> to vector<16xf32>
        %add3A_681 = arith.addf %get3A_676, %get3A_680 : vector<16xf32>
        %mul3A_682 = arith.constant 0.00999999977 : f32
        %mul3A_683 = vector.broadcast %mul3A_682 : f32 to vector<16xf32>
        %mul3A_684 = arith.mulf %add3A_681, %mul3A_683 : vector<16xf32>
        %max3A_685 = arith.maximumf %add3A_681, %mul3A_684 : vector<16xf32>
        %swap3A_686 = arith.index_cast %add3A_546 : i32 to index
        %swap3A_687 = arith.constant 112 : index
        %swap3A_688 = tpu.vector_load %arg16[%swap3A_686, %swap3A_687] {strides = array<i32>} : memref<128x128xf32, #tpu.memory_space<vmem>>, vector<1x16xf32>,
        %swap3A_689 = vector.shape_cast %swap3A_688 : vector<1x16xf32> to vector<16xf32>
        %swap3A_690 = vector.shape_cast %max3A_685 : vector<16xf32> to vector<1x16xf32>
        tpu.vector_store %arg16[%swap3A_686, %swap3A_687], %swap3A_690 {strides = array<i32>} : memref<128x128xf32, #tpu.memory_space<vmem>>, vector<1x16xf32>,
        %add3A_691 = arith.constant 3 : i32
        %add3A_692 = arith.addi %add3A_255, %add3A_691 : i32
        %get3A_693 = arith.index_cast %add3A_692 : i32 to index
        %get3A_694 = arith.constant 0 : index
        %get3A_695 = tpu.vector_load %arg12[%get3A_693, %get3A_694] {strides = array<i32>} : memref<128x128xf32, #tpu.memory_space<vmem>>, vector<1x16xf32>,
        %get3A_696 = vector.shape_cast %get3A_695 : vector<1x16xf32> to vector<16xf32>
        %get3A_697 = arith.index_cast %add3A_692 : i32 to index
        %get3A_698 = arith.constant 0 : index
        %get3A_699 = tpu.vector_load %arg14[%get3A_697, %get3A_698] {strides = array<i32>} : memref<128x128xf32, #tpu.memory_space<vmem>>, vector<1x16xf32>,
        %get3A_700 = vector.shape_cast %get3A_699 : vector<1x16xf32> to vector<16xf32>
        %add3A_701 = arith.addf %get3A_696, %get3A_700 : vector<16xf32>
        %mul3A_702 = arith.constant 0.00999999977 : f32
        %mul3A_703 = vector.broadcast %mul3A_702 : f32 to vector<16xf32>
        %mul3A_704 = arith.mulf %add3A_701, %mul3A_703 : vector<16xf32>
        %max3A_705 = arith.maximumf %add3A_701, %mul3A_704 : vector<16xf32>
        %swap3A_706 = arith.index_cast %add3A_692 : i32 to index
        %swap3A_707 = arith.constant 0 : index
        %swap3A_708 = tpu.vector_load %arg16[%swap3A_706, %swap3A_707] {strides = array<i32>} : memref<128x128xf32, #tpu.memory_space<vmem>>, vector<1x16xf32>,
        %swap3A_709 = vector.shape_cast %swap3A_708 : vector<1x16xf32> to vector<16xf32>
        %swap3A_710 = vector.shape_cast %max3A_705 : vector<16xf32> to vector<1x16xf32>
        tpu.vector_store %arg16[%swap3A_706, %swap3A_707], %swap3A_710 {strides = array<i32>} : memref<128x128xf32, #tpu.memory_space<vmem>>, vector<1x16xf32>,
        %get3A_711 = arith.index_cast %add3A_692 : i32 to index
        %get3A_712 = arith.constant 16 : index
        %get3A_713 = tpu.vector_load %arg12[%get3A_711, %get3A_712] {strides = array<i32>} : memref<128x128xf32, #tpu.memory_space<vmem>>, vector<1x16xf32>,
        %get3A_714 = vector.shape_cast %get3A_713 : vector<1x16xf32> to vector<16xf32>
        %get3A_715 = arith.index_cast %add3A_692 : i32 to index
        %get3A_716 = arith.constant 16 : index
        %get3A_717 = tpu.vector_load %arg14[%get3A_715, %get3A_716] {strides = array<i32>} : memref<128x128xf32, #tpu.memory_space<vmem>>, vector<1x16xf32>,
        %get3A_718 = vector.shape_cast %get3A_717 : vector<1x16xf32> to vector<16xf32>
        %add3A_719 = arith.addf %get3A_714, %get3A_718 : vector<16xf32>
        %mul3A_720 = arith.constant 0.00999999977 : f32
        %mul3A_721 = vector.broadcast %mul3A_720 : f32 to vector<16xf32>
        %mul3A_722 = arith.mulf %add3A_719, %mul3A_721 : vector<16xf32>
        %max3A_723 = arith.maximumf %add3A_719, %mul3A_722 : vector<16xf32>
        %swap3A_724 = arith.index_cast %add3A_692 : i32 to index
        %swap3A_725 = arith.constant 16 : index
        %swap3A_726 = tpu.vector_load %arg16[%swap3A_724, %swap3A_725] {strides = array<i32>} : memref<128x128xf32, #tpu.memory_space<vmem>>, vector<1x16xf32>,
        %swap3A_727 = vector.shape_cast %swap3A_726 : vector<1x16xf32> to vector<16xf32>
        %swap3A_728 = vector.shape_cast %max3A_723 : vector<16xf32> to vector<1x16xf32>
        tpu.vector_store %arg16[%swap3A_724, %swap3A_725], %swap3A_728 {strides = array<i32>} : memref<128x128xf32, #tpu.memory_space<vmem>>, vector<1x16xf32>,
        %get3A_729 = arith.index_cast %add3A_692 : i32 to index
        %get3A_730 = arith.constant 32 : index
        %get3A_731 = tpu.vector_load %arg12[%get3A_729, %get3A_730] {strides = array<i32>} : memref<128x128xf32, #tpu.memory_space<vmem>>, vector<1x16xf32>,
        %get3A_732 = vector.shape_cast %get3A_731 : vector<1x16xf32> to vector<16xf32>
        %get3A_733 = arith.index_cast %add3A_692 : i32 to index
        %get3A_734 = arith.constant 32 : index
        %get3A_735 = tpu.vector_load %arg14[%get3A_733, %get3A_734] {strides = array<i32>} : memref<128x128xf32, #tpu.memory_space<vmem>>, vector<1x16xf32>,
        %get3A_736 = vector.shape_cast %get3A_735 : vector<1x16xf32> to vector<16xf32>
        %add3A_737 = arith.addf %get3A_732, %get3A_736 : vector<16xf32>
        %mul3A_738 = arith.constant 0.00999999977 : f32
        %mul3A_739 = vector.broadcast %mul3A_738 : f32 to vector<16xf32>
        %mul3A_740 = arith.mulf %add3A_737, %mul3A_739 : vector<16xf32>
        %max3A_741 = arith.maximumf %add3A_737, %mul3A_740 : vector<16xf32>
        %swap3A_742 = arith.index_cast %add3A_692 : i32 to index
        %swap3A_743 = arith.constant 32 : index
        %swap3A_744 = tpu.vector_load %arg16[%swap3A_742, %swap3A_743] {strides = array<i32>} : memref<128x128xf32, #tpu.memory_space<vmem>>, vector<1x16xf32>,
        %swap3A_745 = vector.shape_cast %swap3A_744 : vector<1x16xf32> to vector<16xf32>
        %swap3A_746 = vector.shape_cast %max3A_741 : vector<16xf32> to vector<1x16xf32>
        tpu.vector_store %arg16[%swap3A_742, %swap3A_743], %swap3A_746 {strides = array<i32>} : memref<128x128xf32, #tpu.memory_space<vmem>>, vector<1x16xf32>,
        %get3A_747 = arith.index_cast %add3A_692 : i32 to index
        %get3A_748 = arith.constant 48 : index
        %get3A_749 = tpu.vector_load %arg12[%get3A_747, %get3A_748] {strides = array<i32>} : memref<128x128xf32, #tpu.memory_space<vmem>>, vector<1x16xf32>,
        %get3A_750 = vector.shape_cast %get3A_749 : vector<1x16xf32> to vector<16xf32>
        %get3A_751 = arith.index_cast %add3A_692 : i32 to index
        %get3A_752 = arith.constant 48 : index
        %get3A_753 = tpu.vector_load %arg14[%get3A_751, %get3A_752] {strides = array<i32>} : memref<128x128xf32, #tpu.memory_space<vmem>>, vector<1x16xf32>,
        %get3A_754 = vector.shape_cast %get3A_753 : vector<1x16xf32> to vector<16xf32>
        %add3A_755 = arith.addf %get3A_750, %get3A_754 : vector<16xf32>
        %mul3A_756 = arith.constant 0.00999999977 : f32
        %mul3A_757 = vector.broadcast %mul3A_756 : f32 to vector<16xf32>
        %mul3A_758 = arith.mulf %add3A_755, %mul3A_757 : vector<16xf32>
        %max3A_759 = arith.maximumf %add3A_755, %mul3A_758 : vector<16xf32>
        %swap3A_760 = arith.index_cast %add3A_692 : i32 to index
        %swap3A_761 = arith.constant 48 : index
        %swap3A_762 = tpu.vector_load %arg16[%swap3A_760, %swap3A_761] {strides = array<i32>} : memref<128x128xf32, #tpu.memory_space<vmem>>, vector<1x16xf32>,
        %swap3A_763 = vector.shape_cast %swap3A_762 : vector<1x16xf32> to vector<16xf32>
        %swap3A_764 = vector.shape_cast %max3A_759 : vector<16xf32> to vector<1x16xf32>
        tpu.vector_store %arg16[%swap3A_760, %swap3A_761], %swap3A_764 {strides = array<i32>} : memref<128x128xf32, #tpu.memory_space<vmem>>, vector<1x16xf32>,
        %get3A_765 = arith.index_cast %add3A_692 : i32 to index
        %get3A_766 = arith.constant 64 : index
        %get3A_767 = tpu.vector_load %arg12[%get3A_765, %get3A_766] {strides = array<i32>} : memref<128x128xf32, #tpu.memory_space<vmem>>, vector<1x16xf32>,
        %get3A_768 = vector.shape_cast %get3A_767 : vector<1x16xf32> to vector<16xf32>
        %get3A_769 = arith.index_cast %add3A_692 : i32 to index
        %get3A_770 = arith.constant 64 : index
        %get3A_771 = tpu.vector_load %arg14[%get3A_769, %get3A_770] {strides = array<i32>} : memref<128x128xf32, #tpu.memory_space<vmem>>, vector<1x16xf32>,
        %get3A_772 = vector.shape_cast %get3A_771 : vector<1x16xf32> to vector<16xf32>
        %add3A_773 = arith.addf %get3A_768, %get3A_772 : vector<16xf32>
        %mul3A_774 = arith.constant 0.00999999977 : f32
        %mul3A_775 = vector.broadcast %mul3A_774 : f32 to vector<16xf32>
        %mul3A_776 = arith.mulf %add3A_773, %mul3A_775 : vector<16xf32>
        %max3A_777 = arith.maximumf %add3A_773, %mul3A_776 : vector<16xf32>
        %swap3A_778 = arith.index_cast %add3A_692 : i32 to index
        %swap3A_779 = arith.constant 64 : index
        %swap3A_780 = tpu.vector_load %arg16[%swap3A_778, %swap3A_779] {strides = array<i32>} : memref<128x128xf32, #tpu.memory_space<vmem>>, vector<1x16xf32>,
        %swap3A_781 = vector.shape_cast %swap3A_780 : vector<1x16xf32> to vector<16xf32>
        %swap3A_782 = vector.shape_cast %max3A_777 : vector<16xf32> to vector<1x16xf32>
        tpu.vector_store %arg16[%swap3A_778, %swap3A_779], %swap3A_782 {strides = array<i32>} : memref<128x128xf32, #tpu.memory_space<vmem>>, vector<1x16xf32>,
        %get3A_783 = arith.index_cast %add3A_692 : i32 to index
        %get3A_784 = arith.constant 80 : index
        %get3A_785 = tpu.vector_load %arg12[%get3A_783, %get3A_784] {strides = array<i32>} : memref<128x128xf32, #tpu.memory_space<vmem>>, vector<1x16xf32>,
        %get3A_786 = vector.shape_cast %get3A_785 : vector<1x16xf32> to vector<16xf32>
        %get3A_787 = arith.index_cast %add3A_692 : i32 to index
        %get3A_788 = arith.constant 80 : index
        %get3A_789 = tpu.vector_load %arg14[%get3A_787, %get3A_788] {strides = array<i32>} : memref<128x128xf32, #tpu.memory_space<vmem>>, vector<1x16xf32>,
        %get3A_790 = vector.shape_cast %get3A_789 : vector<1x16xf32> to vector<16xf32>
        %add3A_791 = arith.addf %get3A_786, %get3A_790 : vector<16xf32>
        %mul3A_792 = arith.constant 0.00999999977 : f32
        %mul3A_793 = vector.broadcast %mul3A_792 : f32 to vector<16xf32>
        %mul3A_794 = arith.mulf %add3A_791, %mul3A_793 : vector<16xf32>
        %max3A_795 = arith.maximumf %add3A_791, %mul3A_794 : vector<16xf32>
        %swap3A_796 = arith.index_cast %add3A_692 : i32 to index
        %swap3A_797 = arith.constant 80 : index
        %swap3A_798 = tpu.vector_load %arg16[%swap3A_796, %swap3A_797] {strides = array<i32>} : memref<128x128xf32, #tpu.memory_space<vmem>>, vector<1x16xf32>,
        %swap3A_799 = vector.shape_cast %swap3A_798 : vector<1x16xf32> to vector<16xf32>
        %swap3A_800 = vector.shape_cast %max3A_795 : vector<16xf32> to vector<1x16xf32>
        tpu.vector_store %arg16[%swap3A_796, %swap3A_797], %swap3A_800 {strides = array<i32>} : memref<128x128xf32, #tpu.memory_space<vmem>>, vector<1x16xf32>,
        %get3A_801 = arith.index_cast %add3A_692 : i32 to index
        %get3A_802 = arith.constant 96 : index
        %get3A_803 = tpu.vector_load %arg12[%get3A_801, %get3A_802] {strides = array<i32>} : memref<128x128xf32, #tpu.memory_space<vmem>>, vector<1x16xf32>,
        %get3A_804 = vector.shape_cast %get3A_803 : vector<1x16xf32> to vector<16xf32>
        %get3A_805 = arith.index_cast %add3A_692 : i32 to index
        %get3A_806 = arith.constant 96 : index
        %get3A_807 = tpu.vector_load %arg14[%get3A_805, %get3A_806] {strides = array<i32>} : memref<128x128xf32, #tpu.memory_space<vmem>>, vector<1x16xf32>,
        %get3A_808 = vector.shape_cast %get3A_807 : vector<1x16xf32> to vector<16xf32>
        %add3A_809 = arith.addf %get3A_804, %get3A_808 : vector<16xf32>
        %mul3A_810 = arith.constant 0.00999999977 : f32
        %mul3A_811 = vector.broadcast %mul3A_810 : f32 to vector<16xf32>
        %mul3A_812 = arith.mulf %add3A_809, %mul3A_811 : vector<16xf32>
        %max3A_813 = arith.maximumf %add3A_809, %mul3A_812 : vector<16xf32>
        %swap3A_814 = arith.index_cast %add3A_692 : i32 to index
        %swap3A_815 = arith.constant 96 : index
        %swap3A_816 = tpu.vector_load %arg16[%swap3A_814, %swap3A_815] {strides = array<i32>} : memref<128x128xf32, #tpu.memory_space<vmem>>, vector<1x16xf32>,
        %swap3A_817 = vector.shape_cast %swap3A_816 : vector<1x16xf32> to vector<16xf32>
        %swap3A_818 = vector.shape_cast %max3A_813 : vector<16xf32> to vector<1x16xf32>
        tpu.vector_store %arg16[%swap3A_814, %swap3A_815], %swap3A_818 {strides = array<i32>} : memref<128x128xf32, #tpu.memory_space<vmem>>, vector<1x16xf32>,
        %get3A_819 = arith.index_cast %add3A_692 : i32 to index
        %get3A_820 = arith.constant 112 : index
        %get3A_821 = tpu.vector_load %arg12[%get3A_819, %get3A_820] {strides = array<i32>} : memref<128x128xf32, #tpu.memory_space<vmem>>, vector<1x16xf32>,
        %get3A_822 = vector.shape_cast %get3A_821 : vector<1x16xf32> to vector<16xf32>
        %get3A_823 = arith.index_cast %add3A_692 : i32 to index
        %get3A_824 = arith.constant 112 : index
        %get3A_825 = tpu.vector_load %arg14[%get3A_823, %get3A_824] {strides = array<i32>} : memref<128x128xf32, #tpu.memory_space<vmem>>, vector<1x16xf32>,
        %get3A_826 = vector.shape_cast %get3A_825 : vector<1x16xf32> to vector<16xf32>
        %add3A_827 = arith.addf %get3A_822, %get3A_826 : vector<16xf32>
        %mul3A_828 = arith.constant 0.00999999977 : f32
        %mul3A_829 = vector.broadcast %mul3A_828 : f32 to vector<16xf32>
        %mul3A_830 = arith.mulf %add3A_827, %mul3A_829 : vector<16xf32>
        %max3A_831 = arith.maximumf %add3A_827, %mul3A_830 : vector<16xf32>
        %swap3A_832 = arith.index_cast %add3A_692 : i32 to index
        %swap3A_833 = arith.constant 112 : index
        %swap3A_834 = tpu.vector_load %arg16[%swap3A_832, %swap3A_833] {strides = array<i32>} : memref<128x128xf32, #tpu.memory_space<vmem>>, vector<1x16xf32>,
        %swap3A_835 = vector.shape_cast %swap3A_834 : vector<1x16xf32> to vector<16xf32>
        %swap3A_836 = vector.shape_cast %max3A_831 : vector<16xf32> to vector<1x16xf32>
        tpu.vector_store %arg16[%swap3A_832, %swap3A_833], %swap3A_836 {strides = array<i32>} : memref<128x128xf32, #tpu.memory_space<vmem>>, vector<1x16xf32>,
      }
      %scan3A_239 = arith.constant 32 : i32
      %add3A_240 = arith.constant 1 : i32
      %add3A_241 = arith.addi %add3A_143, %add3A_240 : i32
      %mul3A_242 = arith.constant 128 : i32
      %mul3A_243 = arith.muli %add3A, %mul3A_242 : i32
      %add3A_244 = arith.addi %mul3A_243, %add3A_241 : i32
      %mul3A_245 = arith.constant 128 : i32
      %mul3A_246 = arith.muli %add3A_244, %mul3A_245 : i32
      %dma_start3A_247 = arith.constant 0 : i32
      %dma_start3A_248 = tpu.memref_slice %arg6[%mul3A_246, %dma_start3A_247] : memref<524288x128xf32, #tpu.memory_space<hbm>> -> memref<128x128xf32, #tpu.memory_space<hbm>>
      %dma_start3A_249 = arith.constant 0 : i32
      %dma_start3A_250 = tpu.memref_slice %arg6[%mul3A_246, %dma_start3A_249] : memref<524288x128xf32, #tpu.memory_space<hbm>> -> memref<128x128xf32, #tpu.memory_space<hbm>>
      tpu.enqueue_dma source(%arg16 : memref<128x128xf32, #tpu.memory_space<vmem>>) target(%dma_start3A_250 : memref<128x128xf32, #tpu.memory_space<hbm>>) target_semaphore(%arg24 : memref<!tpu.dma_semaphore, #tpu.memory_space<semaphore_mem>>)
    }
    %scan3A_40 = arith.constant 63 : i32
    %dma_wait3A_41 = arith.constant 0 : i32
    %dma_wait3A_42 = arith.constant 0 : i32
    %dma_wait3A_43 = tpu.memref_slice %arg17[%dma_wait3A_41, %dma_wait3A_42] : memref<1032x128xf32, #tpu.memory_space<vmem_shared>> -> memref<1032x128xf32, #tpu.memory_space<vmem_shared>>
    tpu.wait_indirect_dma semaphore(%arg21 : memref<!tpu.dma_semaphore, #tpu.memory_space<semaphore_mem>>) src(%dma_wait3A_43 : memref<1032x128xf32, #tpu.memory_space<vmem_shared>>) dst(%arg11 : memref<128x128xf32, #tpu.memory_space<vmem>>)
    %dma_wait3A_44 = arith.constant 0 : i32
    %dma_wait3A_45 = arith.constant 0 : i32
    %dma_wait3A_46 = tpu.memref_slice %arg18[%dma_wait3A_44, %dma_wait3A_45] : memref<1032x128xf32, #tpu.memory_space<vmem_shared>> -> memref<1032x128xf32, #tpu.memory_space<vmem_shared>>
    tpu.wait_indirect_dma semaphore(%arg21 : memref<!tpu.dma_semaphore, #tpu.memory_space<semaphore_mem>>) src(%dma_wait3A_46 : memref<1032x128xf32, #tpu.memory_space<vmem_shared>>) dst(%arg13 : memref<128x128xf32, #tpu.memory_space<vmem>>)
    %mul3A_47 = arith.constant 128 : i32
    %mul3A_48 = arith.muli %add3A, %mul3A_47 : i32
    %add3A_49 = arith.constant 127 : i32
    %add3A_50 = arith.addi %mul3A_48, %add3A_49 : i32
    %mul3A_51 = arith.constant 128 : i32
    %mul3A_52 = arith.muli %add3A_50, %mul3A_51 : i32
    %dma_wait3A_53 = tpu.memref_slice %arg4[%mul3A_52] : memref<524288xi32, #tpu.memory_space<hbm>> -> memref<128xi32, #tpu.memory_space<hbm>>
    %dma_wait3A_54 = tpu.memref_slice %arg4[%mul3A_52] : memref<524288xi32, #tpu.memory_space<hbm>> -> memref<128xi32, #tpu.memory_space<hbm>>
    tpu.wait_dma2 semaphore(%arg20 : memref<!tpu.dma_semaphore, #tpu.memory_space<semaphore_mem>>) src(%dma_wait3A_54 : memref<128xi32, #tpu.memory_space<hbm>>) dst(%arg8 : memref<128xi32, #tpu.memory_space<vmem>>)
    %dma_wait3A_55 = tpu.memref_slice %arg5[%mul3A_52] : memref<524288xi32, #tpu.memory_space<hbm>> -> memref<128xi32, #tpu.memory_space<hbm>>
    %dma_wait3A_56 = tpu.memref_slice %arg5[%mul3A_52] : memref<524288xi32, #tpu.memory_space<hbm>> -> memref<128xi32, #tpu.memory_space<hbm>>
    tpu.wait_dma2 semaphore(%arg20 : memref<!tpu.dma_semaphore, #tpu.memory_space<semaphore_mem>>) src(%dma_wait3A_56 : memref<128xi32, #tpu.memory_space<hbm>>) dst(%arg10 : memref<128xi32, #tpu.memory_space<vmem>>)
    %dma_start3A_57 = arith.constant 0 : i32
    %dma_start3A_58 = arith.constant 0 : i32
    %dma_start3A_59 = tpu.memref_slice %arg17[%dma_start3A_57, %dma_start3A_58] : memref<1032x128xf32, #tpu.memory_space<vmem_shared>> -> memref<1032x128xf32, #tpu.memory_space<vmem_shared>>
    tpu.enqueue_indirect_dma source(%dma_start3A_59 : memref<1032x128xf32, #tpu.memory_space<vmem_shared>>) target(%arg12 : memref<128x128xf32, #tpu.memory_space<vmem>>) offsets(%arg8 : memref<128xi32, #tpu.memory_space<vmem>>) semaphore(%arg22 : memref<!tpu.dma_semaphore, #tpu.memory_space<semaphore_mem>>)
    %dma_start3A_60 = arith.constant 0 : i32
    %dma_start3A_61 = arith.constant 0 : i32
    %dma_start3A_62 = tpu.memref_slice %arg18[%dma_start3A_60, %dma_start3A_61] : memref<1032x128xf32, #tpu.memory_space<vmem_shared>> -> memref<1032x128xf32, #tpu.memory_space<vmem_shared>>
    tpu.enqueue_indirect_dma source(%dma_start3A_62 : memref<1032x128xf32, #tpu.memory_space<vmem_shared>>) target(%arg14 : memref<128x128xf32, #tpu.memory_space<vmem>>) offsets(%arg10 : memref<128xi32, #tpu.memory_space<vmem>>) semaphore(%arg22 : memref<!tpu.dma_semaphore, #tpu.memory_space<semaphore_mem>>)
    %mul3A_63 = arith.constant 128 : i32
    %mul3A_64 = arith.muli %add3A, %mul3A_63 : i32
    %add3A_65 = arith.constant 124 : i32
    %add3A_66 = arith.addi %mul3A_64, %add3A_65 : i32
    %mul3A_67 = arith.constant 128 : i32
    %mul3A_68 = arith.muli %add3A_66, %mul3A_67 : i32
    %dma_wait3A_69 = arith.constant 0 : i32
    %dma_wait3A_70 = tpu.memref_slice %arg6[%mul3A_68, %dma_wait3A_69] : memref<524288x128xf32, #tpu.memory_space<hbm>> -> memref<128x128xf32, #tpu.memory_space<hbm>>
    %dma_wait3A_71 = arith.constant 0 : i32
    %dma_wait3A_72 = tpu.memref_slice %arg6[%mul3A_68, %dma_wait3A_71] : memref<524288x128xf32, #tpu.memory_space<hbm>> -> memref<128x128xf32, #tpu.memory_space<hbm>>
    tpu.wait_dma2 semaphore(%arg23 : memref<!tpu.dma_semaphore, #tpu.memory_space<semaphore_mem>>) src(%arg15 : memref<128x128xf32, #tpu.memory_space<vmem>>) dst(%dma_wait3A_72 : memref<128x128xf32, #tpu.memory_space<hbm>>)
    %scan3A_73 = arith.constant 0 : i32
    %scan3A_74 = arith.constant 32 : i32
    %scan3A_75 = arith.addi %scan3A_73, %scan3A_74 : i32
    %scan3A_76 = arith.constant 1 : i32
    scf.for %scan3A_139 = %scan3A_73 to %scan3A_75 step %scan3A_76  : i32 {
      %mul3A_140 = arith.constant 4 : i32
      %mul3A_141 = arith.muli %scan3A_139, %mul3A_140 : i32
      %add3A_142 = arith.constant 0 : i32
      %add3A_143 = arith.addi %add3A_142, %mul3A_141 : i32
      %add3A_144 = arith.constant 0 : i32
      %add3A_145 = arith.addi %add3A_143, %add3A_144 : i32
      %get3A = arith.index_cast %add3A_145 : i32 to index
      %get3A_146 = arith.constant 0 : index
      %get3A_147 = tpu.vector_load %arg11[%get3A, %get3A_146] {strides = array<i32>} : memref<128x128xf32, #tpu.memory_space<vmem>>, vector<1x16xf32>,
      %get3A_148 = vector.shape_cast %get3A_147 : vector<1x16xf32> to vector<16xf32>
      %get3A_149 = arith.index_cast %add3A_145 : i32 to index
      %get3A_150 = arith.constant 0 : index
      %get3A_151 = tpu.vector_load %arg13[%get3A_149, %get3A_150] {strides = array<i32>} : memref<128x128xf32, #tpu.memory_space<vmem>>, vector<1x16xf32>,
      %get3A_152 = vector.shape_cast %get3A_151 : vector<1x16xf32> to vector<16xf32>
      %add3A_153 = arith.addf %get3A_148, %get3A_152 : vector<16xf32>
      %mul3A_154 = arith.constant 0.00999999977 : f32
      %mul3A_155 = vector.broadcast %mul3A_154 : f32 to vector<16xf32>
      %mul3A_156 = arith.mulf %add3A_153, %mul3A_155 : vector<16xf32>
      %max3A = arith.maximumf %add3A_153, %mul3A_156 : vector<16xf32>
      %swap3A = arith.index_cast %add3A_145 : i32 to index
      %swap3A_157 = arith.constant 0 : index
      %swap3A_158 = tpu.vector_load %arg15[%swap3A, %swap3A_157] {strides = array<i32>} : memref<128x128xf32, #tpu.memory_space<vmem>>, vector<1x16xf32>,
      %swap3A_159 = vector.shape_cast %swap3A_158 : vector<1x16xf32> to vector<16xf32>
      %swap3A_160 = vector.shape_cast %max3A : vector<16xf32> to vector<1x16xf32>
      tpu.vector_store %arg15[%swap3A, %swap3A_157], %swap3A_160 {strides = array<i32>} : memref<128x128xf32, #tpu.memory_space<vmem>>, vector<1x16xf32>,
      %get3A_161 = arith.index_cast %add3A_145 : i32 to index
      %get3A_162 = arith.constant 16 : index
      %get3A_163 = tpu.vector_load %arg11[%get3A_161, %get3A_162] {strides = array<i32>} : memref<128x128xf32, #tpu.memory_space<vmem>>, vector<1x16xf32>,
      %get3A_164 = vector.shape_cast %get3A_163 : vector<1x16xf32> to vector<16xf32>
      %get3A_165 = arith.index_cast %add3A_145 : i32 to index
      %get3A_166 = arith.constant 16 : index
      %get3A_167 = tpu.vector_load %arg13[%get3A_165, %get3A_166] {strides = array<i32>} : memref<128x128xf32, #tpu.memory_space<vmem>>, vector<1x16xf32>,
      %get3A_168 = vector.shape_cast %get3A_167 : vector<1x16xf32> to vector<16xf32>
      %add3A_169 = arith.addf %get3A_164, %get3A_168 : vector<16xf32>
      %mul3A_170 = arith.constant 0.00999999977 : f32
      %mul3A_171 = vector.broadcast %mul3A_170 : f32 to vector<16xf32>
      %mul3A_172 = arith.mulf %add3A_169, %mul3A_171 : vector<16xf32>
      %max3A_173 = arith.maximumf %add3A_169, %mul3A_172 : vector<16xf32>
      %swap3A_174 = arith.index_cast %add3A_145 : i32 to index
      %swap3A_175 = arith.constant 16 : index
      %swap3A_176 = tpu.vector_load %arg15[%swap3A_174, %swap3A_175] {strides = array<i32>} : memref<128x128xf32, #tpu.memory_space<vmem>>, vector<1x16xf32>,
      %swap3A_177 = vector.shape_cast %swap3A_176 : vector<1x16xf32> to vector<16xf32>
      %swap3A_178 = vector.shape_cast %max3A_173 : vector<16xf32> to vector<1x16xf32>
      tpu.vector_store %arg15[%swap3A_174, %swap3A_175], %swap3A_178 {strides = array<i32>} : memref<128x128xf32, #tpu.memory_space<vmem>>, vector<1x16xf32>,
      %get3A_179 = arith.index_cast %add3A_145 : i32 to index
      %get3A_180 = arith.constant 32 : index
      %get3A_181 = tpu.vector_load %arg11[%get3A_179, %get3A_180] {strides = array<i32>} : memref<128x128xf32, #tpu.memory_space<vmem>>, vector<1x16xf32>,
      %get3A_182 = vector.shape_cast %get3A_181 : vector<1x16xf32> to vector<16xf32>
      %get3A_183 = arith.index_cast %add3A_145 : i32 to index
      %get3A_184 = arith.constant 32 : index
      %get3A_185 = tpu.vector_load %arg13[%get3A_183, %get3A_184] {strides = array<i32>} : memref<128x128xf32, #tpu.memory_space<vmem>>, vector<1x16xf32>,
      %get3A_186 = vector.shape_cast %get3A_185 : vector<1x16xf32> to vector<16xf32>
      %add3A_187 = arith.addf %get3A_182, %get3A_186 : vector<16xf32>
      %mul3A_188 = arith.constant 0.00999999977 : f32
      %mul3A_189 = vector.broadcast %mul3A_188 : f32 to vector<16xf32>
      %mul3A_190 = arith.mulf %add3A_187, %mul3A_189 : vector<16xf32>
      %max3A_191 = arith.maximumf %add3A_187, %mul3A_190 : vector<16xf32>
      %swap3A_192 = arith.index_cast %add3A_145 : i32 to index
      %swap3A_193 = arith.constant 32 : index
      %swap3A_194 = tpu.vector_load %arg15[%swap3A_192, %swap3A_193] {strides = array<i32>} : memref<128x128xf32, #tpu.memory_space<vmem>>, vector<1x16xf32>,
      %swap3A_195 = vector.shape_cast %swap3A_194 : vector<1x16xf32> to vector<16xf32>
      %swap3A_196 = vector.shape_cast %max3A_191 : vector<16xf32> to vector<1x16xf32>
      tpu.vector_store %arg15[%swap3A_192, %swap3A_193], %swap3A_196 {strides = array<i32>} : memref<128x128xf32, #tpu.memory_space<vmem>>, vector<1x16xf32>,
      %get3A_197 = arith.index_cast %add3A_145 : i32 to index
      %get3A_198 = arith.constant 48 : index
      %get3A_199 = tpu.vector_load %arg11[%get3A_197, %get3A_198] {strides = array<i32>} : memref<128x128xf32, #tpu.memory_space<vmem>>, vector<1x16xf32>,
      %get3A_200 = vector.shape_cast %get3A_199 : vector<1x16xf32> to vector<16xf32>
      %get3A_201 = arith.index_cast %add3A_145 : i32 to index
      %get3A_202 = arith.constant 48 : index
      %get3A_203 = tpu.vector_load %arg13[%get3A_201, %get3A_202] {strides = array<i32>} : memref<128x128xf32, #tpu.memory_space<vmem>>, vector<1x16xf32>,
      %get3A_204 = vector.shape_cast %get3A_203 : vector<1x16xf32> to vector<16xf32>
      %add3A_205 = arith.addf %get3A_200, %get3A_204 : vector<16xf32>
      %mul3A_206 = arith.constant 0.00999999977 : f32
      %mul3A_207 = vector.broadcast %mul3A_206 : f32 to vector<16xf32>
      %mul3A_208 = arith.mulf %add3A_205, %mul3A_207 : vector<16xf32>
      %max3A_209 = arith.maximumf %add3A_205, %mul3A_208 : vector<16xf32>
      %swap3A_210 = arith.index_cast %add3A_145 : i32 to index
      %swap3A_211 = arith.constant 48 : index
      %swap3A_212 = tpu.vector_load %arg15[%swap3A_210, %swap3A_211] {strides = array<i32>} : memref<128x128xf32, #tpu.memory_space<vmem>>, vector<1x16xf32>,
      %swap3A_213 = vector.shape_cast %swap3A_212 : vector<1x16xf32> to vector<16xf32>
      %swap3A_214 = vector.shape_cast %max3A_209 : vector<16xf32> to vector<1x16xf32>
      tpu.vector_store %arg15[%swap3A_210, %swap3A_211], %swap3A_214 {strides = array<i32>} : memref<128x128xf32, #tpu.memory_space<vmem>>, vector<1x16xf32>,
      %get3A_215 = arith.index_cast %add3A_145 : i32 to index
      %get3A_216 = arith.constant 64 : index
      %get3A_217 = tpu.vector_load %arg11[%get3A_215, %get3A_216] {strides = array<i32>} : memref<128x128xf32, #tpu.memory_space<vmem>>, vector<1x16xf32>,
      %get3A_218 = vector.shape_cast %get3A_217 : vector<1x16xf32> to vector<16xf32>
      %get3A_219 = arith.index_cast %add3A_145 : i32 to index
      %get3A_220 = arith.constant 64 : index
      %get3A_221 = tpu.vector_load %arg13[%get3A_219, %get3A_220] {strides = array<i32>} : memref<128x128xf32, #tpu.memory_space<vmem>>, vector<1x16xf32>,
      %get3A_222 = vector.shape_cast %get3A_221 : vector<1x16xf32> to vector<16xf32>
      %add3A_223 = arith.addf %get3A_218, %get3A_222 : vector<16xf32>
      %mul3A_224 = arith.constant 0.00999999977 : f32
      %mul3A_225 = vector.broadcast %mul3A_224 : f32 to vector<16xf32>
      %mul3A_226 = arith.mulf %add3A_223, %mul3A_225 : vector<16xf32>
      %max3A_227 = arith.maximumf %add3A_223, %mul3A_226 : vector<16xf32>
      %swap3A_228 = arith.index_cast %add3A_145 : i32 to index
      %swap3A_229 = arith.constant 64 : index
      %swap3A_230 = tpu.vector_load %arg15[%swap3A_228, %swap3A_229] {strides = array<i32>} : memref<128x128xf32, #tpu.memory_space<vmem>>, vector<1x16xf32>,
      %swap3A_231 = vector.shape_cast %swap3A_230 : vector<1x16xf32> to vector<16xf32>
      %swap3A_232 = vector.shape_cast %max3A_227 : vector<16xf32> to vector<1x16xf32>
      tpu.vector_store %arg15[%swap3A_228, %swap3A_229], %swap3A_232 {strides = array<i32>} : memref<128x128xf32, #tpu.memory_space<vmem>>, vector<1x16xf32>,
      %get3A_233 = arith.index_cast %add3A_145 : i32 to index
      %get3A_234 = arith.constant 80 : index
      %get3A_235 = tpu.vector_load %arg11[%get3A_233, %get3A_234] {strides = array<i32>} : memref<128x128xf32, #tpu.memory_space<vmem>>, vector<1x16xf32>,
      %get3A_236 = vector.shape_cast %get3A_235 : vector<1x16xf32> to vector<16xf32>
      %get3A_237 = arith.index_cast %add3A_145 : i32 to index
      %get3A_238 = arith.constant 80 : index
      %get3A_239 = tpu.vector_load %arg13[%get3A_237, %get3A_238] {strides = array<i32>} : memref<128x128xf32, #tpu.memory_space<vmem>>, vector<1x16xf32>,
      %get3A_240 = vector.shape_cast %get3A_239 : vector<1x16xf32> to vector<16xf32>
      %add3A_241 = arith.addf %get3A_236, %get3A_240 : vector<16xf32>
      %mul3A_242 = arith.constant 0.00999999977 : f32
      %mul3A_243 = vector.broadcast %mul3A_242 : f32 to vector<16xf32>
      %mul3A_244 = arith.mulf %add3A_241, %mul3A_243 : vector<16xf32>
      %max3A_245 = arith.maximumf %add3A_241, %mul3A_244 : vector<16xf32>
      %swap3A_246 = arith.index_cast %add3A_145 : i32 to index
      %swap3A_247 = arith.constant 80 : index
      %swap3A_248 = tpu.vector_load %arg15[%swap3A_246, %swap3A_247] {strides = array<i32>} : memref<128x128xf32, #tpu.memory_space<vmem>>, vector<1x16xf32>,
      %swap3A_249 = vector.shape_cast %swap3A_248 : vector<1x16xf32> to vector<16xf32>
      %swap3A_250 = vector.shape_cast %max3A_245 : vector<16xf32> to vector<1x16xf32>
      tpu.vector_store %arg15[%swap3A_246, %swap3A_247], %swap3A_250 {strides = array<i32>} : memref<128x128xf32, #tpu.memory_space<vmem>>, vector<1x16xf32>,
      %get3A_251 = arith.index_cast %add3A_145 : i32 to index
      %get3A_252 = arith.constant 96 : index
      %get3A_253 = tpu.vector_load %arg11[%get3A_251, %get3A_252] {strides = array<i32>} : memref<128x128xf32, #tpu.memory_space<vmem>>, vector<1x16xf32>,
      %get3A_254 = vector.shape_cast %get3A_253 : vector<1x16xf32> to vector<16xf32>
      %get3A_255 = arith.index_cast %add3A_145 : i32 to index
      %get3A_256 = arith.constant 96 : index
      %get3A_257 = tpu.vector_load %arg13[%get3A_255, %get3A_256] {strides = array<i32>} : memref<128x128xf32, #tpu.memory_space<vmem>>, vector<1x16xf32>,
      %get3A_258 = vector.shape_cast %get3A_257 : vector<1x16xf32> to vector<16xf32>
      %add3A_259 = arith.addf %get3A_254, %get3A_258 : vector<16xf32>
      %mul3A_260 = arith.constant 0.00999999977 : f32
      %mul3A_261 = vector.broadcast %mul3A_260 : f32 to vector<16xf32>
      %mul3A_262 = arith.mulf %add3A_259, %mul3A_261 : vector<16xf32>
      %max3A_263 = arith.maximumf %add3A_259, %mul3A_262 : vector<16xf32>
      %swap3A_264 = arith.index_cast %add3A_145 : i32 to index
      %swap3A_265 = arith.constant 96 : index
      %swap3A_266 = tpu.vector_load %arg15[%swap3A_264, %swap3A_265] {strides = array<i32>} : memref<128x128xf32, #tpu.memory_space<vmem>>, vector<1x16xf32>,
      %swap3A_267 = vector.shape_cast %swap3A_266 : vector<1x16xf32> to vector<16xf32>
      %swap3A_268 = vector.shape_cast %max3A_263 : vector<16xf32> to vector<1x16xf32>
      tpu.vector_store %arg15[%swap3A_264, %swap3A_265], %swap3A_268 {strides = array<i32>} : memref<128x128xf32, #tpu.memory_space<vmem>>, vector<1x16xf32>,
      %get3A_269 = arith.index_cast %add3A_145 : i32 to index
      %get3A_270 = arith.constant 112 : index
      %get3A_271 = tpu.vector_load %arg11[%get3A_269, %get3A_270] {strides = array<i32>} : memref<128x128xf32, #tpu.memory_space<vmem>>, vector<1x16xf32>,
      %get3A_272 = vector.shape_cast %get3A_271 : vector<1x16xf32> to vector<16xf32>
      %get3A_273 = arith.index_cast %add3A_145 : i32 to index
      %get3A_274 = arith.constant 112 : index
      %get3A_275 = tpu.vector_load %arg13[%get3A_273, %get3A_274] {strides = array<i32>} : memref<128x128xf32, #tpu.memory_space<vmem>>, vector<1x16xf32>,
      %get3A_276 = vector.shape_cast %get3A_275 : vector<1x16xf32> to vector<16xf32>
      %add3A_277 = arith.addf %get3A_272, %get3A_276 : vector<16xf32>
      %mul3A_278 = arith.constant 0.00999999977 : f32
      %mul3A_279 = vector.broadcast %mul3A_278 : f32 to vector<16xf32>
      %mul3A_280 = arith.mulf %add3A_277, %mul3A_279 : vector<16xf32>
      %max3A_281 = arith.maximumf %add3A_277, %mul3A_280 : vector<16xf32>
      %swap3A_282 = arith.index_cast %add3A_145 : i32 to index
      %swap3A_283 = arith.constant 112 : index
      %swap3A_284 = tpu.vector_load %arg15[%swap3A_282, %swap3A_283] {strides = array<i32>} : memref<128x128xf32, #tpu.memory_space<vmem>>, vector<1x16xf32>,
      %swap3A_285 = vector.shape_cast %swap3A_284 : vector<1x16xf32> to vector<16xf32>
      %swap3A_286 = vector.shape_cast %max3A_281 : vector<16xf32> to vector<1x16xf32>
      tpu.vector_store %arg15[%swap3A_282, %swap3A_283], %swap3A_286 {strides = array<i32>} : memref<128x128xf32, #tpu.memory_space<vmem>>, vector<1x16xf32>,
      %add3A_287 = arith.constant 1 : i32
      %add3A_288 = arith.addi %add3A_143, %add3A_287 : i32
      %get3A_289 = arith.index_cast %add3A_288 : i32 to index
      %get3A_290 = arith.constant 0 : index
      %get3A_291 = tpu.vector_load %arg11[%get3A_289, %get3A_290] {strides = array<i32>} : memref<128x128xf32, #tpu.memory_space<vmem>>, vector<1x16xf32>,
      %get3A_292 = vector.shape_cast %get3A_291 : vector<1x16xf32> to vector<16xf32>
      %get3A_293 = arith.index_cast %add3A_288 : i32 to index
      %get3A_294 = arith.constant 0 : index
      %get3A_295 = tpu.vector_load %arg13[%get3A_293, %get3A_294] {strides = array<i32>} : memref<128x128xf32, #tpu.memory_space<vmem>>, vector<1x16xf32>,
      %get3A_296 = vector.shape_cast %get3A_295 : vector<1x16xf32> to vector<16xf32>
      %add3A_297 = arith.addf %get3A_292, %get3A_296 : vector<16xf32>
      %mul3A_298 = arith.constant 0.00999999977 : f32
      %mul3A_299 = vector.broadcast %mul3A_298 : f32 to vector<16xf32>
      %mul3A_300 = arith.mulf %add3A_297, %mul3A_299 : vector<16xf32>
      %max3A_301 = arith.maximumf %add3A_297, %mul3A_300 : vector<16xf32>
      %swap3A_302 = arith.index_cast %add3A_288 : i32 to index
      %swap3A_303 = arith.constant 0 : index
      %swap3A_304 = tpu.vector_load %arg15[%swap3A_302, %swap3A_303] {strides = array<i32>} : memref<128x128xf32, #tpu.memory_space<vmem>>, vector<1x16xf32>,
      %swap3A_305 = vector.shape_cast %swap3A_304 : vector<1x16xf32> to vector<16xf32>
      %swap3A_306 = vector.shape_cast %max3A_301 : vector<16xf32> to vector<1x16xf32>
      tpu.vector_store %arg15[%swap3A_302, %swap3A_303], %swap3A_306 {strides = array<i32>} : memref<128x128xf32, #tpu.memory_space<vmem>>, vector<1x16xf32>,
      %get3A_307 = arith.index_cast %add3A_288 : i32 to index
      %get3A_308 = arith.constant 16 : index
      %get3A_309 = tpu.vector_load %arg11[%get3A_307, %get3A_308] {strides = array<i32>} : memref<128x128xf32, #tpu.memory_space<vmem>>, vector<1x16xf32>,
      %get3A_310 = vector.shape_cast %get3A_309 : vector<1x16xf32> to vector<16xf32>
      %get3A_311 = arith.index_cast %add3A_288 : i32 to index
      %get3A_312 = arith.constant 16 : index
      %get3A_313 = tpu.vector_load %arg13[%get3A_311, %get3A_312] {strides = array<i32>} : memref<128x128xf32, #tpu.memory_space<vmem>>, vector<1x16xf32>,
      %get3A_314 = vector.shape_cast %get3A_313 : vector<1x16xf32> to vector<16xf32>
      %add3A_315 = arith.addf %get3A_310, %get3A_314 : vector<16xf32>
      %mul3A_316 = arith.constant 0.00999999977 : f32
      %mul3A_317 = vector.broadcast %mul3A_316 : f32 to vector<16xf32>
      %mul3A_318 = arith.mulf %add3A_315, %mul3A_317 : vector<16xf32>
      %max3A_319 = arith.maximumf %add3A_315, %mul3A_318 : vector<16xf32>
      %swap3A_320 = arith.index_cast %add3A_288 : i32 to index
      %swap3A_321 = arith.constant 16 : index
      %swap3A_322 = tpu.vector_load %arg15[%swap3A_320, %swap3A_321] {strides = array<i32>} : memref<128x128xf32, #tpu.memory_space<vmem>>, vector<1x16xf32>,
      %swap3A_323 = vector.shape_cast %swap3A_322 : vector<1x16xf32> to vector<16xf32>
      %swap3A_324 = vector.shape_cast %max3A_319 : vector<16xf32> to vector<1x16xf32>
      tpu.vector_store %arg15[%swap3A_320, %swap3A_321], %swap3A_324 {strides = array<i32>} : memref<128x128xf32, #tpu.memory_space<vmem>>, vector<1x16xf32>,
      %get3A_325 = arith.index_cast %add3A_288 : i32 to index
      %get3A_326 = arith.constant 32 : index
      %get3A_327 = tpu.vector_load %arg11[%get3A_325, %get3A_326] {strides = array<i32>} : memref<128x128xf32, #tpu.memory_space<vmem>>, vector<1x16xf32>,
      %get3A_328 = vector.shape_cast %get3A_327 : vector<1x16xf32> to vector<16xf32>
      %get3A_329 = arith.index_cast %add3A_288 : i32 to index
      %get3A_330 = arith.constant 32 : index
      %get3A_331 = tpu.vector_load %arg13[%get3A_329, %get3A_330] {strides = array<i32>} : memref<128x128xf32, #tpu.memory_space<vmem>>, vector<1x16xf32>,
      %get3A_332 = vector.shape_cast %get3A_331 : vector<1x16xf32> to vector<16xf32>
      %add3A_333 = arith.addf %get3A_328, %get3A_332 : vector<16xf32>
      %mul3A_334 = arith.constant 0.00999999977 : f32
      %mul3A_335 = vector.broadcast %mul3A_334 : f32 to vector<16xf32>
      %mul3A_336 = arith.mulf %add3A_333, %mul3A_335 : vector<16xf32>
      %max3A_337 = arith.maximumf %add3A_333, %mul3A_336 : vector<16xf32>
      %swap3A_338 = arith.index_cast %add3A_288 : i32 to index
      %swap3A_339 = arith.constant 32 : index
      %swap3A_340 = tpu.vector_load %arg15[%swap3A_338, %swap3A_339] {strides = array<i32>} : memref<128x128xf32, #tpu.memory_space<vmem>>, vector<1x16xf32>,
      %swap3A_341 = vector.shape_cast %swap3A_340 : vector<1x16xf32> to vector<16xf32>
      %swap3A_342 = vector.shape_cast %max3A_337 : vector<16xf32> to vector<1x16xf32>
      tpu.vector_store %arg15[%swap3A_338, %swap3A_339], %swap3A_342 {strides = array<i32>} : memref<128x128xf32, #tpu.memory_space<vmem>>, vector<1x16xf32>,
      %get3A_343 = arith.index_cast %add3A_288 : i32 to index
      %get3A_344 = arith.constant 48 : index
      %get3A_345 = tpu.vector_load %arg11[%get3A_343, %get3A_344] {strides = array<i32>} : memref<128x128xf32, #tpu.memory_space<vmem>>, vector<1x16xf32>,
      %get3A_346 = vector.shape_cast %get3A_345 : vector<1x16xf32> to vector<16xf32>
      %get3A_347 = arith.index_cast %add3A_288 : i32 to index
      %get3A_348 = arith.constant 48 : index
      %get3A_349 = tpu.vector_load %arg13[%get3A_347, %get3A_348] {strides = array<i32>} : memref<128x128xf32, #tpu.memory_space<vmem>>, vector<1x16xf32>,
      %get3A_350 = vector.shape_cast %get3A_349 : vector<1x16xf32> to vector<16xf32>
      %add3A_351 = arith.addf %get3A_346, %get3A_350 : vector<16xf32>
      %mul3A_352 = arith.constant 0.00999999977 : f32
      %mul3A_353 = vector.broadcast %mul3A_352 : f32 to vector<16xf32>
      %mul3A_354 = arith.mulf %add3A_351, %mul3A_353 : vector<16xf32>
      %max3A_355 = arith.maximumf %add3A_351, %mul3A_354 : vector<16xf32>
      %swap3A_356 = arith.index_cast %add3A_288 : i32 to index
      %swap3A_357 = arith.constant 48 : index
      %swap3A_358 = tpu.vector_load %arg15[%swap3A_356, %swap3A_357] {strides = array<i32>} : memref<128x128xf32, #tpu.memory_space<vmem>>, vector<1x16xf32>,
      %swap3A_359 = vector.shape_cast %swap3A_358 : vector<1x16xf32> to vector<16xf32>
      %swap3A_360 = vector.shape_cast %max3A_355 : vector<16xf32> to vector<1x16xf32>
      tpu.vector_store %arg15[%swap3A_356, %swap3A_357], %swap3A_360 {strides = array<i32>} : memref<128x128xf32, #tpu.memory_space<vmem>>, vector<1x16xf32>,
      %get3A_361 = arith.index_cast %add3A_288 : i32 to index
      %get3A_362 = arith.constant 64 : index
      %get3A_363 = tpu.vector_load %arg11[%get3A_361, %get3A_362] {strides = array<i32>} : memref<128x128xf32, #tpu.memory_space<vmem>>, vector<1x16xf32>,
      %get3A_364 = vector.shape_cast %get3A_363 : vector<1x16xf32> to vector<16xf32>
      %get3A_365 = arith.index_cast %add3A_288 : i32 to index
      %get3A_366 = arith.constant 64 : index
      %get3A_367 = tpu.vector_load %arg13[%get3A_365, %get3A_366] {strides = array<i32>} : memref<128x128xf32, #tpu.memory_space<vmem>>, vector<1x16xf32>,
      %get3A_368 = vector.shape_cast %get3A_367 : vector<1x16xf32> to vector<16xf32>
      %add3A_369 = arith.addf %get3A_364, %get3A_368 : vector<16xf32>
      %mul3A_370 = arith.constant 0.00999999977 : f32
      %mul3A_371 = vector.broadcast %mul3A_370 : f32 to vector<16xf32>
      %mul3A_372 = arith.mulf %add3A_369, %mul3A_371 : vector<16xf32>
      %max3A_373 = arith.maximumf %add3A_369, %mul3A_372 : vector<16xf32>
      %swap3A_374 = arith.index_cast %add3A_288 : i32 to index
      %swap3A_375 = arith.constant 64 : index
      %swap3A_376 = tpu.vector_load %arg15[%swap3A_374, %swap3A_375] {strides = array<i32>} : memref<128x128xf32, #tpu.memory_space<vmem>>, vector<1x16xf32>,
      %swap3A_377 = vector.shape_cast %swap3A_376 : vector<1x16xf32> to vector<16xf32>
      %swap3A_378 = vector.shape_cast %max3A_373 : vector<16xf32> to vector<1x16xf32>
      tpu.vector_store %arg15[%swap3A_374, %swap3A_375], %swap3A_378 {strides = array<i32>} : memref<128x128xf32, #tpu.memory_space<vmem>>, vector<1x16xf32>,
      %get3A_379 = arith.index_cast %add3A_288 : i32 to index
      %get3A_380 = arith.constant 80 : index
      %get3A_381 = tpu.vector_load %arg11[%get3A_379, %get3A_380] {strides = array<i32>} : memref<128x128xf32, #tpu.memory_space<vmem>>, vector<1x16xf32>,
      %get3A_382 = vector.shape_cast %get3A_381 : vector<1x16xf32> to vector<16xf32>
      %get3A_383 = arith.index_cast %add3A_288 : i32 to index
      %get3A_384 = arith.constant 80 : index
      %get3A_385 = tpu.vector_load %arg13[%get3A_383, %get3A_384] {strides = array<i32>} : memref<128x128xf32, #tpu.memory_space<vmem>>, vector<1x16xf32>,
      %get3A_386 = vector.shape_cast %get3A_385 : vector<1x16xf32> to vector<16xf32>
      %add3A_387 = arith.addf %get3A_382, %get3A_386 : vector<16xf32>
      %mul3A_388 = arith.constant 0.00999999977 : f32
      %mul3A_389 = vector.broadcast %mul3A_388 : f32 to vector<16xf32>
      %mul3A_390 = arith.mulf %add3A_387, %mul3A_389 : vector<16xf32>
      %max3A_391 = arith.maximumf %add3A_387, %mul3A_390 : vector<16xf32>
      %swap3A_392 = arith.index_cast %add3A_288 : i32 to index
      %swap3A_393 = arith.constant 80 : index
      %swap3A_394 = tpu.vector_load %arg15[%swap3A_392, %swap3A_393] {strides = array<i32>} : memref<128x128xf32, #tpu.memory_space<vmem>>, vector<1x16xf32>,
      %swap3A_395 = vector.shape_cast %swap3A_394 : vector<1x16xf32> to vector<16xf32>
      %swap3A_396 = vector.shape_cast %max3A_391 : vector<16xf32> to vector<1x16xf32>
      tpu.vector_store %arg15[%swap3A_392, %swap3A_393], %swap3A_396 {strides = array<i32>} : memref<128x128xf32, #tpu.memory_space<vmem>>, vector<1x16xf32>,
      %get3A_397 = arith.index_cast %add3A_288 : i32 to index
      %get3A_398 = arith.constant 96 : index
      %get3A_399 = tpu.vector_load %arg11[%get3A_397, %get3A_398] {strides = array<i32>} : memref<128x128xf32, #tpu.memory_space<vmem>>, vector<1x16xf32>,
      %get3A_400 = vector.shape_cast %get3A_399 : vector<1x16xf32> to vector<16xf32>
      %get3A_401 = arith.index_cast %add3A_288 : i32 to index
      %get3A_402 = arith.constant 96 : index
      %get3A_403 = tpu.vector_load %arg13[%get3A_401, %get3A_402] {strides = array<i32>} : memref<128x128xf32, #tpu.memory_space<vmem>>, vector<1x16xf32>,
      %get3A_404 = vector.shape_cast %get3A_403 : vector<1x16xf32> to vector<16xf32>
      %add3A_405 = arith.addf %get3A_400, %get3A_404 : vector<16xf32>
      %mul3A_406 = arith.constant 0.00999999977 : f32
      %mul3A_407 = vector.broadcast %mul3A_406 : f32 to vector<16xf32>
      %mul3A_408 = arith.mulf %add3A_405, %mul3A_407 : vector<16xf32>
      %max3A_409 = arith.maximumf %add3A_405, %mul3A_408 : vector<16xf32>
      %swap3A_410 = arith.index_cast %add3A_288 : i32 to index
      %swap3A_411 = arith.constant 96 : index
      %swap3A_412 = tpu.vector_load %arg15[%swap3A_410, %swap3A_411] {strides = array<i32>} : memref<128x128xf32, #tpu.memory_space<vmem>>, vector<1x16xf32>,
      %swap3A_413 = vector.shape_cast %swap3A_412 : vector<1x16xf32> to vector<16xf32>
      %swap3A_414 = vector.shape_cast %max3A_409 : vector<16xf32> to vector<1x16xf32>
      tpu.vector_store %arg15[%swap3A_410, %swap3A_411], %swap3A_414 {strides = array<i32>} : memref<128x128xf32, #tpu.memory_space<vmem>>, vector<1x16xf32>,
      %get3A_415 = arith.index_cast %add3A_288 : i32 to index
      %get3A_416 = arith.constant 112 : index
      %get3A_417 = tpu.vector_load %arg11[%get3A_415, %get3A_416] {strides = array<i32>} : memref<128x128xf32, #tpu.memory_space<vmem>>, vector<1x16xf32>,
      %get3A_418 = vector.shape_cast %get3A_417 : vector<1x16xf32> to vector<16xf32>
      %get3A_419 = arith.index_cast %add3A_288 : i32 to index
      %get3A_420 = arith.constant 112 : index
      %get3A_421 = tpu.vector_load %arg13[%get3A_419, %get3A_420] {strides = array<i32>} : memref<128x128xf32, #tpu.memory_space<vmem>>, vector<1x16xf32>,
      %get3A_422 = vector.shape_cast %get3A_421 : vector<1x16xf32> to vector<16xf32>
      %add3A_423 = arith.addf %get3A_418, %get3A_422 : vector<16xf32>
      %mul3A_424 = arith.constant 0.00999999977 : f32
      %mul3A_425 = vector.broadcast %mul3A_424 : f32 to vector<16xf32>
      %mul3A_426 = arith.mulf %add3A_423, %mul3A_425 : vector<16xf32>
      %max3A_427 = arith.maximumf %add3A_423, %mul3A_426 : vector<16xf32>
      %swap3A_428 = arith.index_cast %add3A_288 : i32 to index
      %swap3A_429 = arith.constant 112 : index
      %swap3A_430 = tpu.vector_load %arg15[%swap3A_428, %swap3A_429] {strides = array<i32>} : memref<128x128xf32, #tpu.memory_space<vmem>>, vector<1x16xf32>,
      %swap3A_431 = vector.shape_cast %swap3A_430 : vector<1x16xf32> to vector<16xf32>
      %swap3A_432 = vector.shape_cast %max3A_427 : vector<16xf32> to vector<1x16xf32>
      tpu.vector_store %arg15[%swap3A_428, %swap3A_429], %swap3A_432 {strides = array<i32>} : memref<128x128xf32, #tpu.memory_space<vmem>>, vector<1x16xf32>,
      %add3A_433 = arith.constant 2 : i32
      %add3A_434 = arith.addi %add3A_143, %add3A_433 : i32
      %get3A_435 = arith.index_cast %add3A_434 : i32 to index
      %get3A_436 = arith.constant 0 : index
      %get3A_437 = tpu.vector_load %arg11[%get3A_435, %get3A_436] {strides = array<i32>} : memref<128x128xf32, #tpu.memory_space<vmem>>, vector<1x16xf32>,
      %get3A_438 = vector.shape_cast %get3A_437 : vector<1x16xf32> to vector<16xf32>
      %get3A_439 = arith.index_cast %add3A_434 : i32 to index
      %get3A_440 = arith.constant 0 : index
      %get3A_441 = tpu.vector_load %arg13[%get3A_439, %get3A_440] {strides = array<i32>} : memref<128x128xf32, #tpu.memory_space<vmem>>, vector<1x16xf32>,
      %get3A_442 = vector.shape_cast %get3A_441 : vector<1x16xf32> to vector<16xf32>
      %add3A_443 = arith.addf %get3A_438, %get3A_442 : vector<16xf32>
      %mul3A_444 = arith.constant 0.00999999977 : f32
      %mul3A_445 = vector.broadcast %mul3A_444 : f32 to vector<16xf32>
      %mul3A_446 = arith.mulf %add3A_443, %mul3A_445 : vector<16xf32>
      %max3A_447 = arith.maximumf %add3A_443, %mul3A_446 : vector<16xf32>
      %swap3A_448 = arith.index_cast %add3A_434 : i32 to index
      %swap3A_449 = arith.constant 0 : index
      %swap3A_450 = tpu.vector_load %arg15[%swap3A_448, %swap3A_449] {strides = array<i32>} : memref<128x128xf32, #tpu.memory_space<vmem>>, vector<1x16xf32>,
      %swap3A_451 = vector.shape_cast %swap3A_450 : vector<1x16xf32> to vector<16xf32>
      %swap3A_452 = vector.shape_cast %max3A_447 : vector<16xf32> to vector<1x16xf32>
      tpu.vector_store %arg15[%swap3A_448, %swap3A_449], %swap3A_452 {strides = array<i32>} : memref<128x128xf32, #tpu.memory_space<vmem>>, vector<1x16xf32>,
      %get3A_453 = arith.index_cast %add3A_434 : i32 to index
      %get3A_454 = arith.constant 16 : index
      %get3A_455 = tpu.vector_load %arg11[%get3A_453, %get3A_454] {strides = array<i32>} : memref<128x128xf32, #tpu.memory_space<vmem>>, vector<1x16xf32>,
      %get3A_456 = vector.shape_cast %get3A_455 : vector<1x16xf32> to vector<16xf32>
      %get3A_457 = arith.index_cast %add3A_434 : i32 to index
      %get3A_458 = arith.constant 16 : index
      %get3A_459 = tpu.vector_load %arg13[%get3A_457, %get3A_458] {strides = array<i32>} : memref<128x128xf32, #tpu.memory_space<vmem>>, vector<1x16xf32>,
      %get3A_460 = vector.shape_cast %get3A_459 : vector<1x16xf32> to vector<16xf32>
      %add3A_461 = arith.addf %get3A_456, %get3A_460 : vector<16xf32>
      %mul3A_462 = arith.constant 0.00999999977 : f32
      %mul3A_463 = vector.broadcast %mul3A_462 : f32 to vector<16xf32>
      %mul3A_464 = arith.mulf %add3A_461, %mul3A_463 : vector<16xf32>
      %max3A_465 = arith.maximumf %add3A_461, %mul3A_464 : vector<16xf32>
      %swap3A_466 = arith.index_cast %add3A_434 : i32 to index
      %swap3A_467 = arith.constant 16 : index
      %swap3A_468 = tpu.vector_load %arg15[%swap3A_466, %swap3A_467] {strides = array<i32>} : memref<128x128xf32, #tpu.memory_space<vmem>>, vector<1x16xf32>,
      %swap3A_469 = vector.shape_cast %swap3A_468 : vector<1x16xf32> to vector<16xf32>
      %swap3A_470 = vector.shape_cast %max3A_465 : vector<16xf32> to vector<1x16xf32>
      tpu.vector_store %arg15[%swap3A_466, %swap3A_467], %swap3A_470 {strides = array<i32>} : memref<128x128xf32, #tpu.memory_space<vmem>>, vector<1x16xf32>,
      %get3A_471 = arith.index_cast %add3A_434 : i32 to index
      %get3A_472 = arith.constant 32 : index
      %get3A_473 = tpu.vector_load %arg11[%get3A_471, %get3A_472] {strides = array<i32>} : memref<128x128xf32, #tpu.memory_space<vmem>>, vector<1x16xf32>,
      %get3A_474 = vector.shape_cast %get3A_473 : vector<1x16xf32> to vector<16xf32>
      %get3A_475 = arith.index_cast %add3A_434 : i32 to index
      %get3A_476 = arith.constant 32 : index
      %get3A_477 = tpu.vector_load %arg13[%get3A_475, %get3A_476] {strides = array<i32>} : memref<128x128xf32, #tpu.memory_space<vmem>>, vector<1x16xf32>,
      %get3A_478 = vector.shape_cast %get3A_477 : vector<1x16xf32> to vector<16xf32>
      %add3A_479 = arith.addf %get3A_474, %get3A_478 : vector<16xf32>
      %mul3A_480 = arith.constant 0.00999999977 : f32
      %mul3A_481 = vector.broadcast %mul3A_480 : f32 to vector<16xf32>
      %mul3A_482 = arith.mulf %add3A_479, %mul3A_481 : vector<16xf32>
      %max3A_483 = arith.maximumf %add3A_479, %mul3A_482 : vector<16xf32>
      %swap3A_484 = arith.index_cast %add3A_434 : i32 to index
      %swap3A_485 = arith.constant 32 : index
      %swap3A_486 = tpu.vector_load %arg15[%swap3A_484, %swap3A_485] {strides = array<i32>} : memref<128x128xf32, #tpu.memory_space<vmem>>, vector<1x16xf32>,
      %swap3A_487 = vector.shape_cast %swap3A_486 : vector<1x16xf32> to vector<16xf32>
      %swap3A_488 = vector.shape_cast %max3A_483 : vector<16xf32> to vector<1x16xf32>
      tpu.vector_store %arg15[%swap3A_484, %swap3A_485], %swap3A_488 {strides = array<i32>} : memref<128x128xf32, #tpu.memory_space<vmem>>, vector<1x16xf32>,
      %get3A_489 = arith.index_cast %add3A_434 : i32 to index
      %get3A_490 = arith.constant 48 : index
      %get3A_491 = tpu.vector_load %arg11[%get3A_489, %get3A_490] {strides = array<i32>} : memref<128x128xf32, #tpu.memory_space<vmem>>, vector<1x16xf32>,
      %get3A_492 = vector.shape_cast %get3A_491 : vector<1x16xf32> to vector<16xf32>
      %get3A_493 = arith.index_cast %add3A_434 : i32 to index
      %get3A_494 = arith.constant 48 : index
      %get3A_495 = tpu.vector_load %arg13[%get3A_493, %get3A_494] {strides = array<i32>} : memref<128x128xf32, #tpu.memory_space<vmem>>, vector<1x16xf32>,
      %get3A_496 = vector.shape_cast %get3A_495 : vector<1x16xf32> to vector<16xf32>
      %add3A_497 = arith.addf %get3A_492, %get3A_496 : vector<16xf32>
      %mul3A_498 = arith.constant 0.00999999977 : f32
      %mul3A_499 = vector.broadcast %mul3A_498 : f32 to vector<16xf32>
      %mul3A_500 = arith.mulf %add3A_497, %mul3A_499 : vector<16xf32>
      %max3A_501 = arith.maximumf %add3A_497, %mul3A_500 : vector<16xf32>
      %swap3A_502 = arith.index_cast %add3A_434 : i32 to index
      %swap3A_503 = arith.constant 48 : index
      %swap3A_504 = tpu.vector_load %arg15[%swap3A_502, %swap3A_503] {strides = array<i32>} : memref<128x128xf32, #tpu.memory_space<vmem>>, vector<1x16xf32>,
      %swap3A_505 = vector.shape_cast %swap3A_504 : vector<1x16xf32> to vector<16xf32>
      %swap3A_506 = vector.shape_cast %max3A_501 : vector<16xf32> to vector<1x16xf32>
      tpu.vector_store %arg15[%swap3A_502, %swap3A_503], %swap3A_506 {strides = array<i32>} : memref<128x128xf32, #tpu.memory_space<vmem>>, vector<1x16xf32>,
      %get3A_507 = arith.index_cast %add3A_434 : i32 to index
      %get3A_508 = arith.constant 64 : index
      %get3A_509 = tpu.vector_load %arg11[%get3A_507, %get3A_508] {strides = array<i32>} : memref<128x128xf32, #tpu.memory_space<vmem>>, vector<1x16xf32>,
      %get3A_510 = vector.shape_cast %get3A_509 : vector<1x16xf32> to vector<16xf32>
      %get3A_511 = arith.index_cast %add3A_434 : i32 to index
      %get3A_512 = arith.constant 64 : index
      %get3A_513 = tpu.vector_load %arg13[%get3A_511, %get3A_512] {strides = array<i32>} : memref<128x128xf32, #tpu.memory_space<vmem>>, vector<1x16xf32>,
      %get3A_514 = vector.shape_cast %get3A_513 : vector<1x16xf32> to vector<16xf32>
      %add3A_515 = arith.addf %get3A_510, %get3A_514 : vector<16xf32>
      %mul3A_516 = arith.constant 0.00999999977 : f32
      %mul3A_517 = vector.broadcast %mul3A_516 : f32 to vector<16xf32>
      %mul3A_518 = arith.mulf %add3A_515, %mul3A_517 : vector<16xf32>
      %max3A_519 = arith.maximumf %add3A_515, %mul3A_518 : vector<16xf32>
      %swap3A_520 = arith.index_cast %add3A_434 : i32 to index
      %swap3A_521 = arith.constant 64 : index
      %swap3A_522 = tpu.vector_load %arg15[%swap3A_520, %swap3A_521] {strides = array<i32>} : memref<128x128xf32, #tpu.memory_space<vmem>>, vector<1x16xf32>,
      %swap3A_523 = vector.shape_cast %swap3A_522 : vector<1x16xf32> to vector<16xf32>
      %swap3A_524 = vector.shape_cast %max3A_519 : vector<16xf32> to vector<1x16xf32>
      tpu.vector_store %arg15[%swap3A_520, %swap3A_521], %swap3A_524 {strides = array<i32>} : memref<128x128xf32, #tpu.memory_space<vmem>>, vector<1x16xf32>,
      %get3A_525 = arith.index_cast %add3A_434 : i32 to index
      %get3A_526 = arith.constant 80 : index
      %get3A_527 = tpu.vector_load %arg11[%get3A_525, %get3A_526] {strides = array<i32>} : memref<128x128xf32, #tpu.memory_space<vmem>>, vector<1x16xf32>,
      %get3A_528 = vector.shape_cast %get3A_527 : vector<1x16xf32> to vector<16xf32>
      %get3A_529 = arith.index_cast %add3A_434 : i32 to index
      %get3A_530 = arith.constant 80 : index
      %get3A_531 = tpu.vector_load %arg13[%get3A_529, %get3A_530] {strides = array<i32>} : memref<128x128xf32, #tpu.memory_space<vmem>>, vector<1x16xf32>,
      %get3A_532 = vector.shape_cast %get3A_531 : vector<1x16xf32> to vector<16xf32>
      %add3A_533 = arith.addf %get3A_528, %get3A_532 : vector<16xf32>
      %mul3A_534 = arith.constant 0.00999999977 : f32
      %mul3A_535 = vector.broadcast %mul3A_534 : f32 to vector<16xf32>
      %mul3A_536 = arith.mulf %add3A_533, %mul3A_535 : vector<16xf32>
      %max3A_537 = arith.maximumf %add3A_533, %mul3A_536 : vector<16xf32>
      %swap3A_538 = arith.index_cast %add3A_434 : i32 to index
      %swap3A_539 = arith.constant 80 : index
      %swap3A_540 = tpu.vector_load %arg15[%swap3A_538, %swap3A_539] {strides = array<i32>} : memref<128x128xf32, #tpu.memory_space<vmem>>, vector<1x16xf32>,
      %swap3A_541 = vector.shape_cast %swap3A_540 : vector<1x16xf32> to vector<16xf32>
      %swap3A_542 = vector.shape_cast %max3A_537 : vector<16xf32> to vector<1x16xf32>
      tpu.vector_store %arg15[%swap3A_538, %swap3A_539], %swap3A_542 {strides = array<i32>} : memref<128x128xf32, #tpu.memory_space<vmem>>, vector<1x16xf32>,
      %get3A_543 = arith.index_cast %add3A_434 : i32 to index
      %get3A_544 = arith.constant 96 : index
      %get3A_545 = tpu.vector_load %arg11[%get3A_543, %get3A_544] {strides = array<i32>} : memref<128x128xf32, #tpu.memory_space<vmem>>, vector<1x16xf32>,
      %get3A_546 = vector.shape_cast %get3A_545 : vector<1x16xf32> to vector<16xf32>
      %get3A_547 = arith.index_cast %add3A_434 : i32 to index
      %get3A_548 = arith.constant 96 : index
      %get3A_549 = tpu.vector_load %arg13[%get3A_547, %get3A_548] {strides = array<i32>} : memref<128x128xf32, #tpu.memory_space<vmem>>, vector<1x16xf32>,
      %get3A_550 = vector.shape_cast %get3A_549 : vector<1x16xf32> to vector<16xf32>
      %add3A_551 = arith.addf %get3A_546, %get3A_550 : vector<16xf32>
      %mul3A_552 = arith.constant 0.00999999977 : f32
      %mul3A_553 = vector.broadcast %mul3A_552 : f32 to vector<16xf32>
      %mul3A_554 = arith.mulf %add3A_551, %mul3A_553 : vector<16xf32>
      %max3A_555 = arith.maximumf %add3A_551, %mul3A_554 : vector<16xf32>
      %swap3A_556 = arith.index_cast %add3A_434 : i32 to index
      %swap3A_557 = arith.constant 96 : index
      %swap3A_558 = tpu.vector_load %arg15[%swap3A_556, %swap3A_557] {strides = array<i32>} : memref<128x128xf32, #tpu.memory_space<vmem>>, vector<1x16xf32>,
      %swap3A_559 = vector.shape_cast %swap3A_558 : vector<1x16xf32> to vector<16xf32>
      %swap3A_560 = vector.shape_cast %max3A_555 : vector<16xf32> to vector<1x16xf32>
      tpu.vector_store %arg15[%swap3A_556, %swap3A_557], %swap3A_560 {strides = array<i32>} : memref<128x128xf32, #tpu.memory_space<vmem>>, vector<1x16xf32>,
      %get3A_561 = arith.index_cast %add3A_434 : i32 to index
      %get3A_562 = arith.constant 112 : index
      %get3A_563 = tpu.vector_load %arg11[%get3A_561, %get3A_562] {strides = array<i32>} : memref<128x128xf32, #tpu.memory_space<vmem>>, vector<1x16xf32>,
      %get3A_564 = vector.shape_cast %get3A_563 : vector<1x16xf32> to vector<16xf32>
      %get3A_565 = arith.index_cast %add3A_434 : i32 to index
      %get3A_566 = arith.constant 112 : index
      %get3A_567 = tpu.vector_load %arg13[%get3A_565, %get3A_566] {strides = array<i32>} : memref<128x128xf32, #tpu.memory_space<vmem>>, vector<1x16xf32>,
      %get3A_568 = vector.shape_cast %get3A_567 : vector<1x16xf32> to vector<16xf32>
      %add3A_569 = arith.addf %get3A_564, %get3A_568 : vector<16xf32>
      %mul3A_570 = arith.constant 0.00999999977 : f32
      %mul3A_571 = vector.broadcast %mul3A_570 : f32 to vector<16xf32>
      %mul3A_572 = arith.mulf %add3A_569, %mul3A_571 : vector<16xf32>
      %max3A_573 = arith.maximumf %add3A_569, %mul3A_572 : vector<16xf32>
      %swap3A_574 = arith.index_cast %add3A_434 : i32 to index
      %swap3A_575 = arith.constant 112 : index
      %swap3A_576 = tpu.vector_load %arg15[%swap3A_574, %swap3A_575] {strides = array<i32>} : memref<128x128xf32, #tpu.memory_space<vmem>>, vector<1x16xf32>,
      %swap3A_577 = vector.shape_cast %swap3A_576 : vector<1x16xf32> to vector<16xf32>
      %swap3A_578 = vector.shape_cast %max3A_573 : vector<16xf32> to vector<1x16xf32>
      tpu.vector_store %arg15[%swap3A_574, %swap3A_575], %swap3A_578 {strides = array<i32>} : memref<128x128xf32, #tpu.memory_space<vmem>>, vector<1x16xf32>,
      %add3A_579 = arith.constant 3 : i32
      %add3A_580 = arith.addi %add3A_143, %add3A_579 : i32
      %get3A_581 = arith.index_cast %add3A_580 : i32 to index
      %get3A_582 = arith.constant 0 : index
      %get3A_583 = tpu.vector_load %arg11[%get3A_581, %get3A_582] {strides = array<i32>} : memref<128x128xf32, #tpu.memory_space<vmem>>, vector<1x16xf32>,
      %get3A_584 = vector.shape_cast %get3A_583 : vector<1x16xf32> to vector<16xf32>
      %get3A_585 = arith.index_cast %add3A_580 : i32 to index
      %get3A_586 = arith.constant 0 : index
      %get3A_587 = tpu.vector_load %arg13[%get3A_585, %get3A_586] {strides = array<i32>} : memref<128x128xf32, #tpu.memory_space<vmem>>, vector<1x16xf32>,
      %get3A_588 = vector.shape_cast %get3A_587 : vector<1x16xf32> to vector<16xf32>
      %add3A_589 = arith.addf %get3A_584, %get3A_588 : vector<16xf32>
      %mul3A_590 = arith.constant 0.00999999977 : f32
      %mul3A_591 = vector.broadcast %mul3A_590 : f32 to vector<16xf32>
      %mul3A_592 = arith.mulf %add3A_589, %mul3A_591 : vector<16xf32>
      %max3A_593 = arith.maximumf %add3A_589, %mul3A_592 : vector<16xf32>
      %swap3A_594 = arith.index_cast %add3A_580 : i32 to index
      %swap3A_595 = arith.constant 0 : index
      %swap3A_596 = tpu.vector_load %arg15[%swap3A_594, %swap3A_595] {strides = array<i32>} : memref<128x128xf32, #tpu.memory_space<vmem>>, vector<1x16xf32>,
      %swap3A_597 = vector.shape_cast %swap3A_596 : vector<1x16xf32> to vector<16xf32>
      %swap3A_598 = vector.shape_cast %max3A_593 : vector<16xf32> to vector<1x16xf32>
      tpu.vector_store %arg15[%swap3A_594, %swap3A_595], %swap3A_598 {strides = array<i32>} : memref<128x128xf32, #tpu.memory_space<vmem>>, vector<1x16xf32>,
      %get3A_599 = arith.index_cast %add3A_580 : i32 to index
      %get3A_600 = arith.constant 16 : index
      %get3A_601 = tpu.vector_load %arg11[%get3A_599, %get3A_600] {strides = array<i32>} : memref<128x128xf32, #tpu.memory_space<vmem>>, vector<1x16xf32>,
      %get3A_602 = vector.shape_cast %get3A_601 : vector<1x16xf32> to vector<16xf32>
      %get3A_603 = arith.index_cast %add3A_580 : i32 to index
      %get3A_604 = arith.constant 16 : index
      %get3A_605 = tpu.vector_load %arg13[%get3A_603, %get3A_604] {strides = array<i32>} : memref<128x128xf32, #tpu.memory_space<vmem>>, vector<1x16xf32>,
      %get3A_606 = vector.shape_cast %get3A_605 : vector<1x16xf32> to vector<16xf32>
      %add3A_607 = arith.addf %get3A_602, %get3A_606 : vector<16xf32>
      %mul3A_608 = arith.constant 0.00999999977 : f32
      %mul3A_609 = vector.broadcast %mul3A_608 : f32 to vector<16xf32>
      %mul3A_610 = arith.mulf %add3A_607, %mul3A_609 : vector<16xf32>
      %max3A_611 = arith.maximumf %add3A_607, %mul3A_610 : vector<16xf32>
      %swap3A_612 = arith.index_cast %add3A_580 : i32 to index
      %swap3A_613 = arith.constant 16 : index
      %swap3A_614 = tpu.vector_load %arg15[%swap3A_612, %swap3A_613] {strides = array<i32>} : memref<128x128xf32, #tpu.memory_space<vmem>>, vector<1x16xf32>,
      %swap3A_615 = vector.shape_cast %swap3A_614 : vector<1x16xf32> to vector<16xf32>
      %swap3A_616 = vector.shape_cast %max3A_611 : vector<16xf32> to vector<1x16xf32>
      tpu.vector_store %arg15[%swap3A_612, %swap3A_613], %swap3A_616 {strides = array<i32>} : memref<128x128xf32, #tpu.memory_space<vmem>>, vector<1x16xf32>,
      %get3A_617 = arith.index_cast %add3A_580 : i32 to index
      %get3A_618 = arith.constant 32 : index
      %get3A_619 = tpu.vector_load %arg11[%get3A_617, %get3A_618] {strides = array<i32>} : memref<128x128xf32, #tpu.memory_space<vmem>>, vector<1x16xf32>,
      %get3A_620 = vector.shape_cast %get3A_619 : vector<1x16xf32> to vector<16xf32>
      %get3A_621 = arith.index_cast %add3A_580 : i32 to index
      %get3A_622 = arith.constant 32 : index
      %get3A_623 = tpu.vector_load %arg13[%get3A_621, %get3A_622] {strides = array<i32>} : memref<128x128xf32, #tpu.memory_space<vmem>>, vector<1x16xf32>,
      %get3A_624 = vector.shape_cast %get3A_623 : vector<1x16xf32> to vector<16xf32>
      %add3A_625 = arith.addf %get3A_620, %get3A_624 : vector<16xf32>
      %mul3A_626 = arith.constant 0.00999999977 : f32
      %mul3A_627 = vector.broadcast %mul3A_626 : f32 to vector<16xf32>
      %mul3A_628 = arith.mulf %add3A_625, %mul3A_627 : vector<16xf32>
      %max3A_629 = arith.maximumf %add3A_625, %mul3A_628 : vector<16xf32>
      %swap3A_630 = arith.index_cast %add3A_580 : i32 to index
      %swap3A_631 = arith.constant 32 : index
      %swap3A_632 = tpu.vector_load %arg15[%swap3A_630, %swap3A_631] {strides = array<i32>} : memref<128x128xf32, #tpu.memory_space<vmem>>, vector<1x16xf32>,
      %swap3A_633 = vector.shape_cast %swap3A_632 : vector<1x16xf32> to vector<16xf32>
      %swap3A_634 = vector.shape_cast %max3A_629 : vector<16xf32> to vector<1x16xf32>
      tpu.vector_store %arg15[%swap3A_630, %swap3A_631], %swap3A_634 {strides = array<i32>} : memref<128x128xf32, #tpu.memory_space<vmem>>, vector<1x16xf32>,
      %get3A_635 = arith.index_cast %add3A_580 : i32 to index
      %get3A_636 = arith.constant 48 : index
      %get3A_637 = tpu.vector_load %arg11[%get3A_635, %get3A_636] {strides = array<i32>} : memref<128x128xf32, #tpu.memory_space<vmem>>, vector<1x16xf32>,
      %get3A_638 = vector.shape_cast %get3A_637 : vector<1x16xf32> to vector<16xf32>
      %get3A_639 = arith.index_cast %add3A_580 : i32 to index
      %get3A_640 = arith.constant 48 : index
      %get3A_641 = tpu.vector_load %arg13[%get3A_639, %get3A_640] {strides = array<i32>} : memref<128x128xf32, #tpu.memory_space<vmem>>, vector<1x16xf32>,
      %get3A_642 = vector.shape_cast %get3A_641 : vector<1x16xf32> to vector<16xf32>
      %add3A_643 = arith.addf %get3A_638, %get3A_642 : vector<16xf32>
      %mul3A_644 = arith.constant 0.00999999977 : f32
      %mul3A_645 = vector.broadcast %mul3A_644 : f32 to vector<16xf32>
      %mul3A_646 = arith.mulf %add3A_643, %mul3A_645 : vector<16xf32>
      %max3A_647 = arith.maximumf %add3A_643, %mul3A_646 : vector<16xf32>
      %swap3A_648 = arith.index_cast %add3A_580 : i32 to index
      %swap3A_649 = arith.constant 48 : index
      %swap3A_650 = tpu.vector_load %arg15[%swap3A_648, %swap3A_649] {strides = array<i32>} : memref<128x128xf32, #tpu.memory_space<vmem>>, vector<1x16xf32>,
      %swap3A_651 = vector.shape_cast %swap3A_650 : vector<1x16xf32> to vector<16xf32>
      %swap3A_652 = vector.shape_cast %max3A_647 : vector<16xf32> to vector<1x16xf32>
      tpu.vector_store %arg15[%swap3A_648, %swap3A_649], %swap3A_652 {strides = array<i32>} : memref<128x128xf32, #tpu.memory_space<vmem>>, vector<1x16xf32>,
      %get3A_653 = arith.index_cast %add3A_580 : i32 to index
      %get3A_654 = arith.constant 64 : index
      %get3A_655 = tpu.vector_load %arg11[%get3A_653, %get3A_654] {strides = array<i32>} : memref<128x128xf32, #tpu.memory_space<vmem>>, vector<1x16xf32>,
      %get3A_656 = vector.shape_cast %get3A_655 : vector<1x16xf32> to vector<16xf32>
      %get3A_657 = arith.index_cast %add3A_580 : i32 to index
      %get3A_658 = arith.constant 64 : index
      %get3A_659 = tpu.vector_load %arg13[%get3A_657, %get3A_658] {strides = array<i32>} : memref<128x128xf32, #tpu.memory_space<vmem>>, vector<1x16xf32>,
      %get3A_660 = vector.shape_cast %get3A_659 : vector<1x16xf32> to vector<16xf32>
      %add3A_661 = arith.addf %get3A_656, %get3A_660 : vector<16xf32>
      %mul3A_662 = arith.constant 0.00999999977 : f32
      %mul3A_663 = vector.broadcast %mul3A_662 : f32 to vector<16xf32>
      %mul3A_664 = arith.mulf %add3A_661, %mul3A_663 : vector<16xf32>
      %max3A_665 = arith.maximumf %add3A_661, %mul3A_664 : vector<16xf32>
      %swap3A_666 = arith.index_cast %add3A_580 : i32 to index
      %swap3A_667 = arith.constant 64 : index
      %swap3A_668 = tpu.vector_load %arg15[%swap3A_666, %swap3A_667] {strides = array<i32>} : memref<128x128xf32, #tpu.memory_space<vmem>>, vector<1x16xf32>,
      %swap3A_669 = vector.shape_cast %swap3A_668 : vector<1x16xf32> to vector<16xf32>
      %swap3A_670 = vector.shape_cast %max3A_665 : vector<16xf32> to vector<1x16xf32>
      tpu.vector_store %arg15[%swap3A_666, %swap3A_667], %swap3A_670 {strides = array<i32>} : memref<128x128xf32, #tpu.memory_space<vmem>>, vector<1x16xf32>,
      %get3A_671 = arith.index_cast %add3A_580 : i32 to index
      %get3A_672 = arith.constant 80 : index
      %get3A_673 = tpu.vector_load %arg11[%get3A_671, %get3A_672] {strides = array<i32>} : memref<128x128xf32, #tpu.memory_space<vmem>>, vector<1x16xf32>,
      %get3A_674 = vector.shape_cast %get3A_673 : vector<1x16xf32> to vector<16xf32>
      %get3A_675 = arith.index_cast %add3A_580 : i32 to index
      %get3A_676 = arith.constant 80 : index
      %get3A_677 = tpu.vector_load %arg13[%get3A_675, %get3A_676] {strides = array<i32>} : memref<128x128xf32, #tpu.memory_space<vmem>>, vector<1x16xf32>,
      %get3A_678 = vector.shape_cast %get3A_677 : vector<1x16xf32> to vector<16xf32>
      %add3A_679 = arith.addf %get3A_674, %get3A_678 : vector<16xf32>
      %mul3A_680 = arith.constant 0.00999999977 : f32
      %mul3A_681 = vector.broadcast %mul3A_680 : f32 to vector<16xf32>
      %mul3A_682 = arith.mulf %add3A_679, %mul3A_681 : vector<16xf32>
      %max3A_683 = arith.maximumf %add3A_679, %mul3A_682 : vector<16xf32>
      %swap3A_684 = arith.index_cast %add3A_580 : i32 to index
      %swap3A_685 = arith.constant 80 : index
      %swap3A_686 = tpu.vector_load %arg15[%swap3A_684, %swap3A_685] {strides = array<i32>} : memref<128x128xf32, #tpu.memory_space<vmem>>, vector<1x16xf32>,
      %swap3A_687 = vector.shape_cast %swap3A_686 : vector<1x16xf32> to vector<16xf32>
      %swap3A_688 = vector.shape_cast %max3A_683 : vector<16xf32> to vector<1x16xf32>
      tpu.vector_store %arg15[%swap3A_684, %swap3A_685], %swap3A_688 {strides = array<i32>} : memref<128x128xf32, #tpu.memory_space<vmem>>, vector<1x16xf32>,
      %get3A_689 = arith.index_cast %add3A_580 : i32 to index
      %get3A_690 = arith.constant 96 : index
      %get3A_691 = tpu.vector_load %arg11[%get3A_689, %get3A_690] {strides = array<i32>} : memref<128x128xf32, #tpu.memory_space<vmem>>, vector<1x16xf32>,
      %get3A_692 = vector.shape_cast %get3A_691 : vector<1x16xf32> to vector<16xf32>
      %get3A_693 = arith.index_cast %add3A_580 : i32 to index
      %get3A_694 = arith.constant 96 : index
      %get3A_695 = tpu.vector_load %arg13[%get3A_693, %get3A_694] {strides = array<i32>} : memref<128x128xf32, #tpu.memory_space<vmem>>, vector<1x16xf32>,
      %get3A_696 = vector.shape_cast %get3A_695 : vector<1x16xf32> to vector<16xf32>
      %add3A_697 = arith.addf %get3A_692, %get3A_696 : vector<16xf32>
      %mul3A_698 = arith.constant 0.00999999977 : f32
      %mul3A_699 = vector.broadcast %mul3A_698 : f32 to vector<16xf32>
      %mul3A_700 = arith.mulf %add3A_697, %mul3A_699 : vector<16xf32>
      %max3A_701 = arith.maximumf %add3A_697, %mul3A_700 : vector<16xf32>
      %swap3A_702 = arith.index_cast %add3A_580 : i32 to index
      %swap3A_703 = arith.constant 96 : index
      %swap3A_704 = tpu.vector_load %arg15[%swap3A_702, %swap3A_703] {strides = array<i32>} : memref<128x128xf32, #tpu.memory_space<vmem>>, vector<1x16xf32>,
      %swap3A_705 = vector.shape_cast %swap3A_704 : vector<1x16xf32> to vector<16xf32>
      %swap3A_706 = vector.shape_cast %max3A_701 : vector<16xf32> to vector<1x16xf32>
      tpu.vector_store %arg15[%swap3A_702, %swap3A_703], %swap3A_706 {strides = array<i32>} : memref<128x128xf32, #tpu.memory_space<vmem>>, vector<1x16xf32>,
      %get3A_707 = arith.index_cast %add3A_580 : i32 to index
      %get3A_708 = arith.constant 112 : index
      %get3A_709 = tpu.vector_load %arg11[%get3A_707, %get3A_708] {strides = array<i32>} : memref<128x128xf32, #tpu.memory_space<vmem>>, vector<1x16xf32>,
      %get3A_710 = vector.shape_cast %get3A_709 : vector<1x16xf32> to vector<16xf32>
      %get3A_711 = arith.index_cast %add3A_580 : i32 to index
      %get3A_712 = arith.constant 112 : index
      %get3A_713 = tpu.vector_load %arg13[%get3A_711, %get3A_712] {strides = array<i32>} : memref<128x128xf32, #tpu.memory_space<vmem>>, vector<1x16xf32>,
      %get3A_714 = vector.shape_cast %get3A_713 : vector<1x16xf32> to vector<16xf32>
      %add3A_715 = arith.addf %get3A_710, %get3A_714 : vector<16xf32>
      %mul3A_716 = arith.constant 0.00999999977 : f32
      %mul3A_717 = vector.broadcast %mul3A_716 : f32 to vector<16xf32>
      %mul3A_718 = arith.mulf %add3A_715, %mul3A_717 : vector<16xf32>
      %max3A_719 = arith.maximumf %add3A_715, %mul3A_718 : vector<16xf32>
      %swap3A_720 = arith.index_cast %add3A_580 : i32 to index
      %swap3A_721 = arith.constant 112 : index
      %swap3A_722 = tpu.vector_load %arg15[%swap3A_720, %swap3A_721] {strides = array<i32>} : memref<128x128xf32, #tpu.memory_space<vmem>>, vector<1x16xf32>,
      %swap3A_723 = vector.shape_cast %swap3A_722 : vector<1x16xf32> to vector<16xf32>
      %swap3A_724 = vector.shape_cast %max3A_719 : vector<16xf32> to vector<1x16xf32>
      tpu.vector_store %arg15[%swap3A_720, %swap3A_721], %swap3A_724 {strides = array<i32>} : memref<128x128xf32, #tpu.memory_space<vmem>>, vector<1x16xf32>,
    }
    %scan3A_77 = arith.constant 32 : i32
    %mul3A_78 = arith.constant 128 : i32
    %mul3A_79 = arith.muli %add3A, %mul3A_78 : i32
    %add3A_80 = arith.constant 126 : i32
    %add3A_81 = arith.addi %mul3A_79, %add3A_80 : i32
    %mul3A_82 = arith.constant 128 : i32
    %mul3A_83 = arith.muli %add3A_81, %mul3A_82 : i32
    %dma_start3A_84 = arith.constant 0 : i32
    %dma_start3A_85 = tpu.memref_slice %arg6[%mul3A_83, %dma_start3A_84] : memref<524288x128xf32, #tpu.memory_space<hbm>> -> memref<128x128xf32, #tpu.memory_space<hbm>>
    %dma_start3A_86 = arith.constant 0 : i32
    %dma_start3A_87 = tpu.memref_slice %arg6[%mul3A_83, %dma_start3A_86] : memref<524288x128xf32, #tpu.memory_space<hbm>> -> memref<128x128xf32, #tpu.memory_space<hbm>>
    tpu.enqueue_dma source(%arg15 : memref<128x128xf32, #tpu.memory_space<vmem>>) target(%dma_start3A_87 : memref<128x128xf32, #tpu.memory_space<hbm>>) target_semaphore(%arg23 : memref<!tpu.dma_semaphore, #tpu.memory_space<semaphore_mem>>)
    %dma_wait3A_88 = arith.constant 0 : i32
    %dma_wait3A_89 = arith.constant 0 : i32
    %dma_wait3A_90 = tpu.memref_slice %arg17[%dma_wait3A_88, %dma_wait3A_89] : memref<1032x128xf32, #tpu.memory_space<vmem_shared>> -> memref<1032x128xf32, #tpu.memory_space<vmem_shared>>
    tpu.wait_indirect_dma semaphore(%arg22 : memref<!tpu.dma_semaphore, #tpu.memory_space<semaphore_mem>>) src(%dma_wait3A_90 : memref<1032x128xf32, #tpu.memory_space<vmem_shared>>) dst(%arg12 : memref<128x128xf32, #tpu.memory_space<vmem>>)
    %dma_wait3A_91 = arith.constant 0 : i32
    %dma_wait3A_92 = arith.constant 0 : i32
    %dma_wait3A_93 = tpu.memref_slice %arg18[%dma_wait3A_91, %dma_wait3A_92] : memref<1032x128xf32, #tpu.memory_space<vmem_shared>> -> memref<1032x128xf32, #tpu.memory_space<vmem_shared>>
    tpu.wait_indirect_dma semaphore(%arg22 : memref<!tpu.dma_semaphore, #tpu.memory_space<semaphore_mem>>) src(%dma_wait3A_93 : memref<1032x128xf32, #tpu.memory_space<vmem_shared>>) dst(%arg14 : memref<128x128xf32, #tpu.memory_space<vmem>>)
    %mul3A_94 = arith.constant 128 : i32
    %mul3A_95 = arith.muli %add3A, %mul3A_94 : i32
    %add3A_96 = arith.constant 125 : i32
    %add3A_97 = arith.addi %mul3A_95, %add3A_96 : i32
    %mul3A_98 = arith.constant 128 : i32
    %mul3A_99 = arith.muli %add3A_97, %mul3A_98 : i32
    %dma_wait3A_100 = arith.constant 0 : i32
    %dma_wait3A_101 = tpu.memref_slice %arg6[%mul3A_99, %dma_wait3A_100] : memref<524288x128xf32, #tpu.memory_space<hbm>> -> memref<128x128xf32, #tpu.memory_space<hbm>>
    %dma_wait3A_102 = arith.constant 0 : i32
    %dma_wait3A_103 = tpu.memref_slice %arg6[%mul3A_99, %dma_wait3A_102] : memref<524288x128xf32, #tpu.memory_space<hbm>> -> memref<128x128xf32, #tpu.memory_space<hbm>>
    tpu.wait_dma2 semaphore(%arg24 : memref<!tpu.dma_semaphore, #tpu.memory_space<semaphore_mem>>) src(%arg16 : memref<128x128xf32, #tpu.memory_space<vmem>>) dst(%dma_wait3A_103 : memref<128x128xf32, #tpu.memory_space<hbm>>)
    %scan3A_104 = arith.constant 0 : i32
    %scan3A_105 = arith.constant 32 : i32
    %scan3A_106 = arith.addi %scan3A_104, %scan3A_105 : i32
    %scan3A_107 = arith.constant 1 : i32
    scf.for %scan3A_139 = %scan3A_104 to %scan3A_106 step %scan3A_107  : i32 {
      %mul3A_140 = arith.constant 4 : i32
      %mul3A_141 = arith.muli %scan3A_139, %mul3A_140 : i32
      %add3A_142 = arith.constant 0 : i32
      %add3A_143 = arith.addi %add3A_142, %mul3A_141 : i32
      %add3A_144 = arith.constant 0 : i32
      %add3A_145 = arith.addi %add3A_143, %add3A_144 : i32
      %get3A = arith.index_cast %add3A_145 : i32 to index
      %get3A_146 = arith.constant 0 : index
      %get3A_147 = tpu.vector_load %arg12[%get3A, %get3A_146] {strides = array<i32>} : memref<128x128xf32, #tpu.memory_space<vmem>>, vector<1x16xf32>,
      %get3A_148 = vector.shape_cast %get3A_147 : vector<1x16xf32> to vector<16xf32>
      %get3A_149 = arith.index_cast %add3A_145 : i32 to index
      %get3A_150 = arith.constant 0 : index
      %get3A_151 = tpu.vector_load %arg14[%get3A_149, %get3A_150] {strides = array<i32>} : memref<128x128xf32, #tpu.memory_space<vmem>>, vector<1x16xf32>,
      %get3A_152 = vector.shape_cast %get3A_151 : vector<1x16xf32> to vector<16xf32>
      %add3A_153 = arith.addf %get3A_148, %get3A_152 : vector<16xf32>
      %mul3A_154 = arith.constant 0.00999999977 : f32
      %mul3A_155 = vector.broadcast %mul3A_154 : f32 to vector<16xf32>
      %mul3A_156 = arith.mulf %add3A_153, %mul3A_155 : vector<16xf32>
      %max3A = arith.maximumf %add3A_153, %mul3A_156 : vector<16xf32>
      %swap3A = arith.index_cast %add3A_145 : i32 to index
      %swap3A_157 = arith.constant 0 : index
      %swap3A_158 = tpu.vector_load %arg16[%swap3A, %swap3A_157] {strides = array<i32>} : memref<128x128xf32, #tpu.memory_space<vmem>>, vector<1x16xf32>,
      %swap3A_159 = vector.shape_cast %swap3A_158 : vector<1x16xf32> to vector<16xf32>
      %swap3A_160 = vector.shape_cast %max3A : vector<16xf32> to vector<1x16xf32>
      tpu.vector_store %arg16[%swap3A, %swap3A_157], %swap3A_160 {strides = array<i32>} : memref<128x128xf32, #tpu.memory_space<vmem>>, vector<1x16xf32>,
      %get3A_161 = arith.index_cast %add3A_145 : i32 to index
      %get3A_162 = arith.constant 16 : index
      %get3A_163 = tpu.vector_load %arg12[%get3A_161, %get3A_162] {strides = array<i32>} : memref<128x128xf32, #tpu.memory_space<vmem>>, vector<1x16xf32>,
      %get3A_164 = vector.shape_cast %get3A_163 : vector<1x16xf32> to vector<16xf32>
      %get3A_165 = arith.index_cast %add3A_145 : i32 to index
      %get3A_166 = arith.constant 16 : index
      %get3A_167 = tpu.vector_load %arg14[%get3A_165, %get3A_166] {strides = array<i32>} : memref<128x128xf32, #tpu.memory_space<vmem>>, vector<1x16xf32>,
      %get3A_168 = vector.shape_cast %get3A_167 : vector<1x16xf32> to vector<16xf32>
      %add3A_169 = arith.addf %get3A_164, %get3A_168 : vector<16xf32>
      %mul3A_170 = arith.constant 0.00999999977 : f32
      %mul3A_171 = vector.broadcast %mul3A_170 : f32 to vector<16xf32>
      %mul3A_172 = arith.mulf %add3A_169, %mul3A_171 : vector<16xf32>
      %max3A_173 = arith.maximumf %add3A_169, %mul3A_172 : vector<16xf32>
      %swap3A_174 = arith.index_cast %add3A_145 : i32 to index
      %swap3A_175 = arith.constant 16 : index
      %swap3A_176 = tpu.vector_load %arg16[%swap3A_174, %swap3A_175] {strides = array<i32>} : memref<128x128xf32, #tpu.memory_space<vmem>>, vector<1x16xf32>,
      %swap3A_177 = vector.shape_cast %swap3A_176 : vector<1x16xf32> to vector<16xf32>
      %swap3A_178 = vector.shape_cast %max3A_173 : vector<16xf32> to vector<1x16xf32>
      tpu.vector_store %arg16[%swap3A_174, %swap3A_175], %swap3A_178 {strides = array<i32>} : memref<128x128xf32, #tpu.memory_space<vmem>>, vector<1x16xf32>,
      %get3A_179 = arith.index_cast %add3A_145 : i32 to index
      %get3A_180 = arith.constant 32 : index
      %get3A_181 = tpu.vector_load %arg12[%get3A_179, %get3A_180] {strides = array<i32>} : memref<128x128xf32, #tpu.memory_space<vmem>>, vector<1x16xf32>,
      %get3A_182 = vector.shape_cast %get3A_181 : vector<1x16xf32> to vector<16xf32>
      %get3A_183 = arith.index_cast %add3A_145 : i32 to index
      %get3A_184 = arith.constant 32 : index
      %get3A_185 = tpu.vector_load %arg14[%get3A_183, %get3A_184] {strides = array<i32>} : memref<128x128xf32, #tpu.memory_space<vmem>>, vector<1x16xf32>,
      %get3A_186 = vector.shape_cast %get3A_185 : vector<1x16xf32> to vector<16xf32>
      %add3A_187 = arith.addf %get3A_182, %get3A_186 : vector<16xf32>
      %mul3A_188 = arith.constant 0.00999999977 : f32
      %mul3A_189 = vector.broadcast %mul3A_188 : f32 to vector<16xf32>
      %mul3A_190 = arith.mulf %add3A_187, %mul3A_189 : vector<16xf32>
      %max3A_191 = arith.maximumf %add3A_187, %mul3A_190 : vector<16xf32>
      %swap3A_192 = arith.index_cast %add3A_145 : i32 to index
      %swap3A_193 = arith.constant 32 : index
      %swap3A_194 = tpu.vector_load %arg16[%swap3A_192, %swap3A_193] {strides = array<i32>} : memref<128x128xf32, #tpu.memory_space<vmem>>, vector<1x16xf32>,
      %swap3A_195 = vector.shape_cast %swap3A_194 : vector<1x16xf32> to vector<16xf32>
      %swap3A_196 = vector.shape_cast %max3A_191 : vector<16xf32> to vector<1x16xf32>
      tpu.vector_store %arg16[%swap3A_192, %swap3A_193], %swap3A_196 {strides = array<i32>} : memref<128x128xf32, #tpu.memory_space<vmem>>, vector<1x16xf32>,
      %get3A_197 = arith.index_cast %add3A_145 : i32 to index
      %get3A_198 = arith.constant 48 : index
      %get3A_199 = tpu.vector_load %arg12[%get3A_197, %get3A_198] {strides = array<i32>} : memref<128x128xf32, #tpu.memory_space<vmem>>, vector<1x16xf32>,
      %get3A_200 = vector.shape_cast %get3A_199 : vector<1x16xf32> to vector<16xf32>
      %get3A_201 = arith.index_cast %add3A_145 : i32 to index
      %get3A_202 = arith.constant 48 : index
      %get3A_203 = tpu.vector_load %arg14[%get3A_201, %get3A_202] {strides = array<i32>} : memref<128x128xf32, #tpu.memory_space<vmem>>, vector<1x16xf32>,
      %get3A_204 = vector.shape_cast %get3A_203 : vector<1x16xf32> to vector<16xf32>
      %add3A_205 = arith.addf %get3A_200, %get3A_204 : vector<16xf32>
      %mul3A_206 = arith.constant 0.00999999977 : f32
      %mul3A_207 = vector.broadcast %mul3A_206 : f32 to vector<16xf32>
      %mul3A_208 = arith.mulf %add3A_205, %mul3A_207 : vector<16xf32>
      %max3A_209 = arith.maximumf %add3A_205, %mul3A_208 : vector<16xf32>
      %swap3A_210 = arith.index_cast %add3A_145 : i32 to index
      %swap3A_211 = arith.constant 48 : index
      %swap3A_212 = tpu.vector_load %arg16[%swap3A_210, %swap3A_211] {strides = array<i32>} : memref<128x128xf32, #tpu.memory_space<vmem>>, vector<1x16xf32>,
      %swap3A_213 = vector.shape_cast %swap3A_212 : vector<1x16xf32> to vector<16xf32>
      %swap3A_214 = vector.shape_cast %max3A_209 : vector<16xf32> to vector<1x16xf32>
      tpu.vector_store %arg16[%swap3A_210, %swap3A_211], %swap3A_214 {strides = array<i32>} : memref<128x128xf32, #tpu.memory_space<vmem>>, vector<1x16xf32>,
      %get3A_215 = arith.index_cast %add3A_145 : i32 to index
      %get3A_216 = arith.constant 64 : index
      %get3A_217 = tpu.vector_load %arg12[%get3A_215, %get3A_216] {strides = array<i32>} : memref<128x128xf32, #tpu.memory_space<vmem>>, vector<1x16xf32>,
      %get3A_218 = vector.shape_cast %get3A_217 : vector<1x16xf32> to vector<16xf32>
      %get3A_219 = arith.index_cast %add3A_145 : i32 to index
      %get3A_220 = arith.constant 64 : index
      %get3A_221 = tpu.vector_load %arg14[%get3A_219, %get3A_220] {strides = array<i32>} : memref<128x128xf32, #tpu.memory_space<vmem>>, vector<1x16xf32>,
      %get3A_222 = vector.shape_cast %get3A_221 : vector<1x16xf32> to vector<16xf32>
      %add3A_223 = arith.addf %get3A_218, %get3A_222 : vector<16xf32>
      %mul3A_224 = arith.constant 0.00999999977 : f32
      %mul3A_225 = vector.broadcast %mul3A_224 : f32 to vector<16xf32>
      %mul3A_226 = arith.mulf %add3A_223, %mul3A_225 : vector<16xf32>
      %max3A_227 = arith.maximumf %add3A_223, %mul3A_226 : vector<16xf32>
      %swap3A_228 = arith.index_cast %add3A_145 : i32 to index
      %swap3A_229 = arith.constant 64 : index
      %swap3A_230 = tpu.vector_load %arg16[%swap3A_228, %swap3A_229] {strides = array<i32>} : memref<128x128xf32, #tpu.memory_space<vmem>>, vector<1x16xf32>,
      %swap3A_231 = vector.shape_cast %swap3A_230 : vector<1x16xf32> to vector<16xf32>
      %swap3A_232 = vector.shape_cast %max3A_227 : vector<16xf32> to vector<1x16xf32>
      tpu.vector_store %arg16[%swap3A_228, %swap3A_229], %swap3A_232 {strides = array<i32>} : memref<128x128xf32, #tpu.memory_space<vmem>>, vector<1x16xf32>,
      %get3A_233 = arith.index_cast %add3A_145 : i32 to index
      %get3A_234 = arith.constant 80 : index
      %get3A_235 = tpu.vector_load %arg12[%get3A_233, %get3A_234] {strides = array<i32>} : memref<128x128xf32, #tpu.memory_space<vmem>>, vector<1x16xf32>,
      %get3A_236 = vector.shape_cast %get3A_235 : vector<1x16xf32> to vector<16xf32>
      %get3A_237 = arith.index_cast %add3A_145 : i32 to index
      %get3A_238 = arith.constant 80 : index
      %get3A_239 = tpu.vector_load %arg14[%get3A_237, %get3A_238] {strides = array<i32>} : memref<128x128xf32, #tpu.memory_space<vmem>>, vector<1x16xf32>,
      %get3A_240 = vector.shape_cast %get3A_239 : vector<1x16xf32> to vector<16xf32>
      %add3A_241 = arith.addf %get3A_236, %get3A_240 : vector<16xf32>
      %mul3A_242 = arith.constant 0.00999999977 : f32
      %mul3A_243 = vector.broadcast %mul3A_242 : f32 to vector<16xf32>
      %mul3A_244 = arith.mulf %add3A_241, %mul3A_243 : vector<16xf32>
      %max3A_245 = arith.maximumf %add3A_241, %mul3A_244 : vector<16xf32>
      %swap3A_246 = arith.index_cast %add3A_145 : i32 to index
      %swap3A_247 = arith.constant 80 : index
      %swap3A_248 = tpu.vector_load %arg16[%swap3A_246, %swap3A_247] {strides = array<i32>} : memref<128x128xf32, #tpu.memory_space<vmem>>, vector<1x16xf32>,
      %swap3A_249 = vector.shape_cast %swap3A_248 : vector<1x16xf32> to vector<16xf32>
      %swap3A_250 = vector.shape_cast %max3A_245 : vector<16xf32> to vector<1x16xf32>
      tpu.vector_store %arg16[%swap3A_246, %swap3A_247], %swap3A_250 {strides = array<i32>} : memref<128x128xf32, #tpu.memory_space<vmem>>, vector<1x16xf32>,
      %get3A_251 = arith.index_cast %add3A_145 : i32 to index
      %get3A_252 = arith.constant 96 : index
      %get3A_253 = tpu.vector_load %arg12[%get3A_251, %get3A_252] {strides = array<i32>} : memref<128x128xf32, #tpu.memory_space<vmem>>, vector<1x16xf32>,
      %get3A_254 = vector.shape_cast %get3A_253 : vector<1x16xf32> to vector<16xf32>
      %get3A_255 = arith.index_cast %add3A_145 : i32 to index
      %get3A_256 = arith.constant 96 : index
      %get3A_257 = tpu.vector_load %arg14[%get3A_255, %get3A_256] {strides = array<i32>} : memref<128x128xf32, #tpu.memory_space<vmem>>, vector<1x16xf32>,
      %get3A_258 = vector.shape_cast %get3A_257 : vector<1x16xf32> to vector<16xf32>
      %add3A_259 = arith.addf %get3A_254, %get3A_258 : vector<16xf32>
      %mul3A_260 = arith.constant 0.00999999977 : f32
      %mul3A_261 = vector.broadcast %mul3A_260 : f32 to vector<16xf32>
      %mul3A_262 = arith.mulf %add3A_259, %mul3A_261 : vector<16xf32>
      %max3A_263 = arith.maximumf %add3A_259, %mul3A_262 : vector<16xf32>
      %swap3A_264 = arith.index_cast %add3A_145 : i32 to index
      %swap3A_265 = arith.constant 96 : index
      %swap3A_266 = tpu.vector_load %arg16[%swap3A_264, %swap3A_265] {strides = array<i32>} : memref<128x128xf32, #tpu.memory_space<vmem>>, vector<1x16xf32>,
      %swap3A_267 = vector.shape_cast %swap3A_266 : vector<1x16xf32> to vector<16xf32>
      %swap3A_268 = vector.shape_cast %max3A_263 : vector<16xf32> to vector<1x16xf32>
      tpu.vector_store %arg16[%swap3A_264, %swap3A_265], %swap3A_268 {strides = array<i32>} : memref<128x128xf32, #tpu.memory_space<vmem>>, vector<1x16xf32>,
      %get3A_269 = arith.index_cast %add3A_145 : i32 to index
      %get3A_270 = arith.constant 112 : index
      %get3A_271 = tpu.vector_load %arg12[%get3A_269, %get3A_270] {strides = array<i32>} : memref<128x128xf32, #tpu.memory_space<vmem>>, vector<1x16xf32>,
      %get3A_272 = vector.shape_cast %get3A_271 : vector<1x16xf32> to vector<16xf32>
      %get3A_273 = arith.index_cast %add3A_145 : i32 to index
      %get3A_274 = arith.constant 112 : index
      %get3A_275 = tpu.vector_load %arg14[%get3A_273, %get3A_274] {strides = array<i32>} : memref<128x128xf32, #tpu.memory_space<vmem>>, vector<1x16xf32>,
      %get3A_276 = vector.shape_cast %get3A_275 : vector<1x16xf32> to vector<16xf32>
      %add3A_277 = arith.addf %get3A_272, %get3A_276 : vector<16xf32>
      %mul3A_278 = arith.constant 0.00999999977 : f32
      %mul3A_279 = vector.broadcast %mul3A_278 : f32 to vector<16xf32>
      %mul3A_280 = arith.mulf %add3A_277, %mul3A_279 : vector<16xf32>
      %max3A_281 = arith.maximumf %add3A_277, %mul3A_280 : vector<16xf32>
      %swap3A_282 = arith.index_cast %add3A_145 : i32 to index
      %swap3A_283 = arith.constant 112 : index
      %swap3A_284 = tpu.vector_load %arg16[%swap3A_282, %swap3A_283] {strides = array<i32>} : memref<128x128xf32, #tpu.memory_space<vmem>>, vector<1x16xf32>,
      %swap3A_285 = vector.shape_cast %swap3A_284 : vector<1x16xf32> to vector<16xf32>
      %swap3A_286 = vector.shape_cast %max3A_281 : vector<16xf32> to vector<1x16xf32>
      tpu.vector_store %arg16[%swap3A_282, %swap3A_283], %swap3A_286 {strides = array<i32>} : memref<128x128xf32, #tpu.memory_space<vmem>>, vector<1x16xf32>,
      %add3A_287 = arith.constant 1 : i32
      %add3A_288 = arith.addi %add3A_143, %add3A_287 : i32
      %get3A_289 = arith.index_cast %add3A_288 : i32 to index
      %get3A_290 = arith.constant 0 : index
      %get3A_291 = tpu.vector_load %arg12[%get3A_289, %get3A_290] {strides = array<i32>} : memref<128x128xf32, #tpu.memory_space<vmem>>, vector<1x16xf32>,
      %get3A_292 = vector.shape_cast %get3A_291 : vector<1x16xf32> to vector<16xf32>
      %get3A_293 = arith.index_cast %add3A_288 : i32 to index
      %get3A_294 = arith.constant 0 : index
      %get3A_295 = tpu.vector_load %arg14[%get3A_293, %get3A_294] {strides = array<i32>} : memref<128x128xf32, #tpu.memory_space<vmem>>, vector<1x16xf32>,
      %get3A_296 = vector.shape_cast %get3A_295 : vector<1x16xf32> to vector<16xf32>
      %add3A_297 = arith.addf %get3A_292, %get3A_296 : vector<16xf32>
      %mul3A_298 = arith.constant 0.00999999977 : f32
      %mul3A_299 = vector.broadcast %mul3A_298 : f32 to vector<16xf32>
      %mul3A_300 = arith.mulf %add3A_297, %mul3A_299 : vector<16xf32>
      %max3A_301 = arith.maximumf %add3A_297, %mul3A_300 : vector<16xf32>
      %swap3A_302 = arith.index_cast %add3A_288 : i32 to index
      %swap3A_303 = arith.constant 0 : index
      %swap3A_304 = tpu.vector_load %arg16[%swap3A_302, %swap3A_303] {strides = array<i32>} : memref<128x128xf32, #tpu.memory_space<vmem>>, vector<1x16xf32>,
      %swap3A_305 = vector.shape_cast %swap3A_304 : vector<1x16xf32> to vector<16xf32>
      %swap3A_306 = vector.shape_cast %max3A_301 : vector<16xf32> to vector<1x16xf32>
      tpu.vector_store %arg16[%swap3A_302, %swap3A_303], %swap3A_306 {strides = array<i32>} : memref<128x128xf32, #tpu.memory_space<vmem>>, vector<1x16xf32>,
      %get3A_307 = arith.index_cast %add3A_288 : i32 to index
      %get3A_308 = arith.constant 16 : index
      %get3A_309 = tpu.vector_load %arg12[%get3A_307, %get3A_308] {strides = array<i32>} : memref<128x128xf32, #tpu.memory_space<vmem>>, vector<1x16xf32>,
      %get3A_310 = vector.shape_cast %get3A_309 : vector<1x16xf32> to vector<16xf32>
      %get3A_311 = arith.index_cast %add3A_288 : i32 to index
      %get3A_312 = arith.constant 16 : index
      %get3A_313 = tpu.vector_load %arg14[%get3A_311, %get3A_312] {strides = array<i32>} : memref<128x128xf32, #tpu.memory_space<vmem>>, vector<1x16xf32>,
      %get3A_314 = vector.shape_cast %get3A_313 : vector<1x16xf32> to vector<16xf32>
      %add3A_315 = arith.addf %get3A_310, %get3A_314 : vector<16xf32>
      %mul3A_316 = arith.constant 0.00999999977 : f32
      %mul3A_317 = vector.broadcast %mul3A_316 : f32 to vector<16xf32>
      %mul3A_318 = arith.mulf %add3A_315, %mul3A_317 : vector<16xf32>
      %max3A_319 = arith.maximumf %add3A_315, %mul3A_318 : vector<16xf32>
      %swap3A_320 = arith.index_cast %add3A_288 : i32 to index
      %swap3A_321 = arith.constant 16 : index
      %swap3A_322 = tpu.vector_load %arg16[%swap3A_320, %swap3A_321] {strides = array<i32>} : memref<128x128xf32, #tpu.memory_space<vmem>>, vector<1x16xf32>,
      %swap3A_323 = vector.shape_cast %swap3A_322 : vector<1x16xf32> to vector<16xf32>
      %swap3A_324 = vector.shape_cast %max3A_319 : vector<16xf32> to vector<1x16xf32>
      tpu.vector_store %arg16[%swap3A_320, %swap3A_321], %swap3A_324 {strides = array<i32>} : memref<128x128xf32, #tpu.memory_space<vmem>>, vector<1x16xf32>,
      %get3A_325 = arith.index_cast %add3A_288 : i32 to index
      %get3A_326 = arith.constant 32 : index
      %get3A_327 = tpu.vector_load %arg12[%get3A_325, %get3A_326] {strides = array<i32>} : memref<128x128xf32, #tpu.memory_space<vmem>>, vector<1x16xf32>,
      %get3A_328 = vector.shape_cast %get3A_327 : vector<1x16xf32> to vector<16xf32>
      %get3A_329 = arith.index_cast %add3A_288 : i32 to index
      %get3A_330 = arith.constant 32 : index
      %get3A_331 = tpu.vector_load %arg14[%get3A_329, %get3A_330] {strides = array<i32>} : memref<128x128xf32, #tpu.memory_space<vmem>>, vector<1x16xf32>,
      %get3A_332 = vector.shape_cast %get3A_331 : vector<1x16xf32> to vector<16xf32>
      %add3A_333 = arith.addf %get3A_328, %get3A_332 : vector<16xf32>
      %mul3A_334 = arith.constant 0.00999999977 : f32
      %mul3A_335 = vector.broadcast %mul3A_334 : f32 to vector<16xf32>
      %mul3A_336 = arith.mulf %add3A_333, %mul3A_335 : vector<16xf32>
      %max3A_337 = arith.maximumf %add3A_333, %mul3A_336 : vector<16xf32>
      %swap3A_338 = arith.index_cast %add3A_288 : i32 to index
      %swap3A_339 = arith.constant 32 : index
      %swap3A_340 = tpu.vector_load %arg16[%swap3A_338, %swap3A_339] {strides = array<i32>} : memref<128x128xf32, #tpu.memory_space<vmem>>, vector<1x16xf32>,
      %swap3A_341 = vector.shape_cast %swap3A_340 : vector<1x16xf32> to vector<16xf32>
      %swap3A_342 = vector.shape_cast %max3A_337 : vector<16xf32> to vector<1x16xf32>
      tpu.vector_store %arg16[%swap3A_338, %swap3A_339], %swap3A_342 {strides = array<i32>} : memref<128x128xf32, #tpu.memory_space<vmem>>, vector<1x16xf32>,
      %get3A_343 = arith.index_cast %add3A_288 : i32 to index
      %get3A_344 = arith.constant 48 : index
      %get3A_345 = tpu.vector_load %arg12[%get3A_343, %get3A_344] {strides = array<i32>} : memref<128x128xf32, #tpu.memory_space<vmem>>, vector<1x16xf32>,
      %get3A_346 = vector.shape_cast %get3A_345 : vector<1x16xf32> to vector<16xf32>
      %get3A_347 = arith.index_cast %add3A_288 : i32 to index
      %get3A_348 = arith.constant 48 : index
      %get3A_349 = tpu.vector_load %arg14[%get3A_347, %get3A_348] {strides = array<i32>} : memref<128x128xf32, #tpu.memory_space<vmem>>, vector<1x16xf32>,
      %get3A_350 = vector.shape_cast %get3A_349 : vector<1x16xf32> to vector<16xf32>
      %add3A_351 = arith.addf %get3A_346, %get3A_350 : vector<16xf32>
      %mul3A_352 = arith.constant 0.00999999977 : f32
      %mul3A_353 = vector.broadcast %mul3A_352 : f32 to vector<16xf32>
      %mul3A_354 = arith.mulf %add3A_351, %mul3A_353 : vector<16xf32>
      %max3A_355 = arith.maximumf %add3A_351, %mul3A_354 : vector<16xf32>
      %swap3A_356 = arith.index_cast %add3A_288 : i32 to index
      %swap3A_357 = arith.constant 48 : index
      %swap3A_358 = tpu.vector_load %arg16[%swap3A_356, %swap3A_357] {strides = array<i32>} : memref<128x128xf32, #tpu.memory_space<vmem>>, vector<1x16xf32>,
      %swap3A_359 = vector.shape_cast %swap3A_358 : vector<1x16xf32> to vector<16xf32>
      %swap3A_360 = vector.shape_cast %max3A_355 : vector<16xf32> to vector<1x16xf32>
      tpu.vector_store %arg16[%swap3A_356, %swap3A_357], %swap3A_360 {strides = array<i32>} : memref<128x128xf32, #tpu.memory_space<vmem>>, vector<1x16xf32>,
      %get3A_361 = arith.index_cast %add3A_288 : i32 to index
      %get3A_362 = arith.constant 64 : index
      %get3A_363 = tpu.vector_load %arg12[%get3A_361, %get3A_362] {strides = array<i32>} : memref<128x128xf32, #tpu.memory_space<vmem>>, vector<1x16xf32>,
      %get3A_364 = vector.shape_cast %get3A_363 : vector<1x16xf32> to vector<16xf32>
      %get3A_365 = arith.index_cast %add3A_288 : i32 to index
      %get3A_366 = arith.constant 64 : index
      %get3A_367 = tpu.vector_load %arg14[%get3A_365, %get3A_366] {strides = array<i32>} : memref<128x128xf32, #tpu.memory_space<vmem>>, vector<1x16xf32>,
      %get3A_368 = vector.shape_cast %get3A_367 : vector<1x16xf32> to vector<16xf32>
      %add3A_369 = arith.addf %get3A_364, %get3A_368 : vector<16xf32>
      %mul3A_370 = arith.constant 0.00999999977 : f32
      %mul3A_371 = vector.broadcast %mul3A_370 : f32 to vector<16xf32>
      %mul3A_372 = arith.mulf %add3A_369, %mul3A_371 : vector<16xf32>
      %max3A_373 = arith.maximumf %add3A_369, %mul3A_372 : vector<16xf32>
      %swap3A_374 = arith.index_cast %add3A_288 : i32 to index
      %swap3A_375 = arith.constant 64 : index
      %swap3A_376 = tpu.vector_load %arg16[%swap3A_374, %swap3A_375] {strides = array<i32>} : memref<128x128xf32, #tpu.memory_space<vmem>>, vector<1x16xf32>,
      %swap3A_377 = vector.shape_cast %swap3A_376 : vector<1x16xf32> to vector<16xf32>
      %swap3A_378 = vector.shape_cast %max3A_373 : vector<16xf32> to vector<1x16xf32>
      tpu.vector_store %arg16[%swap3A_374, %swap3A_375], %swap3A_378 {strides = array<i32>} : memref<128x128xf32, #tpu.memory_space<vmem>>, vector<1x16xf32>,
      %get3A_379 = arith.index_cast %add3A_288 : i32 to index
      %get3A_380 = arith.constant 80 : index
      %get3A_381 = tpu.vector_load %arg12[%get3A_379, %get3A_380] {strides = array<i32>} : memref<128x128xf32, #tpu.memory_space<vmem>>, vector<1x16xf32>,
      %get3A_382 = vector.shape_cast %get3A_381 : vector<1x16xf32> to vector<16xf32>
      %get3A_383 = arith.index_cast %add3A_288 : i32 to index
      %get3A_384 = arith.constant 80 : index
      %get3A_385 = tpu.vector_load %arg14[%get3A_383, %get3A_384] {strides = array<i32>} : memref<128x128xf32, #tpu.memory_space<vmem>>, vector<1x16xf32>,
      %get3A_386 = vector.shape_cast %get3A_385 : vector<1x16xf32> to vector<16xf32>
      %add3A_387 = arith.addf %get3A_382, %get3A_386 : vector<16xf32>
      %mul3A_388 = arith.constant 0.00999999977 : f32
      %mul3A_389 = vector.broadcast %mul3A_388 : f32 to vector<16xf32>
      %mul3A_390 = arith.mulf %add3A_387, %mul3A_389 : vector<16xf32>
      %max3A_391 = arith.maximumf %add3A_387, %mul3A_390 : vector<16xf32>
      %swap3A_392 = arith.index_cast %add3A_288 : i32 to index
      %swap3A_393 = arith.constant 80 : index
      %swap3A_394 = tpu.vector_load %arg16[%swap3A_392, %swap3A_393] {strides = array<i32>} : memref<128x128xf32, #tpu.memory_space<vmem>>, vector<1x16xf32>,
      %swap3A_395 = vector.shape_cast %swap3A_394 : vector<1x16xf32> to vector<16xf32>
      %swap3A_396 = vector.shape_cast %max3A_391 : vector<16xf32> to vector<1x16xf32>
      tpu.vector_store %arg16[%swap3A_392, %swap3A_393], %swap3A_396 {strides = array<i32>} : memref<128x128xf32, #tpu.memory_space<vmem>>, vector<1x16xf32>,
      %get3A_397 = arith.index_cast %add3A_288 : i32 to index
      %get3A_398 = arith.constant 96 : index
      %get3A_399 = tpu.vector_load %arg12[%get3A_397, %get3A_398] {strides = array<i32>} : memref<128x128xf32, #tpu.memory_space<vmem>>, vector<1x16xf32>,
      %get3A_400 = vector.shape_cast %get3A_399 : vector<1x16xf32> to vector<16xf32>
      %get3A_401 = arith.index_cast %add3A_288 : i32 to index
      %get3A_402 = arith.constant 96 : index
      %get3A_403 = tpu.vector_load %arg14[%get3A_401, %get3A_402] {strides = array<i32>} : memref<128x128xf32, #tpu.memory_space<vmem>>, vector<1x16xf32>,
      %get3A_404 = vector.shape_cast %get3A_403 : vector<1x16xf32> to vector<16xf32>
      %add3A_405 = arith.addf %get3A_400, %get3A_404 : vector<16xf32>
      %mul3A_406 = arith.constant 0.00999999977 : f32
      %mul3A_407 = vector.broadcast %mul3A_406 : f32 to vector<16xf32>
      %mul3A_408 = arith.mulf %add3A_405, %mul3A_407 : vector<16xf32>
      %max3A_409 = arith.maximumf %add3A_405, %mul3A_408 : vector<16xf32>
      %swap3A_410 = arith.index_cast %add3A_288 : i32 to index
      %swap3A_411 = arith.constant 96 : index
      %swap3A_412 = tpu.vector_load %arg16[%swap3A_410, %swap3A_411] {strides = array<i32>} : memref<128x128xf32, #tpu.memory_space<vmem>>, vector<1x16xf32>,
      %swap3A_413 = vector.shape_cast %swap3A_412 : vector<1x16xf32> to vector<16xf32>
      %swap3A_414 = vector.shape_cast %max3A_409 : vector<16xf32> to vector<1x16xf32>
      tpu.vector_store %arg16[%swap3A_410, %swap3A_411], %swap3A_414 {strides = array<i32>} : memref<128x128xf32, #tpu.memory_space<vmem>>, vector<1x16xf32>,
      %get3A_415 = arith.index_cast %add3A_288 : i32 to index
      %get3A_416 = arith.constant 112 : index
      %get3A_417 = tpu.vector_load %arg12[%get3A_415, %get3A_416] {strides = array<i32>} : memref<128x128xf32, #tpu.memory_space<vmem>>, vector<1x16xf32>,
      %get3A_418 = vector.shape_cast %get3A_417 : vector<1x16xf32> to vector<16xf32>
      %get3A_419 = arith.index_cast %add3A_288 : i32 to index
      %get3A_420 = arith.constant 112 : index
      %get3A_421 = tpu.vector_load %arg14[%get3A_419, %get3A_420] {strides = array<i32>} : memref<128x128xf32, #tpu.memory_space<vmem>>, vector<1x16xf32>,
      %get3A_422 = vector.shape_cast %get3A_421 : vector<1x16xf32> to vector<16xf32>
      %add3A_423 = arith.addf %get3A_418, %get3A_422 : vector<16xf32>
      %mul3A_424 = arith.constant 0.00999999977 : f32
      %mul3A_425 = vector.broadcast %mul3A_424 : f32 to vector<16xf32>
      %mul3A_426 = arith.mulf %add3A_423, %mul3A_425 : vector<16xf32>
      %max3A_427 = arith.maximumf %add3A_423, %mul3A_426 : vector<16xf32>
      %swap3A_428 = arith.index_cast %add3A_288 : i32 to index
      %swap3A_429 = arith.constant 112 : index
      %swap3A_430 = tpu.vector_load %arg16[%swap3A_428, %swap3A_429] {strides = array<i32>} : memref<128x128xf32, #tpu.memory_space<vmem>>, vector<1x16xf32>,
      %swap3A_431 = vector.shape_cast %swap3A_430 : vector<1x16xf32> to vector<16xf32>
      %swap3A_432 = vector.shape_cast %max3A_427 : vector<16xf32> to vector<1x16xf32>
      tpu.vector_store %arg16[%swap3A_428, %swap3A_429], %swap3A_432 {strides = array<i32>} : memref<128x128xf32, #tpu.memory_space<vmem>>, vector<1x16xf32>,
      %add3A_433 = arith.constant 2 : i32
      %add3A_434 = arith.addi %add3A_143, %add3A_433 : i32
      %get3A_435 = arith.index_cast %add3A_434 : i32 to index
      %get3A_436 = arith.constant 0 : index
      %get3A_437 = tpu.vector_load %arg12[%get3A_435, %get3A_436] {strides = array<i32>} : memref<128x128xf32, #tpu.memory_space<vmem>>, vector<1x16xf32>,
      %get3A_438 = vector.shape_cast %get3A_437 : vector<1x16xf32> to vector<16xf32>
      %get3A_439 = arith.index_cast %add3A_434 : i32 to index
      %get3A_440 = arith.constant 0 : index
      %get3A_441 = tpu.vector_load %arg14[%get3A_439, %get3A_440] {strides = array<i32>} : memref<128x128xf32, #tpu.memory_space<vmem>>, vector<1x16xf32>,
      %get3A_442 = vector.shape_cast %get3A_441 : vector<1x16xf32> to vector<16xf32>
      %add3A_443 = arith.addf %get3A_438, %get3A_442 : vector<16xf32>
      %mul3A_444 = arith.constant 0.00999999977 : f32
      %mul3A_445 = vector.broadcast %mul3A_444 : f32 to vector<16xf32>
      %mul3A_446 = arith.mulf %add3A_443, %mul3A_445 : vector<16xf32>
      %max3A_447 = arith.maximumf %add3A_443, %mul3A_446 : vector<16xf32>
      %swap3A_448 = arith.index_cast %add3A_434 : i32 to index
      %swap3A_449 = arith.constant 0 : index
      %swap3A_450 = tpu.vector_load %arg16[%swap3A_448, %swap3A_449] {strides = array<i32>} : memref<128x128xf32, #tpu.memory_space<vmem>>, vector<1x16xf32>,
      %swap3A_451 = vector.shape_cast %swap3A_450 : vector<1x16xf32> to vector<16xf32>
      %swap3A_452 = vector.shape_cast %max3A_447 : vector<16xf32> to vector<1x16xf32>
      tpu.vector_store %arg16[%swap3A_448, %swap3A_449], %swap3A_452 {strides = array<i32>} : memref<128x128xf32, #tpu.memory_space<vmem>>, vector<1x16xf32>,
      %get3A_453 = arith.index_cast %add3A_434 : i32 to index
      %get3A_454 = arith.constant 16 : index
      %get3A_455 = tpu.vector_load %arg12[%get3A_453, %get3A_454] {strides = array<i32>} : memref<128x128xf32, #tpu.memory_space<vmem>>, vector<1x16xf32>,
      %get3A_456 = vector.shape_cast %get3A_455 : vector<1x16xf32> to vector<16xf32>
      %get3A_457 = arith.index_cast %add3A_434 : i32 to index
      %get3A_458 = arith.constant 16 : index
      %get3A_459 = tpu.vector_load %arg14[%get3A_457, %get3A_458] {strides = array<i32>} : memref<128x128xf32, #tpu.memory_space<vmem>>, vector<1x16xf32>,
      %get3A_460 = vector.shape_cast %get3A_459 : vector<1x16xf32> to vector<16xf32>
      %add3A_461 = arith.addf %get3A_456, %get3A_460 : vector<16xf32>
      %mul3A_462 = arith.constant 0.00999999977 : f32
      %mul3A_463 = vector.broadcast %mul3A_462 : f32 to vector<16xf32>
      %mul3A_464 = arith.mulf %add3A_461, %mul3A_463 : vector<16xf32>
      %max3A_465 = arith.maximumf %add3A_461, %mul3A_464 : vector<16xf32>
      %swap3A_466 = arith.index_cast %add3A_434 : i32 to index
      %swap3A_467 = arith.constant 16 : index
      %swap3A_468 = tpu.vector_load %arg16[%swap3A_466, %swap3A_467] {strides = array<i32>} : memref<128x128xf32, #tpu.memory_space<vmem>>, vector<1x16xf32>,
      %swap3A_469 = vector.shape_cast %swap3A_468 : vector<1x16xf32> to vector<16xf32>
      %swap3A_470 = vector.shape_cast %max3A_465 : vector<16xf32> to vector<1x16xf32>
      tpu.vector_store %arg16[%swap3A_466, %swap3A_467], %swap3A_470 {strides = array<i32>} : memref<128x128xf32, #tpu.memory_space<vmem>>, vector<1x16xf32>,
      %get3A_471 = arith.index_cast %add3A_434 : i32 to index
      %get3A_472 = arith.constant 32 : index
      %get3A_473 = tpu.vector_load %arg12[%get3A_471, %get3A_472] {strides = array<i32>} : memref<128x128xf32, #tpu.memory_space<vmem>>, vector<1x16xf32>,
      %get3A_474 = vector.shape_cast %get3A_473 : vector<1x16xf32> to vector<16xf32>
      %get3A_475 = arith.index_cast %add3A_434 : i32 to index
      %get3A_476 = arith.constant 32 : index
      %get3A_477 = tpu.vector_load %arg14[%get3A_475, %get3A_476] {strides = array<i32>} : memref<128x128xf32, #tpu.memory_space<vmem>>, vector<1x16xf32>,
      %get3A_478 = vector.shape_cast %get3A_477 : vector<1x16xf32> to vector<16xf32>
      %add3A_479 = arith.addf %get3A_474, %get3A_478 : vector<16xf32>
      %mul3A_480 = arith.constant 0.00999999977 : f32
      %mul3A_481 = vector.broadcast %mul3A_480 : f32 to vector<16xf32>
      %mul3A_482 = arith.mulf %add3A_479, %mul3A_481 : vector<16xf32>
      %max3A_483 = arith.maximumf %add3A_479, %mul3A_482 : vector<16xf32>
      %swap3A_484 = arith.index_cast %add3A_434 : i32 to index
      %swap3A_485 = arith.constant 32 : index
      %swap3A_486 = tpu.vector_load %arg16[%swap3A_484, %swap3A_485] {strides = array<i32>} : memref<128x128xf32, #tpu.memory_space<vmem>>, vector<1x16xf32>,
      %swap3A_487 = vector.shape_cast %swap3A_486 : vector<1x16xf32> to vector<16xf32>
      %swap3A_488 = vector.shape_cast %max3A_483 : vector<16xf32> to vector<1x16xf32>
      tpu.vector_store %arg16[%swap3A_484, %swap3A_485], %swap3A_488 {strides = array<i32>} : memref<128x128xf32, #tpu.memory_space<vmem>>, vector<1x16xf32>,
      %get3A_489 = arith.index_cast %add3A_434 : i32 to index
      %get3A_490 = arith.constant 48 : index
      %get3A_491 = tpu.vector_load %arg12[%get3A_489, %get3A_490] {strides = array<i32>} : memref<128x128xf32, #tpu.memory_space<vmem>>, vector<1x16xf32>,
      %get3A_492 = vector.shape_cast %get3A_491 : vector<1x16xf32> to vector<16xf32>
      %get3A_493 = arith.index_cast %add3A_434 : i32 to index
      %get3A_494 = arith.constant 48 : index
      %get3A_495 = tpu.vector_load %arg14[%get3A_493, %get3A_494] {strides = array<i32>} : memref<128x128xf32, #tpu.memory_space<vmem>>, vector<1x16xf32>,
      %get3A_496 = vector.shape_cast %get3A_495 : vector<1x16xf32> to vector<16xf32>
      %add3A_497 = arith.addf %get3A_492, %get3A_496 : vector<16xf32>
      %mul3A_498 = arith.constant 0.00999999977 : f32
      %mul3A_499 = vector.broadcast %mul3A_498 : f32 to vector<16xf32>
      %mul3A_500 = arith.mulf %add3A_497, %mul3A_499 : vector<16xf32>
      %max3A_501 = arith.maximumf %add3A_497, %mul3A_500 : vector<16xf32>
      %swap3A_502 = arith.index_cast %add3A_434 : i32 to index
      %swap3A_503 = arith.constant 48 : index
      %swap3A_504 = tpu.vector_load %arg16[%swap3A_502, %swap3A_503] {strides = array<i32>} : memref<128x128xf32, #tpu.memory_space<vmem>>, vector<1x16xf32>,
      %swap3A_505 = vector.shape_cast %swap3A_504 : vector<1x16xf32> to vector<16xf32>
      %swap3A_506 = vector.shape_cast %max3A_501 : vector<16xf32> to vector<1x16xf32>
      tpu.vector_store %arg16[%swap3A_502, %swap3A_503], %swap3A_506 {strides = array<i32>} : memref<128x128xf32, #tpu.memory_space<vmem>>, vector<1x16xf32>,
      %get3A_507 = arith.index_cast %add3A_434 : i32 to index
      %get3A_508 = arith.constant 64 : index
      %get3A_509 = tpu.vector_load %arg12[%get3A_507, %get3A_508] {strides = array<i32>} : memref<128x128xf32, #tpu.memory_space<vmem>>, vector<1x16xf32>,
      %get3A_510 = vector.shape_cast %get3A_509 : vector<1x16xf32> to vector<16xf32>
      %get3A_511 = arith.index_cast %add3A_434 : i32 to index
      %get3A_512 = arith.constant 64 : index
      %get3A_513 = tpu.vector_load %arg14[%get3A_511, %get3A_512] {strides = array<i32>} : memref<128x128xf32, #tpu.memory_space<vmem>>, vector<1x16xf32>,
      %get3A_514 = vector.shape_cast %get3A_513 : vector<1x16xf32> to vector<16xf32>
      %add3A_515 = arith.addf %get3A_510, %get3A_514 : vector<16xf32>
      %mul3A_516 = arith.constant 0.00999999977 : f32
      %mul3A_517 = vector.broadcast %mul3A_516 : f32 to vector<16xf32>
      %mul3A_518 = arith.mulf %add3A_515, %mul3A_517 : vector<16xf32>
      %max3A_519 = arith.maximumf %add3A_515, %mul3A_518 : vector<16xf32>
      %swap3A_520 = arith.index_cast %add3A_434 : i32 to index
      %swap3A_521 = arith.constant 64 : index
      %swap3A_522 = tpu.vector_load %arg16[%swap3A_520, %swap3A_521] {strides = array<i32>} : memref<128x128xf32, #tpu.memory_space<vmem>>, vector<1x16xf32>,
      %swap3A_523 = vector.shape_cast %swap3A_522 : vector<1x16xf32> to vector<16xf32>
      %swap3A_524 = vector.shape_cast %max3A_519 : vector<16xf32> to vector<1x16xf32>
      tpu.vector_store %arg16[%swap3A_520, %swap3A_521], %swap3A_524 {strides = array<i32>} : memref<128x128xf32, #tpu.memory_space<vmem>>, vector<1x16xf32>,
      %get3A_525 = arith.index_cast %add3A_434 : i32 to index
      %get3A_526 = arith.constant 80 : index
      %get3A_527 = tpu.vector_load %arg12[%get3A_525, %get3A_526] {strides = array<i32>} : memref<128x128xf32, #tpu.memory_space<vmem>>, vector<1x16xf32>,
      %get3A_528 = vector.shape_cast %get3A_527 : vector<1x16xf32> to vector<16xf32>
      %get3A_529 = arith.index_cast %add3A_434 : i32 to index
      %get3A_530 = arith.constant 80 : index
      %get3A_531 = tpu.vector_load %arg14[%get3A_529, %get3A_530] {strides = array<i32>} : memref<128x128xf32, #tpu.memory_space<vmem>>, vector<1x16xf32>,
      %get3A_532 = vector.shape_cast %get3A_531 : vector<1x16xf32> to vector<16xf32>
      %add3A_533 = arith.addf %get3A_528, %get3A_532 : vector<16xf32>
      %mul3A_534 = arith.constant 0.00999999977 : f32
      %mul3A_535 = vector.broadcast %mul3A_534 : f32 to vector<16xf32>
      %mul3A_536 = arith.mulf %add3A_533, %mul3A_535 : vector<16xf32>
      %max3A_537 = arith.maximumf %add3A_533, %mul3A_536 : vector<16xf32>
      %swap3A_538 = arith.index_cast %add3A_434 : i32 to index
      %swap3A_539 = arith.constant 80 : index
      %swap3A_540 = tpu.vector_load %arg16[%swap3A_538, %swap3A_539] {strides = array<i32>} : memref<128x128xf32, #tpu.memory_space<vmem>>, vector<1x16xf32>,
      %swap3A_541 = vector.shape_cast %swap3A_540 : vector<1x16xf32> to vector<16xf32>
      %swap3A_542 = vector.shape_cast %max3A_537 : vector<16xf32> to vector<1x16xf32>
      tpu.vector_store %arg16[%swap3A_538, %swap3A_539], %swap3A_542 {strides = array<i32>} : memref<128x128xf32, #tpu.memory_space<vmem>>, vector<1x16xf32>,
      %get3A_543 = arith.index_cast %add3A_434 : i32 to index
      %get3A_544 = arith.constant 96 : index
      %get3A_545 = tpu.vector_load %arg12[%get3A_543, %get3A_544] {strides = array<i32>} : memref<128x128xf32, #tpu.memory_space<vmem>>, vector<1x16xf32>,
      %get3A_546 = vector.shape_cast %get3A_545 : vector<1x16xf32> to vector<16xf32>
      %get3A_547 = arith.index_cast %add3A_434 : i32 to index
      %get3A_548 = arith.constant 96 : index
      %get3A_549 = tpu.vector_load %arg14[%get3A_547, %get3A_548] {strides = array<i32>} : memref<128x128xf32, #tpu.memory_space<vmem>>, vector<1x16xf32>,
      %get3A_550 = vector.shape_cast %get3A_549 : vector<1x16xf32> to vector<16xf32>
      %add3A_551 = arith.addf %get3A_546, %get3A_550 : vector<16xf32>
      %mul3A_552 = arith.constant 0.00999999977 : f32
      %mul3A_553 = vector.broadcast %mul3A_552 : f32 to vector<16xf32>
      %mul3A_554 = arith.mulf %add3A_551, %mul3A_553 : vector<16xf32>
      %max3A_555 = arith.maximumf %add3A_551, %mul3A_554 : vector<16xf32>
      %swap3A_556 = arith.index_cast %add3A_434 : i32 to index
      %swap3A_557 = arith.constant 96 : index
      %swap3A_558 = tpu.vector_load %arg16[%swap3A_556, %swap3A_557] {strides = array<i32>} : memref<128x128xf32, #tpu.memory_space<vmem>>, vector<1x16xf32>,
      %swap3A_559 = vector.shape_cast %swap3A_558 : vector<1x16xf32> to vector<16xf32>
      %swap3A_560 = vector.shape_cast %max3A_555 : vector<16xf32> to vector<1x16xf32>
      tpu.vector_store %arg16[%swap3A_556, %swap3A_557], %swap3A_560 {strides = array<i32>} : memref<128x128xf32, #tpu.memory_space<vmem>>, vector<1x16xf32>,
      %get3A_561 = arith.index_cast %add3A_434 : i32 to index
      %get3A_562 = arith.constant 112 : index
      %get3A_563 = tpu.vector_load %arg12[%get3A_561, %get3A_562] {strides = array<i32>} : memref<128x128xf32, #tpu.memory_space<vmem>>, vector<1x16xf32>,
      %get3A_564 = vector.shape_cast %get3A_563 : vector<1x16xf32> to vector<16xf32>
      %get3A_565 = arith.index_cast %add3A_434 : i32 to index
      %get3A_566 = arith.constant 112 : index
      %get3A_567 = tpu.vector_load %arg14[%get3A_565, %get3A_566] {strides = array<i32>} : memref<128x128xf32, #tpu.memory_space<vmem>>, vector<1x16xf32>,
      %get3A_568 = vector.shape_cast %get3A_567 : vector<1x16xf32> to vector<16xf32>
      %add3A_569 = arith.addf %get3A_564, %get3A_568 : vector<16xf32>
      %mul3A_570 = arith.constant 0.00999999977 : f32
      %mul3A_571 = vector.broadcast %mul3A_570 : f32 to vector<16xf32>
      %mul3A_572 = arith.mulf %add3A_569, %mul3A_571 : vector<16xf32>
      %max3A_573 = arith.maximumf %add3A_569, %mul3A_572 : vector<16xf32>
      %swap3A_574 = arith.index_cast %add3A_434 : i32 to index
      %swap3A_575 = arith.constant 112 : index
      %swap3A_576 = tpu.vector_load %arg16[%swap3A_574, %swap3A_575] {strides = array<i32>} : memref<128x128xf32, #tpu.memory_space<vmem>>, vector<1x16xf32>,
      %swap3A_577 = vector.shape_cast %swap3A_576 : vector<1x16xf32> to vector<16xf32>
      %swap3A_578 = vector.shape_cast %max3A_573 : vector<16xf32> to vector<1x16xf32>
      tpu.vector_store %arg16[%swap3A_574, %swap3A_575], %swap3A_578 {strides = array<i32>} : memref<128x128xf32, #tpu.memory_space<vmem>>, vector<1x16xf32>,
      %add3A_579 = arith.constant 3 : i32
      %add3A_580 = arith.addi %add3A_143, %add3A_579 : i32
      %get3A_581 = arith.index_cast %add3A_580 : i32 to index
      %get3A_582 = arith.constant 0 : index
      %get3A_583 = tpu.vector_load %arg12[%get3A_581, %get3A_582] {strides = array<i32>} : memref<128x128xf32, #tpu.memory_space<vmem>>, vector<1x16xf32>,
      %get3A_584 = vector.shape_cast %get3A_583 : vector<1x16xf32> to vector<16xf32>
      %get3A_585 = arith.index_cast %add3A_580 : i32 to index
      %get3A_586 = arith.constant 0 : index
      %get3A_587 = tpu.vector_load %arg14[%get3A_585, %get3A_586] {strides = array<i32>} : memref<128x128xf32, #tpu.memory_space<vmem>>, vector<1x16xf32>,
      %get3A_588 = vector.shape_cast %get3A_587 : vector<1x16xf32> to vector<16xf32>
      %add3A_589 = arith.addf %get3A_584, %get3A_588 : vector<16xf32>
      %mul3A_590 = arith.constant 0.00999999977 : f32
      %mul3A_591 = vector.broadcast %mul3A_590 : f32 to vector<16xf32>
      %mul3A_592 = arith.mulf %add3A_589, %mul3A_591 : vector<16xf32>
      %max3A_593 = arith.maximumf %add3A_589, %mul3A_592 : vector<16xf32>
      %swap3A_594 = arith.index_cast %add3A_580 : i32 to index
      %swap3A_595 = arith.constant 0 : index
      %swap3A_596 = tpu.vector_load %arg16[%swap3A_594, %swap3A_595] {strides = array<i32>} : memref<128x128xf32, #tpu.memory_space<vmem>>, vector<1x16xf32>,
      %swap3A_597 = vector.shape_cast %swap3A_596 : vector<1x16xf32> to vector<16xf32>
      %swap3A_598 = vector.shape_cast %max3A_593 : vector<16xf32> to vector<1x16xf32>
      tpu.vector_store %arg16[%swap3A_594, %swap3A_595], %swap3A_598 {strides = array<i32>} : memref<128x128xf32, #tpu.memory_space<vmem>>, vector<1x16xf32>,
      %get3A_599 = arith.index_cast %add3A_580 : i32 to index
      %get3A_600 = arith.constant 16 : index
      %get3A_601 = tpu.vector_load %arg12[%get3A_599, %get3A_600] {strides = array<i32>} : memref<128x128xf32, #tpu.memory_space<vmem>>, vector<1x16xf32>,
      %get3A_602 = vector.shape_cast %get3A_601 : vector<1x16xf32> to vector<16xf32>
      %get3A_603 = arith.index_cast %add3A_580 : i32 to index
      %get3A_604 = arith.constant 16 : index
      %get3A_605 = tpu.vector_load %arg14[%get3A_603, %get3A_604] {strides = array<i32>} : memref<128x128xf32, #tpu.memory_space<vmem>>, vector<1x16xf32>,
      %get3A_606 = vector.shape_cast %get3A_605 : vector<1x16xf32> to vector<16xf32>
      %add3A_607 = arith.addf %get3A_602, %get3A_606 : vector<16xf32>
      %mul3A_608 = arith.constant 0.00999999977 : f32
      %mul3A_609 = vector.broadcast %mul3A_608 : f32 to vector<16xf32>
      %mul3A_610 = arith.mulf %add3A_607, %mul3A_609 : vector<16xf32>
      %max3A_611 = arith.maximumf %add3A_607, %mul3A_610 : vector<16xf32>
      %swap3A_612 = arith.index_cast %add3A_580 : i32 to index
      %swap3A_613 = arith.constant 16 : index
      %swap3A_614 = tpu.vector_load %arg16[%swap3A_612, %swap3A_613] {strides = array<i32>} : memref<128x128xf32, #tpu.memory_space<vmem>>, vector<1x16xf32>,
      %swap3A_615 = vector.shape_cast %swap3A_614 : vector<1x16xf32> to vector<16xf32>
      %swap3A_616 = vector.shape_cast %max3A_611 : vector<16xf32> to vector<1x16xf32>
      tpu.vector_store %arg16[%swap3A_612, %swap3A_613], %swap3A_616 {strides = array<i32>} : memref<128x128xf32, #tpu.memory_space<vmem>>, vector<1x16xf32>,
      %get3A_617 = arith.index_cast %add3A_580 : i32 to index
      %get3A_618 = arith.constant 32 : index
      %get3A_619 = tpu.vector_load %arg12[%get3A_617, %get3A_618] {strides = array<i32>} : memref<128x128xf32, #tpu.memory_space<vmem>>, vector<1x16xf32>,
      %get3A_620 = vector.shape_cast %get3A_619 : vector<1x16xf32> to vector<16xf32>
      %get3A_621 = arith.index_cast %add3A_580 : i32 to index
      %get3A_622 = arith.constant 32 : index
      %get3A_623 = tpu.vector_load %arg14[%get3A_621, %get3A_622] {strides = array<i32>} : memref<128x128xf32, #tpu.memory_space<vmem>>, vector<1x16xf32>,
      %get3A_624 = vector.shape_cast %get3A_623 : vector<1x16xf32> to vector<16xf32>
      %add3A_625 = arith.addf %get3A_620, %get3A_624 : vector<16xf32>
      %mul3A_626 = arith.constant 0.00999999977 : f32
      %mul3A_627 = vector.broadcast %mul3A_626 : f32 to vector<16xf32>
      %mul3A_628 = arith.mulf %add3A_625, %mul3A_627 : vector<16xf32>
      %max3A_629 = arith.maximumf %add3A_625, %mul3A_628 : vector<16xf32>
      %swap3A_630 = arith.index_cast %add3A_580 : i32 to index
      %swap3A_631 = arith.constant 32 : index
      %swap3A_632 = tpu.vector_load %arg16[%swap3A_630, %swap3A_631] {strides = array<i32>} : memref<128x128xf32, #tpu.memory_space<vmem>>, vector<1x16xf32>,
      %swap3A_633 = vector.shape_cast %swap3A_632 : vector<1x16xf32> to vector<16xf32>
      %swap3A_634 = vector.shape_cast %max3A_629 : vector<16xf32> to vector<1x16xf32>
      tpu.vector_store %arg16[%swap3A_630, %swap3A_631], %swap3A_634 {strides = array<i32>} : memref<128x128xf32, #tpu.memory_space<vmem>>, vector<1x16xf32>,
      %get3A_635 = arith.index_cast %add3A_580 : i32 to index
      %get3A_636 = arith.constant 48 : index
      %get3A_637 = tpu.vector_load %arg12[%get3A_635, %get3A_636] {strides = array<i32>} : memref<128x128xf32, #tpu.memory_space<vmem>>, vector<1x16xf32>,
      %get3A_638 = vector.shape_cast %get3A_637 : vector<1x16xf32> to vector<16xf32>
      %get3A_639 = arith.index_cast %add3A_580 : i32 to index
      %get3A_640 = arith.constant 48 : index
      %get3A_641 = tpu.vector_load %arg14[%get3A_639, %get3A_640] {strides = array<i32>} : memref<128x128xf32, #tpu.memory_space<vmem>>, vector<1x16xf32>,
      %get3A_642 = vector.shape_cast %get3A_641 : vector<1x16xf32> to vector<16xf32>
      %add3A_643 = arith.addf %get3A_638, %get3A_642 : vector<16xf32>
      %mul3A_644 = arith.constant 0.00999999977 : f32
      %mul3A_645 = vector.broadcast %mul3A_644 : f32 to vector<16xf32>
      %mul3A_646 = arith.mulf %add3A_643, %mul3A_645 : vector<16xf32>
      %max3A_647 = arith.maximumf %add3A_643, %mul3A_646 : vector<16xf32>
      %swap3A_648 = arith.index_cast %add3A_580 : i32 to index
      %swap3A_649 = arith.constant 48 : index
      %swap3A_650 = tpu.vector_load %arg16[%swap3A_648, %swap3A_649] {strides = array<i32>} : memref<128x128xf32, #tpu.memory_space<vmem>>, vector<1x16xf32>,
      %swap3A_651 = vector.shape_cast %swap3A_650 : vector<1x16xf32> to vector<16xf32>
      %swap3A_652 = vector.shape_cast %max3A_647 : vector<16xf32> to vector<1x16xf32>
      tpu.vector_store %arg16[%swap3A_648, %swap3A_649], %swap3A_652 {strides = array<i32>} : memref<128x128xf32, #tpu.memory_space<vmem>>, vector<1x16xf32>,
      %get3A_653 = arith.index_cast %add3A_580 : i32 to index
      %get3A_654 = arith.constant 64 : index
      %get3A_655 = tpu.vector_load %arg12[%get3A_653, %get3A_654] {strides = array<i32>} : memref<128x128xf32, #tpu.memory_space<vmem>>, vector<1x16xf32>,
      %get3A_656 = vector.shape_cast %get3A_655 : vector<1x16xf32> to vector<16xf32>
      %get3A_657 = arith.index_cast %add3A_580 : i32 to index
      %get3A_658 = arith.constant 64 : index
      %get3A_659 = tpu.vector_load %arg14[%get3A_657, %get3A_658] {strides = array<i32>} : memref<128x128xf32, #tpu.memory_space<vmem>>, vector<1x16xf32>,
      %get3A_660 = vector.shape_cast %get3A_659 : vector<1x16xf32> to vector<16xf32>
      %add3A_661 = arith.addf %get3A_656, %get3A_660 : vector<16xf32>
      %mul3A_662 = arith.constant 0.00999999977 : f32
      %mul3A_663 = vector.broadcast %mul3A_662 : f32 to vector<16xf32>
      %mul3A_664 = arith.mulf %add3A_661, %mul3A_663 : vector<16xf32>
      %max3A_665 = arith.maximumf %add3A_661, %mul3A_664 : vector<16xf32>
      %swap3A_666 = arith.index_cast %add3A_580 : i32 to index
      %swap3A_667 = arith.constant 64 : index
      %swap3A_668 = tpu.vector_load %arg16[%swap3A_666, %swap3A_667] {strides = array<i32>} : memref<128x128xf32, #tpu.memory_space<vmem>>, vector<1x16xf32>,
      %swap3A_669 = vector.shape_cast %swap3A_668 : vector<1x16xf32> to vector<16xf32>
      %swap3A_670 = vector.shape_cast %max3A_665 : vector<16xf32> to vector<1x16xf32>
      tpu.vector_store %arg16[%swap3A_666, %swap3A_667], %swap3A_670 {strides = array<i32>} : memref<128x128xf32, #tpu.memory_space<vmem>>, vector<1x16xf32>,
      %get3A_671 = arith.index_cast %add3A_580 : i32 to index
      %get3A_672 = arith.constant 80 : index
      %get3A_673 = tpu.vector_load %arg12[%get3A_671, %get3A_672] {strides = array<i32>} : memref<128x128xf32, #tpu.memory_space<vmem>>, vector<1x16xf32>,
      %get3A_674 = vector.shape_cast %get3A_673 : vector<1x16xf32> to vector<16xf32>
      %get3A_675 = arith.index_cast %add3A_580 : i32 to index
      %get3A_676 = arith.constant 80 : index
      %get3A_677 = tpu.vector_load %arg14[%get3A_675, %get3A_676] {strides = array<i32>} : memref<128x128xf32, #tpu.memory_space<vmem>>, vector<1x16xf32>,
      %get3A_678 = vector.shape_cast %get3A_677 : vector<1x16xf32> to vector<16xf32>
      %add3A_679 = arith.addf %get3A_674, %get3A_678 : vector<16xf32>
      %mul3A_680 = arith.constant 0.00999999977 : f32
      %mul3A_681 = vector.broadcast %mul3A_680 : f32 to vector<16xf32>
      %mul3A_682 = arith.mulf %add3A_679, %mul3A_681 : vector<16xf32>
      %max3A_683 = arith.maximumf %add3A_679, %mul3A_682 : vector<16xf32>
      %swap3A_684 = arith.index_cast %add3A_580 : i32 to index
      %swap3A_685 = arith.constant 80 : index
      %swap3A_686 = tpu.vector_load %arg16[%swap3A_684, %swap3A_685] {strides = array<i32>} : memref<128x128xf32, #tpu.memory_space<vmem>>, vector<1x16xf32>,
      %swap3A_687 = vector.shape_cast %swap3A_686 : vector<1x16xf32> to vector<16xf32>
      %swap3A_688 = vector.shape_cast %max3A_683 : vector<16xf32> to vector<1x16xf32>
      tpu.vector_store %arg16[%swap3A_684, %swap3A_685], %swap3A_688 {strides = array<i32>} : memref<128x128xf32, #tpu.memory_space<vmem>>, vector<1x16xf32>,
      %get3A_689 = arith.index_cast %add3A_580 : i32 to index
      %get3A_690 = arith.constant 96 : index
      %get3A_691 = tpu.vector_load %arg12[%get3A_689, %get3A_690] {strides = array<i32>} : memref<128x128xf32, #tpu.memory_space<vmem>>, vector<1x16xf32>,
      %get3A_692 = vector.shape_cast %get3A_691 : vector<1x16xf32> to vector<16xf32>
      %get3A_693 = arith.index_cast %add3A_580 : i32 to index
      %get3A_694 = arith.constant 96 : index
      %get3A_695 = tpu.vector_load %arg14[%get3A_693, %get3A_694] {strides = array<i32>} : memref<128x128xf32, #tpu.memory_space<vmem>>, vector<1x16xf32>,
      %get3A_696 = vector.shape_cast %get3A_695 : vector<1x16xf32> to vector<16xf32>
      %add3A_697 = arith.addf %get3A_692, %get3A_696 : vector<16xf32>
      %mul3A_698 = arith.constant 0.00999999977 : f32
      %mul3A_699 = vector.broadcast %mul3A_698 : f32 to vector<16xf32>
      %mul3A_700 = arith.mulf %add3A_697, %mul3A_699 : vector<16xf32>
      %max3A_701 = arith.maximumf %add3A_697, %mul3A_700 : vector<16xf32>
      %swap3A_702 = arith.index_cast %add3A_580 : i32 to index
      %swap3A_703 = arith.constant 96 : index
      %swap3A_704 = tpu.vector_load %arg16[%swap3A_702, %swap3A_703] {strides = array<i32>} : memref<128x128xf32, #tpu.memory_space<vmem>>, vector<1x16xf32>,
      %swap3A_705 = vector.shape_cast %swap3A_704 : vector<1x16xf32> to vector<16xf32>
      %swap3A_706 = vector.shape_cast %max3A_701 : vector<16xf32> to vector<1x16xf32>
      tpu.vector_store %arg16[%swap3A_702, %swap3A_703], %swap3A_706 {strides = array<i32>} : memref<128x128xf32, #tpu.memory_space<vmem>>, vector<1x16xf32>,
      %get3A_707 = arith.index_cast %add3A_580 : i32 to index
      %get3A_708 = arith.constant 112 : index
      %get3A_709 = tpu.vector_load %arg12[%get3A_707, %get3A_708] {strides = array<i32>} : memref<128x128xf32, #tpu.memory_space<vmem>>, vector<1x16xf32>,
      %get3A_710 = vector.shape_cast %get3A_709 : vector<1x16xf32> to vector<16xf32>
      %get3A_711 = arith.index_cast %add3A_580 : i32 to index
      %get3A_712 = arith.constant 112 : index
      %get3A_713 = tpu.vector_load %arg14[%get3A_711, %get3A_712] {strides = array<i32>} : memref<128x128xf32, #tpu.memory_space<vmem>>, vector<1x16xf32>,
      %get3A_714 = vector.shape_cast %get3A_713 : vector<1x16xf32> to vector<16xf32>
      %add3A_715 = arith.addf %get3A_710, %get3A_714 : vector<16xf32>
      %mul3A_716 = arith.constant 0.00999999977 : f32
      %mul3A_717 = vector.broadcast %mul3A_716 : f32 to vector<16xf32>
      %mul3A_718 = arith.mulf %add3A_715, %mul3A_717 : vector<16xf32>
      %max3A_719 = arith.maximumf %add3A_715, %mul3A_718 : vector<16xf32>
      %swap3A_720 = arith.index_cast %add3A_580 : i32 to index
      %swap3A_721 = arith.constant 112 : index
      %swap3A_722 = tpu.vector_load %arg16[%swap3A_720, %swap3A_721] {strides = array<i32>} : memref<128x128xf32, #tpu.memory_space<vmem>>, vector<1x16xf32>,
      %swap3A_723 = vector.shape_cast %swap3A_722 : vector<1x16xf32> to vector<16xf32>
      %swap3A_724 = vector.shape_cast %max3A_719 : vector<16xf32> to vector<1x16xf32>
      tpu.vector_store %arg16[%swap3A_720, %swap3A_721], %swap3A_724 {strides = array<i32>} : memref<128x128xf32, #tpu.memory_space<vmem>>, vector<1x16xf32>,
    }
    %scan3A_108 = arith.constant 32 : i32
    %mul3A_109 = arith.constant 128 : i32
    %mul3A_110 = arith.muli %add3A, %mul3A_109 : i32
    %add3A_111 = arith.constant 127 : i32
    %add3A_112 = arith.addi %mul3A_110, %add3A_111 : i32
    %mul3A_113 = arith.constant 128 : i32
    %mul3A_114 = arith.muli %add3A_112, %mul3A_113 : i32
    %dma_start3A_115 = arith.constant 0 : i32
    %dma_start3A_116 = tpu.memref_slice %arg6[%mul3A_114, %dma_start3A_115] : memref<524288x128xf32, #tpu.memory_space<hbm>> -> memref<128x128xf32, #tpu.memory_space<hbm>>
    %dma_start3A_117 = arith.constant 0 : i32
    %dma_start3A_118 = tpu.memref_slice %arg6[%mul3A_114, %dma_start3A_117] : memref<524288x128xf32, #tpu.memory_space<hbm>> -> memref<128x128xf32, #tpu.memory_space<hbm>>
    tpu.enqueue_dma source(%arg16 : memref<128x128xf32, #tpu.memory_space<vmem>>) target(%dma_start3A_118 : memref<128x128xf32, #tpu.memory_space<hbm>>) target_semaphore(%arg24 : memref<!tpu.dma_semaphore, #tpu.memory_space<semaphore_mem>>)
    %mul3A_119 = arith.constant 128 : i32
    %mul3A_120 = arith.muli %add3A, %mul3A_119 : i32
    %add3A_121 = arith.constant 126 : i32
    %add3A_122 = arith.addi %mul3A_120, %add3A_121 : i32
    %mul3A_123 = arith.constant 128 : i32
    %mul3A_124 = arith.muli %add3A_122, %mul3A_123 : i32
    %dma_wait3A_125 = arith.constant 0 : i32
    %dma_wait3A_126 = tpu.memref_slice %arg6[%mul3A_124, %dma_wait3A_125] : memref<524288x128xf32, #tpu.memory_space<hbm>> -> memref<128x128xf32, #tpu.memory_space<hbm>>
    %dma_wait3A_127 = arith.constant 0 : i32
    %dma_wait3A_128 = tpu.memref_slice %arg6[%mul3A_124, %dma_wait3A_127] : memref<524288x128xf32, #tpu.memory_space<hbm>> -> memref<128x128xf32, #tpu.memory_space<hbm>>
    tpu.wait_dma2 semaphore(%arg23 : memref<!tpu.dma_semaphore, #tpu.memory_space<semaphore_mem>>) src(%arg15 : memref<128x128xf32, #tpu.memory_space<vmem>>) dst(%dma_wait3A_128 : memref<128x128xf32, #tpu.memory_space<hbm>>)
    %mul3A_129 = arith.constant 128 : i32
    %mul3A_130 = arith.muli %add3A, %mul3A_129 : i32
    %add3A_131 = arith.constant 127 : i32
    %add3A_132 = arith.addi %mul3A_130, %add3A_131 : i32
    %mul3A_133 = arith.constant 128 : i32
    %mul3A_134 = arith.muli %add3A_132, %mul3A_133 : i32
    %dma_wait3A_135 = arith.constant 0 : i32
    %dma_wait3A_136 = tpu.memref_slice %arg6[%mul3A_134, %dma_wait3A_135] : memref<524288x128xf32, #tpu.memory_space<hbm>> -> memref<128x128xf32, #tpu.memory_space<hbm>>
    %dma_wait3A_137 = arith.constant 0 : i32
    %dma_wait3A_138 = tpu.memref_slice %arg6[%mul3A_134, %dma_wait3A_137] : memref<524288x128xf32, #tpu.memory_space<hbm>> -> memref<128x128xf32, #tpu.memory_space<hbm>>
    tpu.wait_dma2 semaphore(%arg24 : memref<!tpu.dma_semaphore, #tpu.memory_space<semaphore_mem>>) src(%arg16 : memref<128x128xf32, #tpu.memory_space<vmem>>) dst(%dma_wait3A_138 : memref<128x128xf32, #tpu.memory_space<hbm>>)
    return
  }
}

module attributes {stable_mosaic.version = 14 : i64} {
  func.func @_prep_kernel(%arg0: memref<1032x128xf32, #tpu.memory_space<vmem>>, %arg1: memref<256x128xf32, #tpu.memory_space<vmem>>, %arg2: memref<1x128xf32, #tpu.memory_space<vmem>>, %arg3: memref<8x256xi32, #tpu.memory_space<vmem>>, %arg4: memref<8x256xi32, #tpu.memory_space<vmem>>, %arg5: memref<1032x128xf32, #tpu.memory_space<vmem>>, %arg6: memref<1032x128xf32, #tpu.memory_space<vmem>>, %arg7: memref<8x256x256xi32, #tpu.memory_space<vmem>>, %arg8: memref<8x256x256xi32, #tpu.memory_space<vmem>>) attributes {dimension_semantics = [], scalar_prefetch = 0 : i64, scratch_operands = 0 : i64, tpu.core_type = #tpu.core_type<tc>} {
    %get3A = arith.constant 0 : index
    %get3A_0 = arith.constant 0 : index
    %get3A_1 = vector.load %arg1[%get3A, %get3A_0] : memref<256x128xf32, #tpu.memory_space<vmem>>, vector<128x128xf32>
    %get3A_2 = arith.constant 128 : index
    %get3A_3 = arith.constant 0 : index
    %get3A_4 = vector.load %arg1[%get3A_2, %get3A_3] : memref<256x128xf32, #tpu.memory_space<vmem>>, vector<128x128xf32>
    %get3A_5 = arith.constant 0 : index
    %get3A_6 = arith.constant 0 : index
    %get3A_7 = vector.load %arg0[%get3A_5, %get3A_6] : memref<1032x128xf32, #tpu.memory_space<vmem>>, vector<1032x128xf32>
    %dot_general3A = arith.constant dense<0.000000e+00> : vector<1032x128xf32>
    %dot_general3A_8 = tpu.matmul %get3A_7, %get3A_1, %dot_general3A {dimension_numbers = #tpu.dot_dimension_numbers<[1], [0], [0], [1], [0, 0, 1, 1], [], []>, transpose_lhs_hint = false} : vector<1032x128xf32>, vector<128x128xf32>, vector<1032x128xf32> -> vector<1032x128xf32>
    %get3A_9 = arith.constant 0 : index
    %get3A_10 = arith.constant 0 : index
    %get3A_11 = vector.load %arg2[%get3A_9, %get3A_10] : memref<1x128xf32, #tpu.memory_space<vmem>>, vector<1x128xf32>
    %add3A = vector.broadcast %get3A_11 : vector<1x128xf32> to vector<1032x128xf32>
    %add3A_12 = arith.addf %dot_general3A_8, %add3A : vector<1032x128xf32>
    %swap3A = arith.constant 0 : index
    %swap3A_13 = arith.constant 0 : index
    %swap3A_14 = vector.load %arg5[%swap3A, %swap3A_13] : memref<1032x128xf32, #tpu.memory_space<vmem>>, vector<1032x128xf32>
    tpu.vector_store %arg5[%swap3A, %swap3A_13], %add3A_12 {strides = array<i32>} : memref<1032x128xf32, #tpu.memory_space<vmem>>, vector<1032x128xf32>,
    %dot_general3A_15 = arith.constant dense<0.000000e+00> : vector<1032x128xf32>
    %dot_general3A_16 = tpu.matmul %get3A_7, %get3A_4, %dot_general3A_15 {dimension_numbers = #tpu.dot_dimension_numbers<[1], [0], [0], [1], [0, 0, 1, 1], [], []>, transpose_lhs_hint = false} : vector<1032x128xf32>, vector<128x128xf32>, vector<1032x128xf32> -> vector<1032x128xf32>
    %swap3A_17 = arith.constant 0 : index
    %swap3A_18 = arith.constant 0 : index
    %swap3A_19 = vector.load %arg6[%swap3A_17, %swap3A_18] : memref<1032x128xf32, #tpu.memory_space<vmem>>, vector<1032x128xf32>
    tpu.vector_store %arg6[%swap3A_17, %swap3A_18], %dot_general3A_16 {strides = array<i32>} : memref<1032x128xf32, #tpu.memory_space<vmem>>, vector<1032x128xf32>,
    %get3A_20 = arith.constant 0 : index
    %get3A_21 = arith.constant 0 : index
    %get3A_22 = vector.load %arg3[%get3A_20, %get3A_21] : memref<8x256xi32, #tpu.memory_space<vmem>>, vector<8x256xi32>
    %get3A_23 = arith.constant 0 : index
    %get3A_24 = arith.constant 0 : index
    %get3A_25 = vector.load %arg4[%get3A_23, %get3A_24] : memref<8x256xi32, #tpu.memory_space<vmem>>, vector<8x256xi32>
    %broadcast_in_dim3A = vector.shape_cast %get3A_22 : vector<8x256xi32> to vector<8x256x1xi32>
    %broadcast_in_dim3A_26 = vector.shape_cast %get3A_22 : vector<8x256xi32> to vector<8x1x256xi32>
    %sub3A = vector.broadcast %broadcast_in_dim3A : vector<8x256x1xi32> to vector<8x256x256xi32>
    %sub3A_27 = vector.broadcast %broadcast_in_dim3A_26 : vector<8x1x256xi32> to vector<8x256x256xi32>
    %sub3A_28 = arith.subi %sub3A, %sub3A_27 : vector<8x256x256xi32>
    %add3A_29 = arith.constant 512 : i32
    %add3A_30 = vector.broadcast %add3A_29 : i32 to vector<8x256x256xi32>
    %add3A_31 = arith.addi %sub3A_28, %add3A_30 : vector<8x256x256xi32>
    %swap3A_32 = arith.constant 0 : index
    %swap3A_33 = arith.constant 0 : index
    %swap3A_34 = arith.constant 0 : index
    %swap3A_35 = vector.load %arg7[%swap3A_32, %swap3A_33, %swap3A_34] : memref<8x256x256xi32, #tpu.memory_space<vmem>>, vector<8x256x256xi32>
    tpu.vector_store %arg7[%swap3A_32, %swap3A_33, %swap3A_34], %add3A_31 {strides = array<i32>} : memref<8x256x256xi32, #tpu.memory_space<vmem>>, vector<8x256x256xi32>,
    %broadcast_in_dim3A_36 = vector.shape_cast %get3A_25 : vector<8x256xi32> to vector<8x256x1xi32>
    %broadcast_in_dim3A_37 = vector.shape_cast %get3A_25 : vector<8x256xi32> to vector<8x1x256xi32>
    %sub3A_38 = vector.broadcast %broadcast_in_dim3A_36 : vector<8x256x1xi32> to vector<8x256x256xi32>
    %sub3A_39 = vector.broadcast %broadcast_in_dim3A_37 : vector<8x1x256xi32> to vector<8x256x256xi32>
    %sub3A_40 = arith.subi %sub3A_38, %sub3A_39 : vector<8x256x256xi32>
    %add3A_41 = arith.constant 512 : i32
    %add3A_42 = vector.broadcast %add3A_41 : i32 to vector<8x256x256xi32>
    %add3A_43 = arith.addi %sub3A_40, %add3A_42 : vector<8x256x256xi32>
    %swap3A_44 = arith.constant 0 : index
    %swap3A_45 = arith.constant 0 : index
    %swap3A_46 = arith.constant 0 : index
    %swap3A_47 = vector.load %arg8[%swap3A_44, %swap3A_45, %swap3A_46] : memref<8x256x256xi32, #tpu.memory_space<vmem>>, vector<8x256x256xi32>
    tpu.vector_store %arg8[%swap3A_44, %swap3A_45, %swap3A_46], %add3A_43 {strides = array<i32>} : memref<8x256x256xi32, #tpu.memory_space<vmem>>, vector<8x256x256xi32>,
    return
  }
}

</mosaic_0001>

<sc_bundles>
// kernel: kernel.4.cloned.1.call-start
scs
__scs_entry_jumppad:
0x0: {  	(pc) =	sbr.rel $0x88, $3  }
0x1: {  	(tag) =	ssettag $0x0;
	lr =	simm.s32 $0x1  }
0x2: {  	[smem:$0x3F9C] =	sst lr;
	_ =	strace $0xD0000000  }
0x3: {  	_ = 	snop  }
0x4: {  	_ = 	snop  }
0x5: {  	_ = 	snop  }
0x6: {  	_ = 	snop  }
0x7: {  	_ = 	snop  }
__scs_overlays_trampoline_lowered:
0x8: {  	[smem:$0x3FAB] =	sst s0  }
0x9: {  	[smem:$0x3FAC] =	sst s1  }
0xa: {  	[smem:$0x3FAD] =	sst s2  }
0xb: {  	[smem:$0x3FAE] =	sst s3  }
0xc: {  	[smem:$0x3FAF] =	sst s4  }
0xd: {  	[smem:$0x3FB0] =	sst s5  }
0xe: {  	[smem:$0x3FB1] =	sst s6  }
0xf: {  	[smem:$0x3FB2] =	sst s7  }
0x10: {  	[smem:$0x3FB3] =	sst s8  }
0x11: {  	[smem:$0x3FB4] =	sst s9;
	s0 =	simm.s32 @!p0 $0x0  }
0x12: {  	s1 =	sld [smem:$0x3F9A];
	s0 =	simm.s32 @p0 $0x1  }
0x13: {  	[smem:$0x3FB5] =	sst s0;
	s0 =	simm.s32 @!p1 $0x0  }
0x14: {  	s2 =	sld [smem:$0x3F99];
	s0 =	simm.s32 @p1 $0x1  }
0x15: {  	[smem:$0x3FB6] =	sst s0;
	s0 =	simm.s32 @!p2 $0x0  }
0x16: {  	s3 =	sld [smem:$0x3FDB];
	s0 =	simm.s32 @p2 $0x1  }
0x17: {  	s4 =	simm.s32 $0x1BF5;
	[smem:$0x3FB8] =	sst s0  }
0x18: {  	s0 =	sld [smem:$0x3F9B];
	_ =	swait.ge [sflag:s4], $0x0  }
0x19: {  	s7 =	sld [smem:$0x3F9C]  }
0x1a: {  	s8 =	sadd.s32 $0xFFFFE003, lr  }
0x1b: {  	s9 =	sadd.s32 $0xFFFFFEF7, lr;
	s5 =	simm.s32 $0xFFFFFFFF;
	p2 =	slt.u32 s8, $0xFFFFF086  }
0x1c: {  	p1 =	slt.u32 s9, $0xF7A;
	s5 =	simm.s32 @!p2 $0x0  }
0x1d: {  	s5 =	simm.s32 @p1 $0x1;
	p0 =	seq.s32 s7, s2  }
0x1e: {  	s7 =	smul.u32 @!p0 $0xF7A, s2;
	p2 =	seq.s32 @!p0 s5, $0x0  }
0x1f: {  	s9 =	smul.u32 $0xF7A, s1;
	s8 =	simm.s32 @!p0 $0x1BF5;
	p2 =	por !p2, p0  }
0x20: {  	[sflag:s8] =	ssyncset.s32 @!p0 $0xFFFFF086;
	s6 =	sadd.s32 @!p0 s3, s7;
	s7 =	simm.s32 @!p0 $0x108  }
0x21: {  	s3 =	sadd.s32 s3, s9;
	s6 =	sadd.s32 @!p0 $0x88, s6;
	s7 =	simm.s32 @p2 $0x1082  }
0x22: {  	[simem:s7], [sflag:s8] =	dma.local @!p0 [hbm:s6], $0xF7A  }
0x23: {  	s9 =	sor.u32 $0xD0000000, s2;
	s6 =	simm.s32 $0x108;
	_ =	swait.ge @!p0 [sflag:s8], $0x0  }
0x24: {  	s3 =	sadd.s32 $0x88, s3;
	s6 =	simm.s32 @!p1 $0x1082;
	[sflag:s4] =	ssyncset.s32 $0xFFFFF086  }
0x25: {  	[simem:s6], [sflag:s4] =	dma.local [hbm:s3], $0xF7A  }
0x26: {  	[smem:$0x3F9C] =	sst s1;
	(tag) =	ssettag s2;
	_ =	strace s9  }
0x27: {  	s1 =	sld [smem:$0x3FAC]  }
0x28: {  	s2 =	sld [smem:$0x3FAD]  }
0x29: {  	s4 =	sld [smem:$0x3FAF]  }
0x2a: {  	p0 =	seq.s32 s5, $0x0;
	s5 =	sld [smem:$0x3FB0]  }
0x2b: {  	s6 =	sld [smem:$0x3FB1]  }
0x2c: {  	s7 =	sld [smem:$0x3FB2]  }
0x2d: {  	s3 =	simm.s32 $0x108;
	s8 =	sld [smem:$0x3FB3]  }
0x2e: {  	s3 =	simm.s32 @!p0 $0x1082;
	s9 =	sld [smem:$0x3FB4]  }
0x2f: {  	lr =	sadd.s32 s0, s3;
	s0 =	sld [smem:$0x3FAB]  }
0x30: {  	s3 =	sld [smem:$0x3FAE]  }
0x31: {  	[smem:$0x3FB7] =	sst s10  }
0x32: {  	s10 =	sld [smem:$0x3FB5];
	_ =	sdelay $0x3  }
0x33: {  	p0 =	seq.s32 s10, $0x1;
	s10 =	sld [smem:$0x3FB7];
	_ =	sdelay $0x3  }
0x34: {  	[smem:$0x3FB7] =	sst s10  }
0x35: {  	s10 =	sld [smem:$0x3FB6];
	_ =	sdelay $0x3  }
0x36: {  	p1 =	seq.s32 s10, $0x1;
	s10 =	sld [smem:$0x3FB7];
	_ =	sdelay $0x3  }
0x37: {  	[smem:$0x3FB7] =	sst s10  }
0x38: {  	s10 =	sld [smem:$0x3FB8]  }
0x39: {  	_ = 	snop;
	(pc) =	sbr.ind lr, $3  }
0x3a: {  	_ = 	snop  }
0x3b: {  	_ = 	snop  }
0x3c: {  	p2 =	seq.s32 s10, $0x1;
	s10 =	sld [smem:$0x3FB7]  }
0x3d: {  	_ =	shalt  }
0x3e: {  	_ =	shalt  }
0x3f: {  	_ =	shalt  }
0x40: {  	_ =	shalt  }
0x41: {  	_ =	shalt  }
0x42: {  	_ =	shalt  }
0x43: {  	_ =	shalt  }
0x44: {  	_ =	shalt  }
0x45: {  	_ =	shalt  }
0x46: {  	_ =	shalt  }
0x47: {  	_ =	shalt  }
0x48: {  	_ =	shalt  }
0x49: {  	_ =	shalt  }
0x4a: {  	_ =	shalt  }
0x4b: {  	_ =	shalt  }
0x4c: {  	_ =	shalt  }
0x4d: {  	_ =	shalt  }
0x4e: {  	_ =	shalt  }
0x4f: {  	_ =	shalt  }
0x50: {  	_ =	shalt  }
0x51: {  	_ =	shalt  }
0x52: {  	_ =	shalt  }
0x53: {  	_ =	shalt  }
0x54: {  	_ =	shalt  }
0x55: {  	_ =	shalt  }
0x56: {  	_ =	shalt  }
0x57: {  	_ =	shalt  }
0x58: {  	_ =	shalt  }
0x59: {  	_ =	shalt  }
0x5a: {  	_ =	shalt  }
0x5b: {  	_ =	shalt  }
0x5c: {  	_ =	shalt  }
0x5d: {  	_ =	shalt  }
0x5e: {  	_ =	shalt  }
0x5f: {  	_ =	shalt  }
0x60: {  	_ =	shalt  }
0x61: {  	_ =	shalt  }
0x62: {  	_ =	shalt  }
0x63: {  	_ =	shalt  }
0x64: {  	_ =	shalt  }
0x65: {  	_ =	shalt  }
0x66: {  	_ =	shalt  }
0x67: {  	_ =	shalt  }
0x68: {  	_ =	shalt  }
0x69: {  	_ =	shalt  }
0x6a: {  	_ =	shalt  }
0x6b: {  	_ =	shalt  }
0x6c: {  	_ =	shalt  }
0x6d: {  	_ =	shalt  }
0x6e: {  	_ =	shalt  }
0x6f: {  	_ =	shalt  }
0x70: {  	_ =	shalt  }
0x71: {  	_ =	shalt  }
0x72: {  	_ =	shalt  }
0x73: {  	_ =	shalt  }
0x74: {  	_ =	shalt  }
0x75: {  	_ =	shalt  }
0x76: {  	_ =	shalt  }
0x77: {  	_ =	shalt  }
0x78: {  	_ =	shalt  }
0x79: {  	_ =	shalt  }
0x7a: {  	_ =	shalt  }
0x7b: {  	_ =	shalt  }
0x7c: {  	_ =	shalt  }
0x7d: {  	_ =	shalt  }
0x7e: {  	_ =	shalt  }
0x7f: {  	_ =	shalt  }
0x80: {  	_ =	shalt  }
0x81: {  	_ =	shalt  }
0x82: {  	_ =	shalt  }
0x83: {  	_ =	shalt  }
0x84: {  	_ =	shalt  }
0x85: {  	_ =	shalt  }
0x86: {  	_ =	shalt  }
0x87: {  	_ =	shalt  }
.Lfunc_end0:
.L_simem_size_0:
called_computation_lowered:
.L_overlay_start_0:
0x88: {  	s2 =	sld [smem:$0x3FD9]  }
0x89: {  	s3 =	sld [smem:$0x3FFE];
	_ =	sdelay $0x1  }
0x8a: {  	s1 =	srdreg.scid  }
0x8b: {  	s0 =	sand.u32 $0x1, s1  }
0x8c: {  	s17 =	sshll.u32 s0, $0xA;
	s2 =	sadd.s32 s3, s2  }
0x8d: {  	s2 =	sadd.s32 s2, s17  }
0x8e: {  	[smem:$0x3FC3] =	sst s2  }
0x8f: {  	_ = 	snop  }
0x90: {  	s2 =	sld [smem:$0x3FD0];
	(tm) =	ssettm $0x1  }
0x91: {  	s18 =	sld [smem:$0x3FFB];
	_ =	sdelay $0x3  }
0x92: {  	_ =	strace s18  }
0x93: {  	s3 =	sld [smem:$0x3FFC];
	_ =	sdelay $0x3  }
0x94: {  	_ =	strace s3  }
0x95: {  	s3 =	sld [smem:$0x3FFD];
	_ =	sdelay $0x3  }
0x96: {  	_ =	strace s3  }
0x97: {  	_ =	strace $0x8FFFFFFF  }
0x98: {  	s19 =	sld [smem:$0x3FDB];
	_ =	sdelay $0x1  }
0x99: {  	s4 =	simm.s32 $_scs_section_size  }
0x9a: {  	s5 =	simm.s32 $_size__tile_overlayer_lowered;
	s6 =	simm.s32 $_tile_overlayer_lowered  }
0x9b: {  	s22 =	simm.s32 $0x1BFF;
	s21 =	sshll.u32 s6, $0x1;
	s3 =	sadd.s32 s4, s19  }
0x9c: {  	s7 =	simm.s32 $0x0;
	s20 =	sshll.u32 s5, $0x1;
	s5 =	sadd.s32 s21, s3  }
0x9d: {  	[timem:s7], [sflag:s22] =	dma.local [hbm:s5], s20  }
0x9e: {  	_ =	swait.ge [sflag:s22], s20  }
0x9f: {  	s4 =	ssub.s32 $0x0, s20;
	[sflag:s22] =	ssyncset.done $0x0  }
0xa0: {  	[sflag:s22] =	ssyncadd.s32 s4;
	_ =	sdelay $0x1  }
0xa1: {  	s23 =	simm.s32 $0x1B8B  }
0xa2: {  	_ =	swait.ge [sflag:s23], $0x1  }
0xa3: {  	[sflag:s23] =	ssyncset.done $0x0  }
0xa4: {  	s25 =	simm.s32 $0x1B8E;
	s24 =	sld [smem:$0x3FFE];
	[sflag:s23] =	ssyncadd.s32 $0xFFFFFFFF  }
0xa5: {  	s26 =	simm.s32 $execute0_lowered;
	[smem:$0x3FD2] =	sst s25  }
0xa6: {  	s5 =	sshll.u32 s26, $0x1;
	_ =	strace $0x80000046;
	[dreg:$0x1] =	wrdreg $0xFFFFFFFF  }
0xa7: {  	s28 =	simm.s32 $_size_execute0_lowered;
	s3 =	sadd.s32 s3, s5;
	[dreg:$0x0] =	wrdreg $0x0  }
0xa8: {  	s5 =	sshll.u32 s28, $0x1;
	[dreg:$0x2] =	wrdreg s3  }
0xa9: {  	[dreg:$0x3] =	wrdreg s5  }
0xaa: {  	[dreg:$0x4] =	wrdreg $0xC0  }
0xab: {  	_ =	task [dreg:s7], $0x5FFFF  }
0xac: {  	[dreg:$0x1] =	wrdreg $0xFFFFFFFF  }
0xad: {  	[dreg:$0x0] =	wrdreg $0x60  }
0xae: {  	[dreg:$0x2] =	wrdreg s24  }
0xaf: {  	[dreg:$0x3] =	wrdreg s2  }
0xb0: {  	[dreg:$0x4] =	wrdreg $0x182000  }
0xb1: {  	[dreg:$0x5] =	wrdreg $0x1A2400  }
0xb2: {  	[dreg:$0x6] =	wrdreg $0x9  }
0xb3: {  	_ =	task.clear_ibuf [dreg:s7], $0x7FFFF;
	_ =	strace $0x90000046  }
0xb4: {  	s29 =	simm.s32 $0x9;
	_ =	strace $0x80000048  }
0xb5: {  	_ =	swait.ge [sflag:s29], $0x1  }
0xb6: {  	[sflag:s29] =	ssyncadd.s32 $0xFFFFFFFF  }
0xb7: {  	_ =	strace $0x90000048  }
0xb8: {  	_ =	sfence  }
0xb9: {  	s30 =	sld [smem:$0x0];
	_ =	sdelay $0x2  }
0xba: {  	s31 =	sshll.u32 s1, $0xD;
	s1 =	sshrl.u32 s1, $0x2  }
0xbb: {  	s3 =	sand.u32 $0x4000, s31;
	s1 =	sadd.s32 s1, s30  }
0xbc: {  	s0 =	sor.u32 s3, s0;
	s1 =	sshll.u32 s1, $0x11  }
0xbd: {  	s0 =	sor.u32 s1, s0  }
0xbe: {  	s0 =	sadd.s32 $0x8F2B, s0  }
0xbf: {  	[sflag:s0] =	ssyncadd.remote.s32 $0x1  }
0xc0: {  	_ =	sfence.sel $0xFFFF  }
0xc1: {  	[dreg:$0x0] =	wrdreg $0xFFFFFFFF;
	(pc) =	sbr.abs _section_cstart, $3  }
0xc2: {  	[dreg:$0x1] =	wrdreg $0xFFFFFFFF  }
0xc3: {  	_ =	task.clear_ibuf [dreg:s7], $0x2FFFF;
	_ =	strace $0x9FFFFFFF  }
0xc4: {  	(tm) =	ssettm $0x7FFFFFFF  }
0xc5: {  	_ =	shalt  }
tec
execute0_lowered:
.L_overlay_start_1:
0x0: {  	(tag) =	ssettag $0x1  }
0x1: {  	s0 =	rddreg [dreg:$0x0]  }
0x2: {  	s1 =	rddreg [dreg:$0x1]  }
0x3: {  	s2 =	rddreg [dreg:$0x2]  }
0x4: {  	s3 =	rddreg [dreg:$0x3];
	s4 =	simm.s32 $0x0;
	s21 =	srdreg.scid  }
0x5: {  	s6 =	stileid.u32;
	s28 =	simm.s32 $0x3;
	s29 =	simm.s32 $0x2  }
0x6: {  	s30 =	simm.s32 $0x4200;
	s31 =	simm.s32 $0xC200;
	s12 =	simm.s32 $0x0  }
0x7: {  	[smem:$0x7FF] =	sst s4;
	s5 =	sadd.s32 $0x5400, s0;
	s7 =	sadd.s32 $0x1200, s0  }
0x8: {  	s8 =	sshll.u32 s6, $0x1;
	_ =	strace $0x80000047;
	[dreg:$0x5] =	wrdreg s5  }
0x9: {  	p0 =	sne.s32 s6, $0x0;
	s6 =	simm.s32 $0x14200;
	[dreg:$0x6] =	wrdreg s7  }
0xa: {  	s5 =	sand.u32 $0x1, s21;
	s7 =	sadd.s32 $0x9600, s0;
	s21 =	simm.s32 $0x100  }
0xb: {  	s9 =	ssub.s32 $0x2, s5;
	s5 =	sor.u32 s5, s8;
	s8 =	sadd.s32 $0x19600, s0  }
0xc: {  	s22 =	sshrl.u32 s9, $0x1;
	s10 =	sshll.u32 s5, $0xB;
	s11 =	sshll.u32 s5, $0x7  }
0xd: {  	s5 =	sshll.u32 s5, $0x12;
	s0 =	ssub.s32 s9, s22;
	s23 =	sadd.s32 s7, s10  }
0xe: {  	s24 =	sadd.s32 s8, s10;
	s25 =	sor.u32 $0x10, s10;
	[dreg:$0x7] =	wrdreg s23  }
0xf: {  	s5 =	sadd.s32 s5, s1;
	[dreg:$0x8] =	wrdreg s24;
	s10 =	sadd.s32 s7, s25  }
0x10: {  	s14 =	sor.u32 $0x2, s11;
	s9 =	sadd.s32 s8, s25;
	[dreg:$0x9] =	wrdreg s10  }
0x11: {  	s15 =	sor.u32 $0x3, s11;
	s26 =	sadd.s32 $0x3F000, s5;
	[dreg:$0xa] =	wrdreg s9  }
0x12: {  	s22 =	simm.s32 $0x1;
	s5 =	sadd.s32 $0x3F800, s5;
	[dreg:$0xb] =	wrdreg s26  }
0x13: {  	s0 =	smax.u32 s0, $0x1;
	s23 =	simm.s32 $0x80;
	[dreg:$0xc] =	wrdreg s5  }
0x14: {  	s24 =	simm.s32 $0x200;
	s25 =	simm.s32 $0x8200;
	[dreg:$0xd] =	wrdreg s0  }
0x15: {  	s0 =	sshrl.u32 @!p0 s2, $0x3;
	s26 =	simm.s32 $0x180;
	s5 =	simm.s32 $0x4  }
0x16: {  	s9 =	simm.s32 $0x5;
	[dreg:$0xe] =	wrdreg s0;
	s0 =	sshrl.u32 @!p0 s3, $0x3  }
0x17: {  	s10 =	simm.s32 $0x6;
	[dreg:$0xf] =	wrdreg s0;
	s0 =	simm.s32 $0x10200  }
.LBB2_1:
0x18: {  	s16 =	rddreg [dreg:$0x5]  }
0x19: {  	s13 =	simm.s32 @!p0 $0x1C07;
	s17 =	rddreg [dreg:$0xe]  }
0x1a: {  	[spmem:s17], [sflag:s13] =	dma.local @!p0 [hbm:s16], $0x4080  }
0x1b: {  	s16 =	simm.s32 @!p0 $0x7  }
0x1c: {  	_ =	swait.ge @!p0 [sflag:s16], $0x4080  }
0x1d: {  	[sflag:s16] =	ssyncset.done @!p0 $0x0;
	s17 =	rddreg [dreg:$0x6]  }
0x1e: {  	s18 =	rddreg [dreg:$0xf];
	[sflag:s16] =	ssyncadd.s32 @!p0 $0xFFFFBF80  }
0x1f: {  	[spmem:s18], [sflag:s13] =	dma.local @!p0 [hbm:s17], $0x4080  }
0x20: {  	_ =	swait.ge @!p0 [sflag:s16], $0x4080  }
0x21: {  	[sflag:s16] =	ssyncset.done @!p0 $0x0  }
0x22: {  	[sflag:s16] =	ssyncadd.s32 @!p0 $0xFFFFBF80  }
0x23: {  	[bflag:$0x0] =	sbarrier.arrive $0xFFFF  }
0x24: {  	s17 =	rddreg [dreg:$0x7]  }
0x25: {  	[tilespmem:s4], [sflag:$0x1] =	stream.linear.gather [hbm4b:s17+s4], $0x80, $0x38;
	[tilespmem:$0x1C280] =	vst v63  }
0x26: {  	s18 =	rddreg [dreg:$0x8]  }
0x27: {  	[tilespmem:s21], [sflag:$0x1] =	stream.linear.gather [hbm4b:s18+s4], $0x80, $0x38;
	[tilespmem:$0x1C280] =	vst v63  }
0x28: {  	_ =	swait.ge [sflag:s22], $0x80  }
0x29: {  	[sflag:s22] =	ssyncset.done $0x0  }
0x2a: {  	[sflag:s22] =	ssyncadd.s32 $0xFFFFFF80  }
0x2b: {  	_ =	swait.ge [sflag:s22], $0x80  }
0x2c: {  	[sflag:s22] =	ssyncset.done $0x0  }
0x2d: {  	[sflag:s22] =	ssyncadd.s32 $0xFFFFFF80  }
0x2e: {  	[tilespmem:s24], [sflag:$0x3] =	stream.indirect.gather [spmem:s2], $0x80, s4, s23, $0xb8;
	[tilespmem:$0x1C280] =	vst v63  }
0x2f: {  	_ = 	snop  }
0x30: {  	[tilespmem:s25], [sflag:$0x3] =	stream.indirect.gather [spmem:s3], $0x80, s21, s23, $0xb8;
	[tilespmem:$0x1C280] =	vst v63  }
0x31: {  	s19 =	rddreg [dreg:$0x9]  }
0x32: {  	[tilespmem:s23], [sflag:$0x2] =	stream.linear.gather [hbm4b:s19+s4], $0x80, $0x38;
	[tilespmem:$0x1C280] =	vst v63  }
0x33: {  	s13 =	simm.s32 $0x0;
	s20 =	rddreg [dreg:$0xa]  }
0x34: {  	[tilespmem:s26], [sflag:$0x2] =	stream.linear.gather [hbm4b:s20+s4], $0x80, $0x38;
	[tilespmem:$0x1C280] =	vst v63  }
.LBB2_2:
0x35: {  	_ =	swait.ge [sflag:s28], $0x4000  }
0x36: {  	[sflag:s28] =	ssyncset.done $0x0  }
0x37: {  	[sflag:s28] =	ssyncadd.s32 $0xFFFFC000  }
0x38: {  	_ =	swait.ge [sflag:s28], $0x4000  }
0x39: {  	[sflag:s28] =	ssyncset.done $0x0  }
0x3a: {  	[sflag:s28] =	ssyncadd.s32 $0xFFFFC000  }
0x3b: {  	_ =	swait.ge [sflag:s29], $0x80  }
0x3c: {  	[sflag:s29] =	ssyncset.done $0x0  }
0x3d: {  	[sflag:s29] =	ssyncadd.s32 $0xFFFFFF80  }
0x3e: {  	s17 =	sshll.u32 s13, $0x1;
	_ =	swait.ge [sflag:s29], $0x80  }
0x3f: {  	s16 =	sadd.s32 s17, s14;
	[sflag:s29] =	ssyncset.done $0x0  }
0x40: {  	s16 =	sshll.u32 s16, $0x4;
	[sflag:s29] =	ssyncadd.s32 $0xFFFFFF80  }
0x41: {  	[tilespmem:s30], [sflag:$0x4] =	stream.indirect.gather [spmem:s2], $0x80, s23, s23, $0xb8;
	[tilespmem:$0x1C280] =	vst v63  }
0x42: {  	s16 =	sand.u32 $0x1FFFFFE0, s16  }
0x43: {  	[tilespmem:s31], [sflag:$0x4] =	stream.indirect.gather [spmem:s3], $0x80, s26, s23, $0xb8;
	[tilespmem:$0x1C280] =	vst v63  }
0x44: {  	s18 =	sadd.s32 s7, s16  }
0x45: {  	[tilespmem:s4], [sflag:$0x1] =	stream.linear.gather [hbm4b:s18+s4], $0x80, $0x38;
	[tilespmem:$0x1C280] =	vst v63  }
0x46: {  	p1 =	seq.s32 s13, $0x0;
	s16 =	sadd.s32 s8, s16  }
0x47: {  	[tilespmem:s21], [sflag:$0x1] =	stream.linear.gather [hbm4b:s16+s4], $0x80, $0x38;
	[tilespmem:$0x1C280] =	vst v63  }
0x48: {  	s16 =	simm.s32 @!p1 $0x5  }
0x49: {  	_ =	swait.ge @!p1 [sflag:s16], $0x4000  }
0x4a: {  	[sflag:s16] =	ssyncset.done @!p1 $0x0  }
0x4b: {  	s18 =	simm.s32 $0x0;
	[sflag:s16] =	ssyncadd.s32 @!p1 $0xFFFFC000  }
0x4c: {  	v0 =	vld [tilespmem:s18+$0x3F0]  }
0x4d: {  	v1 =	vld [tilespmem:s18+$0x83F0]  }
0x4e: {  	v2 =	vld [tilespmem:s18+$0x200]  }
0x4f: {  	v3 =	vld [tilespmem:s18+$0x8200];
	_ =	sdelay $0x1  }
0x50: {  	v4 =	vld [tilespmem:s18+$0x210]  }
0x51: {  	v5 =	vld [tilespmem:s18+$0x8210]  }
0x52: {  	v6 =	vld [tilespmem:s18+$0x220];
	v0 =	vadd.f32 v1, v0  }
0x53: {  	v1 =	vld [tilespmem:s18+$0x8220];
	v2 =	vadd.f32 v3, v2  }
0x54: {  	v3 =	vmul.f32 $9.999999770e-03, v0  }
0x55: {  	v7 =	vld [tilespmem:s18+$0x230];
	v10 =	vmul.f32 $9.999999770e-03, v2  }
0x56: {  	v8 =	vld [tilespmem:s18+$0x8230];
	v0 =	vmax.f32 v0, v3  }
0x57: {  	v9 =	vld [tilespmem:s18+$0x240];
	v4 =	vadd.f32 v5, v4;
	[tilespmem:s18+$0x103F0] =	vst v0;
	v0 =	vmax.f32 v2, v10  }
0x58: {  	v3 =	vld [tilespmem:s18+$0x8240];
	[tilespmem:s18+$0x10200] =	vst v0;
	v0 =	vadd.f32 v1, v6  }
0x59: {  	v5 =	vmul.f32 $9.999999770e-03, v4;
	v2 =	vld [tilespmem:s18+$0x250]  }
0x5a: {  	v1 =	vld [tilespmem:s18+$0x8250];
	v6 =	vmul.f32 $9.999999770e-03, v0  }
0x5b: {  	v4 =	vmax.f32 v4, v5  }
0x5c: {  	v5 =	vld [tilespmem:s18+$0x260];
	[tilespmem:s18+$0x10210] =	vst v4;
	v0 =	vmax.f32 v0, v6  }
0x5d: {  	v4 =	vadd.f32 v8, v7;
	v7 =	vld [tilespmem:s18+$0x8260];
	[tilespmem:s18+$0x10220] =	vst v0;
	v0 =	vadd.f32 v3, v9  }
0x5e: {  	v6 =	vld [tilespmem:s18+$0x270]  }
0x5f: {  	v8 =	vmul.f32 $9.999999770e-03, v4;
	v3 =	vld [tilespmem:s18+$0x8270];
	v1 =	vadd.f32 v1, v2;
	v9 =	vmul.f32 $9.999999770e-03, v0;
	_ =	sdelay $0x1  }
0x60: {  	v4 =	vmax.f32 v4, v8;
	v8 =	vld [tilespmem:s18+$0x280];
	v0 =	vmax.f32 v0, v9;
	v9 =	vmul.f32 $9.999999770e-03, v1  }
0x61: {  	v2 =	vld [tilespmem:s18+$0x8280];
	[tilespmem:s18+$0x10240] =	vst v0;
	v0 =	vadd.f32 v7, v5  }
0x62: {  	[tilespmem:s18+$0x10230] =	vst v4;
	v4 =	vld [tilespmem:s18+$0x290];
	v1 =	vmax.f32 v1, v9  }
0x63: {  	v5 =	vld [tilespmem:s18+$0x8290];
	v9 =	vmul.f32 $9.999999770e-03, v0;
	[tilespmem:s18+$0x10250] =	vst v1;
	v1 =	vadd.f32 v3, v6;
	_ =	sdelay $0x1  }
0x64: {  	v7 =	vld [tilespmem:s18+$0x2A0];
	v0 =	vmax.f32 v0, v9;
	v9 =	vmul.f32 $9.999999770e-03, v1  }
0x65: {  	v3 =	vld [tilespmem:s18+$0x82A0];
	[tilespmem:s18+$0x10260] =	vst v0;
	v0 =	vadd.f32 v2, v8  }
0x66: {  	v6 =	vld [tilespmem:s18+$0x2B0];
	v1 =	vmax.f32 v1, v9  }
0x67: {  	v2 =	vld [tilespmem:s18+$0x82B0];
	v9 =	vmul.f32 $9.999999770e-03, v0;
	[tilespmem:s18+$0x10270] =	vst v1;
	v1 =	vadd.f32 v5, v4;
	_ =	sdelay $0x1  }
0x68: {  	v8 =	vld [tilespmem:s18+$0x2C0];
	v0 =	vmax.f32 v0, v9;
	v9 =	vmul.f32 $9.999999770e-03, v1  }
0x69: {  	v4 =	vld [tilespmem:s18+$0x82C0];
	[tilespmem:s18+$0x10280] =	vst v0;
	v0 =	vadd.f32 v3, v7  }
0x6a: {  	v5 =	vld [tilespmem:s18+$0x2D0];
	v1 =	vmax.f32 v1, v9  }
0x6b: {  	v3 =	vld [tilespmem:s18+$0x82D0];
	v9 =	vmul.f32 $9.999999770e-03, v0;
	[tilespmem:s18+$0x10290] =	vst v1;
	v1 =	vadd.f32 v2, v6;
	_ =	sdelay $0x1  }
0x6c: {  	v7 =	vld [tilespmem:s18+$0x2E0];
	v0 =	vmax.f32 v0, v9;
	v9 =	vmul.f32 $9.999999770e-03, v1  }
0x6d: {  	v2 =	vld [tilespmem:s18+$0x82E0];
	[tilespmem:s18+$0x102A0] =	vst v0;
	v0 =	vadd.f32 v4, v8  }
0x6e: {  	v6 =	vld [tilespmem:s18+$0x2F0];
	v1 =	vmax.f32 v1, v9  }
0x6f: {  	v4 =	vld [tilespmem:s18+$0x82F0];
	v9 =	vmul.f32 $9.999999770e-03, v0;
	[tilespmem:s18+$0x102B0] =	vst v1;
	v1 =	vadd.f32 v3, v5;
	_ =	sdelay $0x1  }
0x70: {  	v8 =	vld [tilespmem:s18+$0x300];
	v0 =	vmax.f32 v0, v9;
	v9 =	vmul.f32 $9.999999770e-03, v1  }
0x71: {  	v3 =	vld [tilespmem:s18+$0x8300];
	[tilespmem:s18+$0x102C0] =	vst v0;
	v0 =	vadd.f32 v2, v7  }
0x72: {  	v5 =	vld [tilespmem:s18+$0x310];
	v1 =	vmax.f32 v1, v9  }
0x73: {  	v2 =	vld [tilespmem:s18+$0x8310];
	v9 =	vmul.f32 $9.999999770e-03, v0;
	[tilespmem:s18+$0x102D0] =	vst v1;
	v1 =	vadd.f32 v4, v6;
	_ =	sdelay $0x1  }
0x74: {  	v7 =	vld [tilespmem:s18+$0x320];
	v0 =	vmax.f32 v0, v9;
	v9 =	vmul.f32 $9.999999770e-03, v1  }
0x75: {  	v4 =	vld [tilespmem:s18+$0x8320];
	[tilespmem:s18+$0x102E0] =	vst v0;
	v0 =	vadd.f32 v3, v8  }
0x76: {  	v6 =	vld [tilespmem:s18+$0x330];
	v1 =	vmax.f32 v1, v9  }
0x77: {  	v3 =	vld [tilespmem:s18+$0x8330];
	v9 =	vmul.f32 $9.999999770e-03, v0;
	[tilespmem:s18+$0x102F0] =	vst v1;
	v1 =	vadd.f32 v2, v5;
	_ =	sdelay $0x1  }
0x78: {  	v8 =	vld [tilespmem:s18+$0x340];
	v0 =	vmax.f32 v0, v9;
	v9 =	vmul.f32 $9.999999770e-03, v1  }
0x79: {  	v2 =	vld [tilespmem:s18+$0x8340];
	[tilespmem:s18+$0x10300] =	vst v0;
	v0 =	vadd.f32 v4, v7  }
0x7a: {  	v5 =	vld [tilespmem:s18+$0x350];
	v1 =	vmax.f32 v1, v9  }
0x7b: {  	v4 =	vld [tilespmem:s18+$0x8350];
	v9 =	vmul.f32 $9.999999770e-03, v0;
	[tilespmem:s18+$0x10310] =	vst v1;
	v1 =	vadd.f32 v3, v6;
	_ =	sdelay $0x1  }
0x7c: {  	v7 =	vld [tilespmem:s18+$0x360];
	v0 =	vmax.f32 v0, v9;
	v9 =	vmul.f32 $9.999999770e-03, v1  }
0x7d: {  	v3 =	vld [tilespmem:s18+$0x8360];
	[tilespmem:s18+$0x10320] =	vst v0;
	v0 =	vadd.f32 v2, v8  }
0x7e: {  	v6 =	vld [tilespmem:s18+$0x370];
	v1 =	vmax.f32 v1, v9  }
0x7f: {  	v2 =	vld [tilespmem:s18+$0x8370];
	v9 =	vmul.f32 $9.999999770e-03, v0;
	[tilespmem:s18+$0x10330] =	vst v1;
	v1 =	vadd.f32 v4, v5;
	_ =	sdelay $0x1  }
0x80: {  	v8 =	vld [tilespmem:s18+$0x380];
	v0 =	vmax.f32 v0, v9;
	v9 =	vmul.f32 $9.999999770e-03, v1  }
0x81: {  	v4 =	vld [tilespmem:s18+$0x8380];
	[tilespmem:s18+$0x10340] =	vst v0;
	v0 =	vadd.f32 v3, v7  }
0x82: {  	v5 =	vld [tilespmem:s18+$0x390];
	v1 =	vmax.f32 v1, v9  }
0x83: {  	v3 =	vld [tilespmem:s18+$0x8390];
	v9 =	vmul.f32 $9.999999770e-03, v0;
	[tilespmem:s18+$0x10350] =	vst v1;
	v1 =	vadd.f32 v2, v6  }
0x84: {  	v7 =	vld [tilespmem:s18+$0x3A0]  }
0x85: {  	v2 =	vld [tilespmem:s18+$0x83A0];
	v0 =	vmax.f32 v0, v9;
	v9 =	vmul.f32 $9.999999770e-03, v1  }
0x86: {  	v6 =	vld [tilespmem:s18+$0x3B0];
	[tilespmem:s18+$0x10360] =	vst v0;
	v0 =	vadd.f32 v4, v8  }
0x87: {  	v4 =	vld [tilespmem:s18+$0x83B0];
	v1 =	vmax.f32 v1, v9  }
0x88: {  	v10 =	vld [tilespmem:s18+$0x83C0];
	v8 =	vmul.f32 $9.999999770e-03, v0;
	[tilespmem:s18+$0x10370] =	vst v1;
	v1 =	vadd.f32 v3, v5  }
0x89: {  	v9 =	vld [tilespmem:s18+$0x3C0]  }
0x8a: {  	v7 =	vadd.f32 v2, v7;
	v3 =	vmax.f32 v0, v8;
	v0 =	vld [tilespmem:s18+$0x3D0];
	v5 =	vmul.f32 $9.999999770e-03, v1  }
0x8b: {  	[tilespmem:s18+$0x10380] =	vst v3;
	v3 =	vld [tilespmem:s18+$0x83D0]  }
0x8c: {  	v8 =	vmul.f32 $9.999999770e-03, v7;
	v2 =	vmax.f32 v1, v5;
	v1 =	vld [tilespmem:s18+$0x3E0];
	v5 =	vadd.f32 v4, v6  }
0x8d: {  	s20 =	simm.s32 $0x200;
	s19 =	sadd.s32 s17, s11;
	v4 =	vld [tilespmem:s18+$0x83E0];
	[tilespmem:s18+$0x10390] =	vst v2  }
0x8e: {  	s16 =	sadd.s32 $0x1, s19;
	s19 =	simm.s32 $0x1000;
	v8 =	vmax.f32 v7, v8;
	v6 =	vadd.f32 v10, v9;
	v2 =	vld [tilespmem:s20+$0x3F0];
	v7 =	vmul.f32 $9.999999770e-03, v5  }
.LBB2_3:
0x8f: {  	p2 =	sne.s32 s19, $0xF800;
	v9 =	vld [tilespmem:s20+$0x83F0];
	[tilespmem:s18+$0x103A0] =	vst v8  }
0x90: {  	v8 =	vld [tilespmem:s20+$0x200];
	v5 =	vmax.f32 v5, v7;
	v7 =	vmul.f32 $9.999999770e-03, v6;
	v0 =	vadd.f32 v3, v0  }
0x91: {  	v3 =	vld [tilespmem:s20+$0x8200];
	[tilespmem:s18+$0x103B0] =	vst v5  }
0x92: {  	v5 =	vld [tilespmem:s20+$0x210];
	v6 =	vmax.f32 v6, v7;
	v7 =	vmul.f32 $9.999999770e-03, v0;
	v1 =	vadd.f32 v4, v1  }
0x93: {  	v4 =	vld [tilespmem:s20+$0x8210];
	[tilespmem:s18+$0x103C0] =	vst v6  }
0x94: {  	v6 =	vld [tilespmem:s20+$0x220];
	v2 =	vadd.f32 v9, v2;
	v0 =	vmax.f32 v0, v7;
	v7 =	vmul.f32 $9.999999770e-03, v1  }
0x95: {  	v9 =	vld [tilespmem:s20+$0x8220];
	[tilespmem:s18+$0x103D0] =	vst v0  }
0x96: {  	v0 =	vadd.f32 v3, v8;
	v3 =	vld [tilespmem:s20+$0x230];
	v8 =	vmul.f32 $9.999999770e-03, v2;
	v1 =	vmax.f32 v1, v7  }
0x97: {  	v7 =	vld [tilespmem:s20+$0x8230];
	[tilespmem:s18+$0x103E0] =	vst v1;
	s18 =	smov.u32 s20  }
0x98: {  	v1 =	vmul.f32 $9.999999770e-03, v0;
	v4 =	vadd.f32 v4, v5;
	v5 =	vld [tilespmem:s18+$0x240];
	v2 =	vmax.f32 v2, v8  }
0x99: {  	v8 =	vld [tilespmem:s18+$0x8240];
	[tilespmem:s18+$0x103F0] =	vst v2  }
0x9a: {  	v0 =	vmax.f32 v0, v1;
	v1 =	vmul.f32 $9.999999770e-03, v4;
	v2 =	vadd.f32 v9, v6;
	v6 =	vld [tilespmem:s18+$0x250]  }
0x9b: {  	[tilespmem:s18+$0x10200] =	vst v0;
	v0 =	vld [tilespmem:s18+$0x8250]  }
0x9c: {  	v1 =	vmax.f32 v4, v1;
	v4 =	vmul.f32 $9.999999770e-03, v2;
	v3 =	vadd.f32 v7, v3;
	v7 =	vld [tilespmem:s18+$0x260]  }
0x9d: {  	[tilespmem:s18+$0x10210] =	vst v1;
	v1 =	vld [tilespmem:s18+$0x8260]  }
0x9e: {  	v2 =	vmax.f32 v2, v4;
	v4 =	vmul.f32 $9.999999770e-03, v3;
	v5 =	vadd.f32 v8, v5;
	v8 =	vld [tilespmem:s18+$0x270]  }
0x9f: {  	[tilespmem:s18+$0x10220] =	vst v2;
	v2 =	vld [tilespmem:s18+$0x8270]  }
0xa0: {  	v3 =	vmax.f32 v3, v4;
	v4 =	vmul.f32 $9.999999770e-03, v5;
	v0 =	vadd.f32 v0, v6;
	v6 =	vld [tilespmem:s18+$0x280]  }
0xa1: {  	[tilespmem:s18+$0x10230] =	vst v3;
	v3 =	vld [tilespmem:s18+$0x8280]  }
0xa2: {  	v4 =	vmax.f32 v5, v4;
	v5 =	vmul.f32 $9.999999770e-03, v0;
	v1 =	vadd.f32 v1, v7;
	v7 =	vld [tilespmem:s18+$0x290]  }
0xa3: {  	[tilespmem:s18+$0x10240] =	vst v4;
	v4 =	vld [tilespmem:s18+$0x8290]  }
0xa4: {  	v0 =	vmax.f32 v0, v5;
	v5 =	vmul.f32 $9.999999770e-03, v1;
	v2 =	vadd.f32 v2, v8;
	v8 =	vld [tilespmem:s18+$0x2A0]  }
0xa5: {  	[tilespmem:s18+$0x10250] =	vst v0;
	v0 =	vld [tilespmem:s18+$0x82A0]  }
0xa6: {  	v1 =	vmax.f32 v1, v5;
	v5 =	vmul.f32 $9.999999770e-03, v2;
	v3 =	vadd.f32 v3, v6;
	v6 =	vld [tilespmem:s18+$0x2B0]  }
0xa7: {  	[tilespmem:s18+$0x10260] =	vst v1;
	v1 =	vld [tilespmem:s18+$0x82B0]  }
0xa8: {  	v2 =	vmax.f32 v2, v5;
	v5 =	vmul.f32 $9.999999770e-03, v3;
	v4 =	vadd.f32 v4, v7;
	v7 =	vld [tilespmem:s18+$0x2C0]  }
0xa9: {  	[tilespmem:s18+$0x10270] =	vst v2;
	v2 =	vld [tilespmem:s18+$0x82C0]  }
0xaa: {  	v3 =	vmax.f32 v3, v5;
	v5 =	vmul.f32 $9.999999770e-03, v4;
	v0 =	vadd.f32 v0, v8;
	v8 =	vld [tilespmem:s18+$0x2D0]  }
0xab: {  	[tilespmem:s18+$0x10280] =	vst v3;
	v3 =	vld [tilespmem:s18+$0x82D0]  }
0xac: {  	v4 =	vmax.f32 v4, v5;
	v5 =	vmul.f32 $9.999999770e-03, v0;
	v1 =	vadd.f32 v1, v6;
	v6 =	vld [tilespmem:s18+$0x2E0]  }
0xad: {  	[tilespmem:s18+$0x10290] =	vst v4;
	v4 =	vld [tilespmem:s18+$0x82E0]  }
0xae: {  	v0 =	vmax.f32 v0, v5;
	v5 =	vmul.f32 $9.999999770e-03, v1;
	v2 =	vadd.f32 v2, v7;
	v7 =	vld [tilespmem:s18+$0x2F0]  }
0xaf: {  	[tilespmem:s18+$0x102A0] =	vst v0;
	v0 =	vld [tilespmem:s18+$0x82F0]  }
0xb0: {  	v1 =	vmax.f32 v1, v5;
	v5 =	vmul.f32 $9.999999770e-03, v2;
	v3 =	vadd.f32 v3, v8;
	v8 =	vld [tilespmem:s18+$0x300]  }
0xb1: {  	[tilespmem:s18+$0x102B0] =	vst v1;
	v1 =	vld [tilespmem:s18+$0x8300]  }
0xb2: {  	v2 =	vmax.f32 v2, v5;
	v5 =	vmul.f32 $9.999999770e-03, v3;
	v4 =	vadd.f32 v4, v6;
	v6 =	vld [tilespmem:s18+$0x310]  }
0xb3: {  	[tilespmem:s18+$0x102C0] =	vst v2;
	v2 =	vld [tilespmem:s18+$0x8310]  }
0xb4: {  	v3 =	vmax.f32 v3, v5;
	v5 =	vmul.f32 $9.999999770e-03, v4;
	v0 =	vadd.f32 v0, v7;
	v7 =	vld [tilespmem:s18+$0x320]  }
0xb5: {  	[tilespmem:s18+$0x102D0] =	vst v3;
	v3 =	vld [tilespmem:s18+$0x8320]  }
0xb6: {  	v4 =	vmax.f32 v4, v5;
	v5 =	vmul.f32 $9.999999770e-03, v0;
	v1 =	vadd.f32 v1, v8;
	v8 =	vld [tilespmem:s18+$0x330]  }
0xb7: {  	[tilespmem:s18+$0x102E0] =	vst v4;
	v4 =	vld [tilespmem:s18+$0x8330]  }
0xb8: {  	v0 =	vmax.f32 v0, v5;
	v5 =	vmul.f32 $9.999999770e-03, v1;
	v2 =	vadd.f32 v2, v6;
	v6 =	vld [tilespmem:s18+$0x340]  }
0xb9: {  	[tilespmem:s18+$0x102F0] =	vst v0;
	v0 =	vld [tilespmem:s18+$0x8340]  }
0xba: {  	v1 =	vmax.f32 v1, v5;
	v5 =	vmul.f32 $9.999999770e-03, v2;
	v3 =	vadd.f32 v3, v7;
	v7 =	vld [tilespmem:s18+$0x350]  }
0xbb: {  	[tilespmem:s18+$0x10300] =	vst v1;
	v1 =	vld [tilespmem:s18+$0x8350]  }
0xbc: {  	v2 =	vmax.f32 v2, v5;
	v5 =	vmul.f32 $9.999999770e-03, v3;
	v4 =	vadd.f32 v4, v8;
	v8 =	vld [tilespmem:s18+$0x360]  }
0xbd: {  	[tilespmem:s18+$0x10310] =	vst v2;
	v2 =	vld [tilespmem:s18+$0x8360]  }
0xbe: {  	v3 =	vmax.f32 v3, v5;
	v5 =	vmul.f32 $9.999999770e-03, v4;
	v0 =	vadd.f32 v0, v6;
	v6 =	vld [tilespmem:s18+$0x370]  }
0xbf: {  	[tilespmem:s18+$0x10320] =	vst v3;
	v3 =	vld [tilespmem:s18+$0x8370]  }
0xc0: {  	v4 =	vmax.f32 v4, v5;
	v5 =	vmul.f32 $9.999999770e-03, v0;
	v1 =	vadd.f32 v1, v7;
	v7 =	vld [tilespmem:s18+$0x380]  }
0xc1: {  	[tilespmem:s18+$0x10330] =	vst v4;
	v4 =	vld [tilespmem:s18+$0x8380]  }
0xc2: {  	v0 =	vmax.f32 v0, v5;
	v5 =	vmul.f32 $9.999999770e-03, v1;
	v2 =	vadd.f32 v2, v8;
	v8 =	vld [tilespmem:s18+$0x390]  }
0xc3: {  	[tilespmem:s18+$0x10340] =	vst v0;
	v0 =	vld [tilespmem:s18+$0x8390]  }
0xc4: {  	v1 =	vmax.f32 v1, v5;
	v5 =	vmul.f32 $9.999999770e-03, v2;
	v3 =	vadd.f32 v3, v6;
	v6 =	vld [tilespmem:s18+$0x3A0]  }
0xc5: {  	[tilespmem:s18+$0x10350] =	vst v1;
	v1 =	vld [tilespmem:s18+$0x83A0]  }
0xc6: {  	v2 =	vmax.f32 v2, v5;
	v5 =	vmul.f32 $9.999999770e-03, v3;
	v4 =	vadd.f32 v4, v7;
	v7 =	vld [tilespmem:s18+$0x3B0]  }
0xc7: {  	[tilespmem:s18+$0x10360] =	vst v2;
	v2 =	vld [tilespmem:s18+$0x83B0]  }
0xc8: {  	v3 =	vmax.f32 v3, v5;
	v5 =	vmul.f32 $9.999999770e-03, v4;
	v8 =	vadd.f32 v0, v8;
	v9 =	vld [tilespmem:s18+$0x3C0]  }
0xc9: {  	[tilespmem:s18+$0x10370] =	vst v3;
	v10 =	vld [tilespmem:s18+$0x83C0]  }
.Ltmp0:
0xca: {  	v3 =	vmax.f32 v4, v5;
	v4 =	vmul.f32 $9.999999770e-03, v8;
	v6 =	vadd.f32 v1, v6;
	v0 =	vld [tilespmem:s18+$0x3D0];
	(pc) =	sbr.rel @p2 .LBB2_3-.Ltmp0, $4  }
0xcb: {  	[tilespmem:s18+$0x10380] =	vst v3;
	v3 =	vld [tilespmem:s18+$0x83D0]  }
0xcc: {  	v4 =	vmax.f32 v8, v4;
	v8 =	vmul.f32 $9.999999770e-03, v6;
	v5 =	vadd.f32 v2, v7;
	v1 =	vld [tilespmem:s18+$0x3E0]  }
0xcd: {  	s20 =	sshra.s32 s19, $0x2;
	[tilespmem:s18+$0x10390] =	vst v4;
	v4 =	vld [tilespmem:s18+$0x83E0]  }
0xce: {  	s19 =	sadd.s32 $0x800, s19;
	v2 =	vld [tilespmem:s20+$0x3F0];
	v8 =	vmax.f32 v6, v8;
	v7 =	vmul.f32 $9.999999770e-03, v5;
	v6 =	vadd.f32 v10, v9  }
0xcf: {  	v9 =	vld [tilespmem:s20+$0x83F0];
	[tilespmem:s18+$0x103A0] =	vst v8  }
0xd0: {  	v8 =	vld [tilespmem:s20+$0x200];
	v5 =	vmax.f32 v5, v7;
	v10 =	vmul.f32 $9.999999770e-03, v6;
	v0 =	vadd.f32 v3, v0  }
0xd1: {  	v7 =	vld [tilespmem:s20+$0x8200];
	[tilespmem:s18+$0x103B0] =	vst v5  }
0xd2: {  	v3 =	vld [tilespmem:s20+$0x210];
	v5 =	vmax.f32 v6, v10;
	v10 =	vmul.f32 $9.999999770e-03, v0  }
0xd3: {  	v6 =	vld [tilespmem:s20+$0x8210];
	[tilespmem:s18+$0x103C0] =	vst v5  }
0xd4: {  	v1 =	vadd.f32 v4, v1;
	v4 =	vld [tilespmem:s20+$0x220];
	v0 =	vmax.f32 v0, v10  }
0xd5: {  	v5 =	vld [tilespmem:s20+$0x8220];
	[tilespmem:s18+$0x103D0] =	vst v0;
	v0 =	vadd.f32 v9, v2  }
0xd6: {  	v10 =	vmul.f32 $9.999999770e-03, v1;
	v7 =	vadd.f32 v7, v8  }
0xd7: {  	v8 =	vmul.f32 $9.999999770e-03, v0  }
0xd8: {  	v2 =	vld [tilespmem:s20+$0x230];
	v1 =	vmax.f32 v1, v10;
	v10 =	vmul.f32 $9.999999770e-03, v7  }
0xd9: {  	v9 =	vld [tilespmem:s20+$0x8230];
	[tilespmem:s18+$0x103E0] =	vst v1;
	v3 =	vadd.f32 v6, v3;
	v0 =	vmax.f32 v0, v8  }
0xda: {  	v1 =	vld [tilespmem:s20+$0x240];
	[tilespmem:s20+$0x103F0] =	vst v0;
	v0 =	vmax.f32 v7, v10  }
0xdb: {  	v8 =	vld [tilespmem:s20+$0x8240];
	v7 =	vmul.f32 $9.999999770e-03, v3;
	[tilespmem:s20+$0x10200] =	vst v0;
	v0 =	vadd.f32 v5, v4;
	_ =	sdelay $0x1  }
0xdc: {  	v6 =	vld [tilespmem:s20+$0x250];
	v3 =	vmax.f32 v3, v7;
	v7 =	vmul.f32 $9.999999770e-03, v0  }
0xdd: {  	v4 =	vld [tilespmem:s20+$0x8250];
	v2 =	vadd.f32 v9, v2  }
0xde: {  	v5 =	vld [tilespmem:s20+$0x260];
	[tilespmem:s20+$0x10210] =	vst v3;
	v0 =	vmax.f32 v0, v7  }
0xdf: {  	v3 =	vld [tilespmem:s20+$0x8260];
	v9 =	vmul.f32 $9.999999770e-03, v2;
	[tilespmem:s20+$0x10220] =	vst v0;
	v0 =	vadd.f32 v8, v1  }
0xe0: {  	v7 =	vld [tilespmem:s20+$0x270]  }
0xe1: {  	v2 =	vmax.f32 v2, v9;
	v1 =	vld [tilespmem:s20+$0x8270];
	v9 =	vmul.f32 $9.999999770e-03, v0  }
0xe2: {  	[tilespmem:s20+$0x10230] =	vst v2;
	v2 =	vadd.f32 v4, v6  }
0xe3: {  	v8 =	vld [tilespmem:s20+$0x280];
	v0 =	vmax.f32 v0, v9  }
0xe4: {  	v4 =	vld [tilespmem:s20+$0x8280];
	v9 =	vmul.f32 $9.999999770e-03, v2;
	[tilespmem:s20+$0x10240] =	vst v0;
	v0 =	vadd.f32 v3, v5  }
0xe5: {  	v6 =	vld [tilespmem:s20+$0x290]  }
0xe6: {  	v3 =	vld [tilespmem:s20+$0x8290];
	v1 =	vadd.f32 v1, v7;
	v2 =	vmax.f32 v2, v9;
	v9 =	vmul.f32 $9.999999770e-03, v0;
	_ =	sdelay $0x1  }
0xe7: {  	v5 =	vld [tilespmem:s20+$0x2A0];
	[tilespmem:s20+$0x10250] =	vst v2;
	v0 =	vmax.f32 v0, v9;
	v9 =	vmul.f32 $9.999999770e-03, v1  }
0xe8: {  	v2 =	vld [tilespmem:s20+$0x82A0];
	[tilespmem:s20+$0x10260] =	vst v0;
	v0 =	vadd.f32 v4, v8  }
0xe9: {  	v7 =	vld [tilespmem:s20+$0x2B0];
	v1 =	vmax.f32 v1, v9  }
0xea: {  	v4 =	vld [tilespmem:s20+$0x82B0];
	v9 =	vmul.f32 $9.999999770e-03, v0;
	[tilespmem:s20+$0x10270] =	vst v1;
	v1 =	vadd.f32 v3, v6;
	_ =	sdelay $0x1  }
0xeb: {  	v8 =	vld [tilespmem:s20+$0x2C0];
	v0 =	vmax.f32 v0, v9;
	v9 =	vmul.f32 $9.999999770e-03, v1  }
0xec: {  	v3 =	vld [tilespmem:s20+$0x82C0];
	[tilespmem:s20+$0x10280] =	vst v0;
	v0 =	vadd.f32 v2, v5  }
0xed: {  	v6 =	vld [tilespmem:s20+$0x2D0];
	v1 =	vmax.f32 v1, v9  }
0xee: {  	v2 =	vld [tilespmem:s20+$0x82D0];
	v9 =	vmul.f32 $9.999999770e-03, v0;
	[tilespmem:s20+$0x10290] =	vst v1;
	v1 =	vadd.f32 v4, v7;
	_ =	sdelay $0x1  }
0xef: {  	v5 =	vld [tilespmem:s20+$0x2E0];
	v0 =	vmax.f32 v0, v9;
	v9 =	vmul.f32 $9.999999770e-03, v1  }
0xf0: {  	v4 =	vld [tilespmem:s20+$0x82E0];
	[tilespmem:s20+$0x102A0] =	vst v0;
	v0 =	vadd.f32 v3, v8  }
0xf1: {  	v7 =	vld [tilespmem:s20+$0x2F0];
	v1 =	vmax.f32 v1, v9  }
0xf2: {  	v3 =	vld [tilespmem:s20+$0x82F0];
	v9 =	vmul.f32 $9.999999770e-03, v0;
	[tilespmem:s20+$0x102B0] =	vst v1;
	v1 =	vadd.f32 v2, v6;
	_ =	sdelay $0x1  }
0xf3: {  	v8 =	vld [tilespmem:s20+$0x300];
	v0 =	vmax.f32 v0, v9;
	v9 =	vmul.f32 $9.999999770e-03, v1  }
0xf4: {  	v2 =	vld [tilespmem:s20+$0x8300];
	[tilespmem:s20+$0x102C0] =	vst v0;
	v0 =	vadd.f32 v4, v5  }
0xf5: {  	v6 =	vld [tilespmem:s20+$0x310];
	v1 =	vmax.f32 v1, v9  }
0xf6: {  	v4 =	vld [tilespmem:s20+$0x8310];
	v9 =	vmul.f32 $9.999999770e-03, v0;
	[tilespmem:s20+$0x102D0] =	vst v1;
	v1 =	vadd.f32 v3, v7;
	_ =	sdelay $0x1  }
0xf7: {  	v5 =	vld [tilespmem:s20+$0x320];
	v0 =	vmax.f32 v0, v9;
	v9 =	vmul.f32 $9.999999770e-03, v1  }
0xf8: {  	v3 =	vld [tilespmem:s20+$0x8320];
	[tilespmem:s20+$0x102E0] =	vst v0;
	v0 =	vadd.f32 v2, v8  }
0xf9: {  	v7 =	vld [tilespmem:s20+$0x330];
	v1 =	vmax.f32 v1, v9  }
0xfa: {  	v2 =	vld [tilespmem:s20+$0x8330];
	v9 =	vmul.f32 $9.999999770e-03, v0;
	[tilespmem:s20+$0x102F0] =	vst v1;
	v1 =	vadd.f32 v4, v6;
	_ =	sdelay $0x1  }
0xfb: {  	v8 =	vld [tilespmem:s20+$0x340];
	v0 =	vmax.f32 v0, v9;
	v9 =	vmul.f32 $9.999999770e-03, v1  }
0xfc: {  	v4 =	vld [tilespmem:s20+$0x8340];
	[tilespmem:s20+$0x10300] =	vst v0;
	v0 =	vadd.f32 v3, v5  }
0xfd: {  	v6 =	vld [tilespmem:s20+$0x350];
	v1 =	vmax.f32 v1, v9  }
0xfe: {  	v3 =	vld [tilespmem:s20+$0x8350];
	v9 =	vmul.f32 $9.999999770e-03, v0;
	[tilespmem:s20+$0x10310] =	vst v1;
	v1 =	vadd.f32 v2, v7;
	_ =	sdelay $0x1  }
0xff: {  	v5 =	vld [tilespmem:s20+$0x360];
	v0 =	vmax.f32 v0, v9;
	v9 =	vmul.f32 $9.999999770e-03, v1  }
0x100: {  	v2 =	vld [tilespmem:s20+$0x8360];
	[tilespmem:s20+$0x10320] =	vst v0;
	v0 =	vadd.f32 v4, v8  }
0x101: {  	v7 =	vld [tilespmem:s20+$0x370];
	v1 =	vmax.f32 v1, v9  }
0x102: {  	v4 =	vld [tilespmem:s20+$0x8370];
	v9 =	vmul.f32 $9.999999770e-03, v0;
	[tilespmem:s20+$0x10330] =	vst v1;
	v1 =	vadd.f32 v3, v6;
	_ =	sdelay $0x1  }
0x103: {  	v8 =	vld [tilespmem:s20+$0x380];
	v0 =	vmax.f32 v0, v9;
	v9 =	vmul.f32 $9.999999770e-03, v1  }
0x104: {  	v3 =	vld [tilespmem:s20+$0x8380];
	[tilespmem:s20+$0x10340] =	vst v0;
	v0 =	vadd.f32 v2, v5  }
0x105: {  	v6 =	vld [tilespmem:s20+$0x390];
	v1 =	vmax.f32 v1, v9  }
0x106: {  	v2 =	vld [tilespmem:s20+$0x8390];
	v9 =	vmul.f32 $9.999999770e-03, v0;
	[tilespmem:s20+$0x10350] =	vst v1;
	v1 =	vadd.f32 v4, v7  }
0x107: {  	v5 =	vld [tilespmem:s20+$0x3A0]  }
0x108: {  	v4 =	vld [tilespmem:s20+$0x83A0];
	v0 =	vmax.f32 v0, v9;
	v9 =	vmul.f32 $9.999999770e-03, v1  }
0x109: {  	v7 =	vld [tilespmem:s20+$0x3B0];
	[tilespmem:s20+$0x10360] =	vst v0;
	v0 =	vadd.f32 v3, v8  }
0x10a: {  	v3 =	vld [tilespmem:s20+$0x83B0];
	v1 =	vmax.f32 v1, v9  }
0x10b: {  	v8 =	vld [tilespmem:s20+$0x3C0];
	v9 =	vmul.f32 $9.999999770e-03, v0;
	[tilespmem:s20+$0x10370] =	vst v1;
	v1 =	vadd.f32 v2, v6  }
0x10c: {  	v2 =	vld [tilespmem:s20+$0x83C0]  }
0x10d: {  	v6 =	vld [tilespmem:s20+$0x3D0];
	v0 =	vmax.f32 v0, v9;
	v9 =	vmul.f32 $9.999999770e-03, v1  }
0x10e: {  	[tilespmem:s20+$0x10380] =	vst v0;
	v0 =	vld [tilespmem:s20+$0x83D0]  }
0x10f: {  	v1 =	vmax.f32 v1, v9;
	v9 =	vld [tilespmem:s20+$0x3E0]  }
0x110: {  	[tilespmem:s20+$0x10390] =	vst v1;
	v1 =	vld [tilespmem:s20+$0x83E0]  }
0x111: {  	v4 =	vadd.f32 v4, v5  }
0x112: {  	v3 =	vadd.f32 v3, v7  }
0x113: {  	v5 =	vmul.f32 $9.999999770e-03, v4;
	v2 =	vadd.f32 v2, v8  }
0x114: {  	v7 =	vmul.f32 $9.999999770e-03, v3;
	v0 =	vadd.f32 v0, v6  }
0x115: {  	v4 =	vmax.f32 v4, v5;
	v5 =	vmul.f32 $9.999999770e-03, v2;
	v1 =	vadd.f32 v1, v9  }
0x116: {  	[tilespmem:s20+$0x103A0] =	vst v4;
	v3 =	vmax.f32 v3, v7;
	v4 =	vmul.f32 $9.999999770e-03, v0  }
0x117: {  	[tilespmem:s20+$0x103B0] =	vst v3;
	v2 =	vmax.f32 v2, v5;
	v3 =	vmul.f32 $9.999999770e-03, v1  }
0x118: {  	s19 =	sadd.s32 s11, s17;
	[tilespmem:s20+$0x103C0] =	vst v2;
	v0 =	vmax.f32 v0, v4  }
0x119: {  	s18 =	sshll.u32 s19, $0xB;
	[tilespmem:s20+$0x103D0] =	vst v0;
	v0 =	vmax.f32 v1, v3  }
0x11a: {  	s18 =	sadd.s32 s1, s18;
	[tilespmem:s20+$0x103E0] =	vst v0  }
0x11b: {  	[hbm4b:s18+s4] =	stream.linear.scatter [tilespmem:s0], [sflag:$0x5], $0x4000, $0x38;
	[tilespmem:$0x1C280] =	vst v63  }
0x11c: {  	_ =	swait.ge [sflag:s5], $0x4000  }
0x11d: {  	[sflag:s5] =	ssyncset.done $0x0  }
0x11e: {  	[sflag:s5] =	ssyncadd.s32 $0xFFFFC000  }
0x11f: {  	_ =	swait.ge [sflag:s5], $0x4000  }
0x120: {  	[sflag:s5] =	ssyncset.done $0x0  }
0x121: {  	[sflag:s5] =	ssyncadd.s32 $0xFFFFC000  }
0x122: {  	_ =	swait.ge [sflag:s22], $0x80  }
0x123: {  	[sflag:s22] =	ssyncset.done $0x0  }
0x124: {  	[sflag:s22] =	ssyncadd.s32 $0xFFFFFF80  }
0x125: {  	_ =	swait.ge [sflag:s22], $0x80  }
0x126: {  	s19 =	sadd.s32 s17, s15;
	[sflag:s22] =	ssyncset.done $0x0  }
0x127: {  	s17 =	sshll.u32 s19, $0x4;
	[sflag:s22] =	ssyncadd.s32 $0xFFFFFF80  }
0x128: {  	[tilespmem:s24], [sflag:$0x3] =	stream.indirect.gather [spmem:s2], $0x80, s4, s23, $0xb8;
	[tilespmem:$0x1C280] =	vst v63  }
0x129: {  	s17 =	sand.u32 $0x1FFFFFF0, s17  }
0x12a: {  	[tilespmem:s25], [sflag:$0x3] =	stream.indirect.gather [spmem:s3], $0x80, s21, s23, $0xb8;
	[tilespmem:$0x1C280] =	vst v63  }
0x12b: {  	s20 =	sadd.s32 s7, s17  }
0x12c: {  	[tilespmem:s23], [sflag:$0x2] =	stream.linear.gather [hbm4b:s20+s4], $0x80, $0x38;
	[tilespmem:$0x1C280] =	vst v63  }
0x12d: {  	s17 =	sadd.s32 s8, s17  }
0x12e: {  	[tilespmem:s26], [sflag:$0x2] =	stream.linear.gather [hbm4b:s17+s4], $0x80, $0x38;
	[tilespmem:$0x1C280] =	vst v63  }
0x12f: {  	s17 =	simm.s32 @!p1 $0x6  }
0x130: {  	_ =	swait.ge @!p1 [sflag:s17], $0x4000  }
0x131: {  	[sflag:s17] =	ssyncset.done @!p1 $0x0  }
0x132: {  	[sflag:s17] =	ssyncadd.s32 @!p1 $0xFFFFC000;
	s17 =	simm.s32 $0x0  }
0x133: {  	v0 =	vld [tilespmem:s17+$0x43F0]  }
0x134: {  	v1 =	vld [tilespmem:s17+$0xC3F0]  }
0x135: {  	v2 =	vld [tilespmem:s17+$0x4200]  }
0x136: {  	v3 =	vld [tilespmem:s17+$0xC200];
	_ =	sdelay $0x1  }
0x137: {  	v4 =	vld [tilespmem:s17+$0x4210]  }
0x138: {  	v5 =	vld [tilespmem:s17+$0xC210]  }
0x139: {  	v6 =	vld [tilespmem:s17+$0x4220];
	v0 =	vadd.f32 v1, v0  }
0x13a: {  	v1 =	vld [tilespmem:s17+$0xC220];
	v2 =	vadd.f32 v3, v2  }
0x13b: {  	v3 =	vmul.f32 $9.999999770e-03, v0  }
0x13c: {  	v7 =	vld [tilespmem:s17+$0x4230];
	v10 =	vmul.f32 $9.999999770e-03, v2  }
0x13d: {  	v8 =	vld [tilespmem:s17+$0xC230];
	v0 =	vmax.f32 v0, v3  }
0x13e: {  	v9 =	vld [tilespmem:s17+$0x4240];
	v4 =	vadd.f32 v5, v4;
	[tilespmem:s17+$0x143F0] =	vst v0;
	v0 =	vmax.f32 v2, v10  }
0x13f: {  	v3 =	vld [tilespmem:s17+$0xC240];
	[tilespmem:s17+$0x14200] =	vst v0;
	v0 =	vadd.f32 v1, v6  }
0x140: {  	v5 =	vmul.f32 $9.999999770e-03, v4;
	v2 =	vld [tilespmem:s17+$0x4250]  }
0x141: {  	v1 =	vld [tilespmem:s17+$0xC250];
	v6 =	vmul.f32 $9.999999770e-03, v0  }
0x142: {  	v4 =	vmax.f32 v4, v5  }
0x143: {  	v5 =	vld [tilespmem:s17+$0x4260];
	[tilespmem:s17+$0x14210] =	vst v4;
	v0 =	vmax.f32 v0, v6  }
0x144: {  	v4 =	vadd.f32 v8, v7;
	v7 =	vld [tilespmem:s17+$0xC260];
	[tilespmem:s17+$0x14220] =	vst v0;
	v0 =	vadd.f32 v3, v9  }
0x145: {  	v6 =	vld [tilespmem:s17+$0x4270]  }
0x146: {  	v8 =	vmul.f32 $9.999999770e-03, v4;
	v3 =	vld [tilespmem:s17+$0xC270];
	v1 =	vadd.f32 v1, v2;
	v9 =	vmul.f32 $9.999999770e-03, v0;
	_ =	sdelay $0x1  }
0x147: {  	v4 =	vmax.f32 v4, v8;
	v8 =	vld [tilespmem:s17+$0x4280];
	v0 =	vmax.f32 v0, v9;
	v9 =	vmul.f32 $9.999999770e-03, v1  }
0x148: {  	v2 =	vld [tilespmem:s17+$0xC280];
	[tilespmem:s17+$0x14240] =	vst v0;
	v0 =	vadd.f32 v7, v5  }
0x149: {  	[tilespmem:s17+$0x14230] =	vst v4;
	v4 =	vld [tilespmem:s17+$0x4290];
	v1 =	vmax.f32 v1, v9  }
0x14a: {  	v5 =	vld [tilespmem:s17+$0xC290];
	v9 =	vmul.f32 $9.999999770e-03, v0;
	[tilespmem:s17+$0x14250] =	vst v1;
	v1 =	vadd.f32 v3, v6;
	_ =	sdelay $0x1  }
0x14b: {  	v7 =	vld [tilespmem:s17+$0x42A0];
	v0 =	vmax.f32 v0, v9;
	v9 =	vmul.f32 $9.999999770e-03, v1  }
0x14c: {  	v3 =	vld [tilespmem:s17+$0xC2A0];
	[tilespmem:s17+$0x14260] =	vst v0;
	v0 =	vadd.f32 v2, v8  }
0x14d: {  	v6 =	vld [tilespmem:s17+$0x42B0];
	v1 =	vmax.f32 v1, v9  }
0x14e: {  	v2 =	vld [tilespmem:s17+$0xC2B0];
	v9 =	vmul.f32 $9.999999770e-03, v0;
	[tilespmem:s17+$0x14270] =	vst v1;
	v1 =	vadd.f32 v5, v4;
	_ =	sdelay $0x1  }
0x14f: {  	v8 =	vld [tilespmem:s17+$0x42C0];
	v0 =	vmax.f32 v0, v9;
	v9 =	vmul.f32 $9.999999770e-03, v1  }
0x150: {  	v4 =	vld [tilespmem:s17+$0xC2C0];
	[tilespmem:s17+$0x14280] =	vst v0;
	v0 =	vadd.f32 v3, v7  }
0x151: {  	v5 =	vld [tilespmem:s17+$0x42D0];
	v1 =	vmax.f32 v1, v9  }
0x152: {  	v3 =	vld [tilespmem:s17+$0xC2D0];
	v9 =	vmul.f32 $9.999999770e-03, v0;
	[tilespmem:s17+$0x14290] =	vst v1;
	v1 =	vadd.f32 v2, v6;
	_ =	sdelay $0x1  }
0x153: {  	v7 =	vld [tilespmem:s17+$0x42E0];
	v0 =	vmax.f32 v0, v9;
	v9 =	vmul.f32 $9.999999770e-03, v1  }
0x154: {  	v2 =	vld [tilespmem:s17+$0xC2E0];
	[tilespmem:s17+$0x142A0] =	vst v0;
	v0 =	vadd.f32 v4, v8  }
0x155: {  	v6 =	vld [tilespmem:s17+$0x42F0];
	v1 =	vmax.f32 v1, v9  }
0x156: {  	v4 =	vld [tilespmem:s17+$0xC2F0];
	v9 =	vmul.f32 $9.999999770e-03, v0;
	[tilespmem:s17+$0x142B0] =	vst v1;
	v1 =	vadd.f32 v3, v5;
	_ =	sdelay $0x1  }
0x157: {  	v8 =	vld [tilespmem:s17+$0x4300];
	v0 =	vmax.f32 v0, v9;
	v9 =	vmul.f32 $9.999999770e-03, v1  }
0x158: {  	v3 =	vld [tilespmem:s17+$0xC300];
	[tilespmem:s17+$0x142C0] =	vst v0;
	v0 =	vadd.f32 v2, v7  }
0x159: {  	v5 =	vld [tilespmem:s17+$0x4310];
	v1 =	vmax.f32 v1, v9  }
0x15a: {  	v2 =	vld [tilespmem:s17+$0xC310];
	v9 =	vmul.f32 $9.999999770e-03, v0;
	[tilespmem:s17+$0x142D0] =	vst v1;
	v1 =	vadd.f32 v4, v6;
	_ =	sdelay $0x1  }
0x15b: {  	v7 =	vld [tilespmem:s17+$0x4320];
	v0 =	vmax.f32 v0, v9;
	v9 =	vmul.f32 $9.999999770e-03, v1  }
0x15c: {  	v4 =	vld [tilespmem:s17+$0xC320];
	[tilespmem:s17+$0x142E0] =	vst v0;
	v0 =	vadd.f32 v3, v8  }
0x15d: {  	v6 =	vld [tilespmem:s17+$0x4330];
	v1 =	vmax.f32 v1, v9  }
0x15e: {  	v3 =	vld [tilespmem:s17+$0xC330];
	v9 =	vmul.f32 $9.999999770e-03, v0;
	[tilespmem:s17+$0x142F0] =	vst v1;
	v1 =	vadd.f32 v2, v5;
	_ =	sdelay $0x1  }
0x15f: {  	v8 =	vld [tilespmem:s17+$0x4340];
	v0 =	vmax.f32 v0, v9;
	v9 =	vmul.f32 $9.999999770e-03, v1  }
0x160: {  	v2 =	vld [tilespmem:s17+$0xC340];
	[tilespmem:s17+$0x14300] =	vst v0;
	v0 =	vadd.f32 v4, v7  }
0x161: {  	v5 =	vld [tilespmem:s17+$0x4350];
	v1 =	vmax.f32 v1, v9  }
0x162: {  	v4 =	vld [tilespmem:s17+$0xC350];
	v9 =	vmul.f32 $9.999999770e-03, v0;
	[tilespmem:s17+$0x14310] =	vst v1;
	v1 =	vadd.f32 v3, v6;
	_ =	sdelay $0x1  }
0x163: {  	v7 =	vld [tilespmem:s17+$0x4360];
	v0 =	vmax.f32 v0, v9;
	v9 =	vmul.f32 $9.999999770e-03, v1  }
0x164: {  	v3 =	vld [tilespmem:s17+$0xC360];
	[tilespmem:s17+$0x14320] =	vst v0;
	v0 =	vadd.f32 v2, v8  }
0x165: {  	v6 =	vld [tilespmem:s17+$0x4370];
	v1 =	vmax.f32 v1, v9  }
0x166: {  	v2 =	vld [tilespmem:s17+$0xC370];
	v9 =	vmul.f32 $9.999999770e-03, v0;
	[tilespmem:s17+$0x14330] =	vst v1;
	v1 =	vadd.f32 v4, v5;
	_ =	sdelay $0x1  }
0x167: {  	v8 =	vld [tilespmem:s17+$0x4380];
	v0 =	vmax.f32 v0, v9;
	v9 =	vmul.f32 $9.999999770e-03, v1  }
0x168: {  	v4 =	vld [tilespmem:s17+$0xC380];
	[tilespmem:s17+$0x14340] =	vst v0;
	v0 =	vadd.f32 v3, v7  }
0x169: {  	v5 =	vld [tilespmem:s17+$0x4390];
	v1 =	vmax.f32 v1, v9  }
0x16a: {  	v3 =	vld [tilespmem:s17+$0xC390];
	v9 =	vmul.f32 $9.999999770e-03, v0;
	[tilespmem:s17+$0x14350] =	vst v1;
	v1 =	vadd.f32 v2, v6  }
0x16b: {  	v7 =	vld [tilespmem:s17+$0x43A0]  }
0x16c: {  	v2 =	vld [tilespmem:s17+$0xC3A0];
	v0 =	vmax.f32 v0, v9;
	v9 =	vmul.f32 $9.999999770e-03, v1  }
0x16d: {  	v6 =	vld [tilespmem:s17+$0x43B0];
	[tilespmem:s17+$0x14360] =	vst v0;
	v0 =	vadd.f32 v4, v8  }
0x16e: {  	v4 =	vld [tilespmem:s17+$0xC3B0];
	v1 =	vmax.f32 v1, v9  }
0x16f: {  	v10 =	vld [tilespmem:s17+$0xC3C0];
	v8 =	vmul.f32 $9.999999770e-03, v0;
	[tilespmem:s17+$0x14370] =	vst v1;
	v1 =	vadd.f32 v3, v5  }
0x170: {  	v9 =	vld [tilespmem:s17+$0x43C0]  }
0x171: {  	v7 =	vadd.f32 v2, v7;
	v3 =	vmax.f32 v0, v8;
	v0 =	vld [tilespmem:s17+$0x43D0];
	v5 =	vmul.f32 $9.999999770e-03, v1  }
0x172: {  	[tilespmem:s17+$0x14380] =	vst v3;
	v3 =	vld [tilespmem:s17+$0xC3D0]  }
0x173: {  	v8 =	vmul.f32 $9.999999770e-03, v7;
	v2 =	vmax.f32 v1, v5;
	v1 =	vld [tilespmem:s17+$0x43E0];
	v5 =	vadd.f32 v4, v6  }
0x174: {  	s19 =	simm.s32 $0x200;
	v4 =	vld [tilespmem:s17+$0xC3E0];
	[tilespmem:s17+$0x14390] =	vst v2  }
0x175: {  	s18 =	simm.s32 $0x1000;
	v8 =	vmax.f32 v7, v8;
	v6 =	vadd.f32 v10, v9;
	v2 =	vld [tilespmem:s19+$0x43F0];
	v7 =	vmul.f32 $9.999999770e-03, v5  }
.LBB2_5:
0x176: {  	p1 =	sne.s32 s18, $0xF800;
	v9 =	vld [tilespmem:s19+$0xC3F0];
	[tilespmem:s17+$0x143A0] =	vst v8  }
0x177: {  	v8 =	vld [tilespmem:s19+$0x4200];
	v5 =	vmax.f32 v5, v7;
	v7 =	vmul.f32 $9.999999770e-03, v6;
	v0 =	vadd.f32 v3, v0  }
0x178: {  	v3 =	vld [tilespmem:s19+$0xC200];
	[tilespmem:s17+$0x143B0] =	vst v5  }
0x179: {  	v5 =	vld [tilespmem:s19+$0x4210];
	v6 =	vmax.f32 v6, v7;
	v7 =	vmul.f32 $9.999999770e-03, v0;
	v1 =	vadd.f32 v4, v1  }
0x17a: {  	v4 =	vld [tilespmem:s19+$0xC210];
	[tilespmem:s17+$0x143C0] =	vst v6  }
0x17b: {  	v6 =	vld [tilespmem:s19+$0x4220];
	v2 =	vadd.f32 v9, v2;
	v0 =	vmax.f32 v0, v7;
	v7 =	vmul.f32 $9.999999770e-03, v1  }
0x17c: {  	v9 =	vld [tilespmem:s19+$0xC220];
	[tilespmem:s17+$0x143D0] =	vst v0  }
0x17d: {  	v0 =	vadd.f32 v3, v8;
	v3 =	vld [tilespmem:s19+$0x4230];
	v8 =	vmul.f32 $9.999999770e-03, v2;
	v1 =	vmax.f32 v1, v7  }
0x17e: {  	v7 =	vld [tilespmem:s19+$0xC230];
	[tilespmem:s17+$0x143E0] =	vst v1;
	s17 =	smov.u32 s19  }
0x17f: {  	v1 =	vmul.f32 $9.999999770e-03, v0;
	v4 =	vadd.f32 v4, v5;
	v5 =	vld [tilespmem:s17+$0x4240];
	v2 =	vmax.f32 v2, v8  }
0x180: {  	v8 =	vld [tilespmem:s17+$0xC240];
	[tilespmem:s17+$0x143F0] =	vst v2  }
0x181: {  	v0 =	vmax.f32 v0, v1;
	v1 =	vmul.f32 $9.999999770e-03, v4;
	v2 =	vadd.f32 v9, v6;
	v6 =	vld [tilespmem:s17+$0x4250]  }
0x182: {  	[tilespmem:s17+$0x14200] =	vst v0;
	v0 =	vld [tilespmem:s17+$0xC250]  }
0x183: {  	v1 =	vmax.f32 v4, v1;
	v4 =	vmul.f32 $9.999999770e-03, v2;
	v3 =	vadd.f32 v7, v3;
	v7 =	vld [tilespmem:s17+$0x4260]  }
0x184: {  	[tilespmem:s17+$0x14210] =	vst v1;
	v1 =	vld [tilespmem:s17+$0xC260]  }
0x185: {  	v2 =	vmax.f32 v2, v4;
	v4 =	vmul.f32 $9.999999770e-03, v3;
	v5 =	vadd.f32 v8, v5;
	v8 =	vld [tilespmem:s17+$0x4270]  }
0x186: {  	[tilespmem:s17+$0x14220] =	vst v2;
	v2 =	vld [tilespmem:s17+$0xC270]  }
0x187: {  	v3 =	vmax.f32 v3, v4;
	v4 =	vmul.f32 $9.999999770e-03, v5;
	v0 =	vadd.f32 v0, v6;
	v6 =	vld [tilespmem:s17+$0x4280]  }
0x188: {  	[tilespmem:s17+$0x14230] =	vst v3;
	v3 =	vld [tilespmem:s17+$0xC280]  }
0x189: {  	v4 =	vmax.f32 v5, v4;
	v5 =	vmul.f32 $9.999999770e-03, v0;
	v1 =	vadd.f32 v1, v7;
	v7 =	vld [tilespmem:s17+$0x4290]  }
0x18a: {  	[tilespmem:s17+$0x14240] =	vst v4;
	v4 =	vld [tilespmem:s17+$0xC290]  }
0x18b: {  	v0 =	vmax.f32 v0, v5;
	v5 =	vmul.f32 $9.999999770e-03, v1;
	v2 =	vadd.f32 v2, v8;
	v8 =	vld [tilespmem:s17+$0x42A0]  }
0x18c: {  	[tilespmem:s17+$0x14250] =	vst v0;
	v0 =	vld [tilespmem:s17+$0xC2A0]  }
0x18d: {  	v1 =	vmax.f32 v1, v5;
	v5 =	vmul.f32 $9.999999770e-03, v2;
	v3 =	vadd.f32 v3, v6;
	v6 =	vld [tilespmem:s17+$0x42B0]  }
0x18e: {  	[tilespmem:s17+$0x14260] =	vst v1;
	v1 =	vld [tilespmem:s17+$0xC2B0]  }
0x18f: {  	v2 =	vmax.f32 v2, v5;
	v5 =	vmul.f32 $9.999999770e-03, v3;
	v4 =	vadd.f32 v4, v7;
	v7 =	vld [tilespmem:s17+$0x42C0]  }
0x190: {  	[tilespmem:s17+$0x14270] =	vst v2;
	v2 =	vld [tilespmem:s17+$0xC2C0]  }
0x191: {  	v3 =	vmax.f32 v3, v5;
	v5 =	vmul.f32 $9.999999770e-03, v4;
	v0 =	vadd.f32 v0, v8;
	v8 =	vld [tilespmem:s17+$0x42D0]  }
0x192: {  	[tilespmem:s17+$0x14280] =	vst v3;
	v3 =	vld [tilespmem:s17+$0xC2D0]  }
0x193: {  	v4 =	vmax.f32 v4, v5;
	v5 =	vmul.f32 $9.999999770e-03, v0;
	v1 =	vadd.f32 v1, v6;
	v6 =	vld [tilespmem:s17+$0x42E0]  }
0x194: {  	[tilespmem:s17+$0x14290] =	vst v4;
	v4 =	vld [tilespmem:s17+$0xC2E0]  }
0x195: {  	v0 =	vmax.f32 v0, v5;
	v5 =	vmul.f32 $9.999999770e-03, v1;
	v2 =	vadd.f32 v2, v7;
	v7 =	vld [tilespmem:s17+$0x42F0]  }
0x196: {  	[tilespmem:s17+$0x142A0] =	vst v0;
	v0 =	vld [tilespmem:s17+$0xC2F0]  }
0x197: {  	v1 =	vmax.f32 v1, v5;
	v5 =	vmul.f32 $9.999999770e-03, v2;
	v3 =	vadd.f32 v3, v8;
	v8 =	vld [tilespmem:s17+$0x4300]  }
0x198: {  	[tilespmem:s17+$0x142B0] =	vst v1;
	v1 =	vld [tilespmem:s17+$0xC300]  }
0x199: {  	v2 =	vmax.f32 v2, v5;
	v5 =	vmul.f32 $9.999999770e-03, v3;
	v4 =	vadd.f32 v4, v6;
	v6 =	vld [tilespmem:s17+$0x4310]  }
0x19a: {  	[tilespmem:s17+$0x142C0] =	vst v2;
	v2 =	vld [tilespmem:s17+$0xC310]  }
0x19b: {  	v3 =	vmax.f32 v3, v5;
	v5 =	vmul.f32 $9.999999770e-03, v4;
	v0 =	vadd.f32 v0, v7;
	v7 =	vld [tilespmem:s17+$0x4320]  }
0x19c: {  	[tilespmem:s17+$0x142D0] =	vst v3;
	v3 =	vld [tilespmem:s17+$0xC320]  }
0x19d: {  	v4 =	vmax.f32 v4, v5;
	v5 =	vmul.f32 $9.999999770e-03, v0;
	v1 =	vadd.f32 v1, v8;
	v8 =	vld [tilespmem:s17+$0x4330]  }
0x19e: {  	[tilespmem:s17+$0x142E0] =	vst v4;
	v4 =	vld [tilespmem:s17+$0xC330]  }
0x19f: {  	v0 =	vmax.f32 v0, v5;
	v5 =	vmul.f32 $9.999999770e-03, v1;
	v2 =	vadd.f32 v2, v6;
	v6 =	vld [tilespmem:s17+$0x4340]  }
0x1a0: {  	[tilespmem:s17+$0x142F0] =	vst v0;
	v0 =	vld [tilespmem:s17+$0xC340]  }
0x1a1: {  	v1 =	vmax.f32 v1, v5;
	v5 =	vmul.f32 $9.999999770e-03, v2;
	v3 =	vadd.f32 v3, v7;
	v7 =	vld [tilespmem:s17+$0x4350]  }
0x1a2: {  	[tilespmem:s17+$0x14300] =	vst v1;
	v1 =	vld [tilespmem:s17+$0xC350]  }
0x1a3: {  	v2 =	vmax.f32 v2, v5;
	v5 =	vmul.f32 $9.999999770e-03, v3;
	v4 =	vadd.f32 v4, v8;
	v8 =	vld [tilespmem:s17+$0x4360]  }
0x1a4: {  	[tilespmem:s17+$0x14310] =	vst v2;
	v2 =	vld [tilespmem:s17+$0xC360]  }
0x1a5: {  	v3 =	vmax.f32 v3, v5;
	v5 =	vmul.f32 $9.999999770e-03, v4;
	v0 =	vadd.f32 v0, v6;
	v6 =	vld [tilespmem:s17+$0x4370]  }
0x1a6: {  	[tilespmem:s17+$0x14320] =	vst v3;
	v3 =	vld [tilespmem:s17+$0xC370]  }
0x1a7: {  	v4 =	vmax.f32 v4, v5;
	v5 =	vmul.f32 $9.999999770e-03, v0;
	v1 =	vadd.f32 v1, v7;
	v7 =	vld [tilespmem:s17+$0x4380]  }
0x1a8: {  	[tilespmem:s17+$0x14330] =	vst v4;
	v4 =	vld [tilespmem:s17+$0xC380]  }
0x1a9: {  	v0 =	vmax.f32 v0, v5;
	v5 =	vmul.f32 $9.999999770e-03, v1;
	v2 =	vadd.f32 v2, v8;
	v8 =	vld [tilespmem:s17+$0x4390]  }
0x1aa: {  	[tilespmem:s17+$0x14340] =	vst v0;
	v0 =	vld [tilespmem:s17+$0xC390]  }
0x1ab: {  	v1 =	vmax.f32 v1, v5;
	v5 =	vmul.f32 $9.999999770e-03, v2;
	v3 =	vadd.f32 v3, v6;
	v6 =	vld [tilespmem:s17+$0x43A0]  }
0x1ac: {  	[tilespmem:s17+$0x14350] =	vst v1;
	v1 =	vld [tilespmem:s17+$0xC3A0]  }
0x1ad: {  	v2 =	vmax.f32 v2, v5;
	v5 =	vmul.f32 $9.999999770e-03, v3;
	v4 =	vadd.f32 v4, v7;
	v7 =	vld [tilespmem:s17+$0x43B0]  }
0x1ae: {  	[tilespmem:s17+$0x14360] =	vst v2;
	v2 =	vld [tilespmem:s17+$0xC3B0]  }
0x1af: {  	v3 =	vmax.f32 v3, v5;
	v5 =	vmul.f32 $9.999999770e-03, v4;
	v8 =	vadd.f32 v0, v8;
	v9 =	vld [tilespmem:s17+$0x43C0]  }
0x1b0: {  	[tilespmem:s17+$0x14370] =	vst v3;
	v10 =	vld [tilespmem:s17+$0xC3C0]  }
.Ltmp1:
0x1b1: {  	v3 =	vmax.f32 v4, v5;
	v4 =	vmul.f32 $9.999999770e-03, v8;
	v6 =	vadd.f32 v1, v6;
	v0 =	vld [tilespmem:s17+$0x43D0];
	(pc) =	sbr.rel @p1 .LBB2_5-.Ltmp1, $4  }
0x1b2: {  	[tilespmem:s17+$0x14380] =	vst v3;
	v3 =	vld [tilespmem:s17+$0xC3D0]  }
0x1b3: {  	v4 =	vmax.f32 v8, v4;
	v8 =	vmul.f32 $9.999999770e-03, v6;
	v5 =	vadd.f32 v2, v7;
	v1 =	vld [tilespmem:s17+$0x43E0]  }
0x1b4: {  	s19 =	sshra.s32 s18, $0x2;
	[tilespmem:s17+$0x14390] =	vst v4;
	v4 =	vld [tilespmem:s17+$0xC3E0]  }
0x1b5: {  	s18 =	sadd.s32 $0x800, s18;
	v2 =	vld [tilespmem:s19+$0x43F0];
	v8 =	vmax.f32 v6, v8;
	v7 =	vmul.f32 $9.999999770e-03, v5;
	v6 =	vadd.f32 v10, v9  }
0x1b6: {  	v9 =	vld [tilespmem:s19+$0xC3F0];
	[tilespmem:s17+$0x143A0] =	vst v8  }
0x1b7: {  	v8 =	vld [tilespmem:s19+$0x4200];
	v5 =	vmax.f32 v5, v7;
	v10 =	vmul.f32 $9.999999770e-03, v6;
	v0 =	vadd.f32 v3, v0  }
0x1b8: {  	v52 =	vld [tilespmem:s19+$0xC200];
	[tilespmem:s17+$0x143B0] =	vst v5  }
0x1b9: {  	v53 =	vld [tilespmem:s19+$0x4210];
	v54 =	vmax.f32 v6, v10;
	v56 =	vmul.f32 $9.999999770e-03, v0;
	v1 =	vadd.f32 v4, v1  }
0x1ba: {  	v55 =	vld [tilespmem:s19+$0xC210];
	[tilespmem:s17+$0x143C0] =	vst v54  }
0x1bb: {  	v57 =	vld [tilespmem:s19+$0x4220];
	v0 =	vmax.f32 v0, v56;
	v58 =	vmul.f32 $9.999999770e-03, v1  }
0x1bc: {  	v5 =	vld [tilespmem:s19+$0xC220];
	[tilespmem:s17+$0x143D0] =	vst v0  }
0x1bd: {  	v60 =	vld [tilespmem:s19+$0x4230];
	v1 =	vmax.f32 v1, v58  }
0x1be: {  	v61 =	vld [tilespmem:s19+$0xC230];
	[tilespmem:s17+$0x143E0] =	vst v1  }
0x1bf: {  	v1 =	vld [tilespmem:s19+$0x4240]  }
0x1c0: {  	v12 =	vld [tilespmem:s19+$0xC240]  }
0x1c1: {  	v14 =	vld [tilespmem:s19+$0x4250]  }
0x1c2: {  	v17 =	vld [tilespmem:s19+$0xC250]  }
0x1c3: {  	v18 =	vld [tilespmem:s19+$0x4260]  }
0x1c4: {  	v20 =	vld [tilespmem:s19+$0xC260]  }
0x1c5: {  	v21 =	vld [tilespmem:s19+$0x4270]  }
0x1c6: {  	v23 =	vld [tilespmem:s19+$0xC270]  }
0x1c7: {  	v24 =	vld [tilespmem:s19+$0x4280]  }
0x1c8: {  	v27 =	vld [tilespmem:s19+$0xC280]  }
0x1c9: {  	v28 =	vld [tilespmem:s19+$0x4290]  }
0x1ca: {  	v31 =	vld [tilespmem:s19+$0xC290]  }
0x1cb: {  	v32 =	vld [tilespmem:s19+$0x42A0]  }
0x1cc: {  	v34 =	vld [tilespmem:s19+$0xC2A0]  }
0x1cd: {  	v35 =	vld [tilespmem:s19+$0x42B0]  }
0x1ce: {  	v38 =	vld [tilespmem:s19+$0xC2B0]  }
0x1cf: {  	v39 =	vld [tilespmem:s19+$0x42C0]  }
0x1d0: {  	v42 =	vld [tilespmem:s19+$0xC2C0]  }
0x1d1: {  	v43 =	vld [tilespmem:s19+$0x42D0]  }
0x1d2: {  	v46 =	vld [tilespmem:s19+$0xC2D0]  }
0x1d3: {  	v47 =	vld [tilespmem:s19+$0x42E0]  }
0x1d4: {  	v50 =	vld [tilespmem:s19+$0xC2E0]  }
0x1d5: {  	v59 =	vadd.f32 v9, v2;
	v51 =	vld [tilespmem:s19+$0x42F0]  }
0x1d6: {  	v54 =	vld [tilespmem:s19+$0xC2F0]  }
0x1d7: {  	v7 =	vadd.f32 v52, v8;
	v62 =	vmul.f32 $9.999999770e-03, v59;
	v3 =	vadd.f32 v55, v53;
	v55 =	vld [tilespmem:s19+$0x4300]  }
0x1d8: {  	v58 =	vld [tilespmem:s19+$0xC300]  }
0x1d9: {  	v63 =	vmul.f32 $9.999999770e-03, v7;
	v0 =	vmax.f32 v59, v62;
	v59 =	vld [tilespmem:s19+$0x4310]  }
0x1da: {  	v62 =	vld [tilespmem:s19+$0xC310];
	v15 =	vmul.f32 $9.999999770e-03, v3  }
0x1db: {  	v13 =	vmax.f32 v7, v63;
	v16 =	vadd.f32 v5, v57;
	v63 =	vld [tilespmem:s19+$0x4320]  }
0x1dc: {  	v3 =	vmax.f32 v3, v15;
	v15 =	vld [tilespmem:s19+$0x4330]  }
0x1dd: {  	v19 =	vmul.f32 $9.999999770e-03, v16;
	v26 =	vadd.f32 v17, v14;
	v14 =	vld [tilespmem:s19+$0xC320]  }
0x1de: {  	v2 =	vadd.f32 v61, v60;
	v30 =	vadd.f32 v20, v18;
	v18 =	vld [tilespmem:s19+$0xC330]  }
0x1df: {  	[tilespmem:s19+$0x143F0] =	vst v0;
	v0 =	vmax.f32 v16, v19;
	v22 =	vadd.f32 v12, v1;
	v19 =	vld [tilespmem:s19+$0x4340]  }
0x1e0: {  	[tilespmem:s19+$0x14200] =	vst v13;
	v9 =	vmul.f32 $9.999999770e-03, v2;
	v1 =	vadd.f32 v23, v21;
	v23 =	vld [tilespmem:s19+$0x4350]  }
0x1e1: {  	[tilespmem:s19+$0x14210] =	vst v3;
	v37 =	vadd.f32 v27, v24;
	v27 =	vld [tilespmem:s19+$0x4360];
	v25 =	vmul.f32 $9.999999770e-03, v22  }
0x1e2: {  	v41 =	vadd.f32 v31, v28;
	v31 =	vld [tilespmem:s19+$0x4370];
	[tilespmem:s19+$0x14220] =	vst v0;
	v2 =	vmax.f32 v2, v9;
	v29 =	vmul.f32 $9.999999770e-03, v26  }
0x1e3: {  	v45 =	vadd.f32 v34, v32;
	v34 =	vld [tilespmem:s19+$0xC370];
	v36 =	vmul.f32 $9.999999770e-03, v1;
	[tilespmem:s19+$0x14230] =	vst v2;
	v0 =	vmax.f32 v22, v25  }
0x1e4: {  	v49 =	vadd.f32 v38, v35;
	v35 =	vld [tilespmem:s19+$0x4380];
	v33 =	vmul.f32 $9.999999770e-03, v30;
	v2 =	vmax.f32 v26, v29;
	[tilespmem:s19+$0x14240] =	vst v0  }
0x1e5: {  	v38 =	vld [tilespmem:s19+$0xC380];
	v44 =	vmul.f32 $9.999999770e-03, v41;
	v1 =	vmax.f32 v1, v36;
	[tilespmem:s19+$0x14250] =	vst v2  }
0x1e6: {  	v53 =	vadd.f32 v42, v39;
	v39 =	vld [tilespmem:s19+$0x4390];
	v40 =	vmul.f32 $9.999999770e-03, v37;
	v0 =	vmax.f32 v30, v33;
	[tilespmem:s19+$0x14270] =	vst v1  }
0x1e7: {  	v57 =	vadd.f32 v46, v43;
	v42 =	vld [tilespmem:s19+$0xC390];
	v52 =	vmul.f32 $9.999999770e-03, v49;
	v1 =	vmax.f32 v41, v44;
	[tilespmem:s19+$0x14260] =	vst v0  }
0x1e8: {  	v43 =	vld [tilespmem:s19+$0x43A0];
	v48 =	vmul.f32 $9.999999770e-03, v45;
	v0 =	vmax.f32 v37, v40;
	[tilespmem:s19+$0x14290] =	vst v1  }
0x1e9: {  	v13 =	vadd.f32 v54, v51;
	v46 =	vld [tilespmem:s19+$0xC3A0];
	v60 =	vmul.f32 $9.999999770e-03, v57;
	v1 =	vmax.f32 v49, v52;
	[tilespmem:s19+$0x14280] =	vst v0  }
0x1ea: {  	v61 =	vadd.f32 v50, v47;
	v56 =	vmul.f32 $9.999999770e-03, v53;
	v22 =	vld [tilespmem:s19+$0xC340];
	v0 =	vmax.f32 v45, v48;
	[tilespmem:s19+$0x142B0] =	vst v1  }
0x1eb: {  	v21 =	vadd.f32 v62, v59;
	v16 =	vmul.f32 $9.999999770e-03, v13;
	v26 =	vld [tilespmem:s19+$0xC350];
	v1 =	vmax.f32 v57, v60;
	[tilespmem:s19+$0x142A0] =	vst v0  }
0x1ec: {  	v17 =	vadd.f32 v58, v55;
	v12 =	vmul.f32 $9.999999770e-03, v61;
	v30 =	vld [tilespmem:s19+$0xC360];
	v0 =	vmax.f32 v53, v56;
	[tilespmem:s19+$0x142D0] =	vst v1  }
0x1ed: {  	v47 =	vld [tilespmem:s19+$0x43B0];
	v24 =	vmul.f32 $9.999999770e-03, v21;
	v29 =	vadd.f32 v18, v15;
	v1 =	vmax.f32 v13, v16;
	[tilespmem:s19+$0x142C0] =	vst v0  }
0x1ee: {  	v50 =	vld [tilespmem:s19+$0xC3B0];
	v20 =	vmul.f32 $9.999999770e-03, v17;
	v25 =	vadd.f32 v14, v63;
	v0 =	vmax.f32 v61, v12;
	[tilespmem:s19+$0x142F0] =	vst v1  }
0x1ef: {  	v51 =	vld [tilespmem:s19+$0x43C0];
	v32 =	vmul.f32 $9.999999770e-03, v29;
	v1 =	vmax.f32 v21, v24;
	v33 =	vadd.f32 v22, v19;
	[tilespmem:s19+$0x142E0] =	vst v0  }
0x1f0: {  	v54 =	vld [tilespmem:s19+$0xC3C0];
	v28 =	vmul.f32 $9.999999770e-03, v25;
	v37 =	vadd.f32 v26, v23;
	v0 =	vmax.f32 v17, v20;
	[tilespmem:s19+$0x14310] =	vst v1  }
0x1f1: {  	v55 =	vld [tilespmem:s19+$0x43D0];
	v1 =	vmax.f32 v29, v32;
	v41 =	vadd.f32 v30, v27;
	[tilespmem:s19+$0x14300] =	vst v0;
	v36 =	vmul.f32 $9.999999770e-03, v33  }
0x1f2: {  	v58 =	vld [tilespmem:s19+$0x43E0];
	v45 =	vadd.f32 v34, v31;
	v0 =	vmax.f32 v25, v28;
	[tilespmem:s19+$0x14330] =	vst v1;
	v40 =	vmul.f32 $9.999999770e-03, v37  }
0x1f3: {  	v49 =	vadd.f32 v38, v35;
	v57 =	vld [tilespmem:s19+$0xC3D0];
	[tilespmem:s19+$0x14320] =	vst v0;
	v44 =	vmul.f32 $9.999999770e-03, v41;
	v0 =	vmax.f32 v33, v36  }
0x1f4: {  	v59 =	vld [tilespmem:s19+$0xC3E0];
	v53 =	vadd.f32 v42, v39;
	v48 =	vmul.f32 $9.999999770e-03, v45;
	v1 =	vmax.f32 v37, v40;
	[tilespmem:s19+$0x14340] =	vst v0  }
0x1f5: {  	v4 =	vadd.f32 v46, v43;
	v52 =	vmul.f32 $9.999999770e-03, v49;
	[tilespmem:s19+$0x14350] =	vst v1;
	v0 =	vmax.f32 v41, v44  }
0x1f6: {  	v3 =	vadd.f32 v50, v47;
	v56 =	vmul.f32 $9.999999770e-03, v53;
	v1 =	vmax.f32 v45, v48;
	[tilespmem:s19+$0x14360] =	vst v0  }
0x1f7: {  	v2 =	vadd.f32 v54, v51;
	v5 =	vmul.f32 $9.999999770e-03, v4;
	[tilespmem:s19+$0x14370] =	vst v1;
	v0 =	vmax.f32 v49, v52  }
0x1f8: {  	v7 =	vmul.f32 $9.999999770e-03, v3;
	v1 =	vmax.f32 v53, v56;
	[tilespmem:s19+$0x14380] =	vst v0;
	v0 =	vadd.f32 v57, v55  }
0x1f9: {  	s13 =	sadd.s32 $0x1, s13;
	v60 =	vmul.f32 $9.999999770e-03, v2;
	v4 =	vmax.f32 v4, v5;
	[tilespmem:s19+$0x14390] =	vst v1;
	v1 =	vadd.f32 v59, v58  }
0x1fa: {  	p1 =	sne.s32 s13, $0x3F;
	v3 =	vmax.f32 v3, v7;
	[tilespmem:s19+$0x143A0] =	vst v4;
	v61 =	vmul.f32 $9.999999770e-03, v0  }
.Ltmp2:
0x1fb: {  	v2 =	vmax.f32 v2, v60;
	[tilespmem:s19+$0x143B0] =	vst v3;
	v62 =	vmul.f32 $9.999999770e-03, v1;
	(pc) =	sbr.rel @p1 .LBB2_2-.Ltmp2, $4  }
0x1fc: {  	s16 =	sshll.u32 s16, $0xB;
	[tilespmem:s19+$0x143C0] =	vst v2;
	v0 =	vmax.f32 v0, v61  }
0x1fd: {  	s16 =	sand.u32 $0x1FFFF800, s16;
	v63 =	vmax.f32 v1, v62;
	[tilespmem:s19+$0x143D0] =	vst v0  }
0x1fe: {  	s16 =	sadd.s32 s1, s16;
	[tilespmem:s19+$0x143E0] =	vst v63  }
0x1ff: {  	[hbm4b:s16+s4] =	stream.linear.scatter [tilespmem:s6], [sflag:$0x6], $0x4000, $0x38;
	[tilespmem:$0x1C280] =	vst v63  }
0x200: {  	_ =	swait.ge [sflag:s28], $0x4000  }
0x201: {  	[sflag:s28] =	ssyncset.done $0x0  }
0x202: {  	[sflag:s28] =	ssyncadd.s32 $0xFFFFC000  }
0x203: {  	_ =	swait.ge [sflag:s28], $0x4000  }
0x204: {  	[sflag:s28] =	ssyncset.done $0x0  }
0x205: {  	[sflag:s28] =	ssyncadd.s32 $0xFFFFC000  }
0x206: {  	_ =	swait.ge [sflag:s29], $0x80  }
0x207: {  	[sflag:s29] =	ssyncset.done $0x0  }
0x208: {  	[sflag:s29] =	ssyncadd.s32 $0xFFFFFF80  }
0x209: {  	_ =	swait.ge [sflag:s29], $0x80  }
0x20a: {  	[sflag:s29] =	ssyncset.done $0x0  }
0x20b: {  	[sflag:s29] =	ssyncadd.s32 $0xFFFFFF80  }
0x20c: {  	[tilespmem:s30], [sflag:$0x4] =	stream.indirect.gather [spmem:s2], $0x80, s23, s23, $0xb8;
	[tilespmem:$0x1C280] =	vst v63  }
0x20d: {  	_ = 	snop  }
0x20e: {  	[tilespmem:s31], [sflag:$0x4] =	stream.indirect.gather [spmem:s3], $0x80, s26, s23, $0xb8;
	[tilespmem:$0x1C280] =	vst v63  }
0x20f: {  	_ =	swait.ge [sflag:s9], $0x4000  }
0x210: {  	[sflag:s9] =	ssyncset.done $0x0  }
0x211: {  	s13 =	simm.s32 $0x0;
	[sflag:s9] =	ssyncadd.s32 $0xFFFFC000  }
0x212: {  	v0 =	vld [tilespmem:s13+$0x3F0]  }
0x213: {  	v1 =	vld [tilespmem:s13+$0x83F0]  }
0x214: {  	v2 =	vld [tilespmem:s13+$0x200]  }
0x215: {  	v3 =	vld [tilespmem:s13+$0x8200];
	_ =	sdelay $0x1  }
0x216: {  	v4 =	vld [tilespmem:s13+$0x210]  }
0x217: {  	v5 =	vld [tilespmem:s13+$0x8210]  }
0x218: {  	v6 =	vld [tilespmem:s13+$0x220];
	v0 =	vadd.f32 v1, v0  }
0x219: {  	v1 =	vld [tilespmem:s13+$0x8220];
	v2 =	vadd.f32 v3, v2  }
0x21a: {  	v3 =	vmul.f32 $9.999999770e-03, v0  }
0x21b: {  	v7 =	vld [tilespmem:s13+$0x230];
	v10 =	vmul.f32 $9.999999770e-03, v2  }
0x21c: {  	v8 =	vld [tilespmem:s13+$0x8230];
	v0 =	vmax.f32 v0, v3  }
0x21d: {  	v9 =	vld [tilespmem:s13+$0x240];
	v4 =	vadd.f32 v5, v4;
	[tilespmem:s13+$0x103F0] =	vst v0;
	v0 =	vmax.f32 v2, v10  }
0x21e: {  	v3 =	vld [tilespmem:s13+$0x8240];
	[tilespmem:s13+$0x10200] =	vst v0;
	v0 =	vadd.f32 v1, v6  }
0x21f: {  	v5 =	vmul.f32 $9.999999770e-03, v4;
	v2 =	vld [tilespmem:s13+$0x250]  }
0x220: {  	v1 =	vld [tilespmem:s13+$0x8250];
	v6 =	vmul.f32 $9.999999770e-03, v0  }
0x221: {  	v4 =	vmax.f32 v4, v5  }
0x222: {  	v5 =	vld [tilespmem:s13+$0x260];
	[tilespmem:s13+$0x10210] =	vst v4;
	v0 =	vmax.f32 v0, v6  }
0x223: {  	v4 =	vadd.f32 v8, v7;
	v7 =	vld [tilespmem:s13+$0x8260];
	[tilespmem:s13+$0x10220] =	vst v0;
	v0 =	vadd.f32 v3, v9  }
0x224: {  	v6 =	vld [tilespmem:s13+$0x270]  }
0x225: {  	v8 =	vmul.f32 $9.999999770e-03, v4;
	v3 =	vld [tilespmem:s13+$0x8270];
	v1 =	vadd.f32 v1, v2;
	v9 =	vmul.f32 $9.999999770e-03, v0;
	_ =	sdelay $0x1  }
0x226: {  	v4 =	vmax.f32 v4, v8;
	v8 =	vld [tilespmem:s13+$0x280];
	v0 =	vmax.f32 v0, v9;
	v9 =	vmul.f32 $9.999999770e-03, v1  }
0x227: {  	v2 =	vld [tilespmem:s13+$0x8280];
	[tilespmem:s13+$0x10240] =	vst v0;
	v0 =	vadd.f32 v7, v5  }
0x228: {  	[tilespmem:s13+$0x10230] =	vst v4;
	v4 =	vld [tilespmem:s13+$0x290];
	v1 =	vmax.f32 v1, v9  }
0x229: {  	v5 =	vld [tilespmem:s13+$0x8290];
	v9 =	vmul.f32 $9.999999770e-03, v0;
	[tilespmem:s13+$0x10250] =	vst v1;
	v1 =	vadd.f32 v3, v6;
	_ =	sdelay $0x1  }
0x22a: {  	v7 =	vld [tilespmem:s13+$0x2A0];
	v0 =	vmax.f32 v0, v9;
	v9 =	vmul.f32 $9.999999770e-03, v1  }
0x22b: {  	v3 =	vld [tilespmem:s13+$0x82A0];
	[tilespmem:s13+$0x10260] =	vst v0;
	v0 =	vadd.f32 v2, v8  }
0x22c: {  	v6 =	vld [tilespmem:s13+$0x2B0];
	v1 =	vmax.f32 v1, v9  }
0x22d: {  	v2 =	vld [tilespmem:s13+$0x82B0];
	v9 =	vmul.f32 $9.999999770e-03, v0;
	[tilespmem:s13+$0x10270] =	vst v1;
	v1 =	vadd.f32 v5, v4;
	_ =	sdelay $0x1  }
0x22e: {  	v8 =	vld [tilespmem:s13+$0x2C0];
	v0 =	vmax.f32 v0, v9;
	v9 =	vmul.f32 $9.999999770e-03, v1  }
0x22f: {  	v4 =	vld [tilespmem:s13+$0x82C0];
	[tilespmem:s13+$0x10280] =	vst v0;
	v0 =	vadd.f32 v3, v7  }
0x230: {  	v5 =	vld [tilespmem:s13+$0x2D0];
	v1 =	vmax.f32 v1, v9  }
0x231: {  	v3 =	vld [tilespmem:s13+$0x82D0];
	v9 =	vmul.f32 $9.999999770e-03, v0;
	[tilespmem:s13+$0x10290] =	vst v1;
	v1 =	vadd.f32 v2, v6;
	_ =	sdelay $0x1  }
0x232: {  	v7 =	vld [tilespmem:s13+$0x2E0];
	v0 =	vmax.f32 v0, v9;
	v9 =	vmul.f32 $9.999999770e-03, v1  }
0x233: {  	v2 =	vld [tilespmem:s13+$0x82E0];
	[tilespmem:s13+$0x102A0] =	vst v0;
	v0 =	vadd.f32 v4, v8  }
0x234: {  	v6 =	vld [tilespmem:s13+$0x2F0];
	v1 =	vmax.f32 v1, v9  }
0x235: {  	v4 =	vld [tilespmem:s13+$0x82F0];
	v9 =	vmul.f32 $9.999999770e-03, v0;
	[tilespmem:s13+$0x102B0] =	vst v1;
	v1 =	vadd.f32 v3, v5;
	_ =	sdelay $0x1  }
0x236: {  	v8 =	vld [tilespmem:s13+$0x300];
	v0 =	vmax.f32 v0, v9;
	v9 =	vmul.f32 $9.999999770e-03, v1  }
0x237: {  	v3 =	vld [tilespmem:s13+$0x8300];
	[tilespmem:s13+$0x102C0] =	vst v0;
	v0 =	vadd.f32 v2, v7  }
0x238: {  	v5 =	vld [tilespmem:s13+$0x310];
	v1 =	vmax.f32 v1, v9  }
0x239: {  	v2 =	vld [tilespmem:s13+$0x8310];
	v9 =	vmul.f32 $9.999999770e-03, v0;
	[tilespmem:s13+$0x102D0] =	vst v1;
	v1 =	vadd.f32 v4, v6;
	_ =	sdelay $0x1  }
0x23a: {  	v7 =	vld [tilespmem:s13+$0x320];
	v0 =	vmax.f32 v0, v9;
	v9 =	vmul.f32 $9.999999770e-03, v1  }
0x23b: {  	v4 =	vld [tilespmem:s13+$0x8320];
	[tilespmem:s13+$0x102E0] =	vst v0;
	v0 =	vadd.f32 v3, v8  }
0x23c: {  	v6 =	vld [tilespmem:s13+$0x330];
	v1 =	vmax.f32 v1, v9  }
0x23d: {  	v3 =	vld [tilespmem:s13+$0x8330];
	v9 =	vmul.f32 $9.999999770e-03, v0;
	[tilespmem:s13+$0x102F0] =	vst v1;
	v1 =	vadd.f32 v2, v5;
	_ =	sdelay $0x1  }
0x23e: {  	v8 =	vld [tilespmem:s13+$0x340];
	v0 =	vmax.f32 v0, v9;
	v9 =	vmul.f32 $9.999999770e-03, v1  }
0x23f: {  	v2 =	vld [tilespmem:s13+$0x8340];
	[tilespmem:s13+$0x10300] =	vst v0;
	v0 =	vadd.f32 v4, v7  }
0x240: {  	v5 =	vld [tilespmem:s13+$0x350];
	v1 =	vmax.f32 v1, v9  }
0x241: {  	v4 =	vld [tilespmem:s13+$0x8350];
	v9 =	vmul.f32 $9.999999770e-03, v0;
	[tilespmem:s13+$0x10310] =	vst v1;
	v1 =	vadd.f32 v3, v6;
	_ =	sdelay $0x1  }
0x242: {  	v7 =	vld [tilespmem:s13+$0x360];
	v0 =	vmax.f32 v0, v9;
	v9 =	vmul.f32 $9.999999770e-03, v1  }
0x243: {  	v3 =	vld [tilespmem:s13+$0x8360];
	[tilespmem:s13+$0x10320] =	vst v0;
	v0 =	vadd.f32 v2, v8  }
0x244: {  	v6 =	vld [tilespmem:s13+$0x370];
	v1 =	vmax.f32 v1, v9  }
0x245: {  	v2 =	vld [tilespmem:s13+$0x8370];
	v9 =	vmul.f32 $9.999999770e-03, v0;
	[tilespmem:s13+$0x10330] =	vst v1;
	v1 =	vadd.f32 v4, v5;
	_ =	sdelay $0x1  }
0x246: {  	v8 =	vld [tilespmem:s13+$0x380];
	v0 =	vmax.f32 v0, v9;
	v9 =	vmul.f32 $9.999999770e-03, v1  }
0x247: {  	v4 =	vld [tilespmem:s13+$0x8380];
	[tilespmem:s13+$0x10340] =	vst v0;
	v0 =	vadd.f32 v3, v7  }
0x248: {  	v5 =	vld [tilespmem:s13+$0x390];
	v1 =	vmax.f32 v1, v9  }
0x249: {  	v3 =	vld [tilespmem:s13+$0x8390];
	v9 =	vmul.f32 $9.999999770e-03, v0;
	[tilespmem:s13+$0x10350] =	vst v1;
	v1 =	vadd.f32 v2, v6  }
0x24a: {  	v7 =	vld [tilespmem:s13+$0x3A0]  }
0x24b: {  	v2 =	vld [tilespmem:s13+$0x83A0];
	v0 =	vmax.f32 v0, v9;
	v9 =	vmul.f32 $9.999999770e-03, v1  }
0x24c: {  	v6 =	vld [tilespmem:s13+$0x3B0];
	[tilespmem:s13+$0x10360] =	vst v0;
	v0 =	vadd.f32 v4, v8  }
0x24d: {  	v4 =	vld [tilespmem:s13+$0x83B0];
	v1 =	vmax.f32 v1, v9  }
0x24e: {  	v10 =	vld [tilespmem:s13+$0x83C0];
	v8 =	vmul.f32 $9.999999770e-03, v0;
	[tilespmem:s13+$0x10370] =	vst v1;
	v1 =	vadd.f32 v3, v5  }
0x24f: {  	v9 =	vld [tilespmem:s13+$0x3C0]  }
0x250: {  	v7 =	vadd.f32 v2, v7;
	v3 =	vmax.f32 v0, v8;
	v0 =	vld [tilespmem:s13+$0x3D0];
	v5 =	vmul.f32 $9.999999770e-03, v1  }
0x251: {  	[tilespmem:s13+$0x10380] =	vst v3;
	v3 =	vld [tilespmem:s13+$0x83D0]  }
0x252: {  	v8 =	vmul.f32 $9.999999770e-03, v7;
	v2 =	vmax.f32 v1, v5;
	v1 =	vld [tilespmem:s13+$0x3E0];
	v5 =	vadd.f32 v4, v6  }
0x253: {  	s17 =	simm.s32 $0x200;
	v4 =	vld [tilespmem:s13+$0x83E0];
	[tilespmem:s13+$0x10390] =	vst v2  }
0x254: {  	s16 =	simm.s32 $0x1000;
	v8 =	vmax.f32 v7, v8;
	v6 =	vadd.f32 v10, v9;
	v2 =	vld [tilespmem:s17+$0x3F0];
	v7 =	vmul.f32 $9.999999770e-03, v5  }
.LBB2_8:
0x255: {  	p1 =	sne.s32 s16, $0xF800;
	v9 =	vld [tilespmem:s17+$0x83F0];
	[tilespmem:s13+$0x103A0] =	vst v8  }
0x256: {  	v8 =	vld [tilespmem:s17+$0x200];
	v5 =	vmax.f32 v5, v7;
	v7 =	vmul.f32 $9.999999770e-03, v6;
	v0 =	vadd.f32 v3, v0  }
0x257: {  	v3 =	vld [tilespmem:s17+$0x8200];
	[tilespmem:s13+$0x103B0] =	vst v5  }
0x258: {  	v5 =	vld [tilespmem:s17+$0x210];
	v6 =	vmax.f32 v6, v7;
	v7 =	vmul.f32 $9.999999770e-03, v0;
	v1 =	vadd.f32 v4, v1  }
0x259: {  	v4 =	vld [tilespmem:s17+$0x8210];
	[tilespmem:s13+$0x103C0] =	vst v6  }
0x25a: {  	v6 =	vld [tilespmem:s17+$0x220];
	v2 =	vadd.f32 v9, v2;
	v0 =	vmax.f32 v0, v7;
	v7 =	vmul.f32 $9.999999770e-03, v1  }
0x25b: {  	v9 =	vld [tilespmem:s17+$0x8220];
	[tilespmem:s13+$0x103D0] =	vst v0  }
0x25c: {  	v0 =	vadd.f32 v3, v8;
	v3 =	vld [tilespmem:s17+$0x230];
	v8 =	vmul.f32 $9.999999770e-03, v2;
	v1 =	vmax.f32 v1, v7  }
0x25d: {  	v7 =	vld [tilespmem:s17+$0x8230];
	[tilespmem:s13+$0x103E0] =	vst v1;
	s13 =	smov.u32 s17  }
0x25e: {  	v1 =	vmul.f32 $9.999999770e-03, v0;
	v4 =	vadd.f32 v4, v5;
	v5 =	vld [tilespmem:s13+$0x240];
	v2 =	vmax.f32 v2, v8  }
0x25f: {  	v8 =	vld [tilespmem:s13+$0x8240];
	[tilespmem:s13+$0x103F0] =	vst v2  }
0x260: {  	v0 =	vmax.f32 v0, v1;
	v1 =	vmul.f32 $9.999999770e-03, v4;
	v2 =	vadd.f32 v9, v6;
	v6 =	vld [tilespmem:s13+$0x250]  }
0x261: {  	[tilespmem:s13+$0x10200] =	vst v0;
	v0 =	vld [tilespmem:s13+$0x8250]  }
0x262: {  	v1 =	vmax.f32 v4, v1;
	v4 =	vmul.f32 $9.999999770e-03, v2;
	v3 =	vadd.f32 v7, v3;
	v7 =	vld [tilespmem:s13+$0x260]  }
0x263: {  	[tilespmem:s13+$0x10210] =	vst v1;
	v1 =	vld [tilespmem:s13+$0x8260]  }
0x264: {  	v2 =	vmax.f32 v2, v4;
	v4 =	vmul.f32 $9.999999770e-03, v3;
	v5 =	vadd.f32 v8, v5;
	v8 =	vld [tilespmem:s13+$0x270]  }
0x265: {  	[tilespmem:s13+$0x10220] =	vst v2;
	v2 =	vld [tilespmem:s13+$0x8270]  }
0x266: {  	v3 =	vmax.f32 v3, v4;
	v4 =	vmul.f32 $9.999999770e-03, v5;
	v0 =	vadd.f32 v0, v6;
	v6 =	vld [tilespmem:s13+$0x280]  }
0x267: {  	[tilespmem:s13+$0x10230] =	vst v3;
	v3 =	vld [tilespmem:s13+$0x8280]  }
0x268: {  	v4 =	vmax.f32 v5, v4;
	v5 =	vmul.f32 $9.999999770e-03, v0;
	v1 =	vadd.f32 v1, v7;
	v7 =	vld [tilespmem:s13+$0x290]  }
0x269: {  	[tilespmem:s13+$0x10240] =	vst v4;
	v4 =	vld [tilespmem:s13+$0x8290]  }
0x26a: {  	v0 =	vmax.f32 v0, v5;
	v5 =	vmul.f32 $9.999999770e-03, v1;
	v2 =	vadd.f32 v2, v8;
	v8 =	vld [tilespmem:s13+$0x2A0]  }
0x26b: {  	[tilespmem:s13+$0x10250] =	vst v0;
	v0 =	vld [tilespmem:s13+$0x82A0]  }
0x26c: {  	v1 =	vmax.f32 v1, v5;
	v5 =	vmul.f32 $9.999999770e-03, v2;
	v3 =	vadd.f32 v3, v6;
	v6 =	vld [tilespmem:s13+$0x2B0]  }
0x26d: {  	[tilespmem:s13+$0x10260] =	vst v1;
	v1 =	vld [tilespmem:s13+$0x82B0]  }
0x26e: {  	v2 =	vmax.f32 v2, v5;
	v5 =	vmul.f32 $9.999999770e-03, v3;
	v4 =	vadd.f32 v4, v7;
	v7 =	vld [tilespmem:s13+$0x2C0]  }
0x26f: {  	[tilespmem:s13+$0x10270] =	vst v2;
	v2 =	vld [tilespmem:s13+$0x82C0]  }
0x270: {  	v3 =	vmax.f32 v3, v5;
	v5 =	vmul.f32 $9.999999770e-03, v4;
	v0 =	vadd.f32 v0, v8;
	v8 =	vld [tilespmem:s13+$0x2D0]  }
0x271: {  	[tilespmem:s13+$0x10280] =	vst v3;
	v3 =	vld [tilespmem:s13+$0x82D0]  }
0x272: {  	v4 =	vmax.f32 v4, v5;
	v5 =	vmul.f32 $9.999999770e-03, v0;
	v1 =	vadd.f32 v1, v6;
	v6 =	vld [tilespmem:s13+$0x2E0]  }
0x273: {  	[tilespmem:s13+$0x10290] =	vst v4;
	v4 =	vld [tilespmem:s13+$0x82E0]  }
0x274: {  	v0 =	vmax.f32 v0, v5;
	v5 =	vmul.f32 $9.999999770e-03, v1;
	v2 =	vadd.f32 v2, v7;
	v7 =	vld [tilespmem:s13+$0x2F0]  }
0x275: {  	[tilespmem:s13+$0x102A0] =	vst v0;
	v0 =	vld [tilespmem:s13+$0x82F0]  }
0x276: {  	v1 =	vmax.f32 v1, v5;
	v5 =	vmul.f32 $9.999999770e-03, v2;
	v3 =	vadd.f32 v3, v8;
	v8 =	vld [tilespmem:s13+$0x300]  }
0x277: {  	[tilespmem:s13+$0x102B0] =	vst v1;
	v1 =	vld [tilespmem:s13+$0x8300]  }
0x278: {  	v2 =	vmax.f32 v2, v5;
	v5 =	vmul.f32 $9.999999770e-03, v3;
	v4 =	vadd.f32 v4, v6;
	v6 =	vld [tilespmem:s13+$0x310]  }
0x279: {  	[tilespmem:s13+$0x102C0] =	vst v2;
	v2 =	vld [tilespmem:s13+$0x8310]  }
0x27a: {  	v3 =	vmax.f32 v3, v5;
	v5 =	vmul.f32 $9.999999770e-03, v4;
	v0 =	vadd.f32 v0, v7;
	v7 =	vld [tilespmem:s13+$0x320]  }
0x27b: {  	[tilespmem:s13+$0x102D0] =	vst v3;
	v3 =	vld [tilespmem:s13+$0x8320]  }
0x27c: {  	v4 =	vmax.f32 v4, v5;
	v5 =	vmul.f32 $9.999999770e-03, v0;
	v1 =	vadd.f32 v1, v8;
	v8 =	vld [tilespmem:s13+$0x330]  }
0x27d: {  	[tilespmem:s13+$0x102E0] =	vst v4;
	v4 =	vld [tilespmem:s13+$0x8330]  }
0x27e: {  	v0 =	vmax.f32 v0, v5;
	v5 =	vmul.f32 $9.999999770e-03, v1;
	v2 =	vadd.f32 v2, v6;
	v6 =	vld [tilespmem:s13+$0x340]  }
0x27f: {  	[tilespmem:s13+$0x102F0] =	vst v0;
	v0 =	vld [tilespmem:s13+$0x8340]  }
0x280: {  	v1 =	vmax.f32 v1, v5;
	v5 =	vmul.f32 $9.999999770e-03, v2;
	v3 =	vadd.f32 v3, v7;
	v7 =	vld [tilespmem:s13+$0x350]  }
0x281: {  	[tilespmem:s13+$0x10300] =	vst v1;
	v1 =	vld [tilespmem:s13+$0x8350]  }
0x282: {  	v2 =	vmax.f32 v2, v5;
	v5 =	vmul.f32 $9.999999770e-03, v3;
	v4 =	vadd.f32 v4, v8;
	v8 =	vld [tilespmem:s13+$0x360]  }
0x283: {  	[tilespmem:s13+$0x10310] =	vst v2;
	v2 =	vld [tilespmem:s13+$0x8360]  }
0x284: {  	v3 =	vmax.f32 v3, v5;
	v5 =	vmul.f32 $9.999999770e-03, v4;
	v0 =	vadd.f32 v0, v6;
	v6 =	vld [tilespmem:s13+$0x370]  }
0x285: {  	[tilespmem:s13+$0x10320] =	vst v3;
	v3 =	vld [tilespmem:s13+$0x8370]  }
0x286: {  	v4 =	vmax.f32 v4, v5;
	v5 =	vmul.f32 $9.999999770e-03, v0;
	v1 =	vadd.f32 v1, v7;
	v7 =	vld [tilespmem:s13+$0x380]  }
0x287: {  	[tilespmem:s13+$0x10330] =	vst v4;
	v4 =	vld [tilespmem:s13+$0x8380]  }
0x288: {  	v0 =	vmax.f32 v0, v5;
	v5 =	vmul.f32 $9.999999770e-03, v1;
	v2 =	vadd.f32 v2, v8;
	v8 =	vld [tilespmem:s13+$0x390]  }
0x289: {  	[tilespmem:s13+$0x10340] =	vst v0;
	v0 =	vld [tilespmem:s13+$0x8390]  }
0x28a: {  	v1 =	vmax.f32 v1, v5;
	v5 =	vmul.f32 $9.999999770e-03, v2;
	v3 =	vadd.f32 v3, v6;
	v6 =	vld [tilespmem:s13+$0x3A0]  }
0x28b: {  	[tilespmem:s13+$0x10350] =	vst v1;
	v1 =	vld [tilespmem:s13+$0x83A0]  }
0x28c: {  	v2 =	vmax.f32 v2, v5;
	v5 =	vmul.f32 $9.999999770e-03, v3;
	v4 =	vadd.f32 v4, v7;
	v7 =	vld [tilespmem:s13+$0x3B0]  }
0x28d: {  	[tilespmem:s13+$0x10360] =	vst v2;
	v2 =	vld [tilespmem:s13+$0x83B0]  }
0x28e: {  	v3 =	vmax.f32 v3, v5;
	v5 =	vmul.f32 $9.999999770e-03, v4;
	v8 =	vadd.f32 v0, v8;
	v9 =	vld [tilespmem:s13+$0x3C0]  }
0x28f: {  	[tilespmem:s13+$0x10370] =	vst v3;
	v10 =	vld [tilespmem:s13+$0x83C0]  }
.Ltmp3:
0x290: {  	v3 =	vmax.f32 v4, v5;
	v4 =	vmul.f32 $9.999999770e-03, v8;
	v6 =	vadd.f32 v1, v6;
	v0 =	vld [tilespmem:s13+$0x3D0];
	(pc) =	sbr.rel @p1 .LBB2_8-.Ltmp3, $4  }
0x291: {  	[tilespmem:s13+$0x10380] =	vst v3;
	v3 =	vld [tilespmem:s13+$0x83D0]  }
0x292: {  	v4 =	vmax.f32 v8, v4;
	v8 =	vmul.f32 $9.999999770e-03, v6;
	v5 =	vadd.f32 v2, v7;
	v1 =	vld [tilespmem:s13+$0x3E0]  }
0x293: {  	s17 =	sshra.s32 s16, $0x2;
	[tilespmem:s13+$0x10390] =	vst v4;
	v4 =	vld [tilespmem:s13+$0x83E0]  }
0x294: {  	s16 =	sadd.s32 $0x800, s16;
	v2 =	vld [tilespmem:s17+$0x3F0];
	v8 =	vmax.f32 v6, v8;
	v7 =	vmul.f32 $9.999999770e-03, v5;
	v6 =	vadd.f32 v10, v9  }
0x295: {  	v9 =	vld [tilespmem:s17+$0x83F0];
	[tilespmem:s13+$0x103A0] =	vst v8  }
0x296: {  	v8 =	vld [tilespmem:s17+$0x200];
	v5 =	vmax.f32 v5, v7;
	v10 =	vmul.f32 $9.999999770e-03, v6;
	v0 =	vadd.f32 v3, v0  }
0x297: {  	v7 =	vld [tilespmem:s17+$0x8200];
	[tilespmem:s13+$0x103B0] =	vst v5  }
0x298: {  	v3 =	vld [tilespmem:s17+$0x210];
	v5 =	vmax.f32 v6, v10;
	v10 =	vmul.f32 $9.999999770e-03, v0  }
0x299: {  	v6 =	vld [tilespmem:s17+$0x8210];
	[tilespmem:s13+$0x103C0] =	vst v5  }
0x29a: {  	v1 =	vadd.f32 v4, v1;
	v4 =	vld [tilespmem:s17+$0x220];
	v0 =	vmax.f32 v0, v10  }
0x29b: {  	v5 =	vld [tilespmem:s17+$0x8220];
	[tilespmem:s13+$0x103D0] =	vst v0;
	v0 =	vadd.f32 v9, v2  }
0x29c: {  	v10 =	vmul.f32 $9.999999770e-03, v1;
	v7 =	vadd.f32 v7, v8  }
0x29d: {  	v8 =	vmul.f32 $9.999999770e-03, v0  }
0x29e: {  	v2 =	vld [tilespmem:s17+$0x230];
	v1 =	vmax.f32 v1, v10;
	v10 =	vmul.f32 $9.999999770e-03, v7  }
0x29f: {  	v9 =	vld [tilespmem:s17+$0x8230];
	[tilespmem:s13+$0x103E0] =	vst v1;
	v3 =	vadd.f32 v6, v3;
	v0 =	vmax.f32 v0, v8  }
0x2a0: {  	v1 =	vld [tilespmem:s17+$0x240];
	[tilespmem:s17+$0x103F0] =	vst v0;
	v0 =	vmax.f32 v7, v10  }
0x2a1: {  	v8 =	vld [tilespmem:s17+$0x8240];
	v7 =	vmul.f32 $9.999999770e-03, v3;
	[tilespmem:s17+$0x10200] =	vst v0;
	v0 =	vadd.f32 v5, v4;
	_ =	sdelay $0x1  }
0x2a2: {  	v6 =	vld [tilespmem:s17+$0x250];
	v3 =	vmax.f32 v3, v7;
	v7 =	vmul.f32 $9.999999770e-03, v0  }
0x2a3: {  	v4 =	vld [tilespmem:s17+$0x8250];
	v2 =	vadd.f32 v9, v2  }
0x2a4: {  	v5 =	vld [tilespmem:s17+$0x260];
	[tilespmem:s17+$0x10210] =	vst v3;
	v0 =	vmax.f32 v0, v7  }
0x2a5: {  	v3 =	vld [tilespmem:s17+$0x8260];
	v9 =	vmul.f32 $9.999999770e-03, v2;
	[tilespmem:s17+$0x10220] =	vst v0;
	v0 =	vadd.f32 v8, v1  }
0x2a6: {  	v7 =	vld [tilespmem:s17+$0x270]  }
0x2a7: {  	v2 =	vmax.f32 v2, v9;
	v1 =	vld [tilespmem:s17+$0x8270];
	v9 =	vmul.f32 $9.999999770e-03, v0  }
0x2a8: {  	[tilespmem:s17+$0x10230] =	vst v2;
	v2 =	vadd.f32 v4, v6  }
0x2a9: {  	v8 =	vld [tilespmem:s17+$0x280];
	v0 =	vmax.f32 v0, v9  }
0x2aa: {  	v4 =	vld [tilespmem:s17+$0x8280];
	v9 =	vmul.f32 $9.999999770e-03, v2;
	[tilespmem:s17+$0x10240] =	vst v0;
	v0 =	vadd.f32 v3, v5  }
0x2ab: {  	v6 =	vld [tilespmem:s17+$0x290]  }
0x2ac: {  	v3 =	vld [tilespmem:s17+$0x8290];
	v1 =	vadd.f32 v1, v7;
	v2 =	vmax.f32 v2, v9;
	v9 =	vmul.f32 $9.999999770e-03, v0;
	_ =	sdelay $0x1  }
0x2ad: {  	v5 =	vld [tilespmem:s17+$0x2A0];
	[tilespmem:s17+$0x10250] =	vst v2;
	v0 =	vmax.f32 v0, v9;
	v9 =	vmul.f32 $9.999999770e-03, v1  }
0x2ae: {  	v2 =	vld [tilespmem:s17+$0x82A0];
	[tilespmem:s17+$0x10260] =	vst v0;
	v0 =	vadd.f32 v4, v8  }
0x2af: {  	v7 =	vld [tilespmem:s17+$0x2B0];
	v1 =	vmax.f32 v1, v9  }
0x2b0: {  	v4 =	vld [tilespmem:s17+$0x82B0];
	v9 =	vmul.f32 $9.999999770e-03, v0;
	[tilespmem:s17+$0x10270] =	vst v1;
	v1 =	vadd.f32 v3, v6;
	_ =	sdelay $0x1  }
0x2b1: {  	v8 =	vld [tilespmem:s17+$0x2C0];
	v0 =	vmax.f32 v0, v9;
	v9 =	vmul.f32 $9.999999770e-03, v1  }
0x2b2: {  	v3 =	vld [tilespmem:s17+$0x82C0];
	[tilespmem:s17+$0x10280] =	vst v0;
	v0 =	vadd.f32 v2, v5  }
0x2b3: {  	v6 =	vld [tilespmem:s17+$0x2D0];
	v1 =	vmax.f32 v1, v9  }
0x2b4: {  	v2 =	vld [tilespmem:s17+$0x82D0];
	v9 =	vmul.f32 $9.999999770e-03, v0;
	[tilespmem:s17+$0x10290] =	vst v1;
	v1 =	vadd.f32 v4, v7;
	_ =	sdelay $0x1  }
0x2b5: {  	v5 =	vld [tilespmem:s17+$0x2E0];
	v0 =	vmax.f32 v0, v9;
	v9 =	vmul.f32 $9.999999770e-03, v1  }
0x2b6: {  	v4 =	vld [tilespmem:s17+$0x82E0];
	[tilespmem:s17+$0x102A0] =	vst v0;
	v0 =	vadd.f32 v3, v8  }
0x2b7: {  	v7 =	vld [tilespmem:s17+$0x2F0];
	v1 =	vmax.f32 v1, v9  }
0x2b8: {  	v3 =	vld [tilespmem:s17+$0x82F0];
	v9 =	vmul.f32 $9.999999770e-03, v0;
	[tilespmem:s17+$0x102B0] =	vst v1;
	v1 =	vadd.f32 v2, v6;
	_ =	sdelay $0x1  }
0x2b9: {  	v8 =	vld [tilespmem:s17+$0x300];
	v0 =	vmax.f32 v0, v9;
	v9 =	vmul.f32 $9.999999770e-03, v1  }
0x2ba: {  	v2 =	vld [tilespmem:s17+$0x8300];
	[tilespmem:s17+$0x102C0] =	vst v0;
	v0 =	vadd.f32 v4, v5  }
0x2bb: {  	v6 =	vld [tilespmem:s17+$0x310];
	v1 =	vmax.f32 v1, v9  }
0x2bc: {  	v4 =	vld [tilespmem:s17+$0x8310];
	v9 =	vmul.f32 $9.999999770e-03, v0;
	[tilespmem:s17+$0x102D0] =	vst v1;
	v1 =	vadd.f32 v3, v7;
	_ =	sdelay $0x1  }
0x2bd: {  	v5 =	vld [tilespmem:s17+$0x320];
	v0 =	vmax.f32 v0, v9;
	v9 =	vmul.f32 $9.999999770e-03, v1  }
0x2be: {  	v3 =	vld [tilespmem:s17+$0x8320];
	[tilespmem:s17+$0x102E0] =	vst v0;
	v0 =	vadd.f32 v2, v8  }
0x2bf: {  	v7 =	vld [tilespmem:s17+$0x330];
	v1 =	vmax.f32 v1, v9  }
0x2c0: {  	v2 =	vld [tilespmem:s17+$0x8330];
	v9 =	vmul.f32 $9.999999770e-03, v0;
	[tilespmem:s17+$0x102F0] =	vst v1;
	v1 =	vadd.f32 v4, v6;
	_ =	sdelay $0x1  }
0x2c1: {  	v8 =	vld [tilespmem:s17+$0x340];
	v0 =	vmax.f32 v0, v9;
	v9 =	vmul.f32 $9.999999770e-03, v1  }
0x2c2: {  	v4 =	vld [tilespmem:s17+$0x8340];
	[tilespmem:s17+$0x10300] =	vst v0;
	v0 =	vadd.f32 v3, v5  }
0x2c3: {  	v6 =	vld [tilespmem:s17+$0x350];
	v1 =	vmax.f32 v1, v9  }
0x2c4: {  	v3 =	vld [tilespmem:s17+$0x8350];
	v9 =	vmul.f32 $9.999999770e-03, v0;
	[tilespmem:s17+$0x10310] =	vst v1;
	v1 =	vadd.f32 v2, v7;
	_ =	sdelay $0x1  }
0x2c5: {  	v5 =	vld [tilespmem:s17+$0x360];
	v0 =	vmax.f32 v0, v9;
	v9 =	vmul.f32 $9.999999770e-03, v1  }
0x2c6: {  	v2 =	vld [tilespmem:s17+$0x8360];
	[tilespmem:s17+$0x10320] =	vst v0;
	v0 =	vadd.f32 v4, v8  }
0x2c7: {  	v7 =	vld [tilespmem:s17+$0x370];
	v1 =	vmax.f32 v1, v9  }
0x2c8: {  	v4 =	vld [tilespmem:s17+$0x8370];
	v9 =	vmul.f32 $9.999999770e-03, v0;
	[tilespmem:s17+$0x10330] =	vst v1;
	v1 =	vadd.f32 v3, v6;
	_ =	sdelay $0x1  }
0x2c9: {  	v8 =	vld [tilespmem:s17+$0x380];
	v0 =	vmax.f32 v0, v9;
	v9 =	vmul.f32 $9.999999770e-03, v1  }
0x2ca: {  	v3 =	vld [tilespmem:s17+$0x8380];
	[tilespmem:s17+$0x10340] =	vst v0;
	v0 =	vadd.f32 v2, v5  }
0x2cb: {  	v6 =	vld [tilespmem:s17+$0x390];
	v1 =	vmax.f32 v1, v9  }
0x2cc: {  	v2 =	vld [tilespmem:s17+$0x8390];
	v9 =	vmul.f32 $9.999999770e-03, v0;
	[tilespmem:s17+$0x10350] =	vst v1;
	v1 =	vadd.f32 v4, v7  }
0x2cd: {  	v5 =	vld [tilespmem:s17+$0x3A0]  }
0x2ce: {  	v4 =	vld [tilespmem:s17+$0x83A0];
	v0 =	vmax.f32 v0, v9;
	v9 =	vmul.f32 $9.999999770e-03, v1  }
0x2cf: {  	v7 =	vld [tilespmem:s17+$0x3B0];
	[tilespmem:s17+$0x10360] =	vst v0;
	v0 =	vadd.f32 v3, v8  }
0x2d0: {  	v3 =	vld [tilespmem:s17+$0x83B0];
	v1 =	vmax.f32 v1, v9  }
0x2d1: {  	v8 =	vld [tilespmem:s17+$0x3C0];
	v9 =	vmul.f32 $9.999999770e-03, v0;
	[tilespmem:s17+$0x10370] =	vst v1;
	v1 =	vadd.f32 v2, v6  }
0x2d2: {  	v2 =	vld [tilespmem:s17+$0x83C0]  }
0x2d3: {  	v6 =	vld [tilespmem:s17+$0x3D0];
	v0 =	vmax.f32 v0, v9;
	v9 =	vmul.f32 $9.999999770e-03, v1  }
0x2d4: {  	[tilespmem:s17+$0x10380] =	vst v0;
	v0 =	vld [tilespmem:s17+$0x83D0]  }
0x2d5: {  	v1 =	vmax.f32 v1, v9;
	v9 =	vld [tilespmem:s17+$0x3E0]  }
0x2d6: {  	[tilespmem:s17+$0x10390] =	vst v1;
	v1 =	vld [tilespmem:s17+$0x83E0]  }
0x2d7: {  	v4 =	vadd.f32 v4, v5  }
0x2d8: {  	v3 =	vadd.f32 v3, v7  }
0x2d9: {  	v5 =	vmul.f32 $9.999999770e-03, v4;
	v2 =	vadd.f32 v2, v8  }
0x2da: {  	v7 =	vmul.f32 $9.999999770e-03, v3;
	v0 =	vadd.f32 v0, v6  }
0x2db: {  	v4 =	vmax.f32 v4, v5;
	v5 =	vmul.f32 $9.999999770e-03, v2;
	v1 =	vadd.f32 v1, v9  }
0x2dc: {  	[tilespmem:s17+$0x103A0] =	vst v4;
	v3 =	vmax.f32 v3, v7;
	v4 =	vmul.f32 $9.999999770e-03, v0  }
0x2dd: {  	[tilespmem:s17+$0x103B0] =	vst v3;
	v2 =	vmax.f32 v2, v5;
	v3 =	vmul.f32 $9.999999770e-03, v1  }
0x2de: {  	[tilespmem:s17+$0x103C0] =	vst v2;
	v0 =	vmax.f32 v0, v4  }
0x2df: {  	[tilespmem:s17+$0x103D0] =	vst v0;
	v0 =	vmax.f32 v1, v3  }
0x2e0: {  	s20 =	simm.s32 $0x0;
	s16 =	rddreg [dreg:$0xb];
	[tilespmem:s17+$0x103E0] =	vst v0  }
0x2e1: {  	[hbm4b:s16+s20] =	stream.linear.scatter [tilespmem:s0], [sflag:$0x5], $0x4000, $0x38;
	[tilespmem:$0x1C280] =	vst v63  }
0x2e2: {  	_ =	swait.ge [sflag:s5], $0x4000  }
0x2e3: {  	[sflag:s5] =	ssyncset.done $0x0  }
0x2e4: {  	[sflag:s5] =	ssyncadd.s32 $0xFFFFC000  }
0x2e5: {  	_ =	swait.ge [sflag:s5], $0x4000  }
0x2e6: {  	[sflag:s5] =	ssyncset.done $0x0  }
0x2e7: {  	[sflag:s5] =	ssyncadd.s32 $0xFFFFC000  }
0x2e8: {  	_ =	swait.ge [sflag:s10], $0x4000  }
0x2e9: {  	[sflag:s10] =	ssyncset.done $0x0  }
0x2ea: {  	s13 =	simm.s32 $0x0;
	[sflag:s10] =	ssyncadd.s32 $0xFFFFC000  }
0x2eb: {  	v0 =	vld [tilespmem:s13+$0x43F0]  }
0x2ec: {  	v1 =	vld [tilespmem:s13+$0xC3F0]  }
0x2ed: {  	v2 =	vld [tilespmem:s13+$0x4200]  }
0x2ee: {  	v3 =	vld [tilespmem:s13+$0xC200];
	_ =	sdelay $0x1  }
0x2ef: {  	v4 =	vld [tilespmem:s13+$0x4210]  }
0x2f0: {  	v5 =	vld [tilespmem:s13+$0xC210]  }
0x2f1: {  	v6 =	vld [tilespmem:s13+$0x4220];
	v0 =	vadd.f32 v1, v0  }
0x2f2: {  	v1 =	vld [tilespmem:s13+$0xC220];
	v2 =	vadd.f32 v3, v2  }
0x2f3: {  	v3 =	vmul.f32 $9.999999770e-03, v0  }
0x2f4: {  	v7 =	vld [tilespmem:s13+$0x4230];
	v10 =	vmul.f32 $9.999999770e-03, v2  }
0x2f5: {  	v8 =	vld [tilespmem:s13+$0xC230];
	v0 =	vmax.f32 v0, v3  }
0x2f6: {  	v9 =	vld [tilespmem:s13+$0x4240];
	v4 =	vadd.f32 v5, v4;
	[tilespmem:s13+$0x143F0] =	vst v0;
	v0 =	vmax.f32 v2, v10  }
0x2f7: {  	v3 =	vld [tilespmem:s13+$0xC240];
	[tilespmem:s13+$0x14200] =	vst v0;
	v0 =	vadd.f32 v1, v6  }
0x2f8: {  	v5 =	vmul.f32 $9.999999770e-03, v4;
	v2 =	vld [tilespmem:s13+$0x4250]  }
0x2f9: {  	v1 =	vld [tilespmem:s13+$0xC250];
	v6 =	vmul.f32 $9.999999770e-03, v0  }
0x2fa: {  	v4 =	vmax.f32 v4, v5  }
0x2fb: {  	v5 =	vld [tilespmem:s13+$0x4260];
	[tilespmem:s13+$0x14210] =	vst v4;
	v0 =	vmax.f32 v0, v6  }
0x2fc: {  	v4 =	vadd.f32 v8, v7;
	v7 =	vld [tilespmem:s13+$0xC260];
	[tilespmem:s13+$0x14220] =	vst v0;
	v0 =	vadd.f32 v3, v9  }
0x2fd: {  	v6 =	vld [tilespmem:s13+$0x4270]  }
0x2fe: {  	v8 =	vmul.f32 $9.999999770e-03, v4;
	v3 =	vld [tilespmem:s13+$0xC270];
	v1 =	vadd.f32 v1, v2;
	v9 =	vmul.f32 $9.999999770e-03, v0;
	_ =	sdelay $0x1  }
0x2ff: {  	v4 =	vmax.f32 v4, v8;
	v8 =	vld [tilespmem:s13+$0x4280];
	v0 =	vmax.f32 v0, v9;
	v9 =	vmul.f32 $9.999999770e-03, v1  }
0x300: {  	v2 =	vld [tilespmem:s13+$0xC280];
	[tilespmem:s13+$0x14240] =	vst v0;
	v0 =	vadd.f32 v7, v5  }
0x301: {  	[tilespmem:s13+$0x14230] =	vst v4;
	v4 =	vld [tilespmem:s13+$0x4290];
	v1 =	vmax.f32 v1, v9  }
0x302: {  	v5 =	vld [tilespmem:s13+$0xC290];
	v9 =	vmul.f32 $9.999999770e-03, v0;
	[tilespmem:s13+$0x14250] =	vst v1;
	v1 =	vadd.f32 v3, v6;
	_ =	sdelay $0x1  }
0x303: {  	v7 =	vld [tilespmem:s13+$0x42A0];
	v0 =	vmax.f32 v0, v9;
	v9 =	vmul.f32 $9.999999770e-03, v1  }
0x304: {  	v3 =	vld [tilespmem:s13+$0xC2A0];
	[tilespmem:s13+$0x14260] =	vst v0;
	v0 =	vadd.f32 v2, v8  }
0x305: {  	v6 =	vld [tilespmem:s13+$0x42B0];
	v1 =	vmax.f32 v1, v9  }
0x306: {  	v2 =	vld [tilespmem:s13+$0xC2B0];
	v9 =	vmul.f32 $9.999999770e-03, v0;
	[tilespmem:s13+$0x14270] =	vst v1;
	v1 =	vadd.f32 v5, v4;
	_ =	sdelay $0x1  }
0x307: {  	v8 =	vld [tilespmem:s13+$0x42C0];
	v0 =	vmax.f32 v0, v9;
	v9 =	vmul.f32 $9.999999770e-03, v1  }
0x308: {  	v4 =	vld [tilespmem:s13+$0xC2C0];
	[tilespmem:s13+$0x14280] =	vst v0;
	v0 =	vadd.f32 v3, v7  }
0x309: {  	v5 =	vld [tilespmem:s13+$0x42D0];
	v1 =	vmax.f32 v1, v9  }
0x30a: {  	v3 =	vld [tilespmem:s13+$0xC2D0];
	v9 =	vmul.f32 $9.999999770e-03, v0;
	[tilespmem:s13+$0x14290] =	vst v1;
	v1 =	vadd.f32 v2, v6;
	_ =	sdelay $0x1  }
0x30b: {  	v7 =	vld [tilespmem:s13+$0x42E0];
	v0 =	vmax.f32 v0, v9;
	v9 =	vmul.f32 $9.999999770e-03, v1  }
0x30c: {  	v2 =	vld [tilespmem:s13+$0xC2E0];
	[tilespmem:s13+$0x142A0] =	vst v0;
	v0 =	vadd.f32 v4, v8  }
0x30d: {  	v6 =	vld [tilespmem:s13+$0x42F0];
	v1 =	vmax.f32 v1, v9  }
0x30e: {  	v4 =	vld [tilespmem:s13+$0xC2F0];
	v9 =	vmul.f32 $9.999999770e-03, v0;
	[tilespmem:s13+$0x142B0] =	vst v1;
	v1 =	vadd.f32 v3, v5;
	_ =	sdelay $0x1  }
0x30f: {  	v8 =	vld [tilespmem:s13+$0x4300];
	v0 =	vmax.f32 v0, v9;
	v9 =	vmul.f32 $9.999999770e-03, v1  }
0x310: {  	v3 =	vld [tilespmem:s13+$0xC300];
	[tilespmem:s13+$0x142C0] =	vst v0;
	v0 =	vadd.f32 v2, v7  }
0x311: {  	v5 =	vld [tilespmem:s13+$0x4310];
	v1 =	vmax.f32 v1, v9  }
0x312: {  	v2 =	vld [tilespmem:s13+$0xC310];
	v9 =	vmul.f32 $9.999999770e-03, v0;
	[tilespmem:s13+$0x142D0] =	vst v1;
	v1 =	vadd.f32 v4, v6;
	_ =	sdelay $0x1  }
0x313: {  	v7 =	vld [tilespmem:s13+$0x4320];
	v0 =	vmax.f32 v0, v9;
	v9 =	vmul.f32 $9.999999770e-03, v1  }
0x314: {  	v4 =	vld [tilespmem:s13+$0xC320];
	[tilespmem:s13+$0x142E0] =	vst v0;
	v0 =	vadd.f32 v3, v8  }
0x315: {  	v6 =	vld [tilespmem:s13+$0x4330];
	v1 =	vmax.f32 v1, v9  }
0x316: {  	v3 =	vld [tilespmem:s13+$0xC330];
	v9 =	vmul.f32 $9.999999770e-03, v0;
	[tilespmem:s13+$0x142F0] =	vst v1;
	v1 =	vadd.f32 v2, v5;
	_ =	sdelay $0x1  }
0x317: {  	v8 =	vld [tilespmem:s13+$0x4340];
	v0 =	vmax.f32 v0, v9;
	v9 =	vmul.f32 $9.999999770e-03, v1  }
0x318: {  	v2 =	vld [tilespmem:s13+$0xC340];
	[tilespmem:s13+$0x14300] =	vst v0;
	v0 =	vadd.f32 v4, v7  }
0x319: {  	v5 =	vld [tilespmem:s13+$0x4350];
	v1 =	vmax.f32 v1, v9  }
0x31a: {  	v4 =	vld [tilespmem:s13+$0xC350];
	v9 =	vmul.f32 $9.999999770e-03, v0;
	[tilespmem:s13+$0x14310] =	vst v1;
	v1 =	vadd.f32 v3, v6;
	_ =	sdelay $0x1  }
0x31b: {  	v7 =	vld [tilespmem:s13+$0x4360];
	v0 =	vmax.f32 v0, v9;
	v9 =	vmul.f32 $9.999999770e-03, v1  }
0x31c: {  	v3 =	vld [tilespmem:s13+$0xC360];
	[tilespmem:s13+$0x14320] =	vst v0;
	v0 =	vadd.f32 v2, v8  }
0x31d: {  	v6 =	vld [tilespmem:s13+$0x4370];
	v1 =	vmax.f32 v1, v9  }
0x31e: {  	v2 =	vld [tilespmem:s13+$0xC370];
	v9 =	vmul.f32 $9.999999770e-03, v0;
	[tilespmem:s13+$0x14330] =	vst v1;
	v1 =	vadd.f32 v4, v5;
	_ =	sdelay $0x1  }
0x31f: {  	v8 =	vld [tilespmem:s13+$0x4380];
	v0 =	vmax.f32 v0, v9;
	v9 =	vmul.f32 $9.999999770e-03, v1  }
0x320: {  	v4 =	vld [tilespmem:s13+$0xC380];
	[tilespmem:s13+$0x14340] =	vst v0;
	v0 =	vadd.f32 v3, v7  }
0x321: {  	v5 =	vld [tilespmem:s13+$0x4390];
	v1 =	vmax.f32 v1, v9  }
0x322: {  	v3 =	vld [tilespmem:s13+$0xC390];
	v9 =	vmul.f32 $9.999999770e-03, v0;
	[tilespmem:s13+$0x14350] =	vst v1;
	v1 =	vadd.f32 v2, v6  }
0x323: {  	v7 =	vld [tilespmem:s13+$0x43A0]  }
0x324: {  	v2 =	vld [tilespmem:s13+$0xC3A0];
	v0 =	vmax.f32 v0, v9;
	v9 =	vmul.f32 $9.999999770e-03, v1  }
0x325: {  	v6 =	vld [tilespmem:s13+$0x43B0];
	[tilespmem:s13+$0x14360] =	vst v0;
	v0 =	vadd.f32 v4, v8  }
0x326: {  	v4 =	vld [tilespmem:s13+$0xC3B0];
	v1 =	vmax.f32 v1, v9  }
0x327: {  	v10 =	vld [tilespmem:s13+$0xC3C0];
	v8 =	vmul.f32 $9.999999770e-03, v0;
	[tilespmem:s13+$0x14370] =	vst v1;
	v1 =	vadd.f32 v3, v5  }
0x328: {  	v9 =	vld [tilespmem:s13+$0x43C0]  }
0x329: {  	v7 =	vadd.f32 v2, v7;
	v3 =	vmax.f32 v0, v8;
	v0 =	vld [tilespmem:s13+$0x43D0];
	v5 =	vmul.f32 $9.999999770e-03, v1  }
0x32a: {  	[tilespmem:s13+$0x14380] =	vst v3;
	v3 =	vld [tilespmem:s13+$0xC3D0]  }
0x32b: {  	v8 =	vmul.f32 $9.999999770e-03, v7;
	v2 =	vmax.f32 v1, v5;
	v1 =	vld [tilespmem:s13+$0x43E0];
	v5 =	vadd.f32 v4, v6  }
0x32c: {  	s17 =	simm.s32 $0x200;
	v4 =	vld [tilespmem:s13+$0xC3E0];
	[tilespmem:s13+$0x14390] =	vst v2  }
0x32d: {  	s16 =	simm.s32 $0x1000;
	v8 =	vmax.f32 v7, v8;
	v6 =	vadd.f32 v10, v9;
	v2 =	vld [tilespmem:s17+$0x43F0];
	v7 =	vmul.f32 $9.999999770e-03, v5  }
.LBB2_10:
0x32e: {  	p1 =	sne.s32 s16, $0xF800;
	v9 =	vld [tilespmem:s17+$0xC3F0];
	[tilespmem:s13+$0x143A0] =	vst v8  }
0x32f: {  	v8 =	vld [tilespmem:s17+$0x4200];
	v5 =	vmax.f32 v5, v7;
	v7 =	vmul.f32 $9.999999770e-03, v6;
	v0 =	vadd.f32 v3, v0  }
0x330: {  	v3 =	vld [tilespmem:s17+$0xC200];
	[tilespmem:s13+$0x143B0] =	vst v5  }
0x331: {  	v5 =	vld [tilespmem:s17+$0x4210];
	v6 =	vmax.f32 v6, v7;
	v7 =	vmul.f32 $9.999999770e-03, v0;
	v1 =	vadd.f32 v4, v1  }
0x332: {  	v4 =	vld [tilespmem:s17+$0xC210];
	[tilespmem:s13+$0x143C0] =	vst v6  }
0x333: {  	v6 =	vld [tilespmem:s17+$0x4220];
	v2 =	vadd.f32 v9, v2;
	v0 =	vmax.f32 v0, v7;
	v7 =	vmul.f32 $9.999999770e-03, v1  }
0x334: {  	v9 =	vld [tilespmem:s17+$0xC220];
	[tilespmem:s13+$0x143D0] =	vst v0  }
0x335: {  	v0 =	vadd.f32 v3, v8;
	v3 =	vld [tilespmem:s17+$0x4230];
	v8 =	vmul.f32 $9.999999770e-03, v2;
	v1 =	vmax.f32 v1, v7  }
0x336: {  	v7 =	vld [tilespmem:s17+$0xC230];
	[tilespmem:s13+$0x143E0] =	vst v1;
	s13 =	smov.u32 s17  }
0x337: {  	v1 =	vmul.f32 $9.999999770e-03, v0;
	v4 =	vadd.f32 v4, v5;
	v5 =	vld [tilespmem:s13+$0x4240];
	v2 =	vmax.f32 v2, v8  }
0x338: {  	v8 =	vld [tilespmem:s13+$0xC240];
	[tilespmem:s13+$0x143F0] =	vst v2  }
0x339: {  	v0 =	vmax.f32 v0, v1;
	v1 =	vmul.f32 $9.999999770e-03, v4;
	v2 =	vadd.f32 v9, v6;
	v6 =	vld [tilespmem:s13+$0x4250]  }
0x33a: {  	[tilespmem:s13+$0x14200] =	vst v0;
	v0 =	vld [tilespmem:s13+$0xC250]  }
0x33b: {  	v1 =	vmax.f32 v4, v1;
	v4 =	vmul.f32 $9.999999770e-03, v2;
	v3 =	vadd.f32 v7, v3;
	v7 =	vld [tilespmem:s13+$0x4260]  }
0x33c: {  	[tilespmem:s13+$0x14210] =	vst v1;
	v1 =	vld [tilespmem:s13+$0xC260]  }
0x33d: {  	v2 =	vmax.f32 v2, v4;
	v4 =	vmul.f32 $9.999999770e-03, v3;
	v5 =	vadd.f32 v8, v5;
	v8 =	vld [tilespmem:s13+$0x4270]  }
0x33e: {  	[tilespmem:s13+$0x14220] =	vst v2;
	v2 =	vld [tilespmem:s13+$0xC270]  }
0x33f: {  	v3 =	vmax.f32 v3, v4;
	v4 =	vmul.f32 $9.999999770e-03, v5;
	v0 =	vadd.f32 v0, v6;
	v6 =	vld [tilespmem:s13+$0x4280]  }
0x340: {  	[tilespmem:s13+$0x14230] =	vst v3;
	v3 =	vld [tilespmem:s13+$0xC280]  }
0x341: {  	v4 =	vmax.f32 v5, v4;
	v5 =	vmul.f32 $9.999999770e-03, v0;
	v1 =	vadd.f32 v1, v7;
	v7 =	vld [tilespmem:s13+$0x4290]  }
0x342: {  	[tilespmem:s13+$0x14240] =	vst v4;
	v4 =	vld [tilespmem:s13+$0xC290]  }
0x343: {  	v0 =	vmax.f32 v0, v5;
	v5 =	vmul.f32 $9.999999770e-03, v1;
	v2 =	vadd.f32 v2, v8;
	v8 =	vld [tilespmem:s13+$0x42A0]  }
0x344: {  	[tilespmem:s13+$0x14250] =	vst v0;
	v0 =	vld [tilespmem:s13+$0xC2A0]  }
0x345: {  	v1 =	vmax.f32 v1, v5;
	v5 =	vmul.f32 $9.999999770e-03, v2;
	v3 =	vadd.f32 v3, v6;
	v6 =	vld [tilespmem:s13+$0x42B0]  }
0x346: {  	[tilespmem:s13+$0x14260] =	vst v1;
	v1 =	vld [tilespmem:s13+$0xC2B0]  }
0x347: {  	v2 =	vmax.f32 v2, v5;
	v5 =	vmul.f32 $9.999999770e-03, v3;
	v4 =	vadd.f32 v4, v7;
	v7 =	vld [tilespmem:s13+$0x42C0]  }
0x348: {  	[tilespmem:s13+$0x14270] =	vst v2;
	v2 =	vld [tilespmem:s13+$0xC2C0]  }
0x349: {  	v3 =	vmax.f32 v3, v5;
	v5 =	vmul.f32 $9.999999770e-03, v4;
	v0 =	vadd.f32 v0, v8;
	v8 =	vld [tilespmem:s13+$0x42D0]  }
0x34a: {  	[tilespmem:s13+$0x14280] =	vst v3;
	v3 =	vld [tilespmem:s13+$0xC2D0]  }
0x34b: {  	v4 =	vmax.f32 v4, v5;
	v5 =	vmul.f32 $9.999999770e-03, v0;
	v1 =	vadd.f32 v1, v6;
	v6 =	vld [tilespmem:s13+$0x42E0]  }
0x34c: {  	[tilespmem:s13+$0x14290] =	vst v4;
	v4 =	vld [tilespmem:s13+$0xC2E0]  }
0x34d: {  	v0 =	vmax.f32 v0, v5;
	v5 =	vmul.f32 $9.999999770e-03, v1;
	v2 =	vadd.f32 v2, v7;
	v7 =	vld [tilespmem:s13+$0x42F0]  }
0x34e: {  	[tilespmem:s13+$0x142A0] =	vst v0;
	v0 =	vld [tilespmem:s13+$0xC2F0]  }
0x34f: {  	v1 =	vmax.f32 v1, v5;
	v5 =	vmul.f32 $9.999999770e-03, v2;
	v3 =	vadd.f32 v3, v8;
	v8 =	vld [tilespmem:s13+$0x4300]  }
0x350: {  	[tilespmem:s13+$0x142B0] =	vst v1;
	v1 =	vld [tilespmem:s13+$0xC300]  }
0x351: {  	v2 =	vmax.f32 v2, v5;
	v5 =	vmul.f32 $9.999999770e-03, v3;
	v4 =	vadd.f32 v4, v6;
	v6 =	vld [tilespmem:s13+$0x4310]  }
0x352: {  	[tilespmem:s13+$0x142C0] =	vst v2;
	v2 =	vld [tilespmem:s13+$0xC310]  }
0x353: {  	v3 =	vmax.f32 v3, v5;
	v5 =	vmul.f32 $9.999999770e-03, v4;
	v0 =	vadd.f32 v0, v7;
	v7 =	vld [tilespmem:s13+$0x4320]  }
0x354: {  	[tilespmem:s13+$0x142D0] =	vst v3;
	v3 =	vld [tilespmem:s13+$0xC320]  }
0x355: {  	v4 =	vmax.f32 v4, v5;
	v5 =	vmul.f32 $9.999999770e-03, v0;
	v1 =	vadd.f32 v1, v8;
	v8 =	vld [tilespmem:s13+$0x4330]  }
0x356: {  	[tilespmem:s13+$0x142E0] =	vst v4;
	v4 =	vld [tilespmem:s13+$0xC330]  }
0x357: {  	v0 =	vmax.f32 v0, v5;
	v5 =	vmul.f32 $9.999999770e-03, v1;
	v2 =	vadd.f32 v2, v6;
	v6 =	vld [tilespmem:s13+$0x4340]  }
0x358: {  	[tilespmem:s13+$0x142F0] =	vst v0;
	v0 =	vld [tilespmem:s13+$0xC340]  }
0x359: {  	v1 =	vmax.f32 v1, v5;
	v5 =	vmul.f32 $9.999999770e-03, v2;
	v3 =	vadd.f32 v3, v7;
	v7 =	vld [tilespmem:s13+$0x4350]  }
0x35a: {  	[tilespmem:s13+$0x14300] =	vst v1;
	v1 =	vld [tilespmem:s13+$0xC350]  }
0x35b: {  	v2 =	vmax.f32 v2, v5;
	v5 =	vmul.f32 $9.999999770e-03, v3;
	v4 =	vadd.f32 v4, v8;
	v8 =	vld [tilespmem:s13+$0x4360]  }
0x35c: {  	[tilespmem:s13+$0x14310] =	vst v2;
	v2 =	vld [tilespmem:s13+$0xC360]  }
0x35d: {  	v3 =	vmax.f32 v3, v5;
	v5 =	vmul.f32 $9.999999770e-03, v4;
	v0 =	vadd.f32 v0, v6;
	v6 =	vld [tilespmem:s13+$0x4370]  }
0x35e: {  	[tilespmem:s13+$0x14320] =	vst v3;
	v3 =	vld [tilespmem:s13+$0xC370]  }
0x35f: {  	v4 =	vmax.f32 v4, v5;
	v5 =	vmul.f32 $9.999999770e-03, v0;
	v1 =	vadd.f32 v1, v7;
	v7 =	vld [tilespmem:s13+$0x4380]  }
0x360: {  	[tilespmem:s13+$0x14330] =	vst v4;
	v4 =	vld [tilespmem:s13+$0xC380]  }
0x361: {  	v0 =	vmax.f32 v0, v5;
	v5 =	vmul.f32 $9.999999770e-03, v1;
	v2 =	vadd.f32 v2, v8;
	v8 =	vld [tilespmem:s13+$0x4390]  }
0x362: {  	[tilespmem:s13+$0x14340] =	vst v0;
	v0 =	vld [tilespmem:s13+$0xC390]  }
0x363: {  	v1 =	vmax.f32 v1, v5;
	v5 =	vmul.f32 $9.999999770e-03, v2;
	v3 =	vadd.f32 v3, v6;
	v6 =	vld [tilespmem:s13+$0x43A0]  }
0x364: {  	[tilespmem:s13+$0x14350] =	vst v1;
	v1 =	vld [tilespmem:s13+$0xC3A0]  }
0x365: {  	v2 =	vmax.f32 v2, v5;
	v5 =	vmul.f32 $9.999999770e-03, v3;
	v4 =	vadd.f32 v4, v7;
	v7 =	vld [tilespmem:s13+$0x43B0]  }
0x366: {  	[tilespmem:s13+$0x14360] =	vst v2;
	v2 =	vld [tilespmem:s13+$0xC3B0]  }
0x367: {  	v3 =	vmax.f32 v3, v5;
	v5 =	vmul.f32 $9.999999770e-03, v4;
	v8 =	vadd.f32 v0, v8;
	v9 =	vld [tilespmem:s13+$0x43C0]  }
0x368: {  	[tilespmem:s13+$0x14370] =	vst v3;
	v10 =	vld [tilespmem:s13+$0xC3C0]  }
.Ltmp4:
0x369: {  	v3 =	vmax.f32 v4, v5;
	v4 =	vmul.f32 $9.999999770e-03, v8;
	v6 =	vadd.f32 v1, v6;
	v0 =	vld [tilespmem:s13+$0x43D0];
	(pc) =	sbr.rel @p1 .LBB2_10-.Ltmp4, $4  }
0x36a: {  	[tilespmem:s13+$0x14380] =	vst v3;
	v3 =	vld [tilespmem:s13+$0xC3D0]  }
0x36b: {  	v4 =	vmax.f32 v8, v4;
	v8 =	vmul.f32 $9.999999770e-03, v6;
	v5 =	vadd.f32 v2, v7;
	v1 =	vld [tilespmem:s13+$0x43E0]  }
0x36c: {  	s17 =	sshra.s32 s16, $0x2;
	[tilespmem:s13+$0x14390] =	vst v4;
	v4 =	vld [tilespmem:s13+$0xC3E0]  }
0x36d: {  	s16 =	sadd.s32 $0x800, s16;
	v2 =	vld [tilespmem:s17+$0x43F0];
	v8 =	vmax.f32 v6, v8;
	v7 =	vmul.f32 $9.999999770e-03, v5;
	v6 =	vadd.f32 v10, v9  }
0x36e: {  	v9 =	vld [tilespmem:s17+$0xC3F0];
	[tilespmem:s13+$0x143A0] =	vst v8  }
0x36f: {  	v8 =	vld [tilespmem:s17+$0x4200];
	v5 =	vmax.f32 v5, v7;
	v10 =	vmul.f32 $9.999999770e-03, v6;
	v0 =	vadd.f32 v3, v0  }
0x370: {  	v52 =	vld [tilespmem:s17+$0xC200];
	[tilespmem:s13+$0x143B0] =	vst v5  }
0x371: {  	v53 =	vld [tilespmem:s17+$0x4210];
	v54 =	vmax.f32 v6, v10;
	v56 =	vmul.f32 $9.999999770e-03, v0;
	v1 =	vadd.f32 v4, v1  }
0x372: {  	v55 =	vld [tilespmem:s17+$0xC210];
	[tilespmem:s13+$0x143C0] =	vst v54  }
0x373: {  	v57 =	vld [tilespmem:s17+$0x4220];
	v0 =	vmax.f32 v0, v56;
	v58 =	vmul.f32 $9.999999770e-03, v1  }
0x374: {  	v5 =	vld [tilespmem:s17+$0xC220];
	[tilespmem:s13+$0x143D0] =	vst v0  }
0x375: {  	v60 =	vld [tilespmem:s17+$0x4230];
	v1 =	vmax.f32 v1, v58  }
0x376: {  	v61 =	vld [tilespmem:s17+$0xC230];
	[tilespmem:s13+$0x143E0] =	vst v1  }
0x377: {  	v1 =	vld [tilespmem:s17+$0x4240]  }
0x378: {  	v12 =	vld [tilespmem:s17+$0xC240]  }
0x379: {  	v14 =	vld [tilespmem:s17+$0x4250]  }
0x37a: {  	v17 =	vld [tilespmem:s17+$0xC250]  }
0x37b: {  	v18 =	vld [tilespmem:s17+$0x4260]  }
0x37c: {  	v20 =	vld [tilespmem:s17+$0xC260]  }
0x37d: {  	v21 =	vld [tilespmem:s17+$0x4270]  }
0x37e: {  	v23 =	vld [tilespmem:s17+$0xC270]  }
0x37f: {  	v24 =	vld [tilespmem:s17+$0x4280]  }
0x380: {  	v27 =	vld [tilespmem:s17+$0xC280]  }
0x381: {  	v28 =	vld [tilespmem:s17+$0x4290]  }
0x382: {  	v31 =	vld [tilespmem:s17+$0xC290]  }
0x383: {  	v32 =	vld [tilespmem:s17+$0x42A0]  }
0x384: {  	v34 =	vld [tilespmem:s17+$0xC2A0]  }
0x385: {  	v35 =	vld [tilespmem:s17+$0x42B0]  }
0x386: {  	v38 =	vld [tilespmem:s17+$0xC2B0]  }
0x387: {  	v39 =	vld [tilespmem:s17+$0x42C0]  }
0x388: {  	v42 =	vld [tilespmem:s17+$0xC2C0]  }
0x389: {  	v43 =	vld [tilespmem:s17+$0x42D0]  }
0x38a: {  	v46 =	vld [tilespmem:s17+$0xC2D0]  }
0x38b: {  	v47 =	vld [tilespmem:s17+$0x42E0]  }
0x38c: {  	v50 =	vld [tilespmem:s17+$0xC2E0]  }
0x38d: {  	v59 =	vadd.f32 v9, v2;
	v51 =	vld [tilespmem:s17+$0x42F0]  }
0x38e: {  	v54 =	vld [tilespmem:s17+$0xC2F0]  }
0x38f: {  	v7 =	vadd.f32 v52, v8;
	v62 =	vmul.f32 $9.999999770e-03, v59;
	v3 =	vadd.f32 v55, v53;
	v55 =	vld [tilespmem:s17+$0x4300]  }
0x390: {  	v58 =	vld [tilespmem:s17+$0xC300]  }
0x391: {  	v63 =	vmul.f32 $9.999999770e-03, v7;
	v0 =	vmax.f32 v59, v62;
	v59 =	vld [tilespmem:s17+$0x4310]  }
0x392: {  	v62 =	vld [tilespmem:s17+$0xC310];
	v15 =	vmul.f32 $9.999999770e-03, v3  }
0x393: {  	v13 =	vmax.f32 v7, v63;
	v16 =	vadd.f32 v5, v57;
	v63 =	vld [tilespmem:s17+$0x4320]  }
0x394: {  	v3 =	vmax.f32 v3, v15;
	v15 =	vld [tilespmem:s17+$0x4330]  }
0x395: {  	v19 =	vmul.f32 $9.999999770e-03, v16;
	v26 =	vadd.f32 v17, v14;
	v14 =	vld [tilespmem:s17+$0xC320]  }
0x396: {  	v2 =	vadd.f32 v61, v60;
	v30 =	vadd.f32 v20, v18;
	v18 =	vld [tilespmem:s17+$0xC330]  }
0x397: {  	[tilespmem:s17+$0x143F0] =	vst v0;
	v0 =	vmax.f32 v16, v19;
	v22 =	vadd.f32 v12, v1;
	v19 =	vld [tilespmem:s17+$0x4340]  }
0x398: {  	[tilespmem:s17+$0x14200] =	vst v13;
	v9 =	vmul.f32 $9.999999770e-03, v2;
	v1 =	vadd.f32 v23, v21;
	v23 =	vld [tilespmem:s17+$0x4350]  }
0x399: {  	[tilespmem:s17+$0x14210] =	vst v3;
	v37 =	vadd.f32 v27, v24;
	v27 =	vld [tilespmem:s17+$0x4360];
	v25 =	vmul.f32 $9.999999770e-03, v22  }
0x39a: {  	v41 =	vadd.f32 v31, v28;
	v31 =	vld [tilespmem:s17+$0x4370];
	[tilespmem:s17+$0x14220] =	vst v0;
	v2 =	vmax.f32 v2, v9;
	v29 =	vmul.f32 $9.999999770e-03, v26  }
0x39b: {  	v45 =	vadd.f32 v34, v32;
	v34 =	vld [tilespmem:s17+$0xC370];
	v36 =	vmul.f32 $9.999999770e-03, v1;
	[tilespmem:s17+$0x14230] =	vst v2;
	v0 =	vmax.f32 v22, v25  }
0x39c: {  	v49 =	vadd.f32 v38, v35;
	v35 =	vld [tilespmem:s17+$0x4380];
	v33 =	vmul.f32 $9.999999770e-03, v30;
	v2 =	vmax.f32 v26, v29;
	[tilespmem:s17+$0x14240] =	vst v0  }
0x39d: {  	v38 =	vld [tilespmem:s17+$0xC380];
	v44 =	vmul.f32 $9.999999770e-03, v41;
	v1 =	vmax.f32 v1, v36;
	[tilespmem:s17+$0x14250] =	vst v2  }
0x39e: {  	v53 =	vadd.f32 v42, v39;
	v39 =	vld [tilespmem:s17+$0x4390];
	v40 =	vmul.f32 $9.999999770e-03, v37;
	v0 =	vmax.f32 v30, v33;
	[tilespmem:s17+$0x14270] =	vst v1  }
0x39f: {  	v57 =	vadd.f32 v46, v43;
	v42 =	vld [tilespmem:s17+$0xC390];
	v52 =	vmul.f32 $9.999999770e-03, v49;
	v1 =	vmax.f32 v41, v44;
	[tilespmem:s17+$0x14260] =	vst v0  }
0x3a0: {  	v43 =	vld [tilespmem:s17+$0x43A0];
	v48 =	vmul.f32 $9.999999770e-03, v45;
	v0 =	vmax.f32 v37, v40;
	[tilespmem:s17+$0x14290] =	vst v1  }
0x3a1: {  	v13 =	vadd.f32 v54, v51;
	v46 =	vld [tilespmem:s17+$0xC3A0];
	v60 =	vmul.f32 $9.999999770e-03, v57;
	v1 =	vmax.f32 v49, v52;
	[tilespmem:s17+$0x14280] =	vst v0  }
0x3a2: {  	v61 =	vadd.f32 v50, v47;
	v56 =	vmul.f32 $9.999999770e-03, v53;
	v22 =	vld [tilespmem:s17+$0xC340];
	v0 =	vmax.f32 v45, v48;
	[tilespmem:s17+$0x142B0] =	vst v1  }
0x3a3: {  	v21 =	vadd.f32 v62, v59;
	v16 =	vmul.f32 $9.999999770e-03, v13;
	v26 =	vld [tilespmem:s17+$0xC350];
	v1 =	vmax.f32 v57, v60;
	[tilespmem:s17+$0x142A0] =	vst v0  }
0x3a4: {  	v17 =	vadd.f32 v58, v55;
	v12 =	vmul.f32 $9.999999770e-03, v61;
	v30 =	vld [tilespmem:s17+$0xC360];
	v0 =	vmax.f32 v53, v56;
	[tilespmem:s17+$0x142D0] =	vst v1  }
0x3a5: {  	v47 =	vld [tilespmem:s17+$0x43B0];
	v24 =	vmul.f32 $9.999999770e-03, v21;
	v29 =	vadd.f32 v18, v15;
	v1 =	vmax.f32 v13, v16;
	[tilespmem:s17+$0x142C0] =	vst v0  }
0x3a6: {  	v50 =	vld [tilespmem:s17+$0xC3B0];
	v20 =	vmul.f32 $9.999999770e-03, v17;
	v25 =	vadd.f32 v14, v63;
	v0 =	vmax.f32 v61, v12;
	[tilespmem:s17+$0x142F0] =	vst v1  }
0x3a7: {  	v51 =	vld [tilespmem:s17+$0x43C0];
	v32 =	vmul.f32 $9.999999770e-03, v29;
	v1 =	vmax.f32 v21, v24;
	v33 =	vadd.f32 v22, v19;
	[tilespmem:s17+$0x142E0] =	vst v0  }
0x3a8: {  	v54 =	vld [tilespmem:s17+$0xC3C0];
	v28 =	vmul.f32 $9.999999770e-03, v25;
	v37 =	vadd.f32 v26, v23;
	v0 =	vmax.f32 v17, v20;
	[tilespmem:s17+$0x14310] =	vst v1  }
0x3a9: {  	v55 =	vld [tilespmem:s17+$0x43D0];
	v1 =	vmax.f32 v29, v32;
	v41 =	vadd.f32 v30, v27;
	[tilespmem:s17+$0x14300] =	vst v0;
	v36 =	vmul.f32 $9.999999770e-03, v33  }
0x3aa: {  	v58 =	vld [tilespmem:s17+$0x43E0];
	v45 =	vadd.f32 v34, v31;
	v0 =	vmax.f32 v25, v28;
	[tilespmem:s17+$0x14330] =	vst v1;
	v40 =	vmul.f32 $9.999999770e-03, v37  }
0x3ab: {  	v49 =	vadd.f32 v38, v35;
	v57 =	vld [tilespmem:s17+$0xC3D0];
	[tilespmem:s17+$0x14320] =	vst v0;
	v44 =	vmul.f32 $9.999999770e-03, v41;
	v0 =	vmax.f32 v33, v36  }
0x3ac: {  	v59 =	vld [tilespmem:s17+$0xC3E0];
	v53 =	vadd.f32 v42, v39;
	v48 =	vmul.f32 $9.999999770e-03, v45;
	v1 =	vmax.f32 v37, v40;
	[tilespmem:s17+$0x14340] =	vst v0  }
0x3ad: {  	v4 =	vadd.f32 v46, v43;
	v52 =	vmul.f32 $9.999999770e-03, v49;
	[tilespmem:s17+$0x14350] =	vst v1;
	v0 =	vmax.f32 v41, v44  }
0x3ae: {  	v3 =	vadd.f32 v50, v47;
	v56 =	vmul.f32 $9.999999770e-03, v53;
	v1 =	vmax.f32 v45, v48;
	[tilespmem:s17+$0x14360] =	vst v0  }
0x3af: {  	v2 =	vadd.f32 v54, v51;
	v5 =	vmul.f32 $9.999999770e-03, v4;
	[tilespmem:s17+$0x14370] =	vst v1;
	v0 =	vmax.f32 v49, v52  }
0x3b0: {  	v7 =	vmul.f32 $9.999999770e-03, v3;
	v1 =	vmax.f32 v53, v56;
	[tilespmem:s17+$0x14380] =	vst v0;
	v0 =	vadd.f32 v57, v55  }
0x3b1: {  	v60 =	vmul.f32 $9.999999770e-03, v2;
	v4 =	vmax.f32 v4, v5;
	[tilespmem:s17+$0x14390] =	vst v1;
	v1 =	vadd.f32 v59, v58  }
0x3b2: {  	v3 =	vmax.f32 v3, v7;
	[tilespmem:s17+$0x143A0] =	vst v4;
	v61 =	vmul.f32 $9.999999770e-03, v0  }
0x3b3: {  	v2 =	vmax.f32 v2, v60;
	[tilespmem:s17+$0x143B0] =	vst v3;
	v62 =	vmul.f32 $9.999999770e-03, v1  }
0x3b4: {  	[tilespmem:s17+$0x143C0] =	vst v2;
	v0 =	vmax.f32 v0, v61  }
0x3b5: {  	v63 =	vmax.f32 v1, v62;
	[tilespmem:s17+$0x143D0] =	vst v0  }
0x3b6: {  	s19 =	rddreg [dreg:$0xc];
	[tilespmem:s17+$0x143E0] =	vst v63  }
0x3b7: {  	[hbm4b:s19+s4] =	stream.linear.scatter [tilespmem:s6], [sflag:$0x6], $0x4000, $0x38;
	[tilespmem:$0x1C280] =	vst v63  }
0x3b8: {  	_ =	swait.ge [sflag:s9], $0x4000  }
0x3b9: {  	[sflag:s9] =	ssyncset.done $0x0  }
0x3ba: {  	[sflag:s9] =	ssyncadd.s32 $0xFFFFC000  }
0x3bb: {  	_ =	swait.ge [sflag:s10], $0x4000  }
0x3bc: {  	s12 =	sadd.s32 $0x1, s12;
	s20 =	rddreg [dreg:$0xd]  }
0x3bd: {  	p1 =	sne.s32 s12, s20  }
.Ltmp5:
0x3be: {  	_ = 	snop;
	(pc) =	sbr.rel @p1 .LBB2_1-.Ltmp5, $3  }
0x3bf: {  	_ =	sdelay $0x1  }
0x3c0: {  	[sflag:s10] =	ssyncset.done $0x0  }
0x3c1: {  	[sflag:s10] =	ssyncadd.s32 $0xFFFFC000  }
0x3c2: {  	_ =	sfence.sel $0x180000  }
0x3c3: {  	[bflag:$0x0] =	sbarrier.arrive $0xFFFF  }
0x3c4: {  	_ =	strace $0x90000047  }
0x3c5: {  	[bflag:$0x2] =	sbarrier.arrive $0xFFFF  }
0x3c6: {  	s0 =	rddreg [dreg:$0x4]  }
0x3c7: {  	s0 =	sadd.s32 @!p0 $0x100000, s0  }
0x3c8: {  	[sflag:s0] =	ssyncadd.tile.s32 @!p0 $0x1;
	_ =	shalt  }
.Lfunc_end2:
_tile_overlayer_lowered:
.L_overlay_start_2:
0x3c9: {  	(tag) =	ssettag $0x2  }
0x3ca: {  	s0 =	rddreg [dreg:$0x0];
	s2 =	stileid.u32  }
0x3cb: {  	s1 =	rddreg [dreg:$0x1];
	p0 =	sne.s32 s2, $0x0  }
0x3cc: {  	s3 =	rddreg [dreg:$0x2];
	[bflag:$0x3] =	sbarrier.arrive $0xFFFF;
	s2 =	simm.s32 @!p0 $0x1C07  }
0x3cd: {  	[timem:s3], [sflag:s2] =	dma.local @!p0 [hbm:s0], s1  }
0x3ce: {  	s0 =	simm.s32 @!p0 $0x7  }
0x3cf: {  	_ =	swait.ge @!p0 [sflag:s0], s1  }
0x3d0: {  	s1 =	ssub.s32 @!p0 $0x0, s1;
	[sflag:s0] =	ssyncset.done @!p0 $0x0  }
0x3d1: {  	[sflag:s0] =	ssyncadd.s32 @!p0 s1  }
0x3d2: {  	[bflag:$0x3] =	sbarrier.arrive $0xFFFF  }
0x3d3: {  	_ =	shalt  }

</sc_bundles>
